<compile_context>
chip_gen: v7x
topology: tpu7x:2x2x1
jax: 0.10.2.dev20260603
libtpu: 0.0.44.dev20260713+nightly
codegen_flags: <defaults>
</compile_context>

<pallas_src>
import functools
import math

import jax
import jax.numpy as jnp
from jax import lax
from jax.experimental import pallas as pl
from jax.experimental.pallas import tpu as pltpu
from jax.experimental.pallas import tpu_sc as plsc

_TOPK = 32
_RB = 64
_ILV = 4
_C = 512
_B = 32
_KTC = 8
assert ((_B - _KTC) * _C // 32) % _RB == 0
_SC_OFF = _KTC * _C
_SC_ROWS = (_B - _KTC) * _C


def _scores_body(h_ref, w_ref, b_ref, scores_ref):
    h = h_ref[0]
    D = h.shape[1]
    C = h.shape[0]
    qk = jnp.dot(h, w_ref[...], preferred_element_type=jnp.float32) + b_ref[...]
    q = qk[:, :D]
    k = qk[:, D:]
    s = jax.lax.dot_general(q, k, (((1,), (1,)), ((), ())),
                            preferred_element_type=jnp.float32)
    s = s * (1.0 / math.sqrt(D))
    row = jax.lax.broadcasted_iota(jnp.int32, (C, C), 0)
    col = jax.lax.broadcasted_iota(jnp.int32, (C, C), 1)
    s = jnp.where(row == col, jnp.float32(-jnp.inf), s)
    scores_ref[0] = s


def _merge_step(r0v, r0i, r1v, r1i, rx, rxi):
    mk1 = r1v >= rx
    mv = jnp.where(mk1, r1v, rx)
    mi = jnp.where(mk1, r1i, rxi)
    mk2 = r0v >= mv
    uv = jnp.where(mk2, r0v, mv)
    ui = jnp.where(mk2, r0i, mi)
    lv = jnp.where(mk2, mv, r0v)
    li = jnp.where(mk2, mi, r0i)
    r0v, r0i = plsc.sort_key_val(uv, ui, descending=True)
    r1v, r1i = plsc.sort_key_val(lv, li, descending=True)
    return r0v, r0i, r1v, r1i


def _tc_topk_body(s_ref, idx_ref, val_ref):
    s = s_ref[0]
    C = s.shape[0]
    col = jax.lax.broadcasted_iota(jnp.int32, (C, C), 1)
    colf = col.astype(jnp.float32)
    neg_inf = jnp.float32(-jnp.inf)
    big = jnp.float32(C)
    cur = s
    m = jnp.max(cur, axis=1, keepdims=True)
    vals = []
    idxfs = []
    for t in range(_TOPK):
        idxf = jnp.min(jnp.where(cur == m, colf, big), axis=1, keepdims=True)
        vals.append(m)
        idxfs.append(idxf)
        if t < _TOPK - 1:
            cur = jnp.where(colf == idxf, neg_inf, cur)
            m = jnp.max(cur, axis=1, keepdims=True)
    val_ref[0] = jnp.concatenate(vals, axis=1)
    idx_ref[0] = jnp.concatenate(idxfs, axis=1).astype(jnp.int32)


def _sc_topk_body(scores_hbm, idx_hbm, val_hbm, vbuf, vob, iob):
    wid = lax.axis_index("s") * 2 + lax.axis_index("c")
    iota = lax.iota(jnp.int32, 16)
    rpw = _SC_ROWS // 32

    def _init_row(r):
        x0 = vbuf[r, pl.ds(0, 16)]
        x1 = vbuf[r, pl.ds(16, 16)]
        x0s, i0s = plsc.sort_key_val(x0, iota, descending=True)
        rx, rxi = plsc.sort_key_val(x1, iota + 16)
        mk = x0s >= rx
        uv = jnp.where(mk, x0s, rx)
        ui = jnp.where(mk, i0s, rxi)
        lv = jnp.where(mk, rx, x0s)
        li = jnp.where(mk, rxi, i0s)
        r0v, r0i = plsc.sort_key_val(uv, ui, descending=True)
        r1v, r1i = plsc.sort_key_val(lv, li, descending=True)
        return r0v, r0i, r1v, r1i

    def _store_row(r, st):
        r0v, r0i, r1v, r1i = st
        vob[r, pl.ds(0, 16)] = r0v
        vob[r, pl.ds(16, 16)] = r1v
        iob[r, pl.ds(0, 16)] = r0i
        iob[r, pl.ds(16, 16)] = r1i

    def do_rows(g, carry):
        rows = [g * _ILV + u for u in range(_ILV)]
        states = [_init_row(r) for r in rows]
        for j in range(2, 32):
            xs_all = []
            for u, r in enumerate(rows):
                x = vbuf[r, pl.ds(j * 16, 16)]
                xs_all.append(plsc.sort_key_val(x, iota + (16 * j)))
            for u in range(_ILV):
                xs, xis = xs_all[u]
                states[u] = _merge_step(*states[u], xs, xis)
        for u, r in enumerate(rows):
            _store_row(r, states[u])
        return carry

    def do_block(blk, carry):
        r0 = wid * rpw + blk * _RB
        pltpu.sync_copy(scores_hbm.at[pl.ds(_SC_OFF + r0, _RB)], vbuf)
        lax.fori_loop(0, _RB // _ILV, do_rows, 0, unroll=False)
        pltpu.sync_copy(vob, val_hbm.at[pl.ds(r0, _RB)])
        pltpu.sync_copy(iob, idx_hbm.at[pl.ds(r0, _RB)])
        return carry

    lax.fori_loop(0, rpw // _RB, do_block, 0, unroll=False)


def kernel(h, Wq, bq, Wk, bk):
    B, C, D = h.shape
    w = jnp.concatenate([Wq, Wk], axis=1)
    b = jnp.concatenate([bq, bk], axis=0)[None, :]
    scores = pl.pallas_call(
        _scores_body,
        grid=(B,),
        in_specs=[
            pl.BlockSpec((1, C, D), lambda i: (i, 0, 0)),
            pl.BlockSpec((D, 2 * D), lambda i: (0, 0)),
            pl.BlockSpec((1, 2 * D), lambda i: (0, 0)),
        ],
        out_specs=pl.BlockSpec((1, C, C), lambda i: (i, 0, 0)),
        out_shape=jax.ShapeDtypeStruct((B, C, C), jnp.float32),
        compiler_params=pltpu.CompilerParams(
            dimension_semantics=("parallel",),
        ),
    )(h, w, b)

    mesh = plsc.VectorSubcoreMesh(core_axis_name="c", subcore_axis_name="s")
    sc_call = functools.partial(
        pl.kernel,
        out_type=[
            jax.ShapeDtypeStruct((_SC_ROWS, _TOPK), jnp.int32),
            jax.ShapeDtypeStruct((_SC_ROWS, _TOPK), jnp.float32),
        ],
        mesh=mesh,
        scratch_types=[
            pltpu.VMEM((_RB, C), jnp.float32),
            pltpu.VMEM((_RB, _TOPK), jnp.float32),
            pltpu.VMEM((_RB, _TOPK), jnp.int32),
        ],
        compiler_params=pltpu.CompilerParams(needs_layout_passes=False),
    )(_sc_topk_body)
    idx_b, val_b = sc_call(scores.reshape(B * C, C))

    idx_a, val_a = pl.pallas_call(
        _tc_topk_body,
        grid=(_KTC,),
        in_specs=[pl.BlockSpec((1, C, C), lambda i: (i, 0, 0))],
        out_specs=[
            pl.BlockSpec((1, C, _TOPK), lambda i: (i, 0, 0)),
            pl.BlockSpec((1, C, _TOPK), lambda i: (i, 0, 0)),
        ],
        out_shape=[
            jax.ShapeDtypeStruct((_KTC, C, _TOPK), jnp.int32),
            jax.ShapeDtypeStruct((_KTC, C, _TOPK), jnp.float32),
        ],
        compiler_params=pltpu.CompilerParams(
            dimension_semantics=("parallel",),
        ),
    )(scores)

    idx = jnp.concatenate(
        [idx_a, idx_b.reshape(B - _KTC, C, _TOPK)], axis=0)
    val = jnp.concatenate(
        [val_a, val_b.reshape(B - _KTC, C, _TOPK)], axis=0)
    return (idx, val, scores)

# --- scband reference (transcript-rebuilt; emitter-appended) ---
"""Pipeline reference for scband-variable-filter-3358664425958 (READ-ONLY COPY).

The authoritative reference and input builder live on the scoring server;
editing this copy changes nothing except your own understanding.
"""

import jax, jax.numpy as jnp
import numpy as np
import math

TOPK = 32

def setup_inputs(seed: int = 0) -> dict:
    key = jax.random.key(seed)
    ks = jax.random.split(key, 5)
    B, C, D = 32, 512, 256
    h = jax.random.normal(ks[0], (B, C, D), dtype=jnp.float32)
    Wq = jax.random.normal(ks[1], (D, D), dtype=jnp.float32) * (1.0 / math.sqrt(D))
    bq = jnp.zeros((D,), dtype=jnp.float32)
    Wk = jax.random.normal(ks[2], (D, D), dtype=jnp.float32) * (1.0 / math.sqrt(D))
    bk = jnp.zeros((D,), dtype=jnp.float32)
    return {"h": h, "Wq": Wq, "bq": bq, "Wk": Wk, "bk": bk}

def reference(h, Wq, bq, Wk, bk):
    B, C, D = h.shape
    q = h @ Wq + bq
    k = h @ Wk + bk
    scores = jnp.matmul(q, jnp.swapaxes(k, -1, -2)) / jnp.sqrt(jnp.float32(D))
    eye = jnp.eye(C, dtype=bool)[None, :, :]
    scores = jnp.where(eye, -jnp.inf, scores)
    k_val = min(TOPK, max(C - 1, 1))
    topk_scores, topk_idx = jax.lax.top_k(scores, k_val)
    # dropout p=0.0 -> identity
    return (topk_idx, topk_scores, scores)

if __name__ == "__main__":
    import jax
    _d = setup_inputs()
    print(jax.jit(kernel)(*tuple(_d.values())))

</pallas_src>

<mosaic_0001>
#map = affine_map<(d0, d1) -> (0, 0)>
module attributes {stable_mosaic.version = 14 : i64} {
  func.func @_sc_topk_body(%arg0: i32, %arg1: i32, %arg2: memref<16384x512xf32, #tpu.memory_space<hbm>>, %arg3: memref<12288x32xi32, #tpu.memory_space<hbm>>, %arg4: memref<12288x32xf32, #tpu.memory_space<hbm>>, %arg5: memref<64x512xf32, #tpu.memory_space<vmem>>, %arg6: memref<64x32xf32, #tpu.memory_space<vmem>>, %arg7: memref<64x32xi32, #tpu.memory_space<vmem>>) attributes {dimension_semantics = [#tpu.dimension_semantics<core_parallel>, #tpu.dimension_semantics<subcore_parallel>], iteration_bounds = array<i64: 2, 16>, scalar_prefetch = 0 : i64, scratch_operands = 3 : i64, tpu.core_type = #tpu.core_type<sc_vector_subcore>, window_params = [{transform_indices = #map}, {transform_indices = #map}, {transform_indices = #map}]} {
    %mul3A = arith.constant 2 : i32
    %mul3A_0 = arith.muli %arg1, %mul3A : i32
    %add3A = arith.addi %mul3A_0, %arg0 : i32
    %iota3A = tpu.iota {dimensions = array<i32: 0>} : vector<16xi32>
    %scan3A = arith.constant 0 : i32
    %scan3A_1 = arith.constant 0 : i32
    %scan3A_2 = arith.constant 6 : i32
    %scan3A_3 = arith.addi %scan3A_1, %scan3A_2 : i32
    %scan3A_4 = arith.constant 1 : i32
    scf.for %scan3A_6 = %scan3A_1 to %scan3A_3 step %scan3A_4  : i32 {
      %mul3A_7 = arith.constant 384 : i32
      %mul3A_8 = arith.muli %add3A, %mul3A_7 : i32
      %mul3A_9 = arith.constant 64 : i32
      %mul3A_10 = arith.muli %scan3A_6, %mul3A_9 : i32
      %add3A_11 = arith.addi %mul3A_8, %mul3A_10 : i32
      %add3A_12 = arith.constant 4096 : i32
      %add3A_13 = arith.addi %add3A_12, %add3A_11 : i32
      "tpu.region"() ({
        %run_scoped3A = tpu.sem_alloc : memref<!tpu.dma_semaphore, #tpu.memory_space<semaphore_mem>>
        %dma_start3A = arith.constant 0 : i32
        %dma_start3A_20 = tpu.memref_slice %arg2[%add3A_13, %dma_start3A] : memref<16384x512xf32, #tpu.memory_space<hbm>> -> memref<64x512xf32, #tpu.memory_space<hbm>>
        %dma_start3A_21 = arith.constant 0 : i32
        %dma_start3A_22 = tpu.memref_slice %arg2[%add3A_13, %dma_start3A_21] : memref<16384x512xf32, #tpu.memory_space<hbm>> -> memref<64x512xf32, #tpu.memory_space<hbm>>
        tpu.enqueue_dma source(%dma_start3A_22 : memref<64x512xf32, #tpu.memory_space<hbm>>) target(%arg5 : memref<64x512xf32, #tpu.memory_space<vmem>>) target_semaphore(%run_scoped3A : memref<!tpu.dma_semaphore, #tpu.memory_space<semaphore_mem>>)
        %dma_wait3A = arith.constant 0 : i32
        %dma_wait3A_23 = tpu.memref_slice %arg2[%add3A_13, %dma_wait3A] : memref<16384x512xf32, #tpu.memory_space<hbm>> -> memref<64x512xf32, #tpu.memory_space<hbm>>
        %dma_wait3A_24 = arith.constant 0 : i32
        %dma_wait3A_25 = tpu.memref_slice %arg2[%add3A_13, %dma_wait3A_24] : memref<16384x512xf32, #tpu.memory_space<hbm>> -> memref<64x512xf32, #tpu.memory_space<hbm>>
        tpu.wait_dma2 semaphore(%run_scoped3A : memref<!tpu.dma_semaphore, #tpu.memory_space<semaphore_mem>>) src(%dma_wait3A_25 : memref<64x512xf32, #tpu.memory_space<hbm>>) dst(%arg5 : memref<64x512xf32, #tpu.memory_space<vmem>>)
        tpu.yield
      }) : () -> ()
      %scan3A_14 = arith.constant 0 : i32
      %scan3A_15 = arith.constant 0 : i32
      %scan3A_16 = arith.constant 16 : i32
      %scan3A_17 = arith.addi %scan3A_15, %scan3A_16 : i32
      %scan3A_18 = arith.constant 1 : i32
      scf.for %scan3A_20 = %scan3A_15 to %scan3A_17 step %scan3A_18  : i32 {
        %mul3A_21 = arith.constant 4 : i32
        %mul3A_22 = arith.muli %scan3A_20, %mul3A_21 : i32
        %add3A_23 = arith.constant 0 : i32
        %add3A_24 = arith.addi %mul3A_22, %add3A_23 : i32
        %mul3A_25 = arith.constant 4 : i32
        %mul3A_26 = arith.muli %scan3A_20, %mul3A_25 : i32
        %add3A_27 = arith.constant 1 : i32
        %add3A_28 = arith.addi %mul3A_26, %add3A_27 : i32
        %mul3A_29 = arith.constant 4 : i32
        %mul3A_30 = arith.muli %scan3A_20, %mul3A_29 : i32
        %add3A_31 = arith.constant 2 : i32
        %add3A_32 = arith.addi %mul3A_30, %add3A_31 : i32
        %mul3A_33 = arith.constant 4 : i32
        %mul3A_34 = arith.muli %scan3A_20, %mul3A_33 : i32
        %add3A_35 = arith.constant 3 : i32
        %add3A_36 = arith.addi %mul3A_34, %add3A_35 : i32
        %get3A = arith.index_cast %add3A_24 : i32 to index
        %get3A_37 = arith.constant 0 : index
        %get3A_38 = tpu.vector_load %arg5[%get3A, %get3A_37] {strides = array<i32>} : memref<64x512xf32, #tpu.memory_space<vmem>>, vector<16xf32>,
        %get3A_39 = arith.index_cast %add3A_24 : i32 to index
        %get3A_40 = arith.constant 16 : index
        %get3A_41 = tpu.vector_load %arg5[%get3A_39, %get3A_40] {strides = array<i32>} : memref<64x512xf32, #tpu.memory_space<vmem>>, vector<16xf32>,
        %masked_sort3A = arith.constant dense<true> : vector<16xi1>
        %masked_sort3A_42, %masked_sort3A_43, %masked_sort3A_44 = tpu.sort %get3A_38, %iota3A masked %masked_sort3A {descending = true} : (vector<16xf32>, vector<16xi32>, vector<16xi1>) -> (vector<16xi1>, vector<16xf32>, vector<16xi32>)
        %add3A_45 = arith.constant 16 : i32
        %add3A_46 = vector.broadcast %add3A_45 : i32 to vector<16xi32>
        %add3A_47 = arith.addi %iota3A, %add3A_46 : vector<16xi32>
        %masked_sort3A_48 = arith.constant dense<true> : vector<16xi1>
        %masked_sort3A_49, %masked_sort3A_50, %masked_sort3A_51 = tpu.sort %get3A_41, %add3A_47 masked %masked_sort3A_48 : (vector<16xf32>, vector<16xi32>, vector<16xi1>) -> (vector<16xi1>, vector<16xf32>, vector<16xi32>)
        %ge3A = arith.cmpf oge, %masked_sort3A_43, %masked_sort3A_50 : vector<16xf32>
        %select_n3A = arith.select %ge3A, %masked_sort3A_43, %masked_sort3A_50 : vector<16xi1>, vector<16xf32>
        %select_n3A_52 = arith.select %ge3A, %masked_sort3A_44, %masked_sort3A_51 : vector<16xi1>, vector<16xi32>
        %select_n3A_53 = arith.select %ge3A, %masked_sort3A_50, %masked_sort3A_43 : vector<16xi1>, vector<16xf32>
        %select_n3A_54 = arith.select %ge3A, %masked_sort3A_51, %masked_sort3A_44 : vector<16xi1>, vector<16xi32>
        %masked_sort3A_55 = arith.constant dense<true> : vector<16xi1>
        %masked_sort3A_56, %masked_sort3A_57, %masked_sort3A_58 = tpu.sort %select_n3A, %select_n3A_52 masked %masked_sort3A_55 {descending = true} : (vector<16xf32>, vector<16xi32>, vector<16xi1>) -> (vector<16xi1>, vector<16xf32>, vector<16xi32>)
        %masked_sort3A_59 = arith.constant dense<true> : vector<16xi1>
        %masked_sort3A_60, %masked_sort3A_61, %masked_sort3A_62 = tpu.sort %select_n3A_53, %select_n3A_54 masked %masked_sort3A_59 {descending = true} : (vector<16xf32>, vector<16xi32>, vector<16xi1>) -> (vector<16xi1>, vector<16xf32>, vector<16xi32>)
        %get3A_63 = arith.index_cast %add3A_28 : i32 to index
        %get3A_64 = arith.constant 0 : index
        %get3A_65 = tpu.vector_load %arg5[%get3A_63, %get3A_64] {strides = array<i32>} : memref<64x512xf32, #tpu.memory_space<vmem>>, vector<16xf32>,
        %get3A_66 = arith.index_cast %add3A_28 : i32 to index
        %get3A_67 = arith.constant 16 : index
        %get3A_68 = tpu.vector_load %arg5[%get3A_66, %get3A_67] {strides = array<i32>} : memref<64x512xf32, #tpu.memory_space<vmem>>, vector<16xf32>,
        %masked_sort3A_69 = arith.constant dense<true> : vector<16xi1>
        %masked_sort3A_70, %masked_sort3A_71, %masked_sort3A_72 = tpu.sort %get3A_65, %iota3A masked %masked_sort3A_69 {descending = true} : (vector<16xf32>, vector<16xi32>, vector<16xi1>) -> (vector<16xi1>, vector<16xf32>, vector<16xi32>)
        %add3A_73 = arith.constant 16 : i32
        %add3A_74 = vector.broadcast %add3A_73 : i32 to vector<16xi32>
        %add3A_75 = arith.addi %iota3A, %add3A_74 : vector<16xi32>
        %masked_sort3A_76 = arith.constant dense<true> : vector<16xi1>
        %masked_sort3A_77, %masked_sort3A_78, %masked_sort3A_79 = tpu.sort %get3A_68, %add3A_75 masked %masked_sort3A_76 : (vector<16xf32>, vector<16xi32>, vector<16xi1>) -> (vector<16xi1>, vector<16xf32>, vector<16xi32>)
        %ge3A_80 = arith.cmpf oge, %masked_sort3A_71, %masked_sort3A_78 : vector<16xf32>
        %select_n3A_81 = arith.select %ge3A_80, %masked_sort3A_71, %masked_sort3A_78 : vector<16xi1>, vector<16xf32>
        %select_n3A_82 = arith.select %ge3A_80, %masked_sort3A_72, %masked_sort3A_79 : vector<16xi1>, vector<16xi32>
        %select_n3A_83 = arith.select %ge3A_80, %masked_sort3A_78, %masked_sort3A_71 : vector<16xi1>, vector<16xf32>
        %select_n3A_84 = arith.select %ge3A_80, %masked_sort3A_79, %masked_sort3A_72 : vector<16xi1>, vector<16xi32>
        %masked_sort3A_85 = arith.constant dense<true> : vector<16xi1>
        %masked_sort3A_86, %masked_sort3A_87, %masked_sort3A_88 = tpu.sort %select_n3A_81, %select_n3A_82 masked %masked_sort3A_85 {descending = true} : (vector<16xf32>, vector<16xi32>, vector<16xi1>) -> (vector<16xi1>, vector<16xf32>, vector<16xi32>)
        %masked_sort3A_89 = arith.constant dense<true> : vector<16xi1>
        %masked_sort3A_90, %masked_sort3A_91, %masked_sort3A_92 = tpu.sort %select_n3A_83, %select_n3A_84 masked %masked_sort3A_89 {descending = true} : (vector<16xf32>, vector<16xi32>, vector<16xi1>) -> (vector<16xi1>, vector<16xf32>, vector<16xi32>)
        %get3A_93 = arith.index_cast %add3A_32 : i32 to index
        %get3A_94 = arith.constant 0 : index
        %get3A_95 = tpu.vector_load %arg5[%get3A_93, %get3A_94] {strides = array<i32>} : memref<64x512xf32, #tpu.memory_space<vmem>>, vector<16xf32>,
        %get3A_96 = arith.index_cast %add3A_32 : i32 to index
        %get3A_97 = arith.constant 16 : index
        %get3A_98 = tpu.vector_load %arg5[%get3A_96, %get3A_97] {strides = array<i32>} : memref<64x512xf32, #tpu.memory_space<vmem>>, vector<16xf32>,
        %masked_sort3A_99 = arith.constant dense<true> : vector<16xi1>
        %masked_sort3A_100, %masked_sort3A_101, %masked_sort3A_102 = tpu.sort %get3A_95, %iota3A masked %masked_sort3A_99 {descending = true} : (vector<16xf32>, vector<16xi32>, vector<16xi1>) -> (vector<16xi1>, vector<16xf32>, vector<16xi32>)
        %add3A_103 = arith.constant 16 : i32
        %add3A_104 = vector.broadcast %add3A_103 : i32 to vector<16xi32>
        %add3A_105 = arith.addi %iota3A, %add3A_104 : vector<16xi32>
        %masked_sort3A_106 = arith.constant dense<true> : vector<16xi1>
        %masked_sort3A_107, %masked_sort3A_108, %masked_sort3A_109 = tpu.sort %get3A_98, %add3A_105 masked %masked_sort3A_106 : (vector<16xf32>, vector<16xi32>, vector<16xi1>) -> (vector<16xi1>, vector<16xf32>, vector<16xi32>)
        %ge3A_110 = arith.cmpf oge, %masked_sort3A_101, %masked_sort3A_108 : vector<16xf32>
        %select_n3A_111 = arith.select %ge3A_110, %masked_sort3A_101, %masked_sort3A_108 : vector<16xi1>, vector<16xf32>
        %select_n3A_112 = arith.select %ge3A_110, %masked_sort3A_102, %masked_sort3A_109 : vector<16xi1>, vector<16xi32>
        %select_n3A_113 = arith.select %ge3A_110, %masked_sort3A_108, %masked_sort3A_101 : vector<16xi1>, vector<16xf32>
        %select_n3A_114 = arith.select %ge3A_110, %masked_sort3A_109, %masked_sort3A_102 : vector<16xi1>, vector<16xi32>
        %masked_sort3A_115 = arith.constant dense<true> : vector<16xi1>
        %masked_sort3A_116, %masked_sort3A_117, %masked_sort3A_118 = tpu.sort %select_n3A_111, %select_n3A_112 masked %masked_sort3A_115 {descending = true} : (vector<16xf32>, vector<16xi32>, vector<16xi1>) -> (vector<16xi1>, vector<16xf32>, vector<16xi32>)
        %masked_sort3A_119 = arith.constant dense<true> : vector<16xi1>
        %masked_sort3A_120, %masked_sort3A_121, %masked_sort3A_122 = tpu.sort %select_n3A_113, %select_n3A_114 masked %masked_sort3A_119 {descending = true} : (vector<16xf32>, vector<16xi32>, vector<16xi1>) -> (vector<16xi1>, vector<16xf32>, vector<16xi32>)
        %get3A_123 = arith.index_cast %add3A_36 : i32 to index
        %get3A_124 = arith.constant 0 : index
        %get3A_125 = tpu.vector_load %arg5[%get3A_123, %get3A_124] {strides = array<i32>} : memref<64x512xf32, #tpu.memory_space<vmem>>, vector<16xf32>,
        %get3A_126 = arith.index_cast %add3A_36 : i32 to index
        %get3A_127 = arith.constant 16 : index
        %get3A_128 = tpu.vector_load %arg5[%get3A_126, %get3A_127] {strides = array<i32>} : memref<64x512xf32, #tpu.memory_space<vmem>>, vector<16xf32>,
        %masked_sort3A_129 = arith.constant dense<true> : vector<16xi1>
        %masked_sort3A_130, %masked_sort3A_131, %masked_sort3A_132 = tpu.sort %get3A_125, %iota3A masked %masked_sort3A_129 {descending = true} : (vector<16xf32>, vector<16xi32>, vector<16xi1>) -> (vector<16xi1>, vector<16xf32>, vector<16xi32>)
        %add3A_133 = arith.constant 16 : i32
        %add3A_134 = vector.broadcast %add3A_133 : i32 to vector<16xi32>
        %add3A_135 = arith.addi %iota3A, %add3A_134 : vector<16xi32>
        %masked_sort3A_136 = arith.constant dense<true> : vector<16xi1>
        %masked_sort3A_137, %masked_sort3A_138, %masked_sort3A_139 = tpu.sort %get3A_128, %add3A_135 masked %masked_sort3A_136 : (vector<16xf32>, vector<16xi32>, vector<16xi1>) -> (vector<16xi1>, vector<16xf32>, vector<16xi32>)
        %ge3A_140 = arith.cmpf oge, %masked_sort3A_131, %masked_sort3A_138 : vector<16xf32>
        %select_n3A_141 = arith.select %ge3A_140, %masked_sort3A_131, %masked_sort3A_138 : vector<16xi1>, vector<16xf32>
        %select_n3A_142 = arith.select %ge3A_140, %masked_sort3A_132, %masked_sort3A_139 : vector<16xi1>, vector<16xi32>
        %select_n3A_143 = arith.select %ge3A_140, %masked_sort3A_138, %masked_sort3A_131 : vector<16xi1>, vector<16xf32>
        %select_n3A_144 = arith.select %ge3A_140, %masked_sort3A_139, %masked_sort3A_132 : vector<16xi1>, vector<16xi32>
        %masked_sort3A_145 = arith.constant dense<true> : vector<16xi1>
        %masked_sort3A_146, %masked_sort3A_147, %masked_sort3A_148 = tpu.sort %select_n3A_141, %select_n3A_142 masked %masked_sort3A_145 {descending = true} : (vector<16xf32>, vector<16xi32>, vector<16xi1>) -> (vector<16xi1>, vector<16xf32>, vector<16xi32>)
        %masked_sort3A_149 = arith.constant dense<true> : vector<16xi1>
        %masked_sort3A_150, %masked_sort3A_151, %masked_sort3A_152 = tpu.sort %select_n3A_143, %select_n3A_144 masked %masked_sort3A_149 {descending = true} : (vector<16xf32>, vector<16xi32>, vector<16xi1>) -> (vector<16xi1>, vector<16xf32>, vector<16xi32>)
        %get3A_153 = arith.index_cast %add3A_24 : i32 to index
        %get3A_154 = arith.constant 32 : index
        %get3A_155 = tpu.vector_load %arg5[%get3A_153, %get3A_154] {strides = array<i32>} : memref<64x512xf32, #tpu.memory_space<vmem>>, vector<16xf32>,
        %add3A_156 = arith.constant 32 : i32
        %add3A_157 = vector.broadcast %add3A_156 : i32 to vector<16xi32>
        %add3A_158 = arith.addi %iota3A, %add3A_157 : vector<16xi32>
        %masked_sort3A_159 = arith.constant dense<true> : vector<16xi1>
        %masked_sort3A_160, %masked_sort3A_161, %masked_sort3A_162 = tpu.sort %get3A_155, %add3A_158 masked %masked_sort3A_159 : (vector<16xf32>, vector<16xi32>, vector<16xi1>) -> (vector<16xi1>, vector<16xf32>, vector<16xi32>)
        %get3A_163 = arith.index_cast %add3A_28 : i32 to index
        %get3A_164 = arith.constant 32 : index
        %get3A_165 = tpu.vector_load %arg5[%get3A_163, %get3A_164] {strides = array<i32>} : memref<64x512xf32, #tpu.memory_space<vmem>>, vector<16xf32>,
        %add3A_166 = arith.constant 32 : i32
        %add3A_167 = vector.broadcast %add3A_166 : i32 to vector<16xi32>
        %add3A_168 = arith.addi %iota3A, %add3A_167 : vector<16xi32>
        %masked_sort3A_169 = arith.constant dense<true> : vector<16xi1>
        %masked_sort3A_170, %masked_sort3A_171, %masked_sort3A_172 = tpu.sort %get3A_165, %add3A_168 masked %masked_sort3A_169 : (vector<16xf32>, vector<16xi32>, vector<16xi1>) -> (vector<16xi1>, vector<16xf32>, vector<16xi32>)
        %get3A_173 = arith.index_cast %add3A_32 : i32 to index
        %get3A_174 = arith.constant 32 : index
        %get3A_175 = tpu.vector_load %arg5[%get3A_173, %get3A_174] {strides = array<i32>} : memref<64x512xf32, #tpu.memory_space<vmem>>, vector<16xf32>,
        %add3A_176 = arith.constant 32 : i32
        %add3A_177 = vector.broadcast %add3A_176 : i32 to vector<16xi32>
        %add3A_178 = arith.addi %iota3A, %add3A_177 : vector<16xi32>
        %masked_sort3A_179 = arith.constant dense<true> : vector<16xi1>
        %masked_sort3A_180, %masked_sort3A_181, %masked_sort3A_182 = tpu.sort %get3A_175, %add3A_178 masked %masked_sort3A_179 : (vector<16xf32>, vector<16xi32>, vector<16xi1>) -> (vector<16xi1>, vector<16xf32>, vector<16xi32>)
        %get3A_183 = arith.index_cast %add3A_36 : i32 to index
        %get3A_184 = arith.constant 32 : index
        %get3A_185 = tpu.vector_load %arg5[%get3A_183, %get3A_184] {strides = array<i32>} : memref<64x512xf32, #tpu.memory_space<vmem>>, vector<16xf32>,
        %add3A_186 = arith.constant 32 : i32
        %add3A_187 = vector.broadcast %add3A_186 : i32 to vector<16xi32>
        %add3A_188 = arith.addi %iota3A, %add3A_187 : vector<16xi32>
        %masked_sort3A_189 = arith.constant dense<true> : vector<16xi1>
        %masked_sort3A_190, %masked_sort3A_191, %masked_sort3A_192 = tpu.sort %get3A_185, %add3A_188 masked %masked_sort3A_189 : (vector<16xf32>, vector<16xi32>, vector<16xi1>) -> (vector<16xi1>, vector<16xf32>, vector<16xi32>)
        %ge3A_193 = arith.cmpf oge, %masked_sort3A_61, %masked_sort3A_161 : vector<16xf32>
        %select_n3A_194 = arith.select %ge3A_193, %masked_sort3A_61, %masked_sort3A_161 : vector<16xi1>, vector<16xf32>
        %select_n3A_195 = arith.select %ge3A_193, %masked_sort3A_62, %masked_sort3A_162 : vector<16xi1>, vector<16xi32>
        %ge3A_196 = arith.cmpf oge, %masked_sort3A_57, %select_n3A_194 : vector<16xf32>
        %select_n3A_197 = arith.select %ge3A_196, %masked_sort3A_57, %select_n3A_194 : vector<16xi1>, vector<16xf32>
        %select_n3A_198 = arith.select %ge3A_196, %masked_sort3A_58, %select_n3A_195 : vector<16xi1>, vector<16xi32>
        %select_n3A_199 = arith.select %ge3A_196, %select_n3A_194, %masked_sort3A_57 : vector<16xi1>, vector<16xf32>
        %select_n3A_200 = arith.select %ge3A_196, %select_n3A_195, %masked_sort3A_58 : vector<16xi1>, vector<16xi32>
        %masked_sort3A_201 = arith.constant dense<true> : vector<16xi1>
        %masked_sort3A_202, %masked_sort3A_203, %masked_sort3A_204 = tpu.sort %select_n3A_197, %select_n3A_198 masked %masked_sort3A_201 {descending = true} : (vector<16xf32>, vector<16xi32>, vector<16xi1>) -> (vector<16xi1>, vector<16xf32>, vector<16xi32>)
        %masked_sort3A_205 = arith.constant dense<true> : vector<16xi1>
        %masked_sort3A_206, %masked_sort3A_207, %masked_sort3A_208 = tpu.sort %select_n3A_199, %select_n3A_200 masked %masked_sort3A_205 {descending = true} : (vector<16xf32>, vector<16xi32>, vector<16xi1>) -> (vector<16xi1>, vector<16xf32>, vector<16xi32>)
        %ge3A_209 = arith.cmpf oge, %masked_sort3A_91, %masked_sort3A_171 : vector<16xf32>
        %select_n3A_210 = arith.select %ge3A_209, %masked_sort3A_91, %masked_sort3A_171 : vector<16xi1>, vector<16xf32>
        %select_n3A_211 = arith.select %ge3A_209, %masked_sort3A_92, %masked_sort3A_172 : vector<16xi1>, vector<16xi32>
        %ge3A_212 = arith.cmpf oge, %masked_sort3A_87, %select_n3A_210 : vector<16xf32>
        %select_n3A_213 = arith.select %ge3A_212, %masked_sort3A_87, %select_n3A_210 : vector<16xi1>, vector<16xf32>
        %select_n3A_214 = arith.select %ge3A_212, %masked_sort3A_88, %select_n3A_211 : vector<16xi1>, vector<16xi32>
        %select_n3A_215 = arith.select %ge3A_212, %select_n3A_210, %masked_sort3A_87 : vector<16xi1>, vector<16xf32>
        %select_n3A_216 = arith.select %ge3A_212, %select_n3A_211, %masked_sort3A_88 : vector<16xi1>, vector<16xi32>
        %masked_sort3A_217 = arith.constant dense<true> : vector<16xi1>
        %masked_sort3A_218, %masked_sort3A_219, %masked_sort3A_220 = tpu.sort %select_n3A_213, %select_n3A_214 masked %masked_sort3A_217 {descending = true} : (vector<16xf32>, vector<16xi32>, vector<16xi1>) -> (vector<16xi1>, vector<16xf32>, vector<16xi32>)
        %masked_sort3A_221 = arith.constant dense<true> : vector<16xi1>
        %masked_sort3A_222, %masked_sort3A_223, %masked_sort3A_224 = tpu.sort %select_n3A_215, %select_n3A_216 masked %masked_sort3A_221 {descending = true} : (vector<16xf32>, vector<16xi32>, vector<16xi1>) -> (vector<16xi1>, vector<16xf32>, vector<16xi32>)
        %ge3A_225 = arith.cmpf oge, %masked_sort3A_121, %masked_sort3A_181 : vector<16xf32>
        %select_n3A_226 = arith.select %ge3A_225, %masked_sort3A_121, %masked_sort3A_181 : vector<16xi1>, vector<16xf32>
        %select_n3A_227 = arith.select %ge3A_225, %masked_sort3A_122, %masked_sort3A_182 : vector<16xi1>, vector<16xi32>
        %ge3A_228 = arith.cmpf oge, %masked_sort3A_117, %select_n3A_226 : vector<16xf32>
        %select_n3A_229 = arith.select %ge3A_228, %masked_sort3A_117, %select_n3A_226 : vector<16xi1>, vector<16xf32>
        %select_n3A_230 = arith.select %ge3A_228, %masked_sort3A_118, %select_n3A_227 : vector<16xi1>, vector<16xi32>
        %select_n3A_231 = arith.select %ge3A_228, %select_n3A_226, %masked_sort3A_117 : vector<16xi1>, vector<16xf32>
        %select_n3A_232 = arith.select %ge3A_228, %select_n3A_227, %masked_sort3A_118 : vector<16xi1>, vector<16xi32>
        %masked_sort3A_233 = arith.constant dense<true> : vector<16xi1>
        %masked_sort3A_234, %masked_sort3A_235, %masked_sort3A_236 = tpu.sort %select_n3A_229, %select_n3A_230 masked %masked_sort3A_233 {descending = true} : (vector<16xf32>, vector<16xi32>, vector<16xi1>) -> (vector<16xi1>, vector<16xf32>, vector<16xi32>)
        %masked_sort3A_237 = arith.constant dense<true> : vector<16xi1>
        %masked_sort3A_238, %masked_sort3A_239, %masked_sort3A_240 = tpu.sort %select_n3A_231, %select_n3A_232 masked %masked_sort3A_237 {descending = true} : (vector<16xf32>, vector<16xi32>, vector<16xi1>) -> (vector<16xi1>, vector<16xf32>, vector<16xi32>)
        %ge3A_241 = arith.cmpf oge, %masked_sort3A_151, %masked_sort3A_191 : vector<16xf32>
        %select_n3A_242 = arith.select %ge3A_241, %masked_sort3A_151, %masked_sort3A_191 : vector<16xi1>, vector<16xf32>
        %select_n3A_243 = arith.select %ge3A_241, %masked_sort3A_152, %masked_sort3A_192 : vector<16xi1>, vector<16xi32>
        %ge3A_244 = arith.cmpf oge, %masked_sort3A_147, %select_n3A_242 : vector<16xf32>
        %select_n3A_245 = arith.select %ge3A_244, %masked_sort3A_147, %select_n3A_242 : vector<16xi1>, vector<16xf32>
        %select_n3A_246 = arith.select %ge3A_244, %masked_sort3A_148, %select_n3A_243 : vector<16xi1>, vector<16xi32>
        %select_n3A_247 = arith.select %ge3A_244, %select_n3A_242, %masked_sort3A_147 : vector<16xi1>, vector<16xf32>
        %select_n3A_248 = arith.select %ge3A_244, %select_n3A_243, %masked_sort3A_148 : vector<16xi1>, vector<16xi32>
        %masked_sort3A_249 = arith.constant dense<true> : vector<16xi1>
        %masked_sort3A_250, %masked_sort3A_251, %masked_sort3A_252 = tpu.sort %select_n3A_245, %select_n3A_246 masked %masked_sort3A_249 {descending = true} : (vector<16xf32>, vector<16xi32>, vector<16xi1>) -> (vector<16xi1>, vector<16xf32>, vector<16xi32>)
        %masked_sort3A_253 = arith.constant dense<true> : vector<16xi1>
        %masked_sort3A_254, %masked_sort3A_255, %masked_sort3A_256 = tpu.sort %select_n3A_247, %select_n3A_248 masked %masked_sort3A_253 {descending = true} : (vector<16xf32>, vector<16xi32>, vector<16xi1>) -> (vector<16xi1>, vector<16xf32>, vector<16xi32>)
        %get3A_257 = arith.index_cast %add3A_24 : i32 to index
        %get3A_258 = arith.constant 48 : index
        %get3A_259 = tpu.vector_load %arg5[%get3A_257, %get3A_258] {strides = array<i32>} : memref<64x512xf32, #tpu.memory_space<vmem>>, vector<16xf32>,
        %add3A_260 = arith.constant 48 : i32
        %add3A_261 = vector.broadcast %add3A_260 : i32 to vector<16xi32>
        %add3A_262 = arith.addi %iota3A, %add3A_261 : vector<16xi32>
        %masked_sort3A_263 = arith.constant dense<true> : vector<16xi1>
        %masked_sort3A_264, %masked_sort3A_265, %masked_sort3A_266 = tpu.sort %get3A_259, %add3A_262 masked %masked_sort3A_263 : (vector<16xf32>, vector<16xi32>, vector<16xi1>) -> (vector<16xi1>, vector<16xf32>, vector<16xi32>)
        %get3A_267 = arith.index_cast %add3A_28 : i32 to index
        %get3A_268 = arith.constant 48 : index
        %get3A_269 = tpu.vector_load %arg5[%get3A_267, %get3A_268] {strides = array<i32>} : memref<64x512xf32, #tpu.memory_space<vmem>>, vector<16xf32>,
        %add3A_270 = arith.constant 48 : i32
        %add3A_271 = vector.broadcast %add3A_270 : i32 to vector<16xi32>
        %add3A_272 = arith.addi %iota3A, %add3A_271 : vector<16xi32>
        %masked_sort3A_273 = arith.constant dense<true> : vector<16xi1>
        %masked_sort3A_274, %masked_sort3A_275, %masked_sort3A_276 = tpu.sort %get3A_269, %add3A_272 masked %masked_sort3A_273 : (vector<16xf32>, vector<16xi32>, vector<16xi1>) -> (vector<16xi1>, vector<16xf32>, vector<16xi32>)
        %get3A_277 = arith.index_cast %add3A_32 : i32 to index
        %get3A_278 = arith.constant 48 : index
        %get3A_279 = tpu.vector_load %arg5[%get3A_277, %get3A_278] {strides = array<i32>} : memref<64x512xf32, #tpu.memory_space<vmem>>, vector<16xf32>,
        %add3A_280 = arith.constant 48 : i32
        %add3A_281 = vector.broadcast %add3A_280 : i32 to vector<16xi32>
        %add3A_282 = arith.addi %iota3A, %add3A_281 : vector<16xi32>
        %masked_sort3A_283 = arith.constant dense<true> : vector<16xi1>
        %masked_sort3A_284, %masked_sort3A_285, %masked_sort3A_286 = tpu.sort %get3A_279, %add3A_282 masked %masked_sort3A_283 : (vector<16xf32>, vector<16xi32>, vector<16xi1>) -> (vector<16xi1>, vector<16xf32>, vector<16xi32>)
        %get3A_287 = arith.index_cast %add3A_36 : i32 to index
        %get3A_288 = arith.constant 48 : index
        %get3A_289 = tpu.vector_load %arg5[%get3A_287, %get3A_288] {strides = array<i32>} : memref<64x512xf32, #tpu.memory_space<vmem>>, vector<16xf32>,
        %add3A_290 = arith.constant 48 : i32
        %add3A_291 = vector.broadcast %add3A_290 : i32 to vector<16xi32>
        %add3A_292 = arith.addi %iota3A, %add3A_291 : vector<16xi32>
        %masked_sort3A_293 = arith.constant dense<true> : vector<16xi1>
        %masked_sort3A_294, %masked_sort3A_295, %masked_sort3A_296 = tpu.sort %get3A_289, %add3A_292 masked %masked_sort3A_293 : (vector<16xf32>, vector<16xi32>, vector<16xi1>) -> (vector<16xi1>, vector<16xf32>, vector<16xi32>)
        %ge3A_297 = arith.cmpf oge, %masked_sort3A_207, %masked_sort3A_265 : vector<16xf32>
        %select_n3A_298 = arith.select %ge3A_297, %masked_sort3A_207, %masked_sort3A_265 : vector<16xi1>, vector<16xf32>
        %select_n3A_299 = arith.select %ge3A_297, %masked_sort3A_208, %masked_sort3A_266 : vector<16xi1>, vector<16xi32>
        %ge3A_300 = arith.cmpf oge, %masked_sort3A_203, %select_n3A_298 : vector<16xf32>
        %select_n3A_301 = arith.select %ge3A_300, %masked_sort3A_203, %select_n3A_298 : vector<16xi1>, vector<16xf32>
        %select_n3A_302 = arith.select %ge3A_300, %masked_sort3A_204, %select_n3A_299 : vector<16xi1>, vector<16xi32>
        %select_n3A_303 = arith.select %ge3A_300, %select_n3A_298, %masked_sort3A_203 : vector<16xi1>, vector<16xf32>
        %select_n3A_304 = arith.select %ge3A_300, %select_n3A_299, %masked_sort3A_204 : vector<16xi1>, vector<16xi32>
        %masked_sort3A_305 = arith.constant dense<true> : vector<16xi1>
        %masked_sort3A_306, %masked_sort3A_307, %masked_sort3A_308 = tpu.sort %select_n3A_301, %select_n3A_302 masked %masked_sort3A_305 {descending = true} : (vector<16xf32>, vector<16xi32>, vector<16xi1>) -> (vector<16xi1>, vector<16xf32>, vector<16xi32>)
        %masked_sort3A_309 = arith.constant dense<true> : vector<16xi1>
        %masked_sort3A_310, %masked_sort3A_311, %masked_sort3A_312 = tpu.sort %select_n3A_303, %select_n3A_304 masked %masked_sort3A_309 {descending = true} : (vector<16xf32>, vector<16xi32>, vector<16xi1>) -> (vector<16xi1>, vector<16xf32>, vector<16xi32>)
        %ge3A_313 = arith.cmpf oge, %masked_sort3A_223, %masked_sort3A_275 : vector<16xf32>
        %select_n3A_314 = arith.select %ge3A_313, %masked_sort3A_223, %masked_sort3A_275 : vector<16xi1>, vector<16xf32>
        %select_n3A_315 = arith.select %ge3A_313, %masked_sort3A_224, %masked_sort3A_276 : vector<16xi1>, vector<16xi32>
        %ge3A_316 = arith.cmpf oge, %masked_sort3A_219, %select_n3A_314 : vector<16xf32>
        %select_n3A_317 = arith.select %ge3A_316, %masked_sort3A_219, %select_n3A_314 : vector<16xi1>, vector<16xf32>
        %select_n3A_318 = arith.select %ge3A_316, %masked_sort3A_220, %select_n3A_315 : vector<16xi1>, vector<16xi32>
        %select_n3A_319 = arith.select %ge3A_316, %select_n3A_314, %masked_sort3A_219 : vector<16xi1>, vector<16xf32>
        %select_n3A_320 = arith.select %ge3A_316, %select_n3A_315, %masked_sort3A_220 : vector<16xi1>, vector<16xi32>
        %masked_sort3A_321 = arith.constant dense<true> : vector<16xi1>
        %masked_sort3A_322, %masked_sort3A_323, %masked_sort3A_324 = tpu.sort %select_n3A_317, %select_n3A_318 masked %masked_sort3A_321 {descending = true} : (vector<16xf32>, vector<16xi32>, vector<16xi1>) -> (vector<16xi1>, vector<16xf32>, vector<16xi32>)
        %masked_sort3A_325 = arith.constant dense<true> : vector<16xi1>
        %masked_sort3A_326, %masked_sort3A_327, %masked_sort3A_328 = tpu.sort %select_n3A_319, %select_n3A_320 masked %masked_sort3A_325 {descending = true} : (vector<16xf32>, vector<16xi32>, vector<16xi1>) -> (vector<16xi1>, vector<16xf32>, vector<16xi32>)
        %ge3A_329 = arith.cmpf oge, %masked_sort3A_239, %masked_sort3A_285 : vector<16xf32>
        %select_n3A_330 = arith.select %ge3A_329, %masked_sort3A_239, %masked_sort3A_285 : vector<16xi1>, vector<16xf32>
        %select_n3A_331 = arith.select %ge3A_329, %masked_sort3A_240, %masked_sort3A_286 : vector<16xi1>, vector<16xi32>
        %ge3A_332 = arith.cmpf oge, %masked_sort3A_235, %select_n3A_330 : vector<16xf32>
        %select_n3A_333 = arith.select %ge3A_332, %masked_sort3A_235, %select_n3A_330 : vector<16xi1>, vector<16xf32>
        %select_n3A_334 = arith.select %ge3A_332, %masked_sort3A_236, %select_n3A_331 : vector<16xi1>, vector<16xi32>
        %select_n3A_335 = arith.select %ge3A_332, %select_n3A_330, %masked_sort3A_235 : vector<16xi1>, vector<16xf32>
        %select_n3A_336 = arith.select %ge3A_332, %select_n3A_331, %masked_sort3A_236 : vector<16xi1>, vector<16xi32>
        %masked_sort3A_337 = arith.constant dense<true> : vector<16xi1>
        %masked_sort3A_338, %masked_sort3A_339, %masked_sort3A_340 = tpu.sort %select_n3A_333, %select_n3A_334 masked %masked_sort3A_337 {descending = true} : (vector<16xf32>, vector<16xi32>, vector<16xi1>) -> (vector<16xi1>, vector<16xf32>, vector<16xi32>)
        %masked_sort3A_341 = arith.constant dense<true> : vector<16xi1>
        %masked_sort3A_342, %masked_sort3A_343, %masked_sort3A_344 = tpu.sort %select_n3A_335, %select_n3A_336 masked %masked_sort3A_341 {descending = true} : (vector<16xf32>, vector<16xi32>, vector<16xi1>) -> (vector<16xi1>, vector<16xf32>, vector<16xi32>)
        %ge3A_345 = arith.cmpf oge, %masked_sort3A_255, %masked_sort3A_295 : vector<16xf32>
        %select_n3A_346 = arith.select %ge3A_345, %masked_sort3A_255, %masked_sort3A_295 : vector<16xi1>, vector<16xf32>
        %select_n3A_347 = arith.select %ge3A_345, %masked_sort3A_256, %masked_sort3A_296 : vector<16xi1>, vector<16xi32>
        %ge3A_348 = arith.cmpf oge, %masked_sort3A_251, %select_n3A_346 : vector<16xf32>
        %select_n3A_349 = arith.select %ge3A_348, %masked_sort3A_251, %select_n3A_346 : vector<16xi1>, vector<16xf32>
        %select_n3A_350 = arith.select %ge3A_348, %masked_sort3A_252, %select_n3A_347 : vector<16xi1>, vector<16xi32>
        %select_n3A_351 = arith.select %ge3A_348, %select_n3A_346, %masked_sort3A_251 : vector<16xi1>, vector<16xf32>
        %select_n3A_352 = arith.select %ge3A_348, %select_n3A_347, %masked_sort3A_252 : vector<16xi1>, vector<16xi32>
        %masked_sort3A_353 = arith.constant dense<true> : vector<16xi1>
        %masked_sort3A_354, %masked_sort3A_355, %masked_sort3A_356 = tpu.sort %select_n3A_349, %select_n3A_350 masked %masked_sort3A_353 {descending = true} : (vector<16xf32>, vector<16xi32>, vector<16xi1>) -> (vector<16xi1>, vector<16xf32>, vector<16xi32>)
        %masked_sort3A_357 = arith.constant dense<true> : vector<16xi1>
        %masked_sort3A_358, %masked_sort3A_359, %masked_sort3A_360 = tpu.sort %select_n3A_351, %select_n3A_352 masked %masked_sort3A_357 {descending = true} : (vector<16xf32>, vector<16xi32>, vector<16xi1>) -> (vector<16xi1>, vector<16xf32>, vector<16xi32>)
        %get3A_361 = arith.index_cast %add3A_24 : i32 to index
        %get3A_362 = arith.constant 64 : index
        %get3A_363 = tpu.vector_load %arg5[%get3A_361, %get3A_362] {strides = array<i32>} : memref<64x512xf32, #tpu.memory_space<vmem>>, vector<16xf32>,
        %add3A_364 = arith.constant 64 : i32
        %add3A_365 = vector.broadcast %add3A_364 : i32 to vector<16xi32>
        %add3A_366 = arith.addi %iota3A, %add3A_365 : vector<16xi32>
        %masked_sort3A_367 = arith.constant dense<true> : vector<16xi1>
        %masked_sort3A_368, %masked_sort3A_369, %masked_sort3A_370 = tpu.sort %get3A_363, %add3A_366 masked %masked_sort3A_367 : (vector<16xf32>, vector<16xi32>, vector<16xi1>) -> (vector<16xi1>, vector<16xf32>, vector<16xi32>)
        %get3A_371 = arith.index_cast %add3A_28 : i32 to index
        %get3A_372 = arith.constant 64 : index
        %get3A_373 = tpu.vector_load %arg5[%get3A_371, %get3A_372] {strides = array<i32>} : memref<64x512xf32, #tpu.memory_space<vmem>>, vector<16xf32>,
        %add3A_374 = arith.constant 64 : i32
        %add3A_375 = vector.broadcast %add3A_374 : i32 to vector<16xi32>
        %add3A_376 = arith.addi %iota3A, %add3A_375 : vector<16xi32>
        %masked_sort3A_377 = arith.constant dense<true> : vector<16xi1>
        %masked_sort3A_378, %masked_sort3A_379, %masked_sort3A_380 = tpu.sort %get3A_373, %add3A_376 masked %masked_sort3A_377 : (vector<16xf32>, vector<16xi32>, vector<16xi1>) -> (vector<16xi1>, vector<16xf32>, vector<16xi32>)
        %get3A_381 = arith.index_cast %add3A_32 : i32 to index
        %get3A_382 = arith.constant 64 : index
        %get3A_383 = tpu.vector_load %arg5[%get3A_381, %get3A_382] {strides = array<i32>} : memref<64x512xf32, #tpu.memory_space<vmem>>, vector<16xf32>,
        %add3A_384 = arith.constant 64 : i32
        %add3A_385 = vector.broadcast %add3A_384 : i32 to vector<16xi32>
        %add3A_386 = arith.addi %iota3A, %add3A_385 : vector<16xi32>
        %masked_sort3A_387 = arith.constant dense<true> : vector<16xi1>
        %masked_sort3A_388, %masked_sort3A_389, %masked_sort3A_390 = tpu.sort %get3A_383, %add3A_386 masked %masked_sort3A_387 : (vector<16xf32>, vector<16xi32>, vector<16xi1>) -> (vector<16xi1>, vector<16xf32>, vector<16xi32>)
        %get3A_391 = arith.index_cast %add3A_36 : i32 to index
        %get3A_392 = arith.constant 64 : index
        %get3A_393 = tpu.vector_load %arg5[%get3A_391, %get3A_392] {strides = array<i32>} : memref<64x512xf32, #tpu.memory_space<vmem>>, vector<16xf32>,
        %add3A_394 = arith.constant 64 : i32
        %add3A_395 = vector.broadcast %add3A_394 : i32 to vector<16xi32>
        %add3A_396 = arith.addi %iota3A, %add3A_395 : vector<16xi32>
        %masked_sort3A_397 = arith.constant dense<true> : vector<16xi1>
        %masked_sort3A_398, %masked_sort3A_399, %masked_sort3A_400 = tpu.sort %get3A_393, %add3A_396 masked %masked_sort3A_397 : (vector<16xf32>, vector<16xi32>, vector<16xi1>) -> (vector<16xi1>, vector<16xf32>, vector<16xi32>)
        %ge3A_401 = arith.cmpf oge, %masked_sort3A_311, %masked_sort3A_369 : vector<16xf32>
        %select_n3A_402 = arith.select %ge3A_401, %masked_sort3A_311, %masked_sort3A_369 : vector<16xi1>, vector<16xf32>
        %select_n3A_403 = arith.select %ge3A_401, %masked_sort3A_312, %masked_sort3A_370 : vector<16xi1>, vector<16xi32>
        %ge3A_404 = arith.cmpf oge, %masked_sort3A_307, %select_n3A_402 : vector<16xf32>
        %select_n3A_405 = arith.select %ge3A_404, %masked_sort3A_307, %select_n3A_402 : vector<16xi1>, vector<16xf32>
        %select_n3A_406 = arith.select %ge3A_404, %masked_sort3A_308, %select_n3A_403 : vector<16xi1>, vector<16xi32>
        %select_n3A_407 = arith.select %ge3A_404, %select_n3A_402, %masked_sort3A_307 : vector<16xi1>, vector<16xf32>
        %select_n3A_408 = arith.select %ge3A_404, %select_n3A_403, %masked_sort3A_308 : vector<16xi1>, vector<16xi32>
        %masked_sort3A_409 = arith.constant dense<true> : vector<16xi1>
        %masked_sort3A_410, %masked_sort3A_411, %masked_sort3A_412 = tpu.sort %select_n3A_405, %select_n3A_406 masked %masked_sort3A_409 {descending = true} : (vector<16xf32>, vector<16xi32>, vector<16xi1>) -> (vector<16xi1>, vector<16xf32>, vector<16xi32>)
        %masked_sort3A_413 = arith.constant dense<true> : vector<16xi1>
        %masked_sort3A_414, %masked_sort3A_415, %masked_sort3A_416 = tpu.sort %select_n3A_407, %select_n3A_408 masked %masked_sort3A_413 {descending = true} : (vector<16xf32>, vector<16xi32>, vector<16xi1>) -> (vector<16xi1>, vector<16xf32>, vector<16xi32>)
        %ge3A_417 = arith.cmpf oge, %masked_sort3A_327, %masked_sort3A_379 : vector<16xf32>
        %select_n3A_418 = arith.select %ge3A_417, %masked_sort3A_327, %masked_sort3A_379 : vector<16xi1>, vector<16xf32>
        %select_n3A_419 = arith.select %ge3A_417, %masked_sort3A_328, %masked_sort3A_380 : vector<16xi1>, vector<16xi32>
        %ge3A_420 = arith.cmpf oge, %masked_sort3A_323, %select_n3A_418 : vector<16xf32>
        %select_n3A_421 = arith.select %ge3A_420, %masked_sort3A_323, %select_n3A_418 : vector<16xi1>, vector<16xf32>
        %select_n3A_422 = arith.select %ge3A_420, %masked_sort3A_324, %select_n3A_419 : vector<16xi1>, vector<16xi32>
        %select_n3A_423 = arith.select %ge3A_420, %select_n3A_418, %masked_sort3A_323 : vector<16xi1>, vector<16xf32>
        %select_n3A_424 = arith.select %ge3A_420, %select_n3A_419, %masked_sort3A_324 : vector<16xi1>, vector<16xi32>
        %masked_sort3A_425 = arith.constant dense<true> : vector<16xi1>
        %masked_sort3A_426, %masked_sort3A_427, %masked_sort3A_428 = tpu.sort %select_n3A_421, %select_n3A_422 masked %masked_sort3A_425 {descending = true} : (vector<16xf32>, vector<16xi32>, vector<16xi1>) -> (vector<16xi1>, vector<16xf32>, vector<16xi32>)
        %masked_sort3A_429 = arith.constant dense<true> : vector<16xi1>
        %masked_sort3A_430, %masked_sort3A_431, %masked_sort3A_432 = tpu.sort %select_n3A_423, %select_n3A_424 masked %masked_sort3A_429 {descending = true} : (vector<16xf32>, vector<16xi32>, vector<16xi1>) -> (vector<16xi1>, vector<16xf32>, vector<16xi32>)
        %ge3A_433 = arith.cmpf oge, %masked_sort3A_343, %masked_sort3A_389 : vector<16xf32>
        %select_n3A_434 = arith.select %ge3A_433, %masked_sort3A_343, %masked_sort3A_389 : vector<16xi1>, vector<16xf32>
        %select_n3A_435 = arith.select %ge3A_433, %masked_sort3A_344, %masked_sort3A_390 : vector<16xi1>, vector<16xi32>
        %ge3A_436 = arith.cmpf oge, %masked_sort3A_339, %select_n3A_434 : vector<16xf32>
        %select_n3A_437 = arith.select %ge3A_436, %masked_sort3A_339, %select_n3A_434 : vector<16xi1>, vector<16xf32>
        %select_n3A_438 = arith.select %ge3A_436, %masked_sort3A_340, %select_n3A_435 : vector<16xi1>, vector<16xi32>
        %select_n3A_439 = arith.select %ge3A_436, %select_n3A_434, %masked_sort3A_339 : vector<16xi1>, vector<16xf32>
        %select_n3A_440 = arith.select %ge3A_436, %select_n3A_435, %masked_sort3A_340 : vector<16xi1>, vector<16xi32>
        %masked_sort3A_441 = arith.constant dense<true> : vector<16xi1>
        %masked_sort3A_442, %masked_sort3A_443, %masked_sort3A_444 = tpu.sort %select_n3A_437, %select_n3A_438 masked %masked_sort3A_441 {descending = true} : (vector<16xf32>, vector<16xi32>, vector<16xi1>) -> (vector<16xi1>, vector<16xf32>, vector<16xi32>)
        %masked_sort3A_445 = arith.constant dense<true> : vector<16xi1>
        %masked_sort3A_446, %masked_sort3A_447, %masked_sort3A_448 = tpu.sort %select_n3A_439, %select_n3A_440 masked %masked_sort3A_445 {descending = true} : (vector<16xf32>, vector<16xi32>, vector<16xi1>) -> (vector<16xi1>, vector<16xf32>, vector<16xi32>)
        %ge3A_449 = arith.cmpf oge, %masked_sort3A_359, %masked_sort3A_399 : vector<16xf32>
        %select_n3A_450 = arith.select %ge3A_449, %masked_sort3A_359, %masked_sort3A_399 : vector<16xi1>, vector<16xf32>
        %select_n3A_451 = arith.select %ge3A_449, %masked_sort3A_360, %masked_sort3A_400 : vector<16xi1>, vector<16xi32>
        %ge3A_452 = arith.cmpf oge, %masked_sort3A_355, %select_n3A_450 : vector<16xf32>
        %select_n3A_453 = arith.select %ge3A_452, %masked_sort3A_355, %select_n3A_450 : vector<16xi1>, vector<16xf32>
        %select_n3A_454 = arith.select %ge3A_452, %masked_sort3A_356, %select_n3A_451 : vector<16xi1>, vector<16xi32>
        %select_n3A_455 = arith.select %ge3A_452, %select_n3A_450, %masked_sort3A_355 : vector<16xi1>, vector<16xf32>
        %select_n3A_456 = arith.select %ge3A_452, %select_n3A_451, %masked_sort3A_356 : vector<16xi1>, vector<16xi32>
        %masked_sort3A_457 = arith.constant dense<true> : vector<16xi1>
        %masked_sort3A_458, %masked_sort3A_459, %masked_sort3A_460 = tpu.sort %select_n3A_453, %select_n3A_454 masked %masked_sort3A_457 {descending = true} : (vector<16xf32>, vector<16xi32>, vector<16xi1>) -> (vector<16xi1>, vector<16xf32>, vector<16xi32>)
        %masked_sort3A_461 = arith.constant dense<true> : vector<16xi1>
        %masked_sort3A_462, %masked_sort3A_463, %masked_sort3A_464 = tpu.sort %select_n3A_455, %select_n3A_456 masked %masked_sort3A_461 {descending = true} : (vector<16xf32>, vector<16xi32>, vector<16xi1>) -> (vector<16xi1>, vector<16xf32>, vector<16xi32>)
        %get3A_465 = arith.index_cast %add3A_24 : i32 to index
        %get3A_466 = arith.constant 80 : index
        %get3A_467 = tpu.vector_load %arg5[%get3A_465, %get3A_466] {strides = array<i32>} : memref<64x512xf32, #tpu.memory_space<vmem>>, vector<16xf32>,
        %add3A_468 = arith.constant 80 : i32
        %add3A_469 = vector.broadcast %add3A_468 : i32 to vector<16xi32>
        %add3A_470 = arith.addi %iota3A, %add3A_469 : vector<16xi32>
        %masked_sort3A_471 = arith.constant dense<true> : vector<16xi1>
        %masked_sort3A_472, %masked_sort3A_473, %masked_sort3A_474 = tpu.sort %get3A_467, %add3A_470 masked %masked_sort3A_471 : (vector<16xf32>, vector<16xi32>, vector<16xi1>) -> (vector<16xi1>, vector<16xf32>, vector<16xi32>)
        %get3A_475 = arith.index_cast %add3A_28 : i32 to index
        %get3A_476 = arith.constant 80 : index
        %get3A_477 = tpu.vector_load %arg5[%get3A_475, %get3A_476] {strides = array<i32>} : memref<64x512xf32, #tpu.memory_space<vmem>>, vector<16xf32>,
        %add3A_478 = arith.constant 80 : i32
        %add3A_479 = vector.broadcast %add3A_478 : i32 to vector<16xi32>
        %add3A_480 = arith.addi %iota3A, %add3A_479 : vector<16xi32>
        %masked_sort3A_481 = arith.constant dense<true> : vector<16xi1>
        %masked_sort3A_482, %masked_sort3A_483, %masked_sort3A_484 = tpu.sort %get3A_477, %add3A_480 masked %masked_sort3A_481 : (vector<16xf32>, vector<16xi32>, vector<16xi1>) -> (vector<16xi1>, vector<16xf32>, vector<16xi32>)
        %get3A_485 = arith.index_cast %add3A_32 : i32 to index
        %get3A_486 = arith.constant 80 : index
        %get3A_487 = tpu.vector_load %arg5[%get3A_485, %get3A_486] {strides = array<i32>} : memref<64x512xf32, #tpu.memory_space<vmem>>, vector<16xf32>,
        %add3A_488 = arith.constant 80 : i32
        %add3A_489 = vector.broadcast %add3A_488 : i32 to vector<16xi32>
        %add3A_490 = arith.addi %iota3A, %add3A_489 : vector<16xi32>
        %masked_sort3A_491 = arith.constant dense<true> : vector<16xi1>
        %masked_sort3A_492, %masked_sort3A_493, %masked_sort3A_494 = tpu.sort %get3A_487, %add3A_490 masked %masked_sort3A_491 : (vector<16xf32>, vector<16xi32>, vector<16xi1>) -> (vector<16xi1>, vector<16xf32>, vector<16xi32>)
        %get3A_495 = arith.index_cast %add3A_36 : i32 to index
        %get3A_496 = arith.constant 80 : index
        %get3A_497 = tpu.vector_load %arg5[%get3A_495, %get3A_496] {strides = array<i32>} : memref<64x512xf32, #tpu.memory_space<vmem>>, vector<16xf32>,
        %add3A_498 = arith.constant 80 : i32
        %add3A_499 = vector.broadcast %add3A_498 : i32 to vector<16xi32>
        %add3A_500 = arith.addi %iota3A, %add3A_499 : vector<16xi32>
        %masked_sort3A_501 = arith.constant dense<true> : vector<16xi1>
        %masked_sort3A_502, %masked_sort3A_503, %masked_sort3A_504 = tpu.sort %get3A_497, %add3A_500 masked %masked_sort3A_501 : (vector<16xf32>, vector<16xi32>, vector<16xi1>) -> (vector<16xi1>, vector<16xf32>, vector<16xi32>)
        %ge3A_505 = arith.cmpf oge, %masked_sort3A_415, %masked_sort3A_473 : vector<16xf32>
        %select_n3A_506 = arith.select %ge3A_505, %masked_sort3A_415, %masked_sort3A_473 : vector<16xi1>, vector<16xf32>
        %select_n3A_507 = arith.select %ge3A_505, %masked_sort3A_416, %masked_sort3A_474 : vector<16xi1>, vector<16xi32>
        %ge3A_508 = arith.cmpf oge, %masked_sort3A_411, %select_n3A_506 : vector<16xf32>
        %select_n3A_509 = arith.select %ge3A_508, %masked_sort3A_411, %select_n3A_506 : vector<16xi1>, vector<16xf32>
        %select_n3A_510 = arith.select %ge3A_508, %masked_sort3A_412, %select_n3A_507 : vector<16xi1>, vector<16xi32>
        %select_n3A_511 = arith.select %ge3A_508, %select_n3A_506, %masked_sort3A_411 : vector<16xi1>, vector<16xf32>
        %select_n3A_512 = arith.select %ge3A_508, %select_n3A_507, %masked_sort3A_412 : vector<16xi1>, vector<16xi32>
        %masked_sort3A_513 = arith.constant dense<true> : vector<16xi1>
        %masked_sort3A_514, %masked_sort3A_515, %masked_sort3A_516 = tpu.sort %select_n3A_509, %select_n3A_510 masked %masked_sort3A_513 {descending = true} : (vector<16xf32>, vector<16xi32>, vector<16xi1>) -> (vector<16xi1>, vector<16xf32>, vector<16xi32>)
        %masked_sort3A_517 = arith.constant dense<true> : vector<16xi1>
        %masked_sort3A_518, %masked_sort3A_519, %masked_sort3A_520 = tpu.sort %select_n3A_511, %select_n3A_512 masked %masked_sort3A_517 {descending = true} : (vector<16xf32>, vector<16xi32>, vector<16xi1>) -> (vector<16xi1>, vector<16xf32>, vector<16xi32>)
        %ge3A_521 = arith.cmpf oge, %masked_sort3A_431, %masked_sort3A_483 : vector<16xf32>
        %select_n3A_522 = arith.select %ge3A_521, %masked_sort3A_431, %masked_sort3A_483 : vector<16xi1>, vector<16xf32>
        %select_n3A_523 = arith.select %ge3A_521, %masked_sort3A_432, %masked_sort3A_484 : vector<16xi1>, vector<16xi32>
        %ge3A_524 = arith.cmpf oge, %masked_sort3A_427, %select_n3A_522 : vector<16xf32>
        %select_n3A_525 = arith.select %ge3A_524, %masked_sort3A_427, %select_n3A_522 : vector<16xi1>, vector<16xf32>
        %select_n3A_526 = arith.select %ge3A_524, %masked_sort3A_428, %select_n3A_523 : vector<16xi1>, vector<16xi32>
        %select_n3A_527 = arith.select %ge3A_524, %select_n3A_522, %masked_sort3A_427 : vector<16xi1>, vector<16xf32>
        %select_n3A_528 = arith.select %ge3A_524, %select_n3A_523, %masked_sort3A_428 : vector<16xi1>, vector<16xi32>
        %masked_sort3A_529 = arith.constant dense<true> : vector<16xi1>
        %masked_sort3A_530, %masked_sort3A_531, %masked_sort3A_532 = tpu.sort %select_n3A_525, %select_n3A_526 masked %masked_sort3A_529 {descending = true} : (vector<16xf32>, vector<16xi32>, vector<16xi1>) -> (vector<16xi1>, vector<16xf32>, vector<16xi32>)
        %masked_sort3A_533 = arith.constant dense<true> : vector<16xi1>
        %masked_sort3A_534, %masked_sort3A_535, %masked_sort3A_536 = tpu.sort %select_n3A_527, %select_n3A_528 masked %masked_sort3A_533 {descending = true} : (vector<16xf32>, vector<16xi32>, vector<16xi1>) -> (vector<16xi1>, vector<16xf32>, vector<16xi32>)
        %ge3A_537 = arith.cmpf oge, %masked_sort3A_447, %masked_sort3A_493 : vector<16xf32>
        %select_n3A_538 = arith.select %ge3A_537, %masked_sort3A_447, %masked_sort3A_493 : vector<16xi1>, vector<16xf32>
        %select_n3A_539 = arith.select %ge3A_537, %masked_sort3A_448, %masked_sort3A_494 : vector<16xi1>, vector<16xi32>
        %ge3A_540 = arith.cmpf oge, %masked_sort3A_443, %select_n3A_538 : vector<16xf32>
        %select_n3A_541 = arith.select %ge3A_540, %masked_sort3A_443, %select_n3A_538 : vector<16xi1>, vector<16xf32>
        %select_n3A_542 = arith.select %ge3A_540, %masked_sort3A_444, %select_n3A_539 : vector<16xi1>, vector<16xi32>
        %select_n3A_543 = arith.select %ge3A_540, %select_n3A_538, %masked_sort3A_443 : vector<16xi1>, vector<16xf32>
        %select_n3A_544 = arith.select %ge3A_540, %select_n3A_539, %masked_sort3A_444 : vector<16xi1>, vector<16xi32>
        %masked_sort3A_545 = arith.constant dense<true> : vector<16xi1>
        %masked_sort3A_546, %masked_sort3A_547, %masked_sort3A_548 = tpu.sort %select_n3A_541, %select_n3A_542 masked %masked_sort3A_545 {descending = true} : (vector<16xf32>, vector<16xi32>, vector<16xi1>) -> (vector<16xi1>, vector<16xf32>, vector<16xi32>)
        %masked_sort3A_549 = arith.constant dense<true> : vector<16xi1>
        %masked_sort3A_550, %masked_sort3A_551, %masked_sort3A_552 = tpu.sort %select_n3A_543, %select_n3A_544 masked %masked_sort3A_549 {descending = true} : (vector<16xf32>, vector<16xi32>, vector<16xi1>) -> (vector<16xi1>, vector<16xf32>, vector<16xi32>)
        %ge3A_553 = arith.cmpf oge, %masked_sort3A_463, %masked_sort3A_503 : vector<16xf32>
        %select_n3A_554 = arith.select %ge3A_553, %masked_sort3A_463, %masked_sort3A_503 : vector<16xi1>, vector<16xf32>
        %select_n3A_555 = arith.select %ge3A_553, %masked_sort3A_464, %masked_sort3A_504 : vector<16xi1>, vector<16xi32>
        %ge3A_556 = arith.cmpf oge, %masked_sort3A_459, %select_n3A_554 : vector<16xf32>
        %select_n3A_557 = arith.select %ge3A_556, %masked_sort3A_459, %select_n3A_554 : vector<16xi1>, vector<16xf32>
        %select_n3A_558 = arith.select %ge3A_556, %masked_sort3A_460, %select_n3A_555 : vector<16xi1>, vector<16xi32>
        %select_n3A_559 = arith.select %ge3A_556, %select_n3A_554, %masked_sort3A_459 : vector<16xi1>, vector<16xf32>
        %select_n3A_560 = arith.select %ge3A_556, %select_n3A_555, %masked_sort3A_460 : vector<16xi1>, vector<16xi32>
        %masked_sort3A_561 = arith.constant dense<true> : vector<16xi1>
        %masked_sort3A_562, %masked_sort3A_563, %masked_sort3A_564 = tpu.sort %select_n3A_557, %select_n3A_558 masked %masked_sort3A_561 {descending = true} : (vector<16xf32>, vector<16xi32>, vector<16xi1>) -> (vector<16xi1>, vector<16xf32>, vector<16xi32>)
        %masked_sort3A_565 = arith.constant dense<true> : vector<16xi1>
        %masked_sort3A_566, %masked_sort3A_567, %masked_sort3A_568 = tpu.sort %select_n3A_559, %select_n3A_560 masked %masked_sort3A_565 {descending = true} : (vector<16xf32>, vector<16xi32>, vector<16xi1>) -> (vector<16xi1>, vector<16xf32>, vector<16xi32>)
        %get3A_569 = arith.index_cast %add3A_24 : i32 to index
        %get3A_570 = arith.constant 96 : index
        %get3A_571 = tpu.vector_load %arg5[%get3A_569, %get3A_570] {strides = array<i32>} : memref<64x512xf32, #tpu.memory_space<vmem>>, vector<16xf32>,
        %add3A_572 = arith.constant 96 : i32
        %add3A_573 = vector.broadcast %add3A_572 : i32 to vector<16xi32>
        %add3A_574 = arith.addi %iota3A, %add3A_573 : vector<16xi32>
        %masked_sort3A_575 = arith.constant dense<true> : vector<16xi1>
        %masked_sort3A_576, %masked_sort3A_577, %masked_sort3A_578 = tpu.sort %get3A_571, %add3A_574 masked %masked_sort3A_575 : (vector<16xf32>, vector<16xi32>, vector<16xi1>) -> (vector<16xi1>, vector<16xf32>, vector<16xi32>)
        %get3A_579 = arith.index_cast %add3A_28 : i32 to index
        %get3A_580 = arith.constant 96 : index
        %get3A_581 = tpu.vector_load %arg5[%get3A_579, %get3A_580] {strides = array<i32>} : memref<64x512xf32, #tpu.memory_space<vmem>>, vector<16xf32>,
        %add3A_582 = arith.constant 96 : i32
        %add3A_583 = vector.broadcast %add3A_582 : i32 to vector<16xi32>
        %add3A_584 = arith.addi %iota3A, %add3A_583 : vector<16xi32>
        %masked_sort3A_585 = arith.constant dense<true> : vector<16xi1>
        %masked_sort3A_586, %masked_sort3A_587, %masked_sort3A_588 = tpu.sort %get3A_581, %add3A_584 masked %masked_sort3A_585 : (vector<16xf32>, vector<16xi32>, vector<16xi1>) -> (vector<16xi1>, vector<16xf32>, vector<16xi32>)
        %get3A_589 = arith.index_cast %add3A_32 : i32 to index
        %get3A_590 = arith.constant 96 : index
        %get3A_591 = tpu.vector_load %arg5[%get3A_589, %get3A_590] {strides = array<i32>} : memref<64x512xf32, #tpu.memory_space<vmem>>, vector<16xf32>,
        %add3A_592 = arith.constant 96 : i32
        %add3A_593 = vector.broadcast %add3A_592 : i32 to vector<16xi32>
        %add3A_594 = arith.addi %iota3A, %add3A_593 : vector<16xi32>
        %masked_sort3A_595 = arith.constant dense<true> : vector<16xi1>
        %masked_sort3A_596, %masked_sort3A_597, %masked_sort3A_598 = tpu.sort %get3A_591, %add3A_594 masked %masked_sort3A_595 : (vector<16xf32>, vector<16xi32>, vector<16xi1>) -> (vector<16xi1>, vector<16xf32>, vector<16xi32>)
        %get3A_599 = arith.index_cast %add3A_36 : i32 to index
        %get3A_600 = arith.constant 96 : index
        %get3A_601 = tpu.vector_load %arg5[%get3A_599, %get3A_600] {strides = array<i32>} : memref<64x512xf32, #tpu.memory_space<vmem>>, vector<16xf32>,
        %add3A_602 = arith.constant 96 : i32
        %add3A_603 = vector.broadcast %add3A_602 : i32 to vector<16xi32>
        %add3A_604 = arith.addi %iota3A, %add3A_603 : vector<16xi32>
        %masked_sort3A_605 = arith.constant dense<true> : vector<16xi1>
        %masked_sort3A_606, %masked_sort3A_607, %masked_sort3A_608 = tpu.sort %get3A_601, %add3A_604 masked %masked_sort3A_605 : (vector<16xf32>, vector<16xi32>, vector<16xi1>) -> (vector<16xi1>, vector<16xf32>, vector<16xi32>)
        %ge3A_609 = arith.cmpf oge, %masked_sort3A_519, %masked_sort3A_577 : vector<16xf32>
        %select_n3A_610 = arith.select %ge3A_609, %masked_sort3A_519, %masked_sort3A_577 : vector<16xi1>, vector<16xf32>
        %select_n3A_611 = arith.select %ge3A_609, %masked_sort3A_520, %masked_sort3A_578 : vector<16xi1>, vector<16xi32>
        %ge3A_612 = arith.cmpf oge, %masked_sort3A_515, %select_n3A_610 : vector<16xf32>
        %select_n3A_613 = arith.select %ge3A_612, %masked_sort3A_515, %select_n3A_610 : vector<16xi1>, vector<16xf32>
        %select_n3A_614 = arith.select %ge3A_612, %masked_sort3A_516, %select_n3A_611 : vector<16xi1>, vector<16xi32>
        %select_n3A_615 = arith.select %ge3A_612, %select_n3A_610, %masked_sort3A_515 : vector<16xi1>, vector<16xf32>
        %select_n3A_616 = arith.select %ge3A_612, %select_n3A_611, %masked_sort3A_516 : vector<16xi1>, vector<16xi32>
        %masked_sort3A_617 = arith.constant dense<true> : vector<16xi1>
        %masked_sort3A_618, %masked_sort3A_619, %masked_sort3A_620 = tpu.sort %select_n3A_613, %select_n3A_614 masked %masked_sort3A_617 {descending = true} : (vector<16xf32>, vector<16xi32>, vector<16xi1>) -> (vector<16xi1>, vector<16xf32>, vector<16xi32>)
        %masked_sort3A_621 = arith.constant dense<true> : vector<16xi1>
        %masked_sort3A_622, %masked_sort3A_623, %masked_sort3A_624 = tpu.sort %select_n3A_615, %select_n3A_616 masked %masked_sort3A_621 {descending = true} : (vector<16xf32>, vector<16xi32>, vector<16xi1>) -> (vector<16xi1>, vector<16xf32>, vector<16xi32>)
        %ge3A_625 = arith.cmpf oge, %masked_sort3A_535, %masked_sort3A_587 : vector<16xf32>
        %select_n3A_626 = arith.select %ge3A_625, %masked_sort3A_535, %masked_sort3A_587 : vector<16xi1>, vector<16xf32>
        %select_n3A_627 = arith.select %ge3A_625, %masked_sort3A_536, %masked_sort3A_588 : vector<16xi1>, vector<16xi32>
        %ge3A_628 = arith.cmpf oge, %masked_sort3A_531, %select_n3A_626 : vector<16xf32>
        %select_n3A_629 = arith.select %ge3A_628, %masked_sort3A_531, %select_n3A_626 : vector<16xi1>, vector<16xf32>
        %select_n3A_630 = arith.select %ge3A_628, %masked_sort3A_532, %select_n3A_627 : vector<16xi1>, vector<16xi32>
        %select_n3A_631 = arith.select %ge3A_628, %select_n3A_626, %masked_sort3A_531 : vector<16xi1>, vector<16xf32>
        %select_n3A_632 = arith.select %ge3A_628, %select_n3A_627, %masked_sort3A_532 : vector<16xi1>, vector<16xi32>
        %masked_sort3A_633 = arith.constant dense<true> : vector<16xi1>
        %masked_sort3A_634, %masked_sort3A_635, %masked_sort3A_636 = tpu.sort %select_n3A_629, %select_n3A_630 masked %masked_sort3A_633 {descending = true} : (vector<16xf32>, vector<16xi32>, vector<16xi1>) -> (vector<16xi1>, vector<16xf32>, vector<16xi32>)
        %masked_sort3A_637 = arith.constant dense<true> : vector<16xi1>
        %masked_sort3A_638, %masked_sort3A_639, %masked_sort3A_640 = tpu.sort %select_n3A_631, %select_n3A_632 masked %masked_sort3A_637 {descending = true} : (vector<16xf32>, vector<16xi32>, vector<16xi1>) -> (vector<16xi1>, vector<16xf32>, vector<16xi32>)
        %ge3A_641 = arith.cmpf oge, %masked_sort3A_551, %masked_sort3A_597 : vector<16xf32>
        %select_n3A_642 = arith.select %ge3A_641, %masked_sort3A_551, %masked_sort3A_597 : vector<16xi1>, vector<16xf32>
        %select_n3A_643 = arith.select %ge3A_641, %masked_sort3A_552, %masked_sort3A_598 : vector<16xi1>, vector<16xi32>
        %ge3A_644 = arith.cmpf oge, %masked_sort3A_547, %select_n3A_642 : vector<16xf32>
        %select_n3A_645 = arith.select %ge3A_644, %masked_sort3A_547, %select_n3A_642 : vector<16xi1>, vector<16xf32>
        %select_n3A_646 = arith.select %ge3A_644, %masked_sort3A_548, %select_n3A_643 : vector<16xi1>, vector<16xi32>
        %select_n3A_647 = arith.select %ge3A_644, %select_n3A_642, %masked_sort3A_547 : vector<16xi1>, vector<16xf32>
        %select_n3A_648 = arith.select %ge3A_644, %select_n3A_643, %masked_sort3A_548 : vector<16xi1>, vector<16xi32>
        %masked_sort3A_649 = arith.constant dense<true> : vector<16xi1>
        %masked_sort3A_650, %masked_sort3A_651, %masked_sort3A_652 = tpu.sort %select_n3A_645, %select_n3A_646 masked %masked_sort3A_649 {descending = true} : (vector<16xf32>, vector<16xi32>, vector<16xi1>) -> (vector<16xi1>, vector<16xf32>, vector<16xi32>)
        %masked_sort3A_653 = arith.constant dense<true> : vector<16xi1>
        %masked_sort3A_654, %masked_sort3A_655, %masked_sort3A_656 = tpu.sort %select_n3A_647, %select_n3A_648 masked %masked_sort3A_653 {descending = true} : (vector<16xf32>, vector<16xi32>, vector<16xi1>) -> (vector<16xi1>, vector<16xf32>, vector<16xi32>)
        %ge3A_657 = arith.cmpf oge, %masked_sort3A_567, %masked_sort3A_607 : vector<16xf32>
        %select_n3A_658 = arith.select %ge3A_657, %masked_sort3A_567, %masked_sort3A_607 : vector<16xi1>, vector<16xf32>
        %select_n3A_659 = arith.select %ge3A_657, %masked_sort3A_568, %masked_sort3A_608 : vector<16xi1>, vector<16xi32>
        %ge3A_660 = arith.cmpf oge, %masked_sort3A_563, %select_n3A_658 : vector<16xf32>
        %select_n3A_661 = arith.select %ge3A_660, %masked_sort3A_563, %select_n3A_658 : vector<16xi1>, vector<16xf32>
        %select_n3A_662 = arith.select %ge3A_660, %masked_sort3A_564, %select_n3A_659 : vector<16xi1>, vector<16xi32>
        %select_n3A_663 = arith.select %ge3A_660, %select_n3A_658, %masked_sort3A_563 : vector<16xi1>, vector<16xf32>
        %select_n3A_664 = arith.select %ge3A_660, %select_n3A_659, %masked_sort3A_564 : vector<16xi1>, vector<16xi32>
        %masked_sort3A_665 = arith.constant dense<true> : vector<16xi1>
        %masked_sort3A_666, %masked_sort3A_667, %masked_sort3A_668 = tpu.sort %select_n3A_661, %select_n3A_662 masked %masked_sort3A_665 {descending = true} : (vector<16xf32>, vector<16xi32>, vector<16xi1>) -> (vector<16xi1>, vector<16xf32>, vector<16xi32>)
        %masked_sort3A_669 = arith.constant dense<true> : vector<16xi1>
        %masked_sort3A_670, %masked_sort3A_671, %masked_sort3A_672 = tpu.sort %select_n3A_663, %select_n3A_664 masked %masked_sort3A_669 {descending = true} : (vector<16xf32>, vector<16xi32>, vector<16xi1>) -> (vector<16xi1>, vector<16xf32>, vector<16xi32>)
        %get3A_673 = arith.index_cast %add3A_24 : i32 to index
        %get3A_674 = arith.constant 112 : index
        %get3A_675 = tpu.vector_load %arg5[%get3A_673, %get3A_674] {strides = array<i32>} : memref<64x512xf32, #tpu.memory_space<vmem>>, vector<16xf32>,
        %add3A_676 = arith.constant 112 : i32
        %add3A_677 = vector.broadcast %add3A_676 : i32 to vector<16xi32>
        %add3A_678 = arith.addi %iota3A, %add3A_677 : vector<16xi32>
        %masked_sort3A_679 = arith.constant dense<true> : vector<16xi1>
        %masked_sort3A_680, %masked_sort3A_681, %masked_sort3A_682 = tpu.sort %get3A_675, %add3A_678 masked %masked_sort3A_679 : (vector<16xf32>, vector<16xi32>, vector<16xi1>) -> (vector<16xi1>, vector<16xf32>, vector<16xi32>)
        %get3A_683 = arith.index_cast %add3A_28 : i32 to index
        %get3A_684 = arith.constant 112 : index
        %get3A_685 = tpu.vector_load %arg5[%get3A_683, %get3A_684] {strides = array<i32>} : memref<64x512xf32, #tpu.memory_space<vmem>>, vector<16xf32>,
        %add3A_686 = arith.constant 112 : i32
        %add3A_687 = vector.broadcast %add3A_686 : i32 to vector<16xi32>
        %add3A_688 = arith.addi %iota3A, %add3A_687 : vector<16xi32>
        %masked_sort3A_689 = arith.constant dense<true> : vector<16xi1>
        %masked_sort3A_690, %masked_sort3A_691, %masked_sort3A_692 = tpu.sort %get3A_685, %add3A_688 masked %masked_sort3A_689 : (vector<16xf32>, vector<16xi32>, vector<16xi1>) -> (vector<16xi1>, vector<16xf32>, vector<16xi32>)
        %get3A_693 = arith.index_cast %add3A_32 : i32 to index
        %get3A_694 = arith.constant 112 : index
        %get3A_695 = tpu.vector_load %arg5[%get3A_693, %get3A_694] {strides = array<i32>} : memref<64x512xf32, #tpu.memory_space<vmem>>, vector<16xf32>,
        %add3A_696 = arith.constant 112 : i32
        %add3A_697 = vector.broadcast %add3A_696 : i32 to vector<16xi32>
        %add3A_698 = arith.addi %iota3A, %add3A_697 : vector<16xi32>
        %masked_sort3A_699 = arith.constant dense<true> : vector<16xi1>
        %masked_sort3A_700, %masked_sort3A_701, %masked_sort3A_702 = tpu.sort %get3A_695, %add3A_698 masked %masked_sort3A_699 : (vector<16xf32>, vector<16xi32>, vector<16xi1>) -> (vector<16xi1>, vector<16xf32>, vector<16xi32>)
        %get3A_703 = arith.index_cast %add3A_36 : i32 to index
        %get3A_704 = arith.constant 112 : index
        %get3A_705 = tpu.vector_load %arg5[%get3A_703, %get3A_704] {strides = array<i32>} : memref<64x512xf32, #tpu.memory_space<vmem>>, vector<16xf32>,
        %add3A_706 = arith.constant 112 : i32
        %add3A_707 = vector.broadcast %add3A_706 : i32 to vector<16xi32>
        %add3A_708 = arith.addi %iota3A, %add3A_707 : vector<16xi32>
        %masked_sort3A_709 = arith.constant dense<true> : vector<16xi1>
        %masked_sort3A_710, %masked_sort3A_711, %masked_sort3A_712 = tpu.sort %get3A_705, %add3A_708 masked %masked_sort3A_709 : (vector<16xf32>, vector<16xi32>, vector<16xi1>) -> (vector<16xi1>, vector<16xf32>, vector<16xi32>)
        %ge3A_713 = arith.cmpf oge, %masked_sort3A_623, %masked_sort3A_681 : vector<16xf32>
        %select_n3A_714 = arith.select %ge3A_713, %masked_sort3A_623, %masked_sort3A_681 : vector<16xi1>, vector<16xf32>
        %select_n3A_715 = arith.select %ge3A_713, %masked_sort3A_624, %masked_sort3A_682 : vector<16xi1>, vector<16xi32>
        %ge3A_716 = arith.cmpf oge, %masked_sort3A_619, %select_n3A_714 : vector<16xf32>
        %select_n3A_717 = arith.select %ge3A_716, %masked_sort3A_619, %select_n3A_714 : vector<16xi1>, vector<16xf32>
        %select_n3A_718 = arith.select %ge3A_716, %masked_sort3A_620, %select_n3A_715 : vector<16xi1>, vector<16xi32>
        %select_n3A_719 = arith.select %ge3A_716, %select_n3A_714, %masked_sort3A_619 : vector<16xi1>, vector<16xf32>
        %select_n3A_720 = arith.select %ge3A_716, %select_n3A_715, %masked_sort3A_620 : vector<16xi1>, vector<16xi32>
        %masked_sort3A_721 = arith.constant dense<true> : vector<16xi1>
        %masked_sort3A_722, %masked_sort3A_723, %masked_sort3A_724 = tpu.sort %select_n3A_717, %select_n3A_718 masked %masked_sort3A_721 {descending = true} : (vector<16xf32>, vector<16xi32>, vector<16xi1>) -> (vector<16xi1>, vector<16xf32>, vector<16xi32>)
        %masked_sort3A_725 = arith.constant dense<true> : vector<16xi1>
        %masked_sort3A_726, %masked_sort3A_727, %masked_sort3A_728 = tpu.sort %select_n3A_719, %select_n3A_720 masked %masked_sort3A_725 {descending = true} : (vector<16xf32>, vector<16xi32>, vector<16xi1>) -> (vector<16xi1>, vector<16xf32>, vector<16xi32>)
        %ge3A_729 = arith.cmpf oge, %masked_sort3A_639, %masked_sort3A_691 : vector<16xf32>
        %select_n3A_730 = arith.select %ge3A_729, %masked_sort3A_639, %masked_sort3A_691 : vector<16xi1>, vector<16xf32>
        %select_n3A_731 = arith.select %ge3A_729, %masked_sort3A_640, %masked_sort3A_692 : vector<16xi1>, vector<16xi32>
        %ge3A_732 = arith.cmpf oge, %masked_sort3A_635, %select_n3A_730 : vector<16xf32>
        %select_n3A_733 = arith.select %ge3A_732, %masked_sort3A_635, %select_n3A_730 : vector<16xi1>, vector<16xf32>
        %select_n3A_734 = arith.select %ge3A_732, %masked_sort3A_636, %select_n3A_731 : vector<16xi1>, vector<16xi32>
        %select_n3A_735 = arith.select %ge3A_732, %select_n3A_730, %masked_sort3A_635 : vector<16xi1>, vector<16xf32>
        %select_n3A_736 = arith.select %ge3A_732, %select_n3A_731, %masked_sort3A_636 : vector<16xi1>, vector<16xi32>
        %masked_sort3A_737 = arith.constant dense<true> : vector<16xi1>
        %masked_sort3A_738, %masked_sort3A_739, %masked_sort3A_740 = tpu.sort %select_n3A_733, %select_n3A_734 masked %masked_sort3A_737 {descending = true} : (vector<16xf32>, vector<16xi32>, vector<16xi1>) -> (vector<16xi1>, vector<16xf32>, vector<16xi32>)
        %masked_sort3A_741 = arith.constant dense<true> : vector<16xi1>
        %masked_sort3A_742, %masked_sort3A_743, %masked_sort3A_744 = tpu.sort %select_n3A_735, %select_n3A_736 masked %masked_sort3A_741 {descending = true} : (vector<16xf32>, vector<16xi32>, vector<16xi1>) -> (vector<16xi1>, vector<16xf32>, vector<16xi32>)
        %ge3A_745 = arith.cmpf oge, %masked_sort3A_655, %masked_sort3A_701 : vector<16xf32>
        %select_n3A_746 = arith.select %ge3A_745, %masked_sort3A_655, %masked_sort3A_701 : vector<16xi1>, vector<16xf32>
        %select_n3A_747 = arith.select %ge3A_745, %masked_sort3A_656, %masked_sort3A_702 : vector<16xi1>, vector<16xi32>
        %ge3A_748 = arith.cmpf oge, %masked_sort3A_651, %select_n3A_746 : vector<16xf32>
        %select_n3A_749 = arith.select %ge3A_748, %masked_sort3A_651, %select_n3A_746 : vector<16xi1>, vector<16xf32>
        %select_n3A_750 = arith.select %ge3A_748, %masked_sort3A_652, %select_n3A_747 : vector<16xi1>, vector<16xi32>
        %select_n3A_751 = arith.select %ge3A_748, %select_n3A_746, %masked_sort3A_651 : vector<16xi1>, vector<16xf32>
        %select_n3A_752 = arith.select %ge3A_748, %select_n3A_747, %masked_sort3A_652 : vector<16xi1>, vector<16xi32>
        %masked_sort3A_753 = arith.constant dense<true> : vector<16xi1>
        %masked_sort3A_754, %masked_sort3A_755, %masked_sort3A_756 = tpu.sort %select_n3A_749, %select_n3A_750 masked %masked_sort3A_753 {descending = true} : (vector<16xf32>, vector<16xi32>, vector<16xi1>) -> (vector<16xi1>, vector<16xf32>, vector<16xi32>)
        %masked_sort3A_757 = arith.constant dense<true> : vector<16xi1>
        %masked_sort3A_758, %masked_sort3A_759, %masked_sort3A_760 = tpu.sort %select_n3A_751, %select_n3A_752 masked %masked_sort3A_757 {descending = true} : (vector<16xf32>, vector<16xi32>, vector<16xi1>) -> (vector<16xi1>, vector<16xf32>, vector<16xi32>)
        %ge3A_761 = arith.cmpf oge, %masked_sort3A_671, %masked_sort3A_711 : vector<16xf32>
        %select_n3A_762 = arith.select %ge3A_761, %masked_sort3A_671, %masked_sort3A_711 : vector<16xi1>, vector<16xf32>
        %select_n3A_763 = arith.select %ge3A_761, %masked_sort3A_672, %masked_sort3A_712 : vector<16xi1>, vector<16xi32>
        %ge3A_764 = arith.cmpf oge, %masked_sort3A_667, %select_n3A_762 : vector<16xf32>
        %select_n3A_765 = arith.select %ge3A_764, %masked_sort3A_667, %select_n3A_762 : vector<16xi1>, vector<16xf32>
        %select_n3A_766 = arith.select %ge3A_764, %masked_sort3A_668, %select_n3A_763 : vector<16xi1>, vector<16xi32>
        %select_n3A_767 = arith.select %ge3A_764, %select_n3A_762, %masked_sort3A_667 : vector<16xi1>, vector<16xf32>
        %select_n3A_768 = arith.select %ge3A_764, %select_n3A_763, %masked_sort3A_668 : vector<16xi1>, vector<16xi32>
        %masked_sort3A_769 = arith.constant dense<true> : vector<16xi1>
        %masked_sort3A_770, %masked_sort3A_771, %masked_sort3A_772 = tpu.sort %select_n3A_765, %select_n3A_766 masked %masked_sort3A_769 {descending = true} : (vector<16xf32>, vector<16xi32>, vector<16xi1>) -> (vector<16xi1>, vector<16xf32>, vector<16xi32>)
        %masked_sort3A_773 = arith.constant dense<true> : vector<16xi1>
        %masked_sort3A_774, %masked_sort3A_775, %masked_sort3A_776 = tpu.sort %select_n3A_767, %select_n3A_768 masked %masked_sort3A_773 {descending = true} : (vector<16xf32>, vector<16xi32>, vector<16xi1>) -> (vector<16xi1>, vector<16xf32>, vector<16xi32>)
        %get3A_777 = arith.index_cast %add3A_24 : i32 to index
        %get3A_778 = arith.constant 128 : index
        %get3A_779 = tpu.vector_load %arg5[%get3A_777, %get3A_778] {strides = array<i32>} : memref<64x512xf32, #tpu.memory_space<vmem>>, vector<16xf32>,
        %add3A_780 = arith.constant 128 : i32
        %add3A_781 = vector.broadcast %add3A_780 : i32 to vector<16xi32>
        %add3A_782 = arith.addi %iota3A, %add3A_781 : vector<16xi32>
        %masked_sort3A_783 = arith.constant dense<true> : vector<16xi1>
        %masked_sort3A_784, %masked_sort3A_785, %masked_sort3A_786 = tpu.sort %get3A_779, %add3A_782 masked %masked_sort3A_783 : (vector<16xf32>, vector<16xi32>, vector<16xi1>) -> (vector<16xi1>, vector<16xf32>, vector<16xi32>)
        %get3A_787 = arith.index_cast %add3A_28 : i32 to index
        %get3A_788 = arith.constant 128 : index
        %get3A_789 = tpu.vector_load %arg5[%get3A_787, %get3A_788] {strides = array<i32>} : memref<64x512xf32, #tpu.memory_space<vmem>>, vector<16xf32>,
        %add3A_790 = arith.constant 128 : i32
        %add3A_791 = vector.broadcast %add3A_790 : i32 to vector<16xi32>
        %add3A_792 = arith.addi %iota3A, %add3A_791 : vector<16xi32>
        %masked_sort3A_793 = arith.constant dense<true> : vector<16xi1>
        %masked_sort3A_794, %masked_sort3A_795, %masked_sort3A_796 = tpu.sort %get3A_789, %add3A_792 masked %masked_sort3A_793 : (vector<16xf32>, vector<16xi32>, vector<16xi1>) -> (vector<16xi1>, vector<16xf32>, vector<16xi32>)
        %get3A_797 = arith.index_cast %add3A_32 : i32 to index
        %get3A_798 = arith.constant 128 : index
        %get3A_799 = tpu.vector_load %arg5[%get3A_797, %get3A_798] {strides = array<i32>} : memref<64x512xf32, #tpu.memory_space<vmem>>, vector<16xf32>,
        %add3A_800 = arith.constant 128 : i32
        %add3A_801 = vector.broadcast %add3A_800 : i32 to vector<16xi32>
        %add3A_802 = arith.addi %iota3A, %add3A_801 : vector<16xi32>
        %masked_sort3A_803 = arith.constant dense<true> : vector<16xi1>
        %masked_sort3A_804, %masked_sort3A_805, %masked_sort3A_806 = tpu.sort %get3A_799, %add3A_802 masked %masked_sort3A_803 : (vector<16xf32>, vector<16xi32>, vector<16xi1>) -> (vector<16xi1>, vector<16xf32>, vector<16xi32>)
        %get3A_807 = arith.index_cast %add3A_36 : i32 to index
        %get3A_808 = arith.constant 128 : index
        %get3A_809 = tpu.vector_load %arg5[%get3A_807, %get3A_808] {strides = array<i32>} : memref<64x512xf32, #tpu.memory_space<vmem>>, vector<16xf32>,
        %add3A_810 = arith.constant 128 : i32
        %add3A_811 = vector.broadcast %add3A_810 : i32 to vector<16xi32>
        %add3A_812 = arith.addi %iota3A, %add3A_811 : vector<16xi32>
        %masked_sort3A_813 = arith.constant dense<true> : vector<16xi1>
        %masked_sort3A_814, %masked_sort3A_815, %masked_sort3A_816 = tpu.sort %get3A_809, %add3A_812 masked %masked_sort3A_813 : (vector<16xf32>, vector<16xi32>, vector<16xi1>) -> (vector<16xi1>, vector<16xf32>, vector<16xi32>)
        %ge3A_817 = arith.cmpf oge, %masked_sort3A_727, %masked_sort3A_785 : vector<16xf32>
        %select_n3A_818 = arith.select %ge3A_817, %masked_sort3A_727, %masked_sort3A_785 : vector<16xi1>, vector<16xf32>
        %select_n3A_819 = arith.select %ge3A_817, %masked_sort3A_728, %masked_sort3A_786 : vector<16xi1>, vector<16xi32>
        %ge3A_820 = arith.cmpf oge, %masked_sort3A_723, %select_n3A_818 : vector<16xf32>
        %select_n3A_821 = arith.select %ge3A_820, %masked_sort3A_723, %select_n3A_818 : vector<16xi1>, vector<16xf32>
        %select_n3A_822 = arith.select %ge3A_820, %masked_sort3A_724, %select_n3A_819 : vector<16xi1>, vector<16xi32>
        %select_n3A_823 = arith.select %ge3A_820, %select_n3A_818, %masked_sort3A_723 : vector<16xi1>, vector<16xf32>
        %select_n3A_824 = arith.select %ge3A_820, %select_n3A_819, %masked_sort3A_724 : vector<16xi1>, vector<16xi32>
        %masked_sort3A_825 = arith.constant dense<true> : vector<16xi1>
        %masked_sort3A_826, %masked_sort3A_827, %masked_sort3A_828 = tpu.sort %select_n3A_821, %select_n3A_822 masked %masked_sort3A_825 {descending = true} : (vector<16xf32>, vector<16xi32>, vector<16xi1>) -> (vector<16xi1>, vector<16xf32>, vector<16xi32>)
        %masked_sort3A_829 = arith.constant dense<true> : vector<16xi1>
        %masked_sort3A_830, %masked_sort3A_831, %masked_sort3A_832 = tpu.sort %select_n3A_823, %select_n3A_824 masked %masked_sort3A_829 {descending = true} : (vector<16xf32>, vector<16xi32>, vector<16xi1>) -> (vector<16xi1>, vector<16xf32>, vector<16xi32>)
        %ge3A_833 = arith.cmpf oge, %masked_sort3A_743, %masked_sort3A_795 : vector<16xf32>
        %select_n3A_834 = arith.select %ge3A_833, %masked_sort3A_743, %masked_sort3A_795 : vector<16xi1>, vector<16xf32>
        %select_n3A_835 = arith.select %ge3A_833, %masked_sort3A_744, %masked_sort3A_796 : vector<16xi1>, vector<16xi32>
        %ge3A_836 = arith.cmpf oge, %masked_sort3A_739, %select_n3A_834 : vector<16xf32>
        %select_n3A_837 = arith.select %ge3A_836, %masked_sort3A_739, %select_n3A_834 : vector<16xi1>, vector<16xf32>
        %select_n3A_838 = arith.select %ge3A_836, %masked_sort3A_740, %select_n3A_835 : vector<16xi1>, vector<16xi32>
        %select_n3A_839 = arith.select %ge3A_836, %select_n3A_834, %masked_sort3A_739 : vector<16xi1>, vector<16xf32>
        %select_n3A_840 = arith.select %ge3A_836, %select_n3A_835, %masked_sort3A_740 : vector<16xi1>, vector<16xi32>
        %masked_sort3A_841 = arith.constant dense<true> : vector<16xi1>
        %masked_sort3A_842, %masked_sort3A_843, %masked_sort3A_844 = tpu.sort %select_n3A_837, %select_n3A_838 masked %masked_sort3A_841 {descending = true} : (vector<16xf32>, vector<16xi32>, vector<16xi1>) -> (vector<16xi1>, vector<16xf32>, vector<16xi32>)
        %masked_sort3A_845 = arith.constant dense<true> : vector<16xi1>
        %masked_sort3A_846, %masked_sort3A_847, %masked_sort3A_848 = tpu.sort %select_n3A_839, %select_n3A_840 masked %masked_sort3A_845 {descending = true} : (vector<16xf32>, vector<16xi32>, vector<16xi1>) -> (vector<16xi1>, vector<16xf32>, vector<16xi32>)
        %ge3A_849 = arith.cmpf oge, %masked_sort3A_759, %masked_sort3A_805 : vector<16xf32>
        %select_n3A_850 = arith.select %ge3A_849, %masked_sort3A_759, %masked_sort3A_805 : vector<16xi1>, vector<16xf32>
        %select_n3A_851 = arith.select %ge3A_849, %masked_sort3A_760, %masked_sort3A_806 : vector<16xi1>, vector<16xi32>
        %ge3A_852 = arith.cmpf oge, %masked_sort3A_755, %select_n3A_850 : vector<16xf32>
        %select_n3A_853 = arith.select %ge3A_852, %masked_sort3A_755, %select_n3A_850 : vector<16xi1>, vector<16xf32>
        %select_n3A_854 = arith.select %ge3A_852, %masked_sort3A_756, %select_n3A_851 : vector<16xi1>, vector<16xi32>
        %select_n3A_855 = arith.select %ge3A_852, %select_n3A_850, %masked_sort3A_755 : vector<16xi1>, vector<16xf32>
        %select_n3A_856 = arith.select %ge3A_852, %select_n3A_851, %masked_sort3A_756 : vector<16xi1>, vector<16xi32>
        %masked_sort3A_857 = arith.constant dense<true> : vector<16xi1>
        %masked_sort3A_858, %masked_sort3A_859, %masked_sort3A_860 = tpu.sort %select_n3A_853, %select_n3A_854 masked %masked_sort3A_857 {descending = true} : (vector<16xf32>, vector<16xi32>, vector<16xi1>) -> (vector<16xi1>, vector<16xf32>, vector<16xi32>)
        %masked_sort3A_861 = arith.constant dense<true> : vector<16xi1>
        %masked_sort3A_862, %masked_sort3A_863, %masked_sort3A_864 = tpu.sort %select_n3A_855, %select_n3A_856 masked %masked_sort3A_861 {descending = true} : (vector<16xf32>, vector<16xi32>, vector<16xi1>) -> (vector<16xi1>, vector<16xf32>, vector<16xi32>)
        %ge3A_865 = arith.cmpf oge, %masked_sort3A_775, %masked_sort3A_815 : vector<16xf32>
        %select_n3A_866 = arith.select %ge3A_865, %masked_sort3A_775, %masked_sort3A_815 : vector<16xi1>, vector<16xf32>
        %select_n3A_867 = arith.select %ge3A_865, %masked_sort3A_776, %masked_sort3A_816 : vector<16xi1>, vector<16xi32>
        %ge3A_868 = arith.cmpf oge, %masked_sort3A_771, %select_n3A_866 : vector<16xf32>
        %select_n3A_869 = arith.select %ge3A_868, %masked_sort3A_771, %select_n3A_866 : vector<16xi1>, vector<16xf32>
        %select_n3A_870 = arith.select %ge3A_868, %masked_sort3A_772, %select_n3A_867 : vector<16xi1>, vector<16xi32>
        %select_n3A_871 = arith.select %ge3A_868, %select_n3A_866, %masked_sort3A_771 : vector<16xi1>, vector<16xf32>
        %select_n3A_872 = arith.select %ge3A_868, %select_n3A_867, %masked_sort3A_772 : vector<16xi1>, vector<16xi32>
        %masked_sort3A_873 = arith.constant dense<true> : vector<16xi1>
        %masked_sort3A_874, %masked_sort3A_875, %masked_sort3A_876 = tpu.sort %select_n3A_869, %select_n3A_870 masked %masked_sort3A_873 {descending = true} : (vector<16xf32>, vector<16xi32>, vector<16xi1>) -> (vector<16xi1>, vector<16xf32>, vector<16xi32>)
        %masked_sort3A_877 = arith.constant dense<true> : vector<16xi1>
        %masked_sort3A_878, %masked_sort3A_879, %masked_sort3A_880 = tpu.sort %select_n3A_871, %select_n3A_872 masked %masked_sort3A_877 {descending = true} : (vector<16xf32>, vector<16xi32>, vector<16xi1>) -> (vector<16xi1>, vector<16xf32>, vector<16xi32>)
        %get3A_881 = arith.index_cast %add3A_24 : i32 to index
        %get3A_882 = arith.constant 144 : index
        %get3A_883 = tpu.vector_load %arg5[%get3A_881, %get3A_882] {strides = array<i32>} : memref<64x512xf32, #tpu.memory_space<vmem>>, vector<16xf32>,
        %add3A_884 = arith.constant 144 : i32
        %add3A_885 = vector.broadcast %add3A_884 : i32 to vector<16xi32>
        %add3A_886 = arith.addi %iota3A, %add3A_885 : vector<16xi32>
        %masked_sort3A_887 = arith.constant dense<true> : vector<16xi1>
        %masked_sort3A_888, %masked_sort3A_889, %masked_sort3A_890 = tpu.sort %get3A_883, %add3A_886 masked %masked_sort3A_887 : (vector<16xf32>, vector<16xi32>, vector<16xi1>) -> (vector<16xi1>, vector<16xf32>, vector<16xi32>)
        %get3A_891 = arith.index_cast %add3A_28 : i32 to index
        %get3A_892 = arith.constant 144 : index
        %get3A_893 = tpu.vector_load %arg5[%get3A_891, %get3A_892] {strides = array<i32>} : memref<64x512xf32, #tpu.memory_space<vmem>>, vector<16xf32>,
        %add3A_894 = arith.constant 144 : i32
        %add3A_895 = vector.broadcast %add3A_894 : i32 to vector<16xi32>
        %add3A_896 = arith.addi %iota3A, %add3A_895 : vector<16xi32>
        %masked_sort3A_897 = arith.constant dense<true> : vector<16xi1>
        %masked_sort3A_898, %masked_sort3A_899, %masked_sort3A_900 = tpu.sort %get3A_893, %add3A_896 masked %masked_sort3A_897 : (vector<16xf32>, vector<16xi32>, vector<16xi1>) -> (vector<16xi1>, vector<16xf32>, vector<16xi32>)
        %get3A_901 = arith.index_cast %add3A_32 : i32 to index
        %get3A_902 = arith.constant 144 : index
        %get3A_903 = tpu.vector_load %arg5[%get3A_901, %get3A_902] {strides = array<i32>} : memref<64x512xf32, #tpu.memory_space<vmem>>, vector<16xf32>,
        %add3A_904 = arith.constant 144 : i32
        %add3A_905 = vector.broadcast %add3A_904 : i32 to vector<16xi32>
        %add3A_906 = arith.addi %iota3A, %add3A_905 : vector<16xi32>
        %masked_sort3A_907 = arith.constant dense<true> : vector<16xi1>
        %masked_sort3A_908, %masked_sort3A_909, %masked_sort3A_910 = tpu.sort %get3A_903, %add3A_906 masked %masked_sort3A_907 : (vector<16xf32>, vector<16xi32>, vector<16xi1>) -> (vector<16xi1>, vector<16xf32>, vector<16xi32>)
        %get3A_911 = arith.index_cast %add3A_36 : i32 to index
        %get3A_912 = arith.constant 144 : index
        %get3A_913 = tpu.vector_load %arg5[%get3A_911, %get3A_912] {strides = array<i32>} : memref<64x512xf32, #tpu.memory_space<vmem>>, vector<16xf32>,
        %add3A_914 = arith.constant 144 : i32
        %add3A_915 = vector.broadcast %add3A_914 : i32 to vector<16xi32>
        %add3A_916 = arith.addi %iota3A, %add3A_915 : vector<16xi32>
        %masked_sort3A_917 = arith.constant dense<true> : vector<16xi1>
        %masked_sort3A_918, %masked_sort3A_919, %masked_sort3A_920 = tpu.sort %get3A_913, %add3A_916 masked %masked_sort3A_917 : (vector<16xf32>, vector<16xi32>, vector<16xi1>) -> (vector<16xi1>, vector<16xf32>, vector<16xi32>)
        %ge3A_921 = arith.cmpf oge, %masked_sort3A_831, %masked_sort3A_889 : vector<16xf32>
        %select_n3A_922 = arith.select %ge3A_921, %masked_sort3A_831, %masked_sort3A_889 : vector<16xi1>, vector<16xf32>
        %select_n3A_923 = arith.select %ge3A_921, %masked_sort3A_832, %masked_sort3A_890 : vector<16xi1>, vector<16xi32>
        %ge3A_924 = arith.cmpf oge, %masked_sort3A_827, %select_n3A_922 : vector<16xf32>
        %select_n3A_925 = arith.select %ge3A_924, %masked_sort3A_827, %select_n3A_922 : vector<16xi1>, vector<16xf32>
        %select_n3A_926 = arith.select %ge3A_924, %masked_sort3A_828, %select_n3A_923 : vector<16xi1>, vector<16xi32>
        %select_n3A_927 = arith.select %ge3A_924, %select_n3A_922, %masked_sort3A_827 : vector<16xi1>, vector<16xf32>
        %select_n3A_928 = arith.select %ge3A_924, %select_n3A_923, %masked_sort3A_828 : vector<16xi1>, vector<16xi32>
        %masked_sort3A_929 = arith.constant dense<true> : vector<16xi1>
        %masked_sort3A_930, %masked_sort3A_931, %masked_sort3A_932 = tpu.sort %select_n3A_925, %select_n3A_926 masked %masked_sort3A_929 {descending = true} : (vector<16xf32>, vector<16xi32>, vector<16xi1>) -> (vector<16xi1>, vector<16xf32>, vector<16xi32>)
        %masked_sort3A_933 = arith.constant dense<true> : vector<16xi1>
        %masked_sort3A_934, %masked_sort3A_935, %masked_sort3A_936 = tpu.sort %select_n3A_927, %select_n3A_928 masked %masked_sort3A_933 {descending = true} : (vector<16xf32>, vector<16xi32>, vector<16xi1>) -> (vector<16xi1>, vector<16xf32>, vector<16xi32>)
        %ge3A_937 = arith.cmpf oge, %masked_sort3A_847, %masked_sort3A_899 : vector<16xf32>
        %select_n3A_938 = arith.select %ge3A_937, %masked_sort3A_847, %masked_sort3A_899 : vector<16xi1>, vector<16xf32>
        %select_n3A_939 = arith.select %ge3A_937, %masked_sort3A_848, %masked_sort3A_900 : vector<16xi1>, vector<16xi32>
        %ge3A_940 = arith.cmpf oge, %masked_sort3A_843, %select_n3A_938 : vector<16xf32>
        %select_n3A_941 = arith.select %ge3A_940, %masked_sort3A_843, %select_n3A_938 : vector<16xi1>, vector<16xf32>
        %select_n3A_942 = arith.select %ge3A_940, %masked_sort3A_844, %select_n3A_939 : vector<16xi1>, vector<16xi32>
        %select_n3A_943 = arith.select %ge3A_940, %select_n3A_938, %masked_sort3A_843 : vector<16xi1>, vector<16xf32>
        %select_n3A_944 = arith.select %ge3A_940, %select_n3A_939, %masked_sort3A_844 : vector<16xi1>, vector<16xi32>
        %masked_sort3A_945 = arith.constant dense<true> : vector<16xi1>
        %masked_sort3A_946, %masked_sort3A_947, %masked_sort3A_948 = tpu.sort %select_n3A_941, %select_n3A_942 masked %masked_sort3A_945 {descending = true} : (vector<16xf32>, vector<16xi32>, vector<16xi1>) -> (vector<16xi1>, vector<16xf32>, vector<16xi32>)
        %masked_sort3A_949 = arith.constant dense<true> : vector<16xi1>
        %masked_sort3A_950, %masked_sort3A_951, %masked_sort3A_952 = tpu.sort %select_n3A_943, %select_n3A_944 masked %masked_sort3A_949 {descending = true} : (vector<16xf32>, vector<16xi32>, vector<16xi1>) -> (vector<16xi1>, vector<16xf32>, vector<16xi32>)
        %ge3A_953 = arith.cmpf oge, %masked_sort3A_863, %masked_sort3A_909 : vector<16xf32>
        %select_n3A_954 = arith.select %ge3A_953, %masked_sort3A_863, %masked_sort3A_909 : vector<16xi1>, vector<16xf32>
        %select_n3A_955 = arith.select %ge3A_953, %masked_sort3A_864, %masked_sort3A_910 : vector<16xi1>, vector<16xi32>
        %ge3A_956 = arith.cmpf oge, %masked_sort3A_859, %select_n3A_954 : vector<16xf32>
        %select_n3A_957 = arith.select %ge3A_956, %masked_sort3A_859, %select_n3A_954 : vector<16xi1>, vector<16xf32>
        %select_n3A_958 = arith.select %ge3A_956, %masked_sort3A_860, %select_n3A_955 : vector<16xi1>, vector<16xi32>
        %select_n3A_959 = arith.select %ge3A_956, %select_n3A_954, %masked_sort3A_859 : vector<16xi1>, vector<16xf32>
        %select_n3A_960 = arith.select %ge3A_956, %select_n3A_955, %masked_sort3A_860 : vector<16xi1>, vector<16xi32>
        %masked_sort3A_961 = arith.constant dense<true> : vector<16xi1>
        %masked_sort3A_962, %masked_sort3A_963, %masked_sort3A_964 = tpu.sort %select_n3A_957, %select_n3A_958 masked %masked_sort3A_961 {descending = true} : (vector<16xf32>, vector<16xi32>, vector<16xi1>) -> (vector<16xi1>, vector<16xf32>, vector<16xi32>)
        %masked_sort3A_965 = arith.constant dense<true> : vector<16xi1>
        %masked_sort3A_966, %masked_sort3A_967, %masked_sort3A_968 = tpu.sort %select_n3A_959, %select_n3A_960 masked %masked_sort3A_965 {descending = true} : (vector<16xf32>, vector<16xi32>, vector<16xi1>) -> (vector<16xi1>, vector<16xf32>, vector<16xi32>)
        %ge3A_969 = arith.cmpf oge, %masked_sort3A_879, %masked_sort3A_919 : vector<16xf32>
        %select_n3A_970 = arith.select %ge3A_969, %masked_sort3A_879, %masked_sort3A_919 : vector<16xi1>, vector<16xf32>
        %select_n3A_971 = arith.select %ge3A_969, %masked_sort3A_880, %masked_sort3A_920 : vector<16xi1>, vector<16xi32>
        %ge3A_972 = arith.cmpf oge, %masked_sort3A_875, %select_n3A_970 : vector<16xf32>
        %select_n3A_973 = arith.select %ge3A_972, %masked_sort3A_875, %select_n3A_970 : vector<16xi1>, vector<16xf32>
        %select_n3A_974 = arith.select %ge3A_972, %masked_sort3A_876, %select_n3A_971 : vector<16xi1>, vector<16xi32>
        %select_n3A_975 = arith.select %ge3A_972, %select_n3A_970, %masked_sort3A_875 : vector<16xi1>, vector<16xf32>
        %select_n3A_976 = arith.select %ge3A_972, %select_n3A_971, %masked_sort3A_876 : vector<16xi1>, vector<16xi32>
        %masked_sort3A_977 = arith.constant dense<true> : vector<16xi1>
        %masked_sort3A_978, %masked_sort3A_979, %masked_sort3A_980 = tpu.sort %select_n3A_973, %select_n3A_974 masked %masked_sort3A_977 {descending = true} : (vector<16xf32>, vector<16xi32>, vector<16xi1>) -> (vector<16xi1>, vector<16xf32>, vector<16xi32>)
        %masked_sort3A_981 = arith.constant dense<true> : vector<16xi1>
        %masked_sort3A_982, %masked_sort3A_983, %masked_sort3A_984 = tpu.sort %select_n3A_975, %select_n3A_976 masked %masked_sort3A_981 {descending = true} : (vector<16xf32>, vector<16xi32>, vector<16xi1>) -> (vector<16xi1>, vector<16xf32>, vector<16xi32>)
        %get3A_985 = arith.index_cast %add3A_24 : i32 to index
        %get3A_986 = arith.constant 160 : index
        %get3A_987 = tpu.vector_load %arg5[%get3A_985, %get3A_986] {strides = array<i32>} : memref<64x512xf32, #tpu.memory_space<vmem>>, vector<16xf32>,
        %add3A_988 = arith.constant 160 : i32
        %add3A_989 = vector.broadcast %add3A_988 : i32 to vector<16xi32>
        %add3A_990 = arith.addi %iota3A, %add3A_989 : vector<16xi32>
        %masked_sort3A_991 = arith.constant dense<true> : vector<16xi1>
        %masked_sort3A_992, %masked_sort3A_993, %masked_sort3A_994 = tpu.sort %get3A_987, %add3A_990 masked %masked_sort3A_991 : (vector<16xf32>, vector<16xi32>, vector<16xi1>) -> (vector<16xi1>, vector<16xf32>, vector<16xi32>)
        %get3A_995 = arith.index_cast %add3A_28 : i32 to index
        %get3A_996 = arith.constant 160 : index
        %get3A_997 = tpu.vector_load %arg5[%get3A_995, %get3A_996] {strides = array<i32>} : memref<64x512xf32, #tpu.memory_space<vmem>>, vector<16xf32>,
        %add3A_998 = arith.constant 160 : i32
        %add3A_999 = vector.broadcast %add3A_998 : i32 to vector<16xi32>
        %add3A_1000 = arith.addi %iota3A, %add3A_999 : vector<16xi32>
        %masked_sort3A_1001 = arith.constant dense<true> : vector<16xi1>
        %masked_sort3A_1002, %masked_sort3A_1003, %masked_sort3A_1004 = tpu.sort %get3A_997, %add3A_1000 masked %masked_sort3A_1001 : (vector<16xf32>, vector<16xi32>, vector<16xi1>) -> (vector<16xi1>, vector<16xf32>, vector<16xi32>)
        %get3A_1005 = arith.index_cast %add3A_32 : i32 to index
        %get3A_1006 = arith.constant 160 : index
        %get3A_1007 = tpu.vector_load %arg5[%get3A_1005, %get3A_1006] {strides = array<i32>} : memref<64x512xf32, #tpu.memory_space<vmem>>, vector<16xf32>,
        %add3A_1008 = arith.constant 160 : i32
        %add3A_1009 = vector.broadcast %add3A_1008 : i32 to vector<16xi32>
        %add3A_1010 = arith.addi %iota3A, %add3A_1009 : vector<16xi32>
        %masked_sort3A_1011 = arith.constant dense<true> : vector<16xi1>
        %masked_sort3A_1012, %masked_sort3A_1013, %masked_sort3A_1014 = tpu.sort %get3A_1007, %add3A_1010 masked %masked_sort3A_1011 : (vector<16xf32>, vector<16xi32>, vector<16xi1>) -> (vector<16xi1>, vector<16xf32>, vector<16xi32>)
        %get3A_1015 = arith.index_cast %add3A_36 : i32 to index
        %get3A_1016 = arith.constant 160 : index
        %get3A_1017 = tpu.vector_load %arg5[%get3A_1015, %get3A_1016] {strides = array<i32>} : memref<64x512xf32, #tpu.memory_space<vmem>>, vector<16xf32>,
        %add3A_1018 = arith.constant 160 : i32
        %add3A_1019 = vector.broadcast %add3A_1018 : i32 to vector<16xi32>
        %add3A_1020 = arith.addi %iota3A, %add3A_1019 : vector<16xi32>
        %masked_sort3A_1021 = arith.constant dense<true> : vector<16xi1>
        %masked_sort3A_1022, %masked_sort3A_1023, %masked_sort3A_1024 = tpu.sort %get3A_1017, %add3A_1020 masked %masked_sort3A_1021 : (vector<16xf32>, vector<16xi32>, vector<16xi1>) -> (vector<16xi1>, vector<16xf32>, vector<16xi32>)
        %ge3A_1025 = arith.cmpf oge, %masked_sort3A_935, %masked_sort3A_993 : vector<16xf32>
        %select_n3A_1026 = arith.select %ge3A_1025, %masked_sort3A_935, %masked_sort3A_993 : vector<16xi1>, vector<16xf32>
        %select_n3A_1027 = arith.select %ge3A_1025, %masked_sort3A_936, %masked_sort3A_994 : vector<16xi1>, vector<16xi32>
        %ge3A_1028 = arith.cmpf oge, %masked_sort3A_931, %select_n3A_1026 : vector<16xf32>
        %select_n3A_1029 = arith.select %ge3A_1028, %masked_sort3A_931, %select_n3A_1026 : vector<16xi1>, vector<16xf32>
        %select_n3A_1030 = arith.select %ge3A_1028, %masked_sort3A_932, %select_n3A_1027 : vector<16xi1>, vector<16xi32>
        %select_n3A_1031 = arith.select %ge3A_1028, %select_n3A_1026, %masked_sort3A_931 : vector<16xi1>, vector<16xf32>
        %select_n3A_1032 = arith.select %ge3A_1028, %select_n3A_1027, %masked_sort3A_932 : vector<16xi1>, vector<16xi32>
        %masked_sort3A_1033 = arith.constant dense<true> : vector<16xi1>
        %masked_sort3A_1034, %masked_sort3A_1035, %masked_sort3A_1036 = tpu.sort %select_n3A_1029, %select_n3A_1030 masked %masked_sort3A_1033 {descending = true} : (vector<16xf32>, vector<16xi32>, vector<16xi1>) -> (vector<16xi1>, vector<16xf32>, vector<16xi32>)
        %masked_sort3A_1037 = arith.constant dense<true> : vector<16xi1>
        %masked_sort3A_1038, %masked_sort3A_1039, %masked_sort3A_1040 = tpu.sort %select_n3A_1031, %select_n3A_1032 masked %masked_sort3A_1037 {descending = true} : (vector<16xf32>, vector<16xi32>, vector<16xi1>) -> (vector<16xi1>, vector<16xf32>, vector<16xi32>)
        %ge3A_1041 = arith.cmpf oge, %masked_sort3A_951, %masked_sort3A_1003 : vector<16xf32>
        %select_n3A_1042 = arith.select %ge3A_1041, %masked_sort3A_951, %masked_sort3A_1003 : vector<16xi1>, vector<16xf32>
        %select_n3A_1043 = arith.select %ge3A_1041, %masked_sort3A_952, %masked_sort3A_1004 : vector<16xi1>, vector<16xi32>
        %ge3A_1044 = arith.cmpf oge, %masked_sort3A_947, %select_n3A_1042 : vector<16xf32>
        %select_n3A_1045 = arith.select %ge3A_1044, %masked_sort3A_947, %select_n3A_1042 : vector<16xi1>, vector<16xf32>
        %select_n3A_1046 = arith.select %ge3A_1044, %masked_sort3A_948, %select_n3A_1043 : vector<16xi1>, vector<16xi32>
        %select_n3A_1047 = arith.select %ge3A_1044, %select_n3A_1042, %masked_sort3A_947 : vector<16xi1>, vector<16xf32>
        %select_n3A_1048 = arith.select %ge3A_1044, %select_n3A_1043, %masked_sort3A_948 : vector<16xi1>, vector<16xi32>
        %masked_sort3A_1049 = arith.constant dense<true> : vector<16xi1>
        %masked_sort3A_1050, %masked_sort3A_1051, %masked_sort3A_1052 = tpu.sort %select_n3A_1045, %select_n3A_1046 masked %masked_sort3A_1049 {descending = true} : (vector<16xf32>, vector<16xi32>, vector<16xi1>) -> (vector<16xi1>, vector<16xf32>, vector<16xi32>)
        %masked_sort3A_1053 = arith.constant dense<true> : vector<16xi1>
        %masked_sort3A_1054, %masked_sort3A_1055, %masked_sort3A_1056 = tpu.sort %select_n3A_1047, %select_n3A_1048 masked %masked_sort3A_1053 {descending = true} : (vector<16xf32>, vector<16xi32>, vector<16xi1>) -> (vector<16xi1>, vector<16xf32>, vector<16xi32>)
        %ge3A_1057 = arith.cmpf oge, %masked_sort3A_967, %masked_sort3A_1013 : vector<16xf32>
        %select_n3A_1058 = arith.select %ge3A_1057, %masked_sort3A_967, %masked_sort3A_1013 : vector<16xi1>, vector<16xf32>
        %select_n3A_1059 = arith.select %ge3A_1057, %masked_sort3A_968, %masked_sort3A_1014 : vector<16xi1>, vector<16xi32>
        %ge3A_1060 = arith.cmpf oge, %masked_sort3A_963, %select_n3A_1058 : vector<16xf32>
        %select_n3A_1061 = arith.select %ge3A_1060, %masked_sort3A_963, %select_n3A_1058 : vector<16xi1>, vector<16xf32>
        %select_n3A_1062 = arith.select %ge3A_1060, %masked_sort3A_964, %select_n3A_1059 : vector<16xi1>, vector<16xi32>
        %select_n3A_1063 = arith.select %ge3A_1060, %select_n3A_1058, %masked_sort3A_963 : vector<16xi1>, vector<16xf32>
        %select_n3A_1064 = arith.select %ge3A_1060, %select_n3A_1059, %masked_sort3A_964 : vector<16xi1>, vector<16xi32>
        %masked_sort3A_1065 = arith.constant dense<true> : vector<16xi1>
        %masked_sort3A_1066, %masked_sort3A_1067, %masked_sort3A_1068 = tpu.sort %select_n3A_1061, %select_n3A_1062 masked %masked_sort3A_1065 {descending = true} : (vector<16xf32>, vector<16xi32>, vector<16xi1>) -> (vector<16xi1>, vector<16xf32>, vector<16xi32>)
        %masked_sort3A_1069 = arith.constant dense<true> : vector<16xi1>
        %masked_sort3A_1070, %masked_sort3A_1071, %masked_sort3A_1072 = tpu.sort %select_n3A_1063, %select_n3A_1064 masked %masked_sort3A_1069 {descending = true} : (vector<16xf32>, vector<16xi32>, vector<16xi1>) -> (vector<16xi1>, vector<16xf32>, vector<16xi32>)
        %ge3A_1073 = arith.cmpf oge, %masked_sort3A_983, %masked_sort3A_1023 : vector<16xf32>
        %select_n3A_1074 = arith.select %ge3A_1073, %masked_sort3A_983, %masked_sort3A_1023 : vector<16xi1>, vector<16xf32>
        %select_n3A_1075 = arith.select %ge3A_1073, %masked_sort3A_984, %masked_sort3A_1024 : vector<16xi1>, vector<16xi32>
        %ge3A_1076 = arith.cmpf oge, %masked_sort3A_979, %select_n3A_1074 : vector<16xf32>
        %select_n3A_1077 = arith.select %ge3A_1076, %masked_sort3A_979, %select_n3A_1074 : vector<16xi1>, vector<16xf32>
        %select_n3A_1078 = arith.select %ge3A_1076, %masked_sort3A_980, %select_n3A_1075 : vector<16xi1>, vector<16xi32>
        %select_n3A_1079 = arith.select %ge3A_1076, %select_n3A_1074, %masked_sort3A_979 : vector<16xi1>, vector<16xf32>
        %select_n3A_1080 = arith.select %ge3A_1076, %select_n3A_1075, %masked_sort3A_980 : vector<16xi1>, vector<16xi32>
        %masked_sort3A_1081 = arith.constant dense<true> : vector<16xi1>
        %masked_sort3A_1082, %masked_sort3A_1083, %masked_sort3A_1084 = tpu.sort %select_n3A_1077, %select_n3A_1078 masked %masked_sort3A_1081 {descending = true} : (vector<16xf32>, vector<16xi32>, vector<16xi1>) -> (vector<16xi1>, vector<16xf32>, vector<16xi32>)
        %masked_sort3A_1085 = arith.constant dense<true> : vector<16xi1>
        %masked_sort3A_1086, %masked_sort3A_1087, %masked_sort3A_1088 = tpu.sort %select_n3A_1079, %select_n3A_1080 masked %masked_sort3A_1085 {descending = true} : (vector<16xf32>, vector<16xi32>, vector<16xi1>) -> (vector<16xi1>, vector<16xf32>, vector<16xi32>)
        %get3A_1089 = arith.index_cast %add3A_24 : i32 to index
        %get3A_1090 = arith.constant 176 : index
        %get3A_1091 = tpu.vector_load %arg5[%get3A_1089, %get3A_1090] {strides = array<i32>} : memref<64x512xf32, #tpu.memory_space<vmem>>, vector<16xf32>,
        %add3A_1092 = arith.constant 176 : i32
        %add3A_1093 = vector.broadcast %add3A_1092 : i32 to vector<16xi32>
        %add3A_1094 = arith.addi %iota3A, %add3A_1093 : vector<16xi32>
        %masked_sort3A_1095 = arith.constant dense<true> : vector<16xi1>
        %masked_sort3A_1096, %masked_sort3A_1097, %masked_sort3A_1098 = tpu.sort %get3A_1091, %add3A_1094 masked %masked_sort3A_1095 : (vector<16xf32>, vector<16xi32>, vector<16xi1>) -> (vector<16xi1>, vector<16xf32>, vector<16xi32>)
        %get3A_1099 = arith.index_cast %add3A_28 : i32 to index
        %get3A_1100 = arith.constant 176 : index
        %get3A_1101 = tpu.vector_load %arg5[%get3A_1099, %get3A_1100] {strides = array<i32>} : memref<64x512xf32, #tpu.memory_space<vmem>>, vector<16xf32>,
        %add3A_1102 = arith.constant 176 : i32
        %add3A_1103 = vector.broadcast %add3A_1102 : i32 to vector<16xi32>
        %add3A_1104 = arith.addi %iota3A, %add3A_1103 : vector<16xi32>
        %masked_sort3A_1105 = arith.constant dense<true> : vector<16xi1>
        %masked_sort3A_1106, %masked_sort3A_1107, %masked_sort3A_1108 = tpu.sort %get3A_1101, %add3A_1104 masked %masked_sort3A_1105 : (vector<16xf32>, vector<16xi32>, vector<16xi1>) -> (vector<16xi1>, vector<16xf32>, vector<16xi32>)
        %get3A_1109 = arith.index_cast %add3A_32 : i32 to index
        %get3A_1110 = arith.constant 176 : index
        %get3A_1111 = tpu.vector_load %arg5[%get3A_1109, %get3A_1110] {strides = array<i32>} : memref<64x512xf32, #tpu.memory_space<vmem>>, vector<16xf32>,
        %add3A_1112 = arith.constant 176 : i32
        %add3A_1113 = vector.broadcast %add3A_1112 : i32 to vector<16xi32>
        %add3A_1114 = arith.addi %iota3A, %add3A_1113 : vector<16xi32>
        %masked_sort3A_1115 = arith.constant dense<true> : vector<16xi1>
        %masked_sort3A_1116, %masked_sort3A_1117, %masked_sort3A_1118 = tpu.sort %get3A_1111, %add3A_1114 masked %masked_sort3A_1115 : (vector<16xf32>, vector<16xi32>, vector<16xi1>) -> (vector<16xi1>, vector<16xf32>, vector<16xi32>)
        %get3A_1119 = arith.index_cast %add3A_36 : i32 to index
        %get3A_1120 = arith.constant 176 : index
        %get3A_1121 = tpu.vector_load %arg5[%get3A_1119, %get3A_1120] {strides = array<i32>} : memref<64x512xf32, #tpu.memory_space<vmem>>, vector<16xf32>,
        %add3A_1122 = arith.constant 176 : i32
        %add3A_1123 = vector.broadcast %add3A_1122 : i32 to vector<16xi32>
        %add3A_1124 = arith.addi %iota3A, %add3A_1123 : vector<16xi32>
        %masked_sort3A_1125 = arith.constant dense<true> : vector<16xi1>
        %masked_sort3A_1126, %masked_sort3A_1127, %masked_sort3A_1128 = tpu.sort %get3A_1121, %add3A_1124 masked %masked_sort3A_1125 : (vector<16xf32>, vector<16xi32>, vector<16xi1>) -> (vector<16xi1>, vector<16xf32>, vector<16xi32>)
        %ge3A_1129 = arith.cmpf oge, %masked_sort3A_1039, %masked_sort3A_1097 : vector<16xf32>
        %select_n3A_1130 = arith.select %ge3A_1129, %masked_sort3A_1039, %masked_sort3A_1097 : vector<16xi1>, vector<16xf32>
        %select_n3A_1131 = arith.select %ge3A_1129, %masked_sort3A_1040, %masked_sort3A_1098 : vector<16xi1>, vector<16xi32>
        %ge3A_1132 = arith.cmpf oge, %masked_sort3A_1035, %select_n3A_1130 : vector<16xf32>
        %select_n3A_1133 = arith.select %ge3A_1132, %masked_sort3A_1035, %select_n3A_1130 : vector<16xi1>, vector<16xf32>
        %select_n3A_1134 = arith.select %ge3A_1132, %masked_sort3A_1036, %select_n3A_1131 : vector<16xi1>, vector<16xi32>
        %select_n3A_1135 = arith.select %ge3A_1132, %select_n3A_1130, %masked_sort3A_1035 : vector<16xi1>, vector<16xf32>
        %select_n3A_1136 = arith.select %ge3A_1132, %select_n3A_1131, %masked_sort3A_1036 : vector<16xi1>, vector<16xi32>
        %masked_sort3A_1137 = arith.constant dense<true> : vector<16xi1>
        %masked_sort3A_1138, %masked_sort3A_1139, %masked_sort3A_1140 = tpu.sort %select_n3A_1133, %select_n3A_1134 masked %masked_sort3A_1137 {descending = true} : (vector<16xf32>, vector<16xi32>, vector<16xi1>) -> (vector<16xi1>, vector<16xf32>, vector<16xi32>)
        %masked_sort3A_1141 = arith.constant dense<true> : vector<16xi1>
        %masked_sort3A_1142, %masked_sort3A_1143, %masked_sort3A_1144 = tpu.sort %select_n3A_1135, %select_n3A_1136 masked %masked_sort3A_1141 {descending = true} : (vector<16xf32>, vector<16xi32>, vector<16xi1>) -> (vector<16xi1>, vector<16xf32>, vector<16xi32>)
        %ge3A_1145 = arith.cmpf oge, %masked_sort3A_1055, %masked_sort3A_1107 : vector<16xf32>
        %select_n3A_1146 = arith.select %ge3A_1145, %masked_sort3A_1055, %masked_sort3A_1107 : vector<16xi1>, vector<16xf32>
        %select_n3A_1147 = arith.select %ge3A_1145, %masked_sort3A_1056, %masked_sort3A_1108 : vector<16xi1>, vector<16xi32>
        %ge3A_1148 = arith.cmpf oge, %masked_sort3A_1051, %select_n3A_1146 : vector<16xf32>
        %select_n3A_1149 = arith.select %ge3A_1148, %masked_sort3A_1051, %select_n3A_1146 : vector<16xi1>, vector<16xf32>
        %select_n3A_1150 = arith.select %ge3A_1148, %masked_sort3A_1052, %select_n3A_1147 : vector<16xi1>, vector<16xi32>
        %select_n3A_1151 = arith.select %ge3A_1148, %select_n3A_1146, %masked_sort3A_1051 : vector<16xi1>, vector<16xf32>
        %select_n3A_1152 = arith.select %ge3A_1148, %select_n3A_1147, %masked_sort3A_1052 : vector<16xi1>, vector<16xi32>
        %masked_sort3A_1153 = arith.constant dense<true> : vector<16xi1>
        %masked_sort3A_1154, %masked_sort3A_1155, %masked_sort3A_1156 = tpu.sort %select_n3A_1149, %select_n3A_1150 masked %masked_sort3A_1153 {descending = true} : (vector<16xf32>, vector<16xi32>, vector<16xi1>) -> (vector<16xi1>, vector<16xf32>, vector<16xi32>)
        %masked_sort3A_1157 = arith.constant dense<true> : vector<16xi1>
        %masked_sort3A_1158, %masked_sort3A_1159, %masked_sort3A_1160 = tpu.sort %select_n3A_1151, %select_n3A_1152 masked %masked_sort3A_1157 {descending = true} : (vector<16xf32>, vector<16xi32>, vector<16xi1>) -> (vector<16xi1>, vector<16xf32>, vector<16xi32>)
        %ge3A_1161 = arith.cmpf oge, %masked_sort3A_1071, %masked_sort3A_1117 : vector<16xf32>
        %select_n3A_1162 = arith.select %ge3A_1161, %masked_sort3A_1071, %masked_sort3A_1117 : vector<16xi1>, vector<16xf32>
        %select_n3A_1163 = arith.select %ge3A_1161, %masked_sort3A_1072, %masked_sort3A_1118 : vector<16xi1>, vector<16xi32>
        %ge3A_1164 = arith.cmpf oge, %masked_sort3A_1067, %select_n3A_1162 : vector<16xf32>
        %select_n3A_1165 = arith.select %ge3A_1164, %masked_sort3A_1067, %select_n3A_1162 : vector<16xi1>, vector<16xf32>
        %select_n3A_1166 = arith.select %ge3A_1164, %masked_sort3A_1068, %select_n3A_1163 : vector<16xi1>, vector<16xi32>
        %select_n3A_1167 = arith.select %ge3A_1164, %select_n3A_1162, %masked_sort3A_1067 : vector<16xi1>, vector<16xf32>
        %select_n3A_1168 = arith.select %ge3A_1164, %select_n3A_1163, %masked_sort3A_1068 : vector<16xi1>, vector<16xi32>
        %masked_sort3A_1169 = arith.constant dense<true> : vector<16xi1>
        %masked_sort3A_1170, %masked_sort3A_1171, %masked_sort3A_1172 = tpu.sort %select_n3A_1165, %select_n3A_1166 masked %masked_sort3A_1169 {descending = true} : (vector<16xf32>, vector<16xi32>, vector<16xi1>) -> (vector<16xi1>, vector<16xf32>, vector<16xi32>)
        %masked_sort3A_1173 = arith.constant dense<true> : vector<16xi1>
        %masked_sort3A_1174, %masked_sort3A_1175, %masked_sort3A_1176 = tpu.sort %select_n3A_1167, %select_n3A_1168 masked %masked_sort3A_1173 {descending = true} : (vector<16xf32>, vector<16xi32>, vector<16xi1>) -> (vector<16xi1>, vector<16xf32>, vector<16xi32>)
        %ge3A_1177 = arith.cmpf oge, %masked_sort3A_1087, %masked_sort3A_1127 : vector<16xf32>
        %select_n3A_1178 = arith.select %ge3A_1177, %masked_sort3A_1087, %masked_sort3A_1127 : vector<16xi1>, vector<16xf32>
        %select_n3A_1179 = arith.select %ge3A_1177, %masked_sort3A_1088, %masked_sort3A_1128 : vector<16xi1>, vector<16xi32>
        %ge3A_1180 = arith.cmpf oge, %masked_sort3A_1083, %select_n3A_1178 : vector<16xf32>
        %select_n3A_1181 = arith.select %ge3A_1180, %masked_sort3A_1083, %select_n3A_1178 : vector<16xi1>, vector<16xf32>
        %select_n3A_1182 = arith.select %ge3A_1180, %masked_sort3A_1084, %select_n3A_1179 : vector<16xi1>, vector<16xi32>
        %select_n3A_1183 = arith.select %ge3A_1180, %select_n3A_1178, %masked_sort3A_1083 : vector<16xi1>, vector<16xf32>
        %select_n3A_1184 = arith.select %ge3A_1180, %select_n3A_1179, %masked_sort3A_1084 : vector<16xi1>, vector<16xi32>
        %masked_sort3A_1185 = arith.constant dense<true> : vector<16xi1>
        %masked_sort3A_1186, %masked_sort3A_1187, %masked_sort3A_1188 = tpu.sort %select_n3A_1181, %select_n3A_1182 masked %masked_sort3A_1185 {descending = true} : (vector<16xf32>, vector<16xi32>, vector<16xi1>) -> (vector<16xi1>, vector<16xf32>, vector<16xi32>)
        %masked_sort3A_1189 = arith.constant dense<true> : vector<16xi1>
        %masked_sort3A_1190, %masked_sort3A_1191, %masked_sort3A_1192 = tpu.sort %select_n3A_1183, %select_n3A_1184 masked %masked_sort3A_1189 {descending = true} : (vector<16xf32>, vector<16xi32>, vector<16xi1>) -> (vector<16xi1>, vector<16xf32>, vector<16xi32>)
        %get3A_1193 = arith.index_cast %add3A_24 : i32 to index
        %get3A_1194 = arith.constant 192 : index
        %get3A_1195 = tpu.vector_load %arg5[%get3A_1193, %get3A_1194] {strides = array<i32>} : memref<64x512xf32, #tpu.memory_space<vmem>>, vector<16xf32>,
        %add3A_1196 = arith.constant 192 : i32
        %add3A_1197 = vector.broadcast %add3A_1196 : i32 to vector<16xi32>
        %add3A_1198 = arith.addi %iota3A, %add3A_1197 : vector<16xi32>
        %masked_sort3A_1199 = arith.constant dense<true> : vector<16xi1>
        %masked_sort3A_1200, %masked_sort3A_1201, %masked_sort3A_1202 = tpu.sort %get3A_1195, %add3A_1198 masked %masked_sort3A_1199 : (vector<16xf32>, vector<16xi32>, vector<16xi1>) -> (vector<16xi1>, vector<16xf32>, vector<16xi32>)
        %get3A_1203 = arith.index_cast %add3A_28 : i32 to index
        %get3A_1204 = arith.constant 192 : index
        %get3A_1205 = tpu.vector_load %arg5[%get3A_1203, %get3A_1204] {strides = array<i32>} : memref<64x512xf32, #tpu.memory_space<vmem>>, vector<16xf32>,
        %add3A_1206 = arith.constant 192 : i32
        %add3A_1207 = vector.broadcast %add3A_1206 : i32 to vector<16xi32>
        %add3A_1208 = arith.addi %iota3A, %add3A_1207 : vector<16xi32>
        %masked_sort3A_1209 = arith.constant dense<true> : vector<16xi1>
        %masked_sort3A_1210, %masked_sort3A_1211, %masked_sort3A_1212 = tpu.sort %get3A_1205, %add3A_1208 masked %masked_sort3A_1209 : (vector<16xf32>, vector<16xi32>, vector<16xi1>) -> (vector<16xi1>, vector<16xf32>, vector<16xi32>)
        %get3A_1213 = arith.index_cast %add3A_32 : i32 to index
        %get3A_1214 = arith.constant 192 : index
        %get3A_1215 = tpu.vector_load %arg5[%get3A_1213, %get3A_1214] {strides = array<i32>} : memref<64x512xf32, #tpu.memory_space<vmem>>, vector<16xf32>,
        %add3A_1216 = arith.constant 192 : i32
        %add3A_1217 = vector.broadcast %add3A_1216 : i32 to vector<16xi32>
        %add3A_1218 = arith.addi %iota3A, %add3A_1217 : vector<16xi32>
        %masked_sort3A_1219 = arith.constant dense<true> : vector<16xi1>
        %masked_sort3A_1220, %masked_sort3A_1221, %masked_sort3A_1222 = tpu.sort %get3A_1215, %add3A_1218 masked %masked_sort3A_1219 : (vector<16xf32>, vector<16xi32>, vector<16xi1>) -> (vector<16xi1>, vector<16xf32>, vector<16xi32>)
        %get3A_1223 = arith.index_cast %add3A_36 : i32 to index
        %get3A_1224 = arith.constant 192 : index
        %get3A_1225 = tpu.vector_load %arg5[%get3A_1223, %get3A_1224] {strides = array<i32>} : memref<64x512xf32, #tpu.memory_space<vmem>>, vector<16xf32>,
        %add3A_1226 = arith.constant 192 : i32
        %add3A_1227 = vector.broadcast %add3A_1226 : i32 to vector<16xi32>
        %add3A_1228 = arith.addi %iota3A, %add3A_1227 : vector<16xi32>
        %masked_sort3A_1229 = arith.constant dense<true> : vector<16xi1>
        %masked_sort3A_1230, %masked_sort3A_1231, %masked_sort3A_1232 = tpu.sort %get3A_1225, %add3A_1228 masked %masked_sort3A_1229 : (vector<16xf32>, vector<16xi32>, vector<16xi1>) -> (vector<16xi1>, vector<16xf32>, vector<16xi32>)
        %ge3A_1233 = arith.cmpf oge, %masked_sort3A_1143, %masked_sort3A_1201 : vector<16xf32>
        %select_n3A_1234 = arith.select %ge3A_1233, %masked_sort3A_1143, %masked_sort3A_1201 : vector<16xi1>, vector<16xf32>
        %select_n3A_1235 = arith.select %ge3A_1233, %masked_sort3A_1144, %masked_sort3A_1202 : vector<16xi1>, vector<16xi32>
        %ge3A_1236 = arith.cmpf oge, %masked_sort3A_1139, %select_n3A_1234 : vector<16xf32>
        %select_n3A_1237 = arith.select %ge3A_1236, %masked_sort3A_1139, %select_n3A_1234 : vector<16xi1>, vector<16xf32>
        %select_n3A_1238 = arith.select %ge3A_1236, %masked_sort3A_1140, %select_n3A_1235 : vector<16xi1>, vector<16xi32>
        %select_n3A_1239 = arith.select %ge3A_1236, %select_n3A_1234, %masked_sort3A_1139 : vector<16xi1>, vector<16xf32>
        %select_n3A_1240 = arith.select %ge3A_1236, %select_n3A_1235, %masked_sort3A_1140 : vector<16xi1>, vector<16xi32>
        %masked_sort3A_1241 = arith.constant dense<true> : vector<16xi1>
        %masked_sort3A_1242, %masked_sort3A_1243, %masked_sort3A_1244 = tpu.sort %select_n3A_1237, %select_n3A_1238 masked %masked_sort3A_1241 {descending = true} : (vector<16xf32>, vector<16xi32>, vector<16xi1>) -> (vector<16xi1>, vector<16xf32>, vector<16xi32>)
        %masked_sort3A_1245 = arith.constant dense<true> : vector<16xi1>
        %masked_sort3A_1246, %masked_sort3A_1247, %masked_sort3A_1248 = tpu.sort %select_n3A_1239, %select_n3A_1240 masked %masked_sort3A_1245 {descending = true} : (vector<16xf32>, vector<16xi32>, vector<16xi1>) -> (vector<16xi1>, vector<16xf32>, vector<16xi32>)
        %ge3A_1249 = arith.cmpf oge, %masked_sort3A_1159, %masked_sort3A_1211 : vector<16xf32>
        %select_n3A_1250 = arith.select %ge3A_1249, %masked_sort3A_1159, %masked_sort3A_1211 : vector<16xi1>, vector<16xf32>
        %select_n3A_1251 = arith.select %ge3A_1249, %masked_sort3A_1160, %masked_sort3A_1212 : vector<16xi1>, vector<16xi32>
        %ge3A_1252 = arith.cmpf oge, %masked_sort3A_1155, %select_n3A_1250 : vector<16xf32>
        %select_n3A_1253 = arith.select %ge3A_1252, %masked_sort3A_1155, %select_n3A_1250 : vector<16xi1>, vector<16xf32>
        %select_n3A_1254 = arith.select %ge3A_1252, %masked_sort3A_1156, %select_n3A_1251 : vector<16xi1>, vector<16xi32>
        %select_n3A_1255 = arith.select %ge3A_1252, %select_n3A_1250, %masked_sort3A_1155 : vector<16xi1>, vector<16xf32>
        %select_n3A_1256 = arith.select %ge3A_1252, %select_n3A_1251, %masked_sort3A_1156 : vector<16xi1>, vector<16xi32>
        %masked_sort3A_1257 = arith.constant dense<true> : vector<16xi1>
        %masked_sort3A_1258, %masked_sort3A_1259, %masked_sort3A_1260 = tpu.sort %select_n3A_1253, %select_n3A_1254 masked %masked_sort3A_1257 {descending = true} : (vector<16xf32>, vector<16xi32>, vector<16xi1>) -> (vector<16xi1>, vector<16xf32>, vector<16xi32>)
        %masked_sort3A_1261 = arith.constant dense<true> : vector<16xi1>
        %masked_sort3A_1262, %masked_sort3A_1263, %masked_sort3A_1264 = tpu.sort %select_n3A_1255, %select_n3A_1256 masked %masked_sort3A_1261 {descending = true} : (vector<16xf32>, vector<16xi32>, vector<16xi1>) -> (vector<16xi1>, vector<16xf32>, vector<16xi32>)
        %ge3A_1265 = arith.cmpf oge, %masked_sort3A_1175, %masked_sort3A_1221 : vector<16xf32>
        %select_n3A_1266 = arith.select %ge3A_1265, %masked_sort3A_1175, %masked_sort3A_1221 : vector<16xi1>, vector<16xf32>
        %select_n3A_1267 = arith.select %ge3A_1265, %masked_sort3A_1176, %masked_sort3A_1222 : vector<16xi1>, vector<16xi32>
        %ge3A_1268 = arith.cmpf oge, %masked_sort3A_1171, %select_n3A_1266 : vector<16xf32>
        %select_n3A_1269 = arith.select %ge3A_1268, %masked_sort3A_1171, %select_n3A_1266 : vector<16xi1>, vector<16xf32>
        %select_n3A_1270 = arith.select %ge3A_1268, %masked_sort3A_1172, %select_n3A_1267 : vector<16xi1>, vector<16xi32>
        %select_n3A_1271 = arith.select %ge3A_1268, %select_n3A_1266, %masked_sort3A_1171 : vector<16xi1>, vector<16xf32>
        %select_n3A_1272 = arith.select %ge3A_1268, %select_n3A_1267, %masked_sort3A_1172 : vector<16xi1>, vector<16xi32>
        %masked_sort3A_1273 = arith.constant dense<true> : vector<16xi1>
        %masked_sort3A_1274, %masked_sort3A_1275, %masked_sort3A_1276 = tpu.sort %select_n3A_1269, %select_n3A_1270 masked %masked_sort3A_1273 {descending = true} : (vector<16xf32>, vector<16xi32>, vector<16xi1>) -> (vector<16xi1>, vector<16xf32>, vector<16xi32>)
        %masked_sort3A_1277 = arith.constant dense<true> : vector<16xi1>
        %masked_sort3A_1278, %masked_sort3A_1279, %masked_sort3A_1280 = tpu.sort %select_n3A_1271, %select_n3A_1272 masked %masked_sort3A_1277 {descending = true} : (vector<16xf32>, vector<16xi32>, vector<16xi1>) -> (vector<16xi1>, vector<16xf32>, vector<16xi32>)
        %ge3A_1281 = arith.cmpf oge, %masked_sort3A_1191, %masked_sort3A_1231 : vector<16xf32>
        %select_n3A_1282 = arith.select %ge3A_1281, %masked_sort3A_1191, %masked_sort3A_1231 : vector<16xi1>, vector<16xf32>
        %select_n3A_1283 = arith.select %ge3A_1281, %masked_sort3A_1192, %masked_sort3A_1232 : vector<16xi1>, vector<16xi32>
        %ge3A_1284 = arith.cmpf oge, %masked_sort3A_1187, %select_n3A_1282 : vector<16xf32>
        %select_n3A_1285 = arith.select %ge3A_1284, %masked_sort3A_1187, %select_n3A_1282 : vector<16xi1>, vector<16xf32>
        %select_n3A_1286 = arith.select %ge3A_1284, %masked_sort3A_1188, %select_n3A_1283 : vector<16xi1>, vector<16xi32>
        %select_n3A_1287 = arith.select %ge3A_1284, %select_n3A_1282, %masked_sort3A_1187 : vector<16xi1>, vector<16xf32>
        %select_n3A_1288 = arith.select %ge3A_1284, %select_n3A_1283, %masked_sort3A_1188 : vector<16xi1>, vector<16xi32>
        %masked_sort3A_1289 = arith.constant dense<true> : vector<16xi1>
        %masked_sort3A_1290, %masked_sort3A_1291, %masked_sort3A_1292 = tpu.sort %select_n3A_1285, %select_n3A_1286 masked %masked_sort3A_1289 {descending = true} : (vector<16xf32>, vector<16xi32>, vector<16xi1>) -> (vector<16xi1>, vector<16xf32>, vector<16xi32>)
        %masked_sort3A_1293 = arith.constant dense<true> : vector<16xi1>
        %masked_sort3A_1294, %masked_sort3A_1295, %masked_sort3A_1296 = tpu.sort %select_n3A_1287, %select_n3A_1288 masked %masked_sort3A_1293 {descending = true} : (vector<16xf32>, vector<16xi32>, vector<16xi1>) -> (vector<16xi1>, vector<16xf32>, vector<16xi32>)
        %get3A_1297 = arith.index_cast %add3A_24 : i32 to index
        %get3A_1298 = arith.constant 208 : index
        %get3A_1299 = tpu.vector_load %arg5[%get3A_1297, %get3A_1298] {strides = array<i32>} : memref<64x512xf32, #tpu.memory_space<vmem>>, vector<16xf32>,
        %add3A_1300 = arith.constant 208 : i32
        %add3A_1301 = vector.broadcast %add3A_1300 : i32 to vector<16xi32>
        %add3A_1302 = arith.addi %iota3A, %add3A_1301 : vector<16xi32>
        %masked_sort3A_1303 = arith.constant dense<true> : vector<16xi1>
        %masked_sort3A_1304, %masked_sort3A_1305, %masked_sort3A_1306 = tpu.sort %get3A_1299, %add3A_1302 masked %masked_sort3A_1303 : (vector<16xf32>, vector<16xi32>, vector<16xi1>) -> (vector<16xi1>, vector<16xf32>, vector<16xi32>)
        %get3A_1307 = arith.index_cast %add3A_28 : i32 to index
        %get3A_1308 = arith.constant 208 : index
        %get3A_1309 = tpu.vector_load %arg5[%get3A_1307, %get3A_1308] {strides = array<i32>} : memref<64x512xf32, #tpu.memory_space<vmem>>, vector<16xf32>,
        %add3A_1310 = arith.constant 208 : i32
        %add3A_1311 = vector.broadcast %add3A_1310 : i32 to vector<16xi32>
        %add3A_1312 = arith.addi %iota3A, %add3A_1311 : vector<16xi32>
        %masked_sort3A_1313 = arith.constant dense<true> : vector<16xi1>
        %masked_sort3A_1314, %masked_sort3A_1315, %masked_sort3A_1316 = tpu.sort %get3A_1309, %add3A_1312 masked %masked_sort3A_1313 : (vector<16xf32>, vector<16xi32>, vector<16xi1>) -> (vector<16xi1>, vector<16xf32>, vector<16xi32>)
        %get3A_1317 = arith.index_cast %add3A_32 : i32 to index
        %get3A_1318 = arith.constant 208 : index
        %get3A_1319 = tpu.vector_load %arg5[%get3A_1317, %get3A_1318] {strides = array<i32>} : memref<64x512xf32, #tpu.memory_space<vmem>>, vector<16xf32>,
        %add3A_1320 = arith.constant 208 : i32
        %add3A_1321 = vector.broadcast %add3A_1320 : i32 to vector<16xi32>
        %add3A_1322 = arith.addi %iota3A, %add3A_1321 : vector<16xi32>
        %masked_sort3A_1323 = arith.constant dense<true> : vector<16xi1>
        %masked_sort3A_1324, %masked_sort3A_1325, %masked_sort3A_1326 = tpu.sort %get3A_1319, %add3A_1322 masked %masked_sort3A_1323 : (vector<16xf32>, vector<16xi32>, vector<16xi1>) -> (vector<16xi1>, vector<16xf32>, vector<16xi32>)
        %get3A_1327 = arith.index_cast %add3A_36 : i32 to index
        %get3A_1328 = arith.constant 208 : index
        %get3A_1329 = tpu.vector_load %arg5[%get3A_1327, %get3A_1328] {strides = array<i32>} : memref<64x512xf32, #tpu.memory_space<vmem>>, vector<16xf32>,
        %add3A_1330 = arith.constant 208 : i32
        %add3A_1331 = vector.broadcast %add3A_1330 : i32 to vector<16xi32>
        %add3A_1332 = arith.addi %iota3A, %add3A_1331 : vector<16xi32>
        %masked_sort3A_1333 = arith.constant dense<true> : vector<16xi1>
        %masked_sort3A_1334, %masked_sort3A_1335, %masked_sort3A_1336 = tpu.sort %get3A_1329, %add3A_1332 masked %masked_sort3A_1333 : (vector<16xf32>, vector<16xi32>, vector<16xi1>) -> (vector<16xi1>, vector<16xf32>, vector<16xi32>)
        %ge3A_1337 = arith.cmpf oge, %masked_sort3A_1247, %masked_sort3A_1305 : vector<16xf32>
        %select_n3A_1338 = arith.select %ge3A_1337, %masked_sort3A_1247, %masked_sort3A_1305 : vector<16xi1>, vector<16xf32>
        %select_n3A_1339 = arith.select %ge3A_1337, %masked_sort3A_1248, %masked_sort3A_1306 : vector<16xi1>, vector<16xi32>
        %ge3A_1340 = arith.cmpf oge, %masked_sort3A_1243, %select_n3A_1338 : vector<16xf32>
        %select_n3A_1341 = arith.select %ge3A_1340, %masked_sort3A_1243, %select_n3A_1338 : vector<16xi1>, vector<16xf32>
        %select_n3A_1342 = arith.select %ge3A_1340, %masked_sort3A_1244, %select_n3A_1339 : vector<16xi1>, vector<16xi32>
        %select_n3A_1343 = arith.select %ge3A_1340, %select_n3A_1338, %masked_sort3A_1243 : vector<16xi1>, vector<16xf32>
        %select_n3A_1344 = arith.select %ge3A_1340, %select_n3A_1339, %masked_sort3A_1244 : vector<16xi1>, vector<16xi32>
        %masked_sort3A_1345 = arith.constant dense<true> : vector<16xi1>
        %masked_sort3A_1346, %masked_sort3A_1347, %masked_sort3A_1348 = tpu.sort %select_n3A_1341, %select_n3A_1342 masked %masked_sort3A_1345 {descending = true} : (vector<16xf32>, vector<16xi32>, vector<16xi1>) -> (vector<16xi1>, vector<16xf32>, vector<16xi32>)
        %masked_sort3A_1349 = arith.constant dense<true> : vector<16xi1>
        %masked_sort3A_1350, %masked_sort3A_1351, %masked_sort3A_1352 = tpu.sort %select_n3A_1343, %select_n3A_1344 masked %masked_sort3A_1349 {descending = true} : (vector<16xf32>, vector<16xi32>, vector<16xi1>) -> (vector<16xi1>, vector<16xf32>, vector<16xi32>)
        %ge3A_1353 = arith.cmpf oge, %masked_sort3A_1263, %masked_sort3A_1315 : vector<16xf32>
        %select_n3A_1354 = arith.select %ge3A_1353, %masked_sort3A_1263, %masked_sort3A_1315 : vector<16xi1>, vector<16xf32>
        %select_n3A_1355 = arith.select %ge3A_1353, %masked_sort3A_1264, %masked_sort3A_1316 : vector<16xi1>, vector<16xi32>
        %ge3A_1356 = arith.cmpf oge, %masked_sort3A_1259, %select_n3A_1354 : vector<16xf32>
        %select_n3A_1357 = arith.select %ge3A_1356, %masked_sort3A_1259, %select_n3A_1354 : vector<16xi1>, vector<16xf32>
        %select_n3A_1358 = arith.select %ge3A_1356, %masked_sort3A_1260, %select_n3A_1355 : vector<16xi1>, vector<16xi32>
        %select_n3A_1359 = arith.select %ge3A_1356, %select_n3A_1354, %masked_sort3A_1259 : vector<16xi1>, vector<16xf32>
        %select_n3A_1360 = arith.select %ge3A_1356, %select_n3A_1355, %masked_sort3A_1260 : vector<16xi1>, vector<16xi32>
        %masked_sort3A_1361 = arith.constant dense<true> : vector<16xi1>
        %masked_sort3A_1362, %masked_sort3A_1363, %masked_sort3A_1364 = tpu.sort %select_n3A_1357, %select_n3A_1358 masked %masked_sort3A_1361 {descending = true} : (vector<16xf32>, vector<16xi32>, vector<16xi1>) -> (vector<16xi1>, vector<16xf32>, vector<16xi32>)
        %masked_sort3A_1365 = arith.constant dense<true> : vector<16xi1>
        %masked_sort3A_1366, %masked_sort3A_1367, %masked_sort3A_1368 = tpu.sort %select_n3A_1359, %select_n3A_1360 masked %masked_sort3A_1365 {descending = true} : (vector<16xf32>, vector<16xi32>, vector<16xi1>) -> (vector<16xi1>, vector<16xf32>, vector<16xi32>)
        %ge3A_1369 = arith.cmpf oge, %masked_sort3A_1279, %masked_sort3A_1325 : vector<16xf32>
        %select_n3A_1370 = arith.select %ge3A_1369, %masked_sort3A_1279, %masked_sort3A_1325 : vector<16xi1>, vector<16xf32>
        %select_n3A_1371 = arith.select %ge3A_1369, %masked_sort3A_1280, %masked_sort3A_1326 : vector<16xi1>, vector<16xi32>
        %ge3A_1372 = arith.cmpf oge, %masked_sort3A_1275, %select_n3A_1370 : vector<16xf32>
        %select_n3A_1373 = arith.select %ge3A_1372, %masked_sort3A_1275, %select_n3A_1370 : vector<16xi1>, vector<16xf32>
        %select_n3A_1374 = arith.select %ge3A_1372, %masked_sort3A_1276, %select_n3A_1371 : vector<16xi1>, vector<16xi32>
        %select_n3A_1375 = arith.select %ge3A_1372, %select_n3A_1370, %masked_sort3A_1275 : vector<16xi1>, vector<16xf32>
        %select_n3A_1376 = arith.select %ge3A_1372, %select_n3A_1371, %masked_sort3A_1276 : vector<16xi1>, vector<16xi32>
        %masked_sort3A_1377 = arith.constant dense<true> : vector<16xi1>
        %masked_sort3A_1378, %masked_sort3A_1379, %masked_sort3A_1380 = tpu.sort %select_n3A_1373, %select_n3A_1374 masked %masked_sort3A_1377 {descending = true} : (vector<16xf32>, vector<16xi32>, vector<16xi1>) -> (vector<16xi1>, vector<16xf32>, vector<16xi32>)
        %masked_sort3A_1381 = arith.constant dense<true> : vector<16xi1>
        %masked_sort3A_1382, %masked_sort3A_1383, %masked_sort3A_1384 = tpu.sort %select_n3A_1375, %select_n3A_1376 masked %masked_sort3A_1381 {descending = true} : (vector<16xf32>, vector<16xi32>, vector<16xi1>) -> (vector<16xi1>, vector<16xf32>, vector<16xi32>)
        %ge3A_1385 = arith.cmpf oge, %masked_sort3A_1295, %masked_sort3A_1335 : vector<16xf32>
        %select_n3A_1386 = arith.select %ge3A_1385, %masked_sort3A_1295, %masked_sort3A_1335 : vector<16xi1>, vector<16xf32>
        %select_n3A_1387 = arith.select %ge3A_1385, %masked_sort3A_1296, %masked_sort3A_1336 : vector<16xi1>, vector<16xi32>
        %ge3A_1388 = arith.cmpf oge, %masked_sort3A_1291, %select_n3A_1386 : vector<16xf32>
        %select_n3A_1389 = arith.select %ge3A_1388, %masked_sort3A_1291, %select_n3A_1386 : vector<16xi1>, vector<16xf32>
        %select_n3A_1390 = arith.select %ge3A_1388, %masked_sort3A_1292, %select_n3A_1387 : vector<16xi1>, vector<16xi32>
        %select_n3A_1391 = arith.select %ge3A_1388, %select_n3A_1386, %masked_sort3A_1291 : vector<16xi1>, vector<16xf32>
        %select_n3A_1392 = arith.select %ge3A_1388, %select_n3A_1387, %masked_sort3A_1292 : vector<16xi1>, vector<16xi32>
        %masked_sort3A_1393 = arith.constant dense<true> : vector<16xi1>
        %masked_sort3A_1394, %masked_sort3A_1395, %masked_sort3A_1396 = tpu.sort %select_n3A_1389, %select_n3A_1390 masked %masked_sort3A_1393 {descending = true} : (vector<16xf32>, vector<16xi32>, vector<16xi1>) -> (vector<16xi1>, vector<16xf32>, vector<16xi32>)
        %masked_sort3A_1397 = arith.constant dense<true> : vector<16xi1>
        %masked_sort3A_1398, %masked_sort3A_1399, %masked_sort3A_1400 = tpu.sort %select_n3A_1391, %select_n3A_1392 masked %masked_sort3A_1397 {descending = true} : (vector<16xf32>, vector<16xi32>, vector<16xi1>) -> (vector<16xi1>, vector<16xf32>, vector<16xi32>)
        %get3A_1401 = arith.index_cast %add3A_24 : i32 to index
        %get3A_1402 = arith.constant 224 : index
        %get3A_1403 = tpu.vector_load %arg5[%get3A_1401, %get3A_1402] {strides = array<i32>} : memref<64x512xf32, #tpu.memory_space<vmem>>, vector<16xf32>,
        %add3A_1404 = arith.constant 224 : i32
        %add3A_1405 = vector.broadcast %add3A_1404 : i32 to vector<16xi32>
        %add3A_1406 = arith.addi %iota3A, %add3A_1405 : vector<16xi32>
        %masked_sort3A_1407 = arith.constant dense<true> : vector<16xi1>
        %masked_sort3A_1408, %masked_sort3A_1409, %masked_sort3A_1410 = tpu.sort %get3A_1403, %add3A_1406 masked %masked_sort3A_1407 : (vector<16xf32>, vector<16xi32>, vector<16xi1>) -> (vector<16xi1>, vector<16xf32>, vector<16xi32>)
        %get3A_1411 = arith.index_cast %add3A_28 : i32 to index
        %get3A_1412 = arith.constant 224 : index
        %get3A_1413 = tpu.vector_load %arg5[%get3A_1411, %get3A_1412] {strides = array<i32>} : memref<64x512xf32, #tpu.memory_space<vmem>>, vector<16xf32>,
        %add3A_1414 = arith.constant 224 : i32
        %add3A_1415 = vector.broadcast %add3A_1414 : i32 to vector<16xi32>
        %add3A_1416 = arith.addi %iota3A, %add3A_1415 : vector<16xi32>
        %masked_sort3A_1417 = arith.constant dense<true> : vector<16xi1>
        %masked_sort3A_1418, %masked_sort3A_1419, %masked_sort3A_1420 = tpu.sort %get3A_1413, %add3A_1416 masked %masked_sort3A_1417 : (vector<16xf32>, vector<16xi32>, vector<16xi1>) -> (vector<16xi1>, vector<16xf32>, vector<16xi32>)
        %get3A_1421 = arith.index_cast %add3A_32 : i32 to index
        %get3A_1422 = arith.constant 224 : index
        %get3A_1423 = tpu.vector_load %arg5[%get3A_1421, %get3A_1422] {strides = array<i32>} : memref<64x512xf32, #tpu.memory_space<vmem>>, vector<16xf32>,
        %add3A_1424 = arith.constant 224 : i32
        %add3A_1425 = vector.broadcast %add3A_1424 : i32 to vector<16xi32>
        %add3A_1426 = arith.addi %iota3A, %add3A_1425 : vector<16xi32>
        %masked_sort3A_1427 = arith.constant dense<true> : vector<16xi1>
        %masked_sort3A_1428, %masked_sort3A_1429, %masked_sort3A_1430 = tpu.sort %get3A_1423, %add3A_1426 masked %masked_sort3A_1427 : (vector<16xf32>, vector<16xi32>, vector<16xi1>) -> (vector<16xi1>, vector<16xf32>, vector<16xi32>)
        %get3A_1431 = arith.index_cast %add3A_36 : i32 to index
        %get3A_1432 = arith.constant 224 : index
        %get3A_1433 = tpu.vector_load %arg5[%get3A_1431, %get3A_1432] {strides = array<i32>} : memref<64x512xf32, #tpu.memory_space<vmem>>, vector<16xf32>,
        %add3A_1434 = arith.constant 224 : i32
        %add3A_1435 = vector.broadcast %add3A_1434 : i32 to vector<16xi32>
        %add3A_1436 = arith.addi %iota3A, %add3A_1435 : vector<16xi32>
        %masked_sort3A_1437 = arith.constant dense<true> : vector<16xi1>
        %masked_sort3A_1438, %masked_sort3A_1439, %masked_sort3A_1440 = tpu.sort %get3A_1433, %add3A_1436 masked %masked_sort3A_1437 : (vector<16xf32>, vector<16xi32>, vector<16xi1>) -> (vector<16xi1>, vector<16xf32>, vector<16xi32>)
        %ge3A_1441 = arith.cmpf oge, %masked_sort3A_1351, %masked_sort3A_1409 : vector<16xf32>
        %select_n3A_1442 = arith.select %ge3A_1441, %masked_sort3A_1351, %masked_sort3A_1409 : vector<16xi1>, vector<16xf32>
        %select_n3A_1443 = arith.select %ge3A_1441, %masked_sort3A_1352, %masked_sort3A_1410 : vector<16xi1>, vector<16xi32>
        %ge3A_1444 = arith.cmpf oge, %masked_sort3A_1347, %select_n3A_1442 : vector<16xf32>
        %select_n3A_1445 = arith.select %ge3A_1444, %masked_sort3A_1347, %select_n3A_1442 : vector<16xi1>, vector<16xf32>
        %select_n3A_1446 = arith.select %ge3A_1444, %masked_sort3A_1348, %select_n3A_1443 : vector<16xi1>, vector<16xi32>
        %select_n3A_1447 = arith.select %ge3A_1444, %select_n3A_1442, %masked_sort3A_1347 : vector<16xi1>, vector<16xf32>
        %select_n3A_1448 = arith.select %ge3A_1444, %select_n3A_1443, %masked_sort3A_1348 : vector<16xi1>, vector<16xi32>
        %masked_sort3A_1449 = arith.constant dense<true> : vector<16xi1>
        %masked_sort3A_1450, %masked_sort3A_1451, %masked_sort3A_1452 = tpu.sort %select_n3A_1445, %select_n3A_1446 masked %masked_sort3A_1449 {descending = true} : (vector<16xf32>, vector<16xi32>, vector<16xi1>) -> (vector<16xi1>, vector<16xf32>, vector<16xi32>)
        %masked_sort3A_1453 = arith.constant dense<true> : vector<16xi1>
        %masked_sort3A_1454, %masked_sort3A_1455, %masked_sort3A_1456 = tpu.sort %select_n3A_1447, %select_n3A_1448 masked %masked_sort3A_1453 {descending = true} : (vector<16xf32>, vector<16xi32>, vector<16xi1>) -> (vector<16xi1>, vector<16xf32>, vector<16xi32>)
        %ge3A_1457 = arith.cmpf oge, %masked_sort3A_1367, %masked_sort3A_1419 : vector<16xf32>
        %select_n3A_1458 = arith.select %ge3A_1457, %masked_sort3A_1367, %masked_sort3A_1419 : vector<16xi1>, vector<16xf32>
        %select_n3A_1459 = arith.select %ge3A_1457, %masked_sort3A_1368, %masked_sort3A_1420 : vector<16xi1>, vector<16xi32>
        %ge3A_1460 = arith.cmpf oge, %masked_sort3A_1363, %select_n3A_1458 : vector<16xf32>
        %select_n3A_1461 = arith.select %ge3A_1460, %masked_sort3A_1363, %select_n3A_1458 : vector<16xi1>, vector<16xf32>
        %select_n3A_1462 = arith.select %ge3A_1460, %masked_sort3A_1364, %select_n3A_1459 : vector<16xi1>, vector<16xi32>
        %select_n3A_1463 = arith.select %ge3A_1460, %select_n3A_1458, %masked_sort3A_1363 : vector<16xi1>, vector<16xf32>
        %select_n3A_1464 = arith.select %ge3A_1460, %select_n3A_1459, %masked_sort3A_1364 : vector<16xi1>, vector<16xi32>
        %masked_sort3A_1465 = arith.constant dense<true> : vector<16xi1>
        %masked_sort3A_1466, %masked_sort3A_1467, %masked_sort3A_1468 = tpu.sort %select_n3A_1461, %select_n3A_1462 masked %masked_sort3A_1465 {descending = true} : (vector<16xf32>, vector<16xi32>, vector<16xi1>) -> (vector<16xi1>, vector<16xf32>, vector<16xi32>)
        %masked_sort3A_1469 = arith.constant dense<true> : vector<16xi1>
        %masked_sort3A_1470, %masked_sort3A_1471, %masked_sort3A_1472 = tpu.sort %select_n3A_1463, %select_n3A_1464 masked %masked_sort3A_1469 {descending = true} : (vector<16xf32>, vector<16xi32>, vector<16xi1>) -> (vector<16xi1>, vector<16xf32>, vector<16xi32>)
        %ge3A_1473 = arith.cmpf oge, %masked_sort3A_1383, %masked_sort3A_1429 : vector<16xf32>
        %select_n3A_1474 = arith.select %ge3A_1473, %masked_sort3A_1383, %masked_sort3A_1429 : vector<16xi1>, vector<16xf32>
        %select_n3A_1475 = arith.select %ge3A_1473, %masked_sort3A_1384, %masked_sort3A_1430 : vector<16xi1>, vector<16xi32>
        %ge3A_1476 = arith.cmpf oge, %masked_sort3A_1379, %select_n3A_1474 : vector<16xf32>
        %select_n3A_1477 = arith.select %ge3A_1476, %masked_sort3A_1379, %select_n3A_1474 : vector<16xi1>, vector<16xf32>
        %select_n3A_1478 = arith.select %ge3A_1476, %masked_sort3A_1380, %select_n3A_1475 : vector<16xi1>, vector<16xi32>
        %select_n3A_1479 = arith.select %ge3A_1476, %select_n3A_1474, %masked_sort3A_1379 : vector<16xi1>, vector<16xf32>
        %select_n3A_1480 = arith.select %ge3A_1476, %select_n3A_1475, %masked_sort3A_1380 : vector<16xi1>, vector<16xi32>
        %masked_sort3A_1481 = arith.constant dense<true> : vector<16xi1>
        %masked_sort3A_1482, %masked_sort3A_1483, %masked_sort3A_1484 = tpu.sort %select_n3A_1477, %select_n3A_1478 masked %masked_sort3A_1481 {descending = true} : (vector<16xf32>, vector<16xi32>, vector<16xi1>) -> (vector<16xi1>, vector<16xf32>, vector<16xi32>)
        %masked_sort3A_1485 = arith.constant dense<true> : vector<16xi1>
        %masked_sort3A_1486, %masked_sort3A_1487, %masked_sort3A_1488 = tpu.sort %select_n3A_1479, %select_n3A_1480 masked %masked_sort3A_1485 {descending = true} : (vector<16xf32>, vector<16xi32>, vector<16xi1>) -> (vector<16xi1>, vector<16xf32>, vector<16xi32>)
        %ge3A_1489 = arith.cmpf oge, %masked_sort3A_1399, %masked_sort3A_1439 : vector<16xf32>
        %select_n3A_1490 = arith.select %ge3A_1489, %masked_sort3A_1399, %masked_sort3A_1439 : vector<16xi1>, vector<16xf32>
        %select_n3A_1491 = arith.select %ge3A_1489, %masked_sort3A_1400, %masked_sort3A_1440 : vector<16xi1>, vector<16xi32>
        %ge3A_1492 = arith.cmpf oge, %masked_sort3A_1395, %select_n3A_1490 : vector<16xf32>
        %select_n3A_1493 = arith.select %ge3A_1492, %masked_sort3A_1395, %select_n3A_1490 : vector<16xi1>, vector<16xf32>
        %select_n3A_1494 = arith.select %ge3A_1492, %masked_sort3A_1396, %select_n3A_1491 : vector<16xi1>, vector<16xi32>
        %select_n3A_1495 = arith.select %ge3A_1492, %select_n3A_1490, %masked_sort3A_1395 : vector<16xi1>, vector<16xf32>
        %select_n3A_1496 = arith.select %ge3A_1492, %select_n3A_1491, %masked_sort3A_1396 : vector<16xi1>, vector<16xi32>
        %masked_sort3A_1497 = arith.constant dense<true> : vector<16xi1>
        %masked_sort3A_1498, %masked_sort3A_1499, %masked_sort3A_1500 = tpu.sort %select_n3A_1493, %select_n3A_1494 masked %masked_sort3A_1497 {descending = true} : (vector<16xf32>, vector<16xi32>, vector<16xi1>) -> (vector<16xi1>, vector<16xf32>, vector<16xi32>)
        %masked_sort3A_1501 = arith.constant dense<true> : vector<16xi1>
        %masked_sort3A_1502, %masked_sort3A_1503, %masked_sort3A_1504 = tpu.sort %select_n3A_1495, %select_n3A_1496 masked %masked_sort3A_1501 {descending = true} : (vector<16xf32>, vector<16xi32>, vector<16xi1>) -> (vector<16xi1>, vector<16xf32>, vector<16xi32>)
        %get3A_1505 = arith.index_cast %add3A_24 : i32 to index
        %get3A_1506 = arith.constant 240 : index
        %get3A_1507 = tpu.vector_load %arg5[%get3A_1505, %get3A_1506] {strides = array<i32>} : memref<64x512xf32, #tpu.memory_space<vmem>>, vector<16xf32>,
        %add3A_1508 = arith.constant 240 : i32
        %add3A_1509 = vector.broadcast %add3A_1508 : i32 to vector<16xi32>
        %add3A_1510 = arith.addi %iota3A, %add3A_1509 : vector<16xi32>
        %masked_sort3A_1511 = arith.constant dense<true> : vector<16xi1>
        %masked_sort3A_1512, %masked_sort3A_1513, %masked_sort3A_1514 = tpu.sort %get3A_1507, %add3A_1510 masked %masked_sort3A_1511 : (vector<16xf32>, vector<16xi32>, vector<16xi1>) -> (vector<16xi1>, vector<16xf32>, vector<16xi32>)
        %get3A_1515 = arith.index_cast %add3A_28 : i32 to index
        %get3A_1516 = arith.constant 240 : index
        %get3A_1517 = tpu.vector_load %arg5[%get3A_1515, %get3A_1516] {strides = array<i32>} : memref<64x512xf32, #tpu.memory_space<vmem>>, vector<16xf32>,
        %add3A_1518 = arith.constant 240 : i32
        %add3A_1519 = vector.broadcast %add3A_1518 : i32 to vector<16xi32>
        %add3A_1520 = arith.addi %iota3A, %add3A_1519 : vector<16xi32>
        %masked_sort3A_1521 = arith.constant dense<true> : vector<16xi1>
        %masked_sort3A_1522, %masked_sort3A_1523, %masked_sort3A_1524 = tpu.sort %get3A_1517, %add3A_1520 masked %masked_sort3A_1521 : (vector<16xf32>, vector<16xi32>, vector<16xi1>) -> (vector<16xi1>, vector<16xf32>, vector<16xi32>)
        %get3A_1525 = arith.index_cast %add3A_32 : i32 to index
        %get3A_1526 = arith.constant 240 : index
        %get3A_1527 = tpu.vector_load %arg5[%get3A_1525, %get3A_1526] {strides = array<i32>} : memref<64x512xf32, #tpu.memory_space<vmem>>, vector<16xf32>,
        %add3A_1528 = arith.constant 240 : i32
        %add3A_1529 = vector.broadcast %add3A_1528 : i32 to vector<16xi32>
        %add3A_1530 = arith.addi %iota3A, %add3A_1529 : vector<16xi32>
        %masked_sort3A_1531 = arith.constant dense<true> : vector<16xi1>
        %masked_sort3A_1532, %masked_sort3A_1533, %masked_sort3A_1534 = tpu.sort %get3A_1527, %add3A_1530 masked %masked_sort3A_1531 : (vector<16xf32>, vector<16xi32>, vector<16xi1>) -> (vector<16xi1>, vector<16xf32>, vector<16xi32>)
        %get3A_1535 = arith.index_cast %add3A_36 : i32 to index
        %get3A_1536 = arith.constant 240 : index
        %get3A_1537 = tpu.vector_load %arg5[%get3A_1535, %get3A_1536] {strides = array<i32>} : memref<64x512xf32, #tpu.memory_space<vmem>>, vector<16xf32>,
        %add3A_1538 = arith.constant 240 : i32
        %add3A_1539 = vector.broadcast %add3A_1538 : i32 to vector<16xi32>
        %add3A_1540 = arith.addi %iota3A, %add3A_1539 : vector<16xi32>
        %masked_sort3A_1541 = arith.constant dense<true> : vector<16xi1>
        %masked_sort3A_1542, %masked_sort3A_1543, %masked_sort3A_1544 = tpu.sort %get3A_1537, %add3A_1540 masked %masked_sort3A_1541 : (vector<16xf32>, vector<16xi32>, vector<16xi1>) -> (vector<16xi1>, vector<16xf32>, vector<16xi32>)
        %ge3A_1545 = arith.cmpf oge, %masked_sort3A_1455, %masked_sort3A_1513 : vector<16xf32>
        %select_n3A_1546 = arith.select %ge3A_1545, %masked_sort3A_1455, %masked_sort3A_1513 : vector<16xi1>, vector<16xf32>
        %select_n3A_1547 = arith.select %ge3A_1545, %masked_sort3A_1456, %masked_sort3A_1514 : vector<16xi1>, vector<16xi32>
        %ge3A_1548 = arith.cmpf oge, %masked_sort3A_1451, %select_n3A_1546 : vector<16xf32>
        %select_n3A_1549 = arith.select %ge3A_1548, %masked_sort3A_1451, %select_n3A_1546 : vector<16xi1>, vector<16xf32>
        %select_n3A_1550 = arith.select %ge3A_1548, %masked_sort3A_1452, %select_n3A_1547 : vector<16xi1>, vector<16xi32>
        %select_n3A_1551 = arith.select %ge3A_1548, %select_n3A_1546, %masked_sort3A_1451 : vector<16xi1>, vector<16xf32>
        %select_n3A_1552 = arith.select %ge3A_1548, %select_n3A_1547, %masked_sort3A_1452 : vector<16xi1>, vector<16xi32>
        %masked_sort3A_1553 = arith.constant dense<true> : vector<16xi1>
        %masked_sort3A_1554, %masked_sort3A_1555, %masked_sort3A_1556 = tpu.sort %select_n3A_1549, %select_n3A_1550 masked %masked_sort3A_1553 {descending = true} : (vector<16xf32>, vector<16xi32>, vector<16xi1>) -> (vector<16xi1>, vector<16xf32>, vector<16xi32>)
        %masked_sort3A_1557 = arith.constant dense<true> : vector<16xi1>
        %masked_sort3A_1558, %masked_sort3A_1559, %masked_sort3A_1560 = tpu.sort %select_n3A_1551, %select_n3A_1552 masked %masked_sort3A_1557 {descending = true} : (vector<16xf32>, vector<16xi32>, vector<16xi1>) -> (vector<16xi1>, vector<16xf32>, vector<16xi32>)
        %ge3A_1561 = arith.cmpf oge, %masked_sort3A_1471, %masked_sort3A_1523 : vector<16xf32>
        %select_n3A_1562 = arith.select %ge3A_1561, %masked_sort3A_1471, %masked_sort3A_1523 : vector<16xi1>, vector<16xf32>
        %select_n3A_1563 = arith.select %ge3A_1561, %masked_sort3A_1472, %masked_sort3A_1524 : vector<16xi1>, vector<16xi32>
        %ge3A_1564 = arith.cmpf oge, %masked_sort3A_1467, %select_n3A_1562 : vector<16xf32>
        %select_n3A_1565 = arith.select %ge3A_1564, %masked_sort3A_1467, %select_n3A_1562 : vector<16xi1>, vector<16xf32>
        %select_n3A_1566 = arith.select %ge3A_1564, %masked_sort3A_1468, %select_n3A_1563 : vector<16xi1>, vector<16xi32>
        %select_n3A_1567 = arith.select %ge3A_1564, %select_n3A_1562, %masked_sort3A_1467 : vector<16xi1>, vector<16xf32>
        %select_n3A_1568 = arith.select %ge3A_1564, %select_n3A_1563, %masked_sort3A_1468 : vector<16xi1>, vector<16xi32>
        %masked_sort3A_1569 = arith.constant dense<true> : vector<16xi1>
        %masked_sort3A_1570, %masked_sort3A_1571, %masked_sort3A_1572 = tpu.sort %select_n3A_1565, %select_n3A_1566 masked %masked_sort3A_1569 {descending = true} : (vector<16xf32>, vector<16xi32>, vector<16xi1>) -> (vector<16xi1>, vector<16xf32>, vector<16xi32>)
        %masked_sort3A_1573 = arith.constant dense<true> : vector<16xi1>
        %masked_sort3A_1574, %masked_sort3A_1575, %masked_sort3A_1576 = tpu.sort %select_n3A_1567, %select_n3A_1568 masked %masked_sort3A_1573 {descending = true} : (vector<16xf32>, vector<16xi32>, vector<16xi1>) -> (vector<16xi1>, vector<16xf32>, vector<16xi32>)
        %ge3A_1577 = arith.cmpf oge, %masked_sort3A_1487, %masked_sort3A_1533 : vector<16xf32>
        %select_n3A_1578 = arith.select %ge3A_1577, %masked_sort3A_1487, %masked_sort3A_1533 : vector<16xi1>, vector<16xf32>
        %select_n3A_1579 = arith.select %ge3A_1577, %masked_sort3A_1488, %masked_sort3A_1534 : vector<16xi1>, vector<16xi32>
        %ge3A_1580 = arith.cmpf oge, %masked_sort3A_1483, %select_n3A_1578 : vector<16xf32>
        %select_n3A_1581 = arith.select %ge3A_1580, %masked_sort3A_1483, %select_n3A_1578 : vector<16xi1>, vector<16xf32>
        %select_n3A_1582 = arith.select %ge3A_1580, %masked_sort3A_1484, %select_n3A_1579 : vector<16xi1>, vector<16xi32>
        %select_n3A_1583 = arith.select %ge3A_1580, %select_n3A_1578, %masked_sort3A_1483 : vector<16xi1>, vector<16xf32>
        %select_n3A_1584 = arith.select %ge3A_1580, %select_n3A_1579, %masked_sort3A_1484 : vector<16xi1>, vector<16xi32>
        %masked_sort3A_1585 = arith.constant dense<true> : vector<16xi1>
        %masked_sort3A_1586, %masked_sort3A_1587, %masked_sort3A_1588 = tpu.sort %select_n3A_1581, %select_n3A_1582 masked %masked_sort3A_1585 {descending = true} : (vector<16xf32>, vector<16xi32>, vector<16xi1>) -> (vector<16xi1>, vector<16xf32>, vector<16xi32>)
        %masked_sort3A_1589 = arith.constant dense<true> : vector<16xi1>
        %masked_sort3A_1590, %masked_sort3A_1591, %masked_sort3A_1592 = tpu.sort %select_n3A_1583, %select_n3A_1584 masked %masked_sort3A_1589 {descending = true} : (vector<16xf32>, vector<16xi32>, vector<16xi1>) -> (vector<16xi1>, vector<16xf32>, vector<16xi32>)
        %ge3A_1593 = arith.cmpf oge, %masked_sort3A_1503, %masked_sort3A_1543 : vector<16xf32>
        %select_n3A_1594 = arith.select %ge3A_1593, %masked_sort3A_1503, %masked_sort3A_1543 : vector<16xi1>, vector<16xf32>
        %select_n3A_1595 = arith.select %ge3A_1593, %masked_sort3A_1504, %masked_sort3A_1544 : vector<16xi1>, vector<16xi32>
        %ge3A_1596 = arith.cmpf oge, %masked_sort3A_1499, %select_n3A_1594 : vector<16xf32>
        %select_n3A_1597 = arith.select %ge3A_1596, %masked_sort3A_1499, %select_n3A_1594 : vector<16xi1>, vector<16xf32>
        %select_n3A_1598 = arith.select %ge3A_1596, %masked_sort3A_1500, %select_n3A_1595 : vector<16xi1>, vector<16xi32>
        %select_n3A_1599 = arith.select %ge3A_1596, %select_n3A_1594, %masked_sort3A_1499 : vector<16xi1>, vector<16xf32>
        %select_n3A_1600 = arith.select %ge3A_1596, %select_n3A_1595, %masked_sort3A_1500 : vector<16xi1>, vector<16xi32>
        %masked_sort3A_1601 = arith.constant dense<true> : vector<16xi1>
        %masked_sort3A_1602, %masked_sort3A_1603, %masked_sort3A_1604 = tpu.sort %select_n3A_1597, %select_n3A_1598 masked %masked_sort3A_1601 {descending = true} : (vector<16xf32>, vector<16xi32>, vector<16xi1>) -> (vector<16xi1>, vector<16xf32>, vector<16xi32>)
        %masked_sort3A_1605 = arith.constant dense<true> : vector<16xi1>
        %masked_sort3A_1606, %masked_sort3A_1607, %masked_sort3A_1608 = tpu.sort %select_n3A_1599, %select_n3A_1600 masked %masked_sort3A_1605 {descending = true} : (vector<16xf32>, vector<16xi32>, vector<16xi1>) -> (vector<16xi1>, vector<16xf32>, vector<16xi32>)
        %get3A_1609 = arith.index_cast %add3A_24 : i32 to index
        %get3A_1610 = arith.constant 256 : index
        %get3A_1611 = tpu.vector_load %arg5[%get3A_1609, %get3A_1610] {strides = array<i32>} : memref<64x512xf32, #tpu.memory_space<vmem>>, vector<16xf32>,
        %add3A_1612 = arith.constant 256 : i32
        %add3A_1613 = vector.broadcast %add3A_1612 : i32 to vector<16xi32>
        %add3A_1614 = arith.addi %iota3A, %add3A_1613 : vector<16xi32>
        %masked_sort3A_1615 = arith.constant dense<true> : vector<16xi1>
        %masked_sort3A_1616, %masked_sort3A_1617, %masked_sort3A_1618 = tpu.sort %get3A_1611, %add3A_1614 masked %masked_sort3A_1615 : (vector<16xf32>, vector<16xi32>, vector<16xi1>) -> (vector<16xi1>, vector<16xf32>, vector<16xi32>)
        %get3A_1619 = arith.index_cast %add3A_28 : i32 to index
        %get3A_1620 = arith.constant 256 : index
        %get3A_1621 = tpu.vector_load %arg5[%get3A_1619, %get3A_1620] {strides = array<i32>} : memref<64x512xf32, #tpu.memory_space<vmem>>, vector<16xf32>,
        %add3A_1622 = arith.constant 256 : i32
        %add3A_1623 = vector.broadcast %add3A_1622 : i32 to vector<16xi32>
        %add3A_1624 = arith.addi %iota3A, %add3A_1623 : vector<16xi32>
        %masked_sort3A_1625 = arith.constant dense<true> : vector<16xi1>
        %masked_sort3A_1626, %masked_sort3A_1627, %masked_sort3A_1628 = tpu.sort %get3A_1621, %add3A_1624 masked %masked_sort3A_1625 : (vector<16xf32>, vector<16xi32>, vector<16xi1>) -> (vector<16xi1>, vector<16xf32>, vector<16xi32>)
        %get3A_1629 = arith.index_cast %add3A_32 : i32 to index
        %get3A_1630 = arith.constant 256 : index
        %get3A_1631 = tpu.vector_load %arg5[%get3A_1629, %get3A_1630] {strides = array<i32>} : memref<64x512xf32, #tpu.memory_space<vmem>>, vector<16xf32>,
        %add3A_1632 = arith.constant 256 : i32
        %add3A_1633 = vector.broadcast %add3A_1632 : i32 to vector<16xi32>
        %add3A_1634 = arith.addi %iota3A, %add3A_1633 : vector<16xi32>
        %masked_sort3A_1635 = arith.constant dense<true> : vector<16xi1>
        %masked_sort3A_1636, %masked_sort3A_1637, %masked_sort3A_1638 = tpu.sort %get3A_1631, %add3A_1634 masked %masked_sort3A_1635 : (vector<16xf32>, vector<16xi32>, vector<16xi1>) -> (vector<16xi1>, vector<16xf32>, vector<16xi32>)
        %get3A_1639 = arith.index_cast %add3A_36 : i32 to index
        %get3A_1640 = arith.constant 256 : index
        %get3A_1641 = tpu.vector_load %arg5[%get3A_1639, %get3A_1640] {strides = array<i32>} : memref<64x512xf32, #tpu.memory_space<vmem>>, vector<16xf32>,
        %add3A_1642 = arith.constant 256 : i32
        %add3A_1643 = vector.broadcast %add3A_1642 : i32 to vector<16xi32>
        %add3A_1644 = arith.addi %iota3A, %add3A_1643 : vector<16xi32>
        %masked_sort3A_1645 = arith.constant dense<true> : vector<16xi1>
        %masked_sort3A_1646, %masked_sort3A_1647, %masked_sort3A_1648 = tpu.sort %get3A_1641, %add3A_1644 masked %masked_sort3A_1645 : (vector<16xf32>, vector<16xi32>, vector<16xi1>) -> (vector<16xi1>, vector<16xf32>, vector<16xi32>)
        %ge3A_1649 = arith.cmpf oge, %masked_sort3A_1559, %masked_sort3A_1617 : vector<16xf32>
        %select_n3A_1650 = arith.select %ge3A_1649, %masked_sort3A_1559, %masked_sort3A_1617 : vector<16xi1>, vector<16xf32>
        %select_n3A_1651 = arith.select %ge3A_1649, %masked_sort3A_1560, %masked_sort3A_1618 : vector<16xi1>, vector<16xi32>
        %ge3A_1652 = arith.cmpf oge, %masked_sort3A_1555, %select_n3A_1650 : vector<16xf32>
        %select_n3A_1653 = arith.select %ge3A_1652, %masked_sort3A_1555, %select_n3A_1650 : vector<16xi1>, vector<16xf32>
        %select_n3A_1654 = arith.select %ge3A_1652, %masked_sort3A_1556, %select_n3A_1651 : vector<16xi1>, vector<16xi32>
        %select_n3A_1655 = arith.select %ge3A_1652, %select_n3A_1650, %masked_sort3A_1555 : vector<16xi1>, vector<16xf32>
        %select_n3A_1656 = arith.select %ge3A_1652, %select_n3A_1651, %masked_sort3A_1556 : vector<16xi1>, vector<16xi32>
        %masked_sort3A_1657 = arith.constant dense<true> : vector<16xi1>
        %masked_sort3A_1658, %masked_sort3A_1659, %masked_sort3A_1660 = tpu.sort %select_n3A_1653, %select_n3A_1654 masked %masked_sort3A_1657 {descending = true} : (vector<16xf32>, vector<16xi32>, vector<16xi1>) -> (vector<16xi1>, vector<16xf32>, vector<16xi32>)
        %masked_sort3A_1661 = arith.constant dense<true> : vector<16xi1>
        %masked_sort3A_1662, %masked_sort3A_1663, %masked_sort3A_1664 = tpu.sort %select_n3A_1655, %select_n3A_1656 masked %masked_sort3A_1661 {descending = true} : (vector<16xf32>, vector<16xi32>, vector<16xi1>) -> (vector<16xi1>, vector<16xf32>, vector<16xi32>)
        %ge3A_1665 = arith.cmpf oge, %masked_sort3A_1575, %masked_sort3A_1627 : vector<16xf32>
        %select_n3A_1666 = arith.select %ge3A_1665, %masked_sort3A_1575, %masked_sort3A_1627 : vector<16xi1>, vector<16xf32>
        %select_n3A_1667 = arith.select %ge3A_1665, %masked_sort3A_1576, %masked_sort3A_1628 : vector<16xi1>, vector<16xi32>
        %ge3A_1668 = arith.cmpf oge, %masked_sort3A_1571, %select_n3A_1666 : vector<16xf32>
        %select_n3A_1669 = arith.select %ge3A_1668, %masked_sort3A_1571, %select_n3A_1666 : vector<16xi1>, vector<16xf32>
        %select_n3A_1670 = arith.select %ge3A_1668, %masked_sort3A_1572, %select_n3A_1667 : vector<16xi1>, vector<16xi32>
        %select_n3A_1671 = arith.select %ge3A_1668, %select_n3A_1666, %masked_sort3A_1571 : vector<16xi1>, vector<16xf32>
        %select_n3A_1672 = arith.select %ge3A_1668, %select_n3A_1667, %masked_sort3A_1572 : vector<16xi1>, vector<16xi32>
        %masked_sort3A_1673 = arith.constant dense<true> : vector<16xi1>
        %masked_sort3A_1674, %masked_sort3A_1675, %masked_sort3A_1676 = tpu.sort %select_n3A_1669, %select_n3A_1670 masked %masked_sort3A_1673 {descending = true} : (vector<16xf32>, vector<16xi32>, vector<16xi1>) -> (vector<16xi1>, vector<16xf32>, vector<16xi32>)
        %masked_sort3A_1677 = arith.constant dense<true> : vector<16xi1>
        %masked_sort3A_1678, %masked_sort3A_1679, %masked_sort3A_1680 = tpu.sort %select_n3A_1671, %select_n3A_1672 masked %masked_sort3A_1677 {descending = true} : (vector<16xf32>, vector<16xi32>, vector<16xi1>) -> (vector<16xi1>, vector<16xf32>, vector<16xi32>)
        %ge3A_1681 = arith.cmpf oge, %masked_sort3A_1591, %masked_sort3A_1637 : vector<16xf32>
        %select_n3A_1682 = arith.select %ge3A_1681, %masked_sort3A_1591, %masked_sort3A_1637 : vector<16xi1>, vector<16xf32>
        %select_n3A_1683 = arith.select %ge3A_1681, %masked_sort3A_1592, %masked_sort3A_1638 : vector<16xi1>, vector<16xi32>
        %ge3A_1684 = arith.cmpf oge, %masked_sort3A_1587, %select_n3A_1682 : vector<16xf32>
        %select_n3A_1685 = arith.select %ge3A_1684, %masked_sort3A_1587, %select_n3A_1682 : vector<16xi1>, vector<16xf32>
        %select_n3A_1686 = arith.select %ge3A_1684, %masked_sort3A_1588, %select_n3A_1683 : vector<16xi1>, vector<16xi32>
        %select_n3A_1687 = arith.select %ge3A_1684, %select_n3A_1682, %masked_sort3A_1587 : vector<16xi1>, vector<16xf32>
        %select_n3A_1688 = arith.select %ge3A_1684, %select_n3A_1683, %masked_sort3A_1588 : vector<16xi1>, vector<16xi32>
        %masked_sort3A_1689 = arith.constant dense<true> : vector<16xi1>
        %masked_sort3A_1690, %masked_sort3A_1691, %masked_sort3A_1692 = tpu.sort %select_n3A_1685, %select_n3A_1686 masked %masked_sort3A_1689 {descending = true} : (vector<16xf32>, vector<16xi32>, vector<16xi1>) -> (vector<16xi1>, vector<16xf32>, vector<16xi32>)
        %masked_sort3A_1693 = arith.constant dense<true> : vector<16xi1>
        %masked_sort3A_1694, %masked_sort3A_1695, %masked_sort3A_1696 = tpu.sort %select_n3A_1687, %select_n3A_1688 masked %masked_sort3A_1693 {descending = true} : (vector<16xf32>, vector<16xi32>, vector<16xi1>) -> (vector<16xi1>, vector<16xf32>, vector<16xi32>)
        %ge3A_1697 = arith.cmpf oge, %masked_sort3A_1607, %masked_sort3A_1647 : vector<16xf32>
        %select_n3A_1698 = arith.select %ge3A_1697, %masked_sort3A_1607, %masked_sort3A_1647 : vector<16xi1>, vector<16xf32>
        %select_n3A_1699 = arith.select %ge3A_1697, %masked_sort3A_1608, %masked_sort3A_1648 : vector<16xi1>, vector<16xi32>
        %ge3A_1700 = arith.cmpf oge, %masked_sort3A_1603, %select_n3A_1698 : vector<16xf32>
        %select_n3A_1701 = arith.select %ge3A_1700, %masked_sort3A_1603, %select_n3A_1698 : vector<16xi1>, vector<16xf32>
        %select_n3A_1702 = arith.select %ge3A_1700, %masked_sort3A_1604, %select_n3A_1699 : vector<16xi1>, vector<16xi32>
        %select_n3A_1703 = arith.select %ge3A_1700, %select_n3A_1698, %masked_sort3A_1603 : vector<16xi1>, vector<16xf32>
        %select_n3A_1704 = arith.select %ge3A_1700, %select_n3A_1699, %masked_sort3A_1604 : vector<16xi1>, vector<16xi32>
        %masked_sort3A_1705 = arith.constant dense<true> : vector<16xi1>
        %masked_sort3A_1706, %masked_sort3A_1707, %masked_sort3A_1708 = tpu.sort %select_n3A_1701, %select_n3A_1702 masked %masked_sort3A_1705 {descending = true} : (vector<16xf32>, vector<16xi32>, vector<16xi1>) -> (vector<16xi1>, vector<16xf32>, vector<16xi32>)
        %masked_sort3A_1709 = arith.constant dense<true> : vector<16xi1>
        %masked_sort3A_1710, %masked_sort3A_1711, %masked_sort3A_1712 = tpu.sort %select_n3A_1703, %select_n3A_1704 masked %masked_sort3A_1709 {descending = true} : (vector<16xf32>, vector<16xi32>, vector<16xi1>) -> (vector<16xi1>, vector<16xf32>, vector<16xi32>)
        %get3A_1713 = arith.index_cast %add3A_24 : i32 to index
        %get3A_1714 = arith.constant 272 : index
        %get3A_1715 = tpu.vector_load %arg5[%get3A_1713, %get3A_1714] {strides = array<i32>} : memref<64x512xf32, #tpu.memory_space<vmem>>, vector<16xf32>,
        %add3A_1716 = arith.constant 272 : i32
        %add3A_1717 = vector.broadcast %add3A_1716 : i32 to vector<16xi32>
        %add3A_1718 = arith.addi %iota3A, %add3A_1717 : vector<16xi32>
        %masked_sort3A_1719 = arith.constant dense<true> : vector<16xi1>
        %masked_sort3A_1720, %masked_sort3A_1721, %masked_sort3A_1722 = tpu.sort %get3A_1715, %add3A_1718 masked %masked_sort3A_1719 : (vector<16xf32>, vector<16xi32>, vector<16xi1>) -> (vector<16xi1>, vector<16xf32>, vector<16xi32>)
        %get3A_1723 = arith.index_cast %add3A_28 : i32 to index
        %get3A_1724 = arith.constant 272 : index
        %get3A_1725 = tpu.vector_load %arg5[%get3A_1723, %get3A_1724] {strides = array<i32>} : memref<64x512xf32, #tpu.memory_space<vmem>>, vector<16xf32>,
        %add3A_1726 = arith.constant 272 : i32
        %add3A_1727 = vector.broadcast %add3A_1726 : i32 to vector<16xi32>
        %add3A_1728 = arith.addi %iota3A, %add3A_1727 : vector<16xi32>
        %masked_sort3A_1729 = arith.constant dense<true> : vector<16xi1>
        %masked_sort3A_1730, %masked_sort3A_1731, %masked_sort3A_1732 = tpu.sort %get3A_1725, %add3A_1728 masked %masked_sort3A_1729 : (vector<16xf32>, vector<16xi32>, vector<16xi1>) -> (vector<16xi1>, vector<16xf32>, vector<16xi32>)
        %get3A_1733 = arith.index_cast %add3A_32 : i32 to index
        %get3A_1734 = arith.constant 272 : index
        %get3A_1735 = tpu.vector_load %arg5[%get3A_1733, %get3A_1734] {strides = array<i32>} : memref<64x512xf32, #tpu.memory_space<vmem>>, vector<16xf32>,
        %add3A_1736 = arith.constant 272 : i32
        %add3A_1737 = vector.broadcast %add3A_1736 : i32 to vector<16xi32>
        %add3A_1738 = arith.addi %iota3A, %add3A_1737 : vector<16xi32>
        %masked_sort3A_1739 = arith.constant dense<true> : vector<16xi1>
        %masked_sort3A_1740, %masked_sort3A_1741, %masked_sort3A_1742 = tpu.sort %get3A_1735, %add3A_1738 masked %masked_sort3A_1739 : (vector<16xf32>, vector<16xi32>, vector<16xi1>) -> (vector<16xi1>, vector<16xf32>, vector<16xi32>)
        %get3A_1743 = arith.index_cast %add3A_36 : i32 to index
        %get3A_1744 = arith.constant 272 : index
        %get3A_1745 = tpu.vector_load %arg5[%get3A_1743, %get3A_1744] {strides = array<i32>} : memref<64x512xf32, #tpu.memory_space<vmem>>, vector<16xf32>,
        %add3A_1746 = arith.constant 272 : i32
        %add3A_1747 = vector.broadcast %add3A_1746 : i32 to vector<16xi32>
        %add3A_1748 = arith.addi %iota3A, %add3A_1747 : vector<16xi32>
        %masked_sort3A_1749 = arith.constant dense<true> : vector<16xi1>
        %masked_sort3A_1750, %masked_sort3A_1751, %masked_sort3A_1752 = tpu.sort %get3A_1745, %add3A_1748 masked %masked_sort3A_1749 : (vector<16xf32>, vector<16xi32>, vector<16xi1>) -> (vector<16xi1>, vector<16xf32>, vector<16xi32>)
        %ge3A_1753 = arith.cmpf oge, %masked_sort3A_1663, %masked_sort3A_1721 : vector<16xf32>
        %select_n3A_1754 = arith.select %ge3A_1753, %masked_sort3A_1663, %masked_sort3A_1721 : vector<16xi1>, vector<16xf32>
        %select_n3A_1755 = arith.select %ge3A_1753, %masked_sort3A_1664, %masked_sort3A_1722 : vector<16xi1>, vector<16xi32>
        %ge3A_1756 = arith.cmpf oge, %masked_sort3A_1659, %select_n3A_1754 : vector<16xf32>
        %select_n3A_1757 = arith.select %ge3A_1756, %masked_sort3A_1659, %select_n3A_1754 : vector<16xi1>, vector<16xf32>
        %select_n3A_1758 = arith.select %ge3A_1756, %masked_sort3A_1660, %select_n3A_1755 : vector<16xi1>, vector<16xi32>
        %select_n3A_1759 = arith.select %ge3A_1756, %select_n3A_1754, %masked_sort3A_1659 : vector<16xi1>, vector<16xf32>
        %select_n3A_1760 = arith.select %ge3A_1756, %select_n3A_1755, %masked_sort3A_1660 : vector<16xi1>, vector<16xi32>
        %masked_sort3A_1761 = arith.constant dense<true> : vector<16xi1>
        %masked_sort3A_1762, %masked_sort3A_1763, %masked_sort3A_1764 = tpu.sort %select_n3A_1757, %select_n3A_1758 masked %masked_sort3A_1761 {descending = true} : (vector<16xf32>, vector<16xi32>, vector<16xi1>) -> (vector<16xi1>, vector<16xf32>, vector<16xi32>)
        %masked_sort3A_1765 = arith.constant dense<true> : vector<16xi1>
        %masked_sort3A_1766, %masked_sort3A_1767, %masked_sort3A_1768 = tpu.sort %select_n3A_1759, %select_n3A_1760 masked %masked_sort3A_1765 {descending = true} : (vector<16xf32>, vector<16xi32>, vector<16xi1>) -> (vector<16xi1>, vector<16xf32>, vector<16xi32>)
        %ge3A_1769 = arith.cmpf oge, %masked_sort3A_1679, %masked_sort3A_1731 : vector<16xf32>
        %select_n3A_1770 = arith.select %ge3A_1769, %masked_sort3A_1679, %masked_sort3A_1731 : vector<16xi1>, vector<16xf32>
        %select_n3A_1771 = arith.select %ge3A_1769, %masked_sort3A_1680, %masked_sort3A_1732 : vector<16xi1>, vector<16xi32>
        %ge3A_1772 = arith.cmpf oge, %masked_sort3A_1675, %select_n3A_1770 : vector<16xf32>
        %select_n3A_1773 = arith.select %ge3A_1772, %masked_sort3A_1675, %select_n3A_1770 : vector<16xi1>, vector<16xf32>
        %select_n3A_1774 = arith.select %ge3A_1772, %masked_sort3A_1676, %select_n3A_1771 : vector<16xi1>, vector<16xi32>
        %select_n3A_1775 = arith.select %ge3A_1772, %select_n3A_1770, %masked_sort3A_1675 : vector<16xi1>, vector<16xf32>
        %select_n3A_1776 = arith.select %ge3A_1772, %select_n3A_1771, %masked_sort3A_1676 : vector<16xi1>, vector<16xi32>
        %masked_sort3A_1777 = arith.constant dense<true> : vector<16xi1>
        %masked_sort3A_1778, %masked_sort3A_1779, %masked_sort3A_1780 = tpu.sort %select_n3A_1773, %select_n3A_1774 masked %masked_sort3A_1777 {descending = true} : (vector<16xf32>, vector<16xi32>, vector<16xi1>) -> (vector<16xi1>, vector<16xf32>, vector<16xi32>)
        %masked_sort3A_1781 = arith.constant dense<true> : vector<16xi1>
        %masked_sort3A_1782, %masked_sort3A_1783, %masked_sort3A_1784 = tpu.sort %select_n3A_1775, %select_n3A_1776 masked %masked_sort3A_1781 {descending = true} : (vector<16xf32>, vector<16xi32>, vector<16xi1>) -> (vector<16xi1>, vector<16xf32>, vector<16xi32>)
        %ge3A_1785 = arith.cmpf oge, %masked_sort3A_1695, %masked_sort3A_1741 : vector<16xf32>
        %select_n3A_1786 = arith.select %ge3A_1785, %masked_sort3A_1695, %masked_sort3A_1741 : vector<16xi1>, vector<16xf32>
        %select_n3A_1787 = arith.select %ge3A_1785, %masked_sort3A_1696, %masked_sort3A_1742 : vector<16xi1>, vector<16xi32>
        %ge3A_1788 = arith.cmpf oge, %masked_sort3A_1691, %select_n3A_1786 : vector<16xf32>
        %select_n3A_1789 = arith.select %ge3A_1788, %masked_sort3A_1691, %select_n3A_1786 : vector<16xi1>, vector<16xf32>
        %select_n3A_1790 = arith.select %ge3A_1788, %masked_sort3A_1692, %select_n3A_1787 : vector<16xi1>, vector<16xi32>
        %select_n3A_1791 = arith.select %ge3A_1788, %select_n3A_1786, %masked_sort3A_1691 : vector<16xi1>, vector<16xf32>
        %select_n3A_1792 = arith.select %ge3A_1788, %select_n3A_1787, %masked_sort3A_1692 : vector<16xi1>, vector<16xi32>
        %masked_sort3A_1793 = arith.constant dense<true> : vector<16xi1>
        %masked_sort3A_1794, %masked_sort3A_1795, %masked_sort3A_1796 = tpu.sort %select_n3A_1789, %select_n3A_1790 masked %masked_sort3A_1793 {descending = true} : (vector<16xf32>, vector<16xi32>, vector<16xi1>) -> (vector<16xi1>, vector<16xf32>, vector<16xi32>)
        %masked_sort3A_1797 = arith.constant dense<true> : vector<16xi1>
        %masked_sort3A_1798, %masked_sort3A_1799, %masked_sort3A_1800 = tpu.sort %select_n3A_1791, %select_n3A_1792 masked %masked_sort3A_1797 {descending = true} : (vector<16xf32>, vector<16xi32>, vector<16xi1>) -> (vector<16xi1>, vector<16xf32>, vector<16xi32>)
        %ge3A_1801 = arith.cmpf oge, %masked_sort3A_1711, %masked_sort3A_1751 : vector<16xf32>
        %select_n3A_1802 = arith.select %ge3A_1801, %masked_sort3A_1711, %masked_sort3A_1751 : vector<16xi1>, vector<16xf32>
        %select_n3A_1803 = arith.select %ge3A_1801, %masked_sort3A_1712, %masked_sort3A_1752 : vector<16xi1>, vector<16xi32>
        %ge3A_1804 = arith.cmpf oge, %masked_sort3A_1707, %select_n3A_1802 : vector<16xf32>
        %select_n3A_1805 = arith.select %ge3A_1804, %masked_sort3A_1707, %select_n3A_1802 : vector<16xi1>, vector<16xf32>
        %select_n3A_1806 = arith.select %ge3A_1804, %masked_sort3A_1708, %select_n3A_1803 : vector<16xi1>, vector<16xi32>
        %select_n3A_1807 = arith.select %ge3A_1804, %select_n3A_1802, %masked_sort3A_1707 : vector<16xi1>, vector<16xf32>
        %select_n3A_1808 = arith.select %ge3A_1804, %select_n3A_1803, %masked_sort3A_1708 : vector<16xi1>, vector<16xi32>
        %masked_sort3A_1809 = arith.constant dense<true> : vector<16xi1>
        %masked_sort3A_1810, %masked_sort3A_1811, %masked_sort3A_1812 = tpu.sort %select_n3A_1805, %select_n3A_1806 masked %masked_sort3A_1809 {descending = true} : (vector<16xf32>, vector<16xi32>, vector<16xi1>) -> (vector<16xi1>, vector<16xf32>, vector<16xi32>)
        %masked_sort3A_1813 = arith.constant dense<true> : vector<16xi1>
        %masked_sort3A_1814, %masked_sort3A_1815, %masked_sort3A_1816 = tpu.sort %select_n3A_1807, %select_n3A_1808 masked %masked_sort3A_1813 {descending = true} : (vector<16xf32>, vector<16xi32>, vector<16xi1>) -> (vector<16xi1>, vector<16xf32>, vector<16xi32>)
        %get3A_1817 = arith.index_cast %add3A_24 : i32 to index
        %get3A_1818 = arith.constant 288 : index
        %get3A_1819 = tpu.vector_load %arg5[%get3A_1817, %get3A_1818] {strides = array<i32>} : memref<64x512xf32, #tpu.memory_space<vmem>>, vector<16xf32>,
        %add3A_1820 = arith.constant 288 : i32
        %add3A_1821 = vector.broadcast %add3A_1820 : i32 to vector<16xi32>
        %add3A_1822 = arith.addi %iota3A, %add3A_1821 : vector<16xi32>
        %masked_sort3A_1823 = arith.constant dense<true> : vector<16xi1>
        %masked_sort3A_1824, %masked_sort3A_1825, %masked_sort3A_1826 = tpu.sort %get3A_1819, %add3A_1822 masked %masked_sort3A_1823 : (vector<16xf32>, vector<16xi32>, vector<16xi1>) -> (vector<16xi1>, vector<16xf32>, vector<16xi32>)
        %get3A_1827 = arith.index_cast %add3A_28 : i32 to index
        %get3A_1828 = arith.constant 288 : index
        %get3A_1829 = tpu.vector_load %arg5[%get3A_1827, %get3A_1828] {strides = array<i32>} : memref<64x512xf32, #tpu.memory_space<vmem>>, vector<16xf32>,
        %add3A_1830 = arith.constant 288 : i32
        %add3A_1831 = vector.broadcast %add3A_1830 : i32 to vector<16xi32>
        %add3A_1832 = arith.addi %iota3A, %add3A_1831 : vector<16xi32>
        %masked_sort3A_1833 = arith.constant dense<true> : vector<16xi1>
        %masked_sort3A_1834, %masked_sort3A_1835, %masked_sort3A_1836 = tpu.sort %get3A_1829, %add3A_1832 masked %masked_sort3A_1833 : (vector<16xf32>, vector<16xi32>, vector<16xi1>) -> (vector<16xi1>, vector<16xf32>, vector<16xi32>)
        %get3A_1837 = arith.index_cast %add3A_32 : i32 to index
        %get3A_1838 = arith.constant 288 : index
        %get3A_1839 = tpu.vector_load %arg5[%get3A_1837, %get3A_1838] {strides = array<i32>} : memref<64x512xf32, #tpu.memory_space<vmem>>, vector<16xf32>,
        %add3A_1840 = arith.constant 288 : i32
        %add3A_1841 = vector.broadcast %add3A_1840 : i32 to vector<16xi32>
        %add3A_1842 = arith.addi %iota3A, %add3A_1841 : vector<16xi32>
        %masked_sort3A_1843 = arith.constant dense<true> : vector<16xi1>
        %masked_sort3A_1844, %masked_sort3A_1845, %masked_sort3A_1846 = tpu.sort %get3A_1839, %add3A_1842 masked %masked_sort3A_1843 : (vector<16xf32>, vector<16xi32>, vector<16xi1>) -> (vector<16xi1>, vector<16xf32>, vector<16xi32>)
        %get3A_1847 = arith.index_cast %add3A_36 : i32 to index
        %get3A_1848 = arith.constant 288 : index
        %get3A_1849 = tpu.vector_load %arg5[%get3A_1847, %get3A_1848] {strides = array<i32>} : memref<64x512xf32, #tpu.memory_space<vmem>>, vector<16xf32>,
        %add3A_1850 = arith.constant 288 : i32
        %add3A_1851 = vector.broadcast %add3A_1850 : i32 to vector<16xi32>
        %add3A_1852 = arith.addi %iota3A, %add3A_1851 : vector<16xi32>
        %masked_sort3A_1853 = arith.constant dense<true> : vector<16xi1>
        %masked_sort3A_1854, %masked_sort3A_1855, %masked_sort3A_1856 = tpu.sort %get3A_1849, %add3A_1852 masked %masked_sort3A_1853 : (vector<16xf32>, vector<16xi32>, vector<16xi1>) -> (vector<16xi1>, vector<16xf32>, vector<16xi32>)
        %ge3A_1857 = arith.cmpf oge, %masked_sort3A_1767, %masked_sort3A_1825 : vector<16xf32>
        %select_n3A_1858 = arith.select %ge3A_1857, %masked_sort3A_1767, %masked_sort3A_1825 : vector<16xi1>, vector<16xf32>
        %select_n3A_1859 = arith.select %ge3A_1857, %masked_sort3A_1768, %masked_sort3A_1826 : vector<16xi1>, vector<16xi32>
        %ge3A_1860 = arith.cmpf oge, %masked_sort3A_1763, %select_n3A_1858 : vector<16xf32>
        %select_n3A_1861 = arith.select %ge3A_1860, %masked_sort3A_1763, %select_n3A_1858 : vector<16xi1>, vector<16xf32>
        %select_n3A_1862 = arith.select %ge3A_1860, %masked_sort3A_1764, %select_n3A_1859 : vector<16xi1>, vector<16xi32>
        %select_n3A_1863 = arith.select %ge3A_1860, %select_n3A_1858, %masked_sort3A_1763 : vector<16xi1>, vector<16xf32>
        %select_n3A_1864 = arith.select %ge3A_1860, %select_n3A_1859, %masked_sort3A_1764 : vector<16xi1>, vector<16xi32>
        %masked_sort3A_1865 = arith.constant dense<true> : vector<16xi1>
        %masked_sort3A_1866, %masked_sort3A_1867, %masked_sort3A_1868 = tpu.sort %select_n3A_1861, %select_n3A_1862 masked %masked_sort3A_1865 {descending = true} : (vector<16xf32>, vector<16xi32>, vector<16xi1>) -> (vector<16xi1>, vector<16xf32>, vector<16xi32>)
        %masked_sort3A_1869 = arith.constant dense<true> : vector<16xi1>
        %masked_sort3A_1870, %masked_sort3A_1871, %masked_sort3A_1872 = tpu.sort %select_n3A_1863, %select_n3A_1864 masked %masked_sort3A_1869 {descending = true} : (vector<16xf32>, vector<16xi32>, vector<16xi1>) -> (vector<16xi1>, vector<16xf32>, vector<16xi32>)
        %ge3A_1873 = arith.cmpf oge, %masked_sort3A_1783, %masked_sort3A_1835 : vector<16xf32>
        %select_n3A_1874 = arith.select %ge3A_1873, %masked_sort3A_1783, %masked_sort3A_1835 : vector<16xi1>, vector<16xf32>
        %select_n3A_1875 = arith.select %ge3A_1873, %masked_sort3A_1784, %masked_sort3A_1836 : vector<16xi1>, vector<16xi32>
        %ge3A_1876 = arith.cmpf oge, %masked_sort3A_1779, %select_n3A_1874 : vector<16xf32>
        %select_n3A_1877 = arith.select %ge3A_1876, %masked_sort3A_1779, %select_n3A_1874 : vector<16xi1>, vector<16xf32>
        %select_n3A_1878 = arith.select %ge3A_1876, %masked_sort3A_1780, %select_n3A_1875 : vector<16xi1>, vector<16xi32>
        %select_n3A_1879 = arith.select %ge3A_1876, %select_n3A_1874, %masked_sort3A_1779 : vector<16xi1>, vector<16xf32>
        %select_n3A_1880 = arith.select %ge3A_1876, %select_n3A_1875, %masked_sort3A_1780 : vector<16xi1>, vector<16xi32>
        %masked_sort3A_1881 = arith.constant dense<true> : vector<16xi1>
        %masked_sort3A_1882, %masked_sort3A_1883, %masked_sort3A_1884 = tpu.sort %select_n3A_1877, %select_n3A_1878 masked %masked_sort3A_1881 {descending = true} : (vector<16xf32>, vector<16xi32>, vector<16xi1>) -> (vector<16xi1>, vector<16xf32>, vector<16xi32>)
        %masked_sort3A_1885 = arith.constant dense<true> : vector<16xi1>
        %masked_sort3A_1886, %masked_sort3A_1887, %masked_sort3A_1888 = tpu.sort %select_n3A_1879, %select_n3A_1880 masked %masked_sort3A_1885 {descending = true} : (vector<16xf32>, vector<16xi32>, vector<16xi1>) -> (vector<16xi1>, vector<16xf32>, vector<16xi32>)
        %ge3A_1889 = arith.cmpf oge, %masked_sort3A_1799, %masked_sort3A_1845 : vector<16xf32>
        %select_n3A_1890 = arith.select %ge3A_1889, %masked_sort3A_1799, %masked_sort3A_1845 : vector<16xi1>, vector<16xf32>
        %select_n3A_1891 = arith.select %ge3A_1889, %masked_sort3A_1800, %masked_sort3A_1846 : vector<16xi1>, vector<16xi32>
        %ge3A_1892 = arith.cmpf oge, %masked_sort3A_1795, %select_n3A_1890 : vector<16xf32>
        %select_n3A_1893 = arith.select %ge3A_1892, %masked_sort3A_1795, %select_n3A_1890 : vector<16xi1>, vector<16xf32>
        %select_n3A_1894 = arith.select %ge3A_1892, %masked_sort3A_1796, %select_n3A_1891 : vector<16xi1>, vector<16xi32>
        %select_n3A_1895 = arith.select %ge3A_1892, %select_n3A_1890, %masked_sort3A_1795 : vector<16xi1>, vector<16xf32>
        %select_n3A_1896 = arith.select %ge3A_1892, %select_n3A_1891, %masked_sort3A_1796 : vector<16xi1>, vector<16xi32>
        %masked_sort3A_1897 = arith.constant dense<true> : vector<16xi1>
        %masked_sort3A_1898, %masked_sort3A_1899, %masked_sort3A_1900 = tpu.sort %select_n3A_1893, %select_n3A_1894 masked %masked_sort3A_1897 {descending = true} : (vector<16xf32>, vector<16xi32>, vector<16xi1>) -> (vector<16xi1>, vector<16xf32>, vector<16xi32>)
        %masked_sort3A_1901 = arith.constant dense<true> : vector<16xi1>
        %masked_sort3A_1902, %masked_sort3A_1903, %masked_sort3A_1904 = tpu.sort %select_n3A_1895, %select_n3A_1896 masked %masked_sort3A_1901 {descending = true} : (vector<16xf32>, vector<16xi32>, vector<16xi1>) -> (vector<16xi1>, vector<16xf32>, vector<16xi32>)
        %ge3A_1905 = arith.cmpf oge, %masked_sort3A_1815, %masked_sort3A_1855 : vector<16xf32>
        %select_n3A_1906 = arith.select %ge3A_1905, %masked_sort3A_1815, %masked_sort3A_1855 : vector<16xi1>, vector<16xf32>
        %select_n3A_1907 = arith.select %ge3A_1905, %masked_sort3A_1816, %masked_sort3A_1856 : vector<16xi1>, vector<16xi32>
        %ge3A_1908 = arith.cmpf oge, %masked_sort3A_1811, %select_n3A_1906 : vector<16xf32>
        %select_n3A_1909 = arith.select %ge3A_1908, %masked_sort3A_1811, %select_n3A_1906 : vector<16xi1>, vector<16xf32>
        %select_n3A_1910 = arith.select %ge3A_1908, %masked_sort3A_1812, %select_n3A_1907 : vector<16xi1>, vector<16xi32>
        %select_n3A_1911 = arith.select %ge3A_1908, %select_n3A_1906, %masked_sort3A_1811 : vector<16xi1>, vector<16xf32>
        %select_n3A_1912 = arith.select %ge3A_1908, %select_n3A_1907, %masked_sort3A_1812 : vector<16xi1>, vector<16xi32>
        %masked_sort3A_1913 = arith.constant dense<true> : vector<16xi1>
        %masked_sort3A_1914, %masked_sort3A_1915, %masked_sort3A_1916 = tpu.sort %select_n3A_1909, %select_n3A_1910 masked %masked_sort3A_1913 {descending = true} : (vector<16xf32>, vector<16xi32>, vector<16xi1>) -> (vector<16xi1>, vector<16xf32>, vector<16xi32>)
        %masked_sort3A_1917 = arith.constant dense<true> : vector<16xi1>
        %masked_sort3A_1918, %masked_sort3A_1919, %masked_sort3A_1920 = tpu.sort %select_n3A_1911, %select_n3A_1912 masked %masked_sort3A_1917 {descending = true} : (vector<16xf32>, vector<16xi32>, vector<16xi1>) -> (vector<16xi1>, vector<16xf32>, vector<16xi32>)
        %get3A_1921 = arith.index_cast %add3A_24 : i32 to index
        %get3A_1922 = arith.constant 304 : index
        %get3A_1923 = tpu.vector_load %arg5[%get3A_1921, %get3A_1922] {strides = array<i32>} : memref<64x512xf32, #tpu.memory_space<vmem>>, vector<16xf32>,
        %add3A_1924 = arith.constant 304 : i32
        %add3A_1925 = vector.broadcast %add3A_1924 : i32 to vector<16xi32>
        %add3A_1926 = arith.addi %iota3A, %add3A_1925 : vector<16xi32>
        %masked_sort3A_1927 = arith.constant dense<true> : vector<16xi1>
        %masked_sort3A_1928, %masked_sort3A_1929, %masked_sort3A_1930 = tpu.sort %get3A_1923, %add3A_1926 masked %masked_sort3A_1927 : (vector<16xf32>, vector<16xi32>, vector<16xi1>) -> (vector<16xi1>, vector<16xf32>, vector<16xi32>)
        %get3A_1931 = arith.index_cast %add3A_28 : i32 to index
        %get3A_1932 = arith.constant 304 : index
        %get3A_1933 = tpu.vector_load %arg5[%get3A_1931, %get3A_1932] {strides = array<i32>} : memref<64x512xf32, #tpu.memory_space<vmem>>, vector<16xf32>,
        %add3A_1934 = arith.constant 304 : i32
        %add3A_1935 = vector.broadcast %add3A_1934 : i32 to vector<16xi32>
        %add3A_1936 = arith.addi %iota3A, %add3A_1935 : vector<16xi32>
        %masked_sort3A_1937 = arith.constant dense<true> : vector<16xi1>
        %masked_sort3A_1938, %masked_sort3A_1939, %masked_sort3A_1940 = tpu.sort %get3A_1933, %add3A_1936 masked %masked_sort3A_1937 : (vector<16xf32>, vector<16xi32>, vector<16xi1>) -> (vector<16xi1>, vector<16xf32>, vector<16xi32>)
        %get3A_1941 = arith.index_cast %add3A_32 : i32 to index
        %get3A_1942 = arith.constant 304 : index
        %get3A_1943 = tpu.vector_load %arg5[%get3A_1941, %get3A_1942] {strides = array<i32>} : memref<64x512xf32, #tpu.memory_space<vmem>>, vector<16xf32>,
        %add3A_1944 = arith.constant 304 : i32
        %add3A_1945 = vector.broadcast %add3A_1944 : i32 to vector<16xi32>
        %add3A_1946 = arith.addi %iota3A, %add3A_1945 : vector<16xi32>
        %masked_sort3A_1947 = arith.constant dense<true> : vector<16xi1>
        %masked_sort3A_1948, %masked_sort3A_1949, %masked_sort3A_1950 = tpu.sort %get3A_1943, %add3A_1946 masked %masked_sort3A_1947 : (vector<16xf32>, vector<16xi32>, vector<16xi1>) -> (vector<16xi1>, vector<16xf32>, vector<16xi32>)
        %get3A_1951 = arith.index_cast %add3A_36 : i32 to index
        %get3A_1952 = arith.constant 304 : index
        %get3A_1953 = tpu.vector_load %arg5[%get3A_1951, %get3A_1952] {strides = array<i32>} : memref<64x512xf32, #tpu.memory_space<vmem>>, vector<16xf32>,
        %add3A_1954 = arith.constant 304 : i32
        %add3A_1955 = vector.broadcast %add3A_1954 : i32 to vector<16xi32>
        %add3A_1956 = arith.addi %iota3A, %add3A_1955 : vector<16xi32>
        %masked_sort3A_1957 = arith.constant dense<true> : vector<16xi1>
        %masked_sort3A_1958, %masked_sort3A_1959, %masked_sort3A_1960 = tpu.sort %get3A_1953, %add3A_1956 masked %masked_sort3A_1957 : (vector<16xf32>, vector<16xi32>, vector<16xi1>) -> (vector<16xi1>, vector<16xf32>, vector<16xi32>)
        %ge3A_1961 = arith.cmpf oge, %masked_sort3A_1871, %masked_sort3A_1929 : vector<16xf32>
        %select_n3A_1962 = arith.select %ge3A_1961, %masked_sort3A_1871, %masked_sort3A_1929 : vector<16xi1>, vector<16xf32>
        %select_n3A_1963 = arith.select %ge3A_1961, %masked_sort3A_1872, %masked_sort3A_1930 : vector<16xi1>, vector<16xi32>
        %ge3A_1964 = arith.cmpf oge, %masked_sort3A_1867, %select_n3A_1962 : vector<16xf32>
        %select_n3A_1965 = arith.select %ge3A_1964, %masked_sort3A_1867, %select_n3A_1962 : vector<16xi1>, vector<16xf32>
        %select_n3A_1966 = arith.select %ge3A_1964, %masked_sort3A_1868, %select_n3A_1963 : vector<16xi1>, vector<16xi32>
        %select_n3A_1967 = arith.select %ge3A_1964, %select_n3A_1962, %masked_sort3A_1867 : vector<16xi1>, vector<16xf32>
        %select_n3A_1968 = arith.select %ge3A_1964, %select_n3A_1963, %masked_sort3A_1868 : vector<16xi1>, vector<16xi32>
        %masked_sort3A_1969 = arith.constant dense<true> : vector<16xi1>
        %masked_sort3A_1970, %masked_sort3A_1971, %masked_sort3A_1972 = tpu.sort %select_n3A_1965, %select_n3A_1966 masked %masked_sort3A_1969 {descending = true} : (vector<16xf32>, vector<16xi32>, vector<16xi1>) -> (vector<16xi1>, vector<16xf32>, vector<16xi32>)
        %masked_sort3A_1973 = arith.constant dense<true> : vector<16xi1>
        %masked_sort3A_1974, %masked_sort3A_1975, %masked_sort3A_1976 = tpu.sort %select_n3A_1967, %select_n3A_1968 masked %masked_sort3A_1973 {descending = true} : (vector<16xf32>, vector<16xi32>, vector<16xi1>) -> (vector<16xi1>, vector<16xf32>, vector<16xi32>)
        %ge3A_1977 = arith.cmpf oge, %masked_sort3A_1887, %masked_sort3A_1939 : vector<16xf32>
        %select_n3A_1978 = arith.select %ge3A_1977, %masked_sort3A_1887, %masked_sort3A_1939 : vector<16xi1>, vector<16xf32>
        %select_n3A_1979 = arith.select %ge3A_1977, %masked_sort3A_1888, %masked_sort3A_1940 : vector<16xi1>, vector<16xi32>
        %ge3A_1980 = arith.cmpf oge, %masked_sort3A_1883, %select_n3A_1978 : vector<16xf32>
        %select_n3A_1981 = arith.select %ge3A_1980, %masked_sort3A_1883, %select_n3A_1978 : vector<16xi1>, vector<16xf32>
        %select_n3A_1982 = arith.select %ge3A_1980, %masked_sort3A_1884, %select_n3A_1979 : vector<16xi1>, vector<16xi32>
        %select_n3A_1983 = arith.select %ge3A_1980, %select_n3A_1978, %masked_sort3A_1883 : vector<16xi1>, vector<16xf32>
        %select_n3A_1984 = arith.select %ge3A_1980, %select_n3A_1979, %masked_sort3A_1884 : vector<16xi1>, vector<16xi32>
        %masked_sort3A_1985 = arith.constant dense<true> : vector<16xi1>
        %masked_sort3A_1986, %masked_sort3A_1987, %masked_sort3A_1988 = tpu.sort %select_n3A_1981, %select_n3A_1982 masked %masked_sort3A_1985 {descending = true} : (vector<16xf32>, vector<16xi32>, vector<16xi1>) -> (vector<16xi1>, vector<16xf32>, vector<16xi32>)
        %masked_sort3A_1989 = arith.constant dense<true> : vector<16xi1>
        %masked_sort3A_1990, %masked_sort3A_1991, %masked_sort3A_1992 = tpu.sort %select_n3A_1983, %select_n3A_1984 masked %masked_sort3A_1989 {descending = true} : (vector<16xf32>, vector<16xi32>, vector<16xi1>) -> (vector<16xi1>, vector<16xf32>, vector<16xi32>)
        %ge3A_1993 = arith.cmpf oge, %masked_sort3A_1903, %masked_sort3A_1949 : vector<16xf32>
        %select_n3A_1994 = arith.select %ge3A_1993, %masked_sort3A_1903, %masked_sort3A_1949 : vector<16xi1>, vector<16xf32>
        %select_n3A_1995 = arith.select %ge3A_1993, %masked_sort3A_1904, %masked_sort3A_1950 : vector<16xi1>, vector<16xi32>
        %ge3A_1996 = arith.cmpf oge, %masked_sort3A_1899, %select_n3A_1994 : vector<16xf32>
        %select_n3A_1997 = arith.select %ge3A_1996, %masked_sort3A_1899, %select_n3A_1994 : vector<16xi1>, vector<16xf32>
        %select_n3A_1998 = arith.select %ge3A_1996, %masked_sort3A_1900, %select_n3A_1995 : vector<16xi1>, vector<16xi32>
        %select_n3A_1999 = arith.select %ge3A_1996, %select_n3A_1994, %masked_sort3A_1899 : vector<16xi1>, vector<16xf32>
        %select_n3A_2000 = arith.select %ge3A_1996, %select_n3A_1995, %masked_sort3A_1900 : vector<16xi1>, vector<16xi32>
        %masked_sort3A_2001 = arith.constant dense<true> : vector<16xi1>
        %masked_sort3A_2002, %masked_sort3A_2003, %masked_sort3A_2004 = tpu.sort %select_n3A_1997, %select_n3A_1998 masked %masked_sort3A_2001 {descending = true} : (vector<16xf32>, vector<16xi32>, vector<16xi1>) -> (vector<16xi1>, vector<16xf32>, vector<16xi32>)
        %masked_sort3A_2005 = arith.constant dense<true> : vector<16xi1>
        %masked_sort3A_2006, %masked_sort3A_2007, %masked_sort3A_2008 = tpu.sort %select_n3A_1999, %select_n3A_2000 masked %masked_sort3A_2005 {descending = true} : (vector<16xf32>, vector<16xi32>, vector<16xi1>) -> (vector<16xi1>, vector<16xf32>, vector<16xi32>)
        %ge3A_2009 = arith.cmpf oge, %masked_sort3A_1919, %masked_sort3A_1959 : vector<16xf32>
        %select_n3A_2010 = arith.select %ge3A_2009, %masked_sort3A_1919, %masked_sort3A_1959 : vector<16xi1>, vector<16xf32>
        %select_n3A_2011 = arith.select %ge3A_2009, %masked_sort3A_1920, %masked_sort3A_1960 : vector<16xi1>, vector<16xi32>
        %ge3A_2012 = arith.cmpf oge, %masked_sort3A_1915, %select_n3A_2010 : vector<16xf32>
        %select_n3A_2013 = arith.select %ge3A_2012, %masked_sort3A_1915, %select_n3A_2010 : vector<16xi1>, vector<16xf32>
        %select_n3A_2014 = arith.select %ge3A_2012, %masked_sort3A_1916, %select_n3A_2011 : vector<16xi1>, vector<16xi32>
        %select_n3A_2015 = arith.select %ge3A_2012, %select_n3A_2010, %masked_sort3A_1915 : vector<16xi1>, vector<16xf32>
        %select_n3A_2016 = arith.select %ge3A_2012, %select_n3A_2011, %masked_sort3A_1916 : vector<16xi1>, vector<16xi32>
        %masked_sort3A_2017 = arith.constant dense<true> : vector<16xi1>
        %masked_sort3A_2018, %masked_sort3A_2019, %masked_sort3A_2020 = tpu.sort %select_n3A_2013, %select_n3A_2014 masked %masked_sort3A_2017 {descending = true} : (vector<16xf32>, vector<16xi32>, vector<16xi1>) -> (vector<16xi1>, vector<16xf32>, vector<16xi32>)
        %masked_sort3A_2021 = arith.constant dense<true> : vector<16xi1>
        %masked_sort3A_2022, %masked_sort3A_2023, %masked_sort3A_2024 = tpu.sort %select_n3A_2015, %select_n3A_2016 masked %masked_sort3A_2021 {descending = true} : (vector<16xf32>, vector<16xi32>, vector<16xi1>) -> (vector<16xi1>, vector<16xf32>, vector<16xi32>)
        %get3A_2025 = arith.index_cast %add3A_24 : i32 to index
        %get3A_2026 = arith.constant 320 : index
        %get3A_2027 = tpu.vector_load %arg5[%get3A_2025, %get3A_2026] {strides = array<i32>} : memref<64x512xf32, #tpu.memory_space<vmem>>, vector<16xf32>,
        %add3A_2028 = arith.constant 320 : i32
        %add3A_2029 = vector.broadcast %add3A_2028 : i32 to vector<16xi32>
        %add3A_2030 = arith.addi %iota3A, %add3A_2029 : vector<16xi32>
        %masked_sort3A_2031 = arith.constant dense<true> : vector<16xi1>
        %masked_sort3A_2032, %masked_sort3A_2033, %masked_sort3A_2034 = tpu.sort %get3A_2027, %add3A_2030 masked %masked_sort3A_2031 : (vector<16xf32>, vector<16xi32>, vector<16xi1>) -> (vector<16xi1>, vector<16xf32>, vector<16xi32>)
        %get3A_2035 = arith.index_cast %add3A_28 : i32 to index
        %get3A_2036 = arith.constant 320 : index
        %get3A_2037 = tpu.vector_load %arg5[%get3A_2035, %get3A_2036] {strides = array<i32>} : memref<64x512xf32, #tpu.memory_space<vmem>>, vector<16xf32>,
        %add3A_2038 = arith.constant 320 : i32
        %add3A_2039 = vector.broadcast %add3A_2038 : i32 to vector<16xi32>
        %add3A_2040 = arith.addi %iota3A, %add3A_2039 : vector<16xi32>
        %masked_sort3A_2041 = arith.constant dense<true> : vector<16xi1>
        %masked_sort3A_2042, %masked_sort3A_2043, %masked_sort3A_2044 = tpu.sort %get3A_2037, %add3A_2040 masked %masked_sort3A_2041 : (vector<16xf32>, vector<16xi32>, vector<16xi1>) -> (vector<16xi1>, vector<16xf32>, vector<16xi32>)
        %get3A_2045 = arith.index_cast %add3A_32 : i32 to index
        %get3A_2046 = arith.constant 320 : index
        %get3A_2047 = tpu.vector_load %arg5[%get3A_2045, %get3A_2046] {strides = array<i32>} : memref<64x512xf32, #tpu.memory_space<vmem>>, vector<16xf32>,
        %add3A_2048 = arith.constant 320 : i32
        %add3A_2049 = vector.broadcast %add3A_2048 : i32 to vector<16xi32>
        %add3A_2050 = arith.addi %iota3A, %add3A_2049 : vector<16xi32>
        %masked_sort3A_2051 = arith.constant dense<true> : vector<16xi1>
        %masked_sort3A_2052, %masked_sort3A_2053, %masked_sort3A_2054 = tpu.sort %get3A_2047, %add3A_2050 masked %masked_sort3A_2051 : (vector<16xf32>, vector<16xi32>, vector<16xi1>) -> (vector<16xi1>, vector<16xf32>, vector<16xi32>)
        %get3A_2055 = arith.index_cast %add3A_36 : i32 to index
        %get3A_2056 = arith.constant 320 : index
        %get3A_2057 = tpu.vector_load %arg5[%get3A_2055, %get3A_2056] {strides = array<i32>} : memref<64x512xf32, #tpu.memory_space<vmem>>, vector<16xf32>,
        %add3A_2058 = arith.constant 320 : i32
        %add3A_2059 = vector.broadcast %add3A_2058 : i32 to vector<16xi32>
        %add3A_2060 = arith.addi %iota3A, %add3A_2059 : vector<16xi32>
        %masked_sort3A_2061 = arith.constant dense<true> : vector<16xi1>
        %masked_sort3A_2062, %masked_sort3A_2063, %masked_sort3A_2064 = tpu.sort %get3A_2057, %add3A_2060 masked %masked_sort3A_2061 : (vector<16xf32>, vector<16xi32>, vector<16xi1>) -> (vector<16xi1>, vector<16xf32>, vector<16xi32>)
        %ge3A_2065 = arith.cmpf oge, %masked_sort3A_1975, %masked_sort3A_2033 : vector<16xf32>
        %select_n3A_2066 = arith.select %ge3A_2065, %masked_sort3A_1975, %masked_sort3A_2033 : vector<16xi1>, vector<16xf32>
        %select_n3A_2067 = arith.select %ge3A_2065, %masked_sort3A_1976, %masked_sort3A_2034 : vector<16xi1>, vector<16xi32>
        %ge3A_2068 = arith.cmpf oge, %masked_sort3A_1971, %select_n3A_2066 : vector<16xf32>
        %select_n3A_2069 = arith.select %ge3A_2068, %masked_sort3A_1971, %select_n3A_2066 : vector<16xi1>, vector<16xf32>
        %select_n3A_2070 = arith.select %ge3A_2068, %masked_sort3A_1972, %select_n3A_2067 : vector<16xi1>, vector<16xi32>
        %select_n3A_2071 = arith.select %ge3A_2068, %select_n3A_2066, %masked_sort3A_1971 : vector<16xi1>, vector<16xf32>
        %select_n3A_2072 = arith.select %ge3A_2068, %select_n3A_2067, %masked_sort3A_1972 : vector<16xi1>, vector<16xi32>
        %masked_sort3A_2073 = arith.constant dense<true> : vector<16xi1>
        %masked_sort3A_2074, %masked_sort3A_2075, %masked_sort3A_2076 = tpu.sort %select_n3A_2069, %select_n3A_2070 masked %masked_sort3A_2073 {descending = true} : (vector<16xf32>, vector<16xi32>, vector<16xi1>) -> (vector<16xi1>, vector<16xf32>, vector<16xi32>)
        %masked_sort3A_2077 = arith.constant dense<true> : vector<16xi1>
        %masked_sort3A_2078, %masked_sort3A_2079, %masked_sort3A_2080 = tpu.sort %select_n3A_2071, %select_n3A_2072 masked %masked_sort3A_2077 {descending = true} : (vector<16xf32>, vector<16xi32>, vector<16xi1>) -> (vector<16xi1>, vector<16xf32>, vector<16xi32>)
        %ge3A_2081 = arith.cmpf oge, %masked_sort3A_1991, %masked_sort3A_2043 : vector<16xf32>
        %select_n3A_2082 = arith.select %ge3A_2081, %masked_sort3A_1991, %masked_sort3A_2043 : vector<16xi1>, vector<16xf32>
        %select_n3A_2083 = arith.select %ge3A_2081, %masked_sort3A_1992, %masked_sort3A_2044 : vector<16xi1>, vector<16xi32>
        %ge3A_2084 = arith.cmpf oge, %masked_sort3A_1987, %select_n3A_2082 : vector<16xf32>
        %select_n3A_2085 = arith.select %ge3A_2084, %masked_sort3A_1987, %select_n3A_2082 : vector<16xi1>, vector<16xf32>
        %select_n3A_2086 = arith.select %ge3A_2084, %masked_sort3A_1988, %select_n3A_2083 : vector<16xi1>, vector<16xi32>
        %select_n3A_2087 = arith.select %ge3A_2084, %select_n3A_2082, %masked_sort3A_1987 : vector<16xi1>, vector<16xf32>
        %select_n3A_2088 = arith.select %ge3A_2084, %select_n3A_2083, %masked_sort3A_1988 : vector<16xi1>, vector<16xi32>
        %masked_sort3A_2089 = arith.constant dense<true> : vector<16xi1>
        %masked_sort3A_2090, %masked_sort3A_2091, %masked_sort3A_2092 = tpu.sort %select_n3A_2085, %select_n3A_2086 masked %masked_sort3A_2089 {descending = true} : (vector<16xf32>, vector<16xi32>, vector<16xi1>) -> (vector<16xi1>, vector<16xf32>, vector<16xi32>)
        %masked_sort3A_2093 = arith.constant dense<true> : vector<16xi1>
        %masked_sort3A_2094, %masked_sort3A_2095, %masked_sort3A_2096 = tpu.sort %select_n3A_2087, %select_n3A_2088 masked %masked_sort3A_2093 {descending = true} : (vector<16xf32>, vector<16xi32>, vector<16xi1>) -> (vector<16xi1>, vector<16xf32>, vector<16xi32>)
        %ge3A_2097 = arith.cmpf oge, %masked_sort3A_2007, %masked_sort3A_2053 : vector<16xf32>
        %select_n3A_2098 = arith.select %ge3A_2097, %masked_sort3A_2007, %masked_sort3A_2053 : vector<16xi1>, vector<16xf32>
        %select_n3A_2099 = arith.select %ge3A_2097, %masked_sort3A_2008, %masked_sort3A_2054 : vector<16xi1>, vector<16xi32>
        %ge3A_2100 = arith.cmpf oge, %masked_sort3A_2003, %select_n3A_2098 : vector<16xf32>
        %select_n3A_2101 = arith.select %ge3A_2100, %masked_sort3A_2003, %select_n3A_2098 : vector<16xi1>, vector<16xf32>
        %select_n3A_2102 = arith.select %ge3A_2100, %masked_sort3A_2004, %select_n3A_2099 : vector<16xi1>, vector<16xi32>
        %select_n3A_2103 = arith.select %ge3A_2100, %select_n3A_2098, %masked_sort3A_2003 : vector<16xi1>, vector<16xf32>
        %select_n3A_2104 = arith.select %ge3A_2100, %select_n3A_2099, %masked_sort3A_2004 : vector<16xi1>, vector<16xi32>
        %masked_sort3A_2105 = arith.constant dense<true> : vector<16xi1>
        %masked_sort3A_2106, %masked_sort3A_2107, %masked_sort3A_2108 = tpu.sort %select_n3A_2101, %select_n3A_2102 masked %masked_sort3A_2105 {descending = true} : (vector<16xf32>, vector<16xi32>, vector<16xi1>) -> (vector<16xi1>, vector<16xf32>, vector<16xi32>)
        %masked_sort3A_2109 = arith.constant dense<true> : vector<16xi1>
        %masked_sort3A_2110, %masked_sort3A_2111, %masked_sort3A_2112 = tpu.sort %select_n3A_2103, %select_n3A_2104 masked %masked_sort3A_2109 {descending = true} : (vector<16xf32>, vector<16xi32>, vector<16xi1>) -> (vector<16xi1>, vector<16xf32>, vector<16xi32>)
        %ge3A_2113 = arith.cmpf oge, %masked_sort3A_2023, %masked_sort3A_2063 : vector<16xf32>
        %select_n3A_2114 = arith.select %ge3A_2113, %masked_sort3A_2023, %masked_sort3A_2063 : vector<16xi1>, vector<16xf32>
        %select_n3A_2115 = arith.select %ge3A_2113, %masked_sort3A_2024, %masked_sort3A_2064 : vector<16xi1>, vector<16xi32>
        %ge3A_2116 = arith.cmpf oge, %masked_sort3A_2019, %select_n3A_2114 : vector<16xf32>
        %select_n3A_2117 = arith.select %ge3A_2116, %masked_sort3A_2019, %select_n3A_2114 : vector<16xi1>, vector<16xf32>
        %select_n3A_2118 = arith.select %ge3A_2116, %masked_sort3A_2020, %select_n3A_2115 : vector<16xi1>, vector<16xi32>
        %select_n3A_2119 = arith.select %ge3A_2116, %select_n3A_2114, %masked_sort3A_2019 : vector<16xi1>, vector<16xf32>
        %select_n3A_2120 = arith.select %ge3A_2116, %select_n3A_2115, %masked_sort3A_2020 : vector<16xi1>, vector<16xi32>
        %masked_sort3A_2121 = arith.constant dense<true> : vector<16xi1>
        %masked_sort3A_2122, %masked_sort3A_2123, %masked_sort3A_2124 = tpu.sort %select_n3A_2117, %select_n3A_2118 masked %masked_sort3A_2121 {descending = true} : (vector<16xf32>, vector<16xi32>, vector<16xi1>) -> (vector<16xi1>, vector<16xf32>, vector<16xi32>)
        %masked_sort3A_2125 = arith.constant dense<true> : vector<16xi1>
        %masked_sort3A_2126, %masked_sort3A_2127, %masked_sort3A_2128 = tpu.sort %select_n3A_2119, %select_n3A_2120 masked %masked_sort3A_2125 {descending = true} : (vector<16xf32>, vector<16xi32>, vector<16xi1>) -> (vector<16xi1>, vector<16xf32>, vector<16xi32>)
        %get3A_2129 = arith.index_cast %add3A_24 : i32 to index
        %get3A_2130 = arith.constant 336 : index
        %get3A_2131 = tpu.vector_load %arg5[%get3A_2129, %get3A_2130] {strides = array<i32>} : memref<64x512xf32, #tpu.memory_space<vmem>>, vector<16xf32>,
        %add3A_2132 = arith.constant 336 : i32
        %add3A_2133 = vector.broadcast %add3A_2132 : i32 to vector<16xi32>
        %add3A_2134 = arith.addi %iota3A, %add3A_2133 : vector<16xi32>
        %masked_sort3A_2135 = arith.constant dense<true> : vector<16xi1>
        %masked_sort3A_2136, %masked_sort3A_2137, %masked_sort3A_2138 = tpu.sort %get3A_2131, %add3A_2134 masked %masked_sort3A_2135 : (vector<16xf32>, vector<16xi32>, vector<16xi1>) -> (vector<16xi1>, vector<16xf32>, vector<16xi32>)
        %get3A_2139 = arith.index_cast %add3A_28 : i32 to index
        %get3A_2140 = arith.constant 336 : index
        %get3A_2141 = tpu.vector_load %arg5[%get3A_2139, %get3A_2140] {strides = array<i32>} : memref<64x512xf32, #tpu.memory_space<vmem>>, vector<16xf32>,
        %add3A_2142 = arith.constant 336 : i32
        %add3A_2143 = vector.broadcast %add3A_2142 : i32 to vector<16xi32>
        %add3A_2144 = arith.addi %iota3A, %add3A_2143 : vector<16xi32>
        %masked_sort3A_2145 = arith.constant dense<true> : vector<16xi1>
        %masked_sort3A_2146, %masked_sort3A_2147, %masked_sort3A_2148 = tpu.sort %get3A_2141, %add3A_2144 masked %masked_sort3A_2145 : (vector<16xf32>, vector<16xi32>, vector<16xi1>) -> (vector<16xi1>, vector<16xf32>, vector<16xi32>)
        %get3A_2149 = arith.index_cast %add3A_32 : i32 to index
        %get3A_2150 = arith.constant 336 : index
        %get3A_2151 = tpu.vector_load %arg5[%get3A_2149, %get3A_2150] {strides = array<i32>} : memref<64x512xf32, #tpu.memory_space<vmem>>, vector<16xf32>,
        %add3A_2152 = arith.constant 336 : i32
        %add3A_2153 = vector.broadcast %add3A_2152 : i32 to vector<16xi32>
        %add3A_2154 = arith.addi %iota3A, %add3A_2153 : vector<16xi32>
        %masked_sort3A_2155 = arith.constant dense<true> : vector<16xi1>
        %masked_sort3A_2156, %masked_sort3A_2157, %masked_sort3A_2158 = tpu.sort %get3A_2151, %add3A_2154 masked %masked_sort3A_2155 : (vector<16xf32>, vector<16xi32>, vector<16xi1>) -> (vector<16xi1>, vector<16xf32>, vector<16xi32>)
        %get3A_2159 = arith.index_cast %add3A_36 : i32 to index
        %get3A_2160 = arith.constant 336 : index
        %get3A_2161 = tpu.vector_load %arg5[%get3A_2159, %get3A_2160] {strides = array<i32>} : memref<64x512xf32, #tpu.memory_space<vmem>>, vector<16xf32>,
        %add3A_2162 = arith.constant 336 : i32
        %add3A_2163 = vector.broadcast %add3A_2162 : i32 to vector<16xi32>
        %add3A_2164 = arith.addi %iota3A, %add3A_2163 : vector<16xi32>
        %masked_sort3A_2165 = arith.constant dense<true> : vector<16xi1>
        %masked_sort3A_2166, %masked_sort3A_2167, %masked_sort3A_2168 = tpu.sort %get3A_2161, %add3A_2164 masked %masked_sort3A_2165 : (vector<16xf32>, vector<16xi32>, vector<16xi1>) -> (vector<16xi1>, vector<16xf32>, vector<16xi32>)
        %ge3A_2169 = arith.cmpf oge, %masked_sort3A_2079, %masked_sort3A_2137 : vector<16xf32>
        %select_n3A_2170 = arith.select %ge3A_2169, %masked_sort3A_2079, %masked_sort3A_2137 : vector<16xi1>, vector<16xf32>
        %select_n3A_2171 = arith.select %ge3A_2169, %masked_sort3A_2080, %masked_sort3A_2138 : vector<16xi1>, vector<16xi32>
        %ge3A_2172 = arith.cmpf oge, %masked_sort3A_2075, %select_n3A_2170 : vector<16xf32>
        %select_n3A_2173 = arith.select %ge3A_2172, %masked_sort3A_2075, %select_n3A_2170 : vector<16xi1>, vector<16xf32>
        %select_n3A_2174 = arith.select %ge3A_2172, %masked_sort3A_2076, %select_n3A_2171 : vector<16xi1>, vector<16xi32>
        %select_n3A_2175 = arith.select %ge3A_2172, %select_n3A_2170, %masked_sort3A_2075 : vector<16xi1>, vector<16xf32>
        %select_n3A_2176 = arith.select %ge3A_2172, %select_n3A_2171, %masked_sort3A_2076 : vector<16xi1>, vector<16xi32>
        %masked_sort3A_2177 = arith.constant dense<true> : vector<16xi1>
        %masked_sort3A_2178, %masked_sort3A_2179, %masked_sort3A_2180 = tpu.sort %select_n3A_2173, %select_n3A_2174 masked %masked_sort3A_2177 {descending = true} : (vector<16xf32>, vector<16xi32>, vector<16xi1>) -> (vector<16xi1>, vector<16xf32>, vector<16xi32>)
        %masked_sort3A_2181 = arith.constant dense<true> : vector<16xi1>
        %masked_sort3A_2182, %masked_sort3A_2183, %masked_sort3A_2184 = tpu.sort %select_n3A_2175, %select_n3A_2176 masked %masked_sort3A_2181 {descending = true} : (vector<16xf32>, vector<16xi32>, vector<16xi1>) -> (vector<16xi1>, vector<16xf32>, vector<16xi32>)
        %ge3A_2185 = arith.cmpf oge, %masked_sort3A_2095, %masked_sort3A_2147 : vector<16xf32>
        %select_n3A_2186 = arith.select %ge3A_2185, %masked_sort3A_2095, %masked_sort3A_2147 : vector<16xi1>, vector<16xf32>
        %select_n3A_2187 = arith.select %ge3A_2185, %masked_sort3A_2096, %masked_sort3A_2148 : vector<16xi1>, vector<16xi32>
        %ge3A_2188 = arith.cmpf oge, %masked_sort3A_2091, %select_n3A_2186 : vector<16xf32>
        %select_n3A_2189 = arith.select %ge3A_2188, %masked_sort3A_2091, %select_n3A_2186 : vector<16xi1>, vector<16xf32>
        %select_n3A_2190 = arith.select %ge3A_2188, %masked_sort3A_2092, %select_n3A_2187 : vector<16xi1>, vector<16xi32>
        %select_n3A_2191 = arith.select %ge3A_2188, %select_n3A_2186, %masked_sort3A_2091 : vector<16xi1>, vector<16xf32>
        %select_n3A_2192 = arith.select %ge3A_2188, %select_n3A_2187, %masked_sort3A_2092 : vector<16xi1>, vector<16xi32>
        %masked_sort3A_2193 = arith.constant dense<true> : vector<16xi1>
        %masked_sort3A_2194, %masked_sort3A_2195, %masked_sort3A_2196 = tpu.sort %select_n3A_2189, %select_n3A_2190 masked %masked_sort3A_2193 {descending = true} : (vector<16xf32>, vector<16xi32>, vector<16xi1>) -> (vector<16xi1>, vector<16xf32>, vector<16xi32>)
        %masked_sort3A_2197 = arith.constant dense<true> : vector<16xi1>
        %masked_sort3A_2198, %masked_sort3A_2199, %masked_sort3A_2200 = tpu.sort %select_n3A_2191, %select_n3A_2192 masked %masked_sort3A_2197 {descending = true} : (vector<16xf32>, vector<16xi32>, vector<16xi1>) -> (vector<16xi1>, vector<16xf32>, vector<16xi32>)
        %ge3A_2201 = arith.cmpf oge, %masked_sort3A_2111, %masked_sort3A_2157 : vector<16xf32>
        %select_n3A_2202 = arith.select %ge3A_2201, %masked_sort3A_2111, %masked_sort3A_2157 : vector<16xi1>, vector<16xf32>
        %select_n3A_2203 = arith.select %ge3A_2201, %masked_sort3A_2112, %masked_sort3A_2158 : vector<16xi1>, vector<16xi32>
        %ge3A_2204 = arith.cmpf oge, %masked_sort3A_2107, %select_n3A_2202 : vector<16xf32>
        %select_n3A_2205 = arith.select %ge3A_2204, %masked_sort3A_2107, %select_n3A_2202 : vector<16xi1>, vector<16xf32>
        %select_n3A_2206 = arith.select %ge3A_2204, %masked_sort3A_2108, %select_n3A_2203 : vector<16xi1>, vector<16xi32>
        %select_n3A_2207 = arith.select %ge3A_2204, %select_n3A_2202, %masked_sort3A_2107 : vector<16xi1>, vector<16xf32>
        %select_n3A_2208 = arith.select %ge3A_2204, %select_n3A_2203, %masked_sort3A_2108 : vector<16xi1>, vector<16xi32>
        %masked_sort3A_2209 = arith.constant dense<true> : vector<16xi1>
        %masked_sort3A_2210, %masked_sort3A_2211, %masked_sort3A_2212 = tpu.sort %select_n3A_2205, %select_n3A_2206 masked %masked_sort3A_2209 {descending = true} : (vector<16xf32>, vector<16xi32>, vector<16xi1>) -> (vector<16xi1>, vector<16xf32>, vector<16xi32>)
        %masked_sort3A_2213 = arith.constant dense<true> : vector<16xi1>
        %masked_sort3A_2214, %masked_sort3A_2215, %masked_sort3A_2216 = tpu.sort %select_n3A_2207, %select_n3A_2208 masked %masked_sort3A_2213 {descending = true} : (vector<16xf32>, vector<16xi32>, vector<16xi1>) -> (vector<16xi1>, vector<16xf32>, vector<16xi32>)
        %ge3A_2217 = arith.cmpf oge, %masked_sort3A_2127, %masked_sort3A_2167 : vector<16xf32>
        %select_n3A_2218 = arith.select %ge3A_2217, %masked_sort3A_2127, %masked_sort3A_2167 : vector<16xi1>, vector<16xf32>
        %select_n3A_2219 = arith.select %ge3A_2217, %masked_sort3A_2128, %masked_sort3A_2168 : vector<16xi1>, vector<16xi32>
        %ge3A_2220 = arith.cmpf oge, %masked_sort3A_2123, %select_n3A_2218 : vector<16xf32>
        %select_n3A_2221 = arith.select %ge3A_2220, %masked_sort3A_2123, %select_n3A_2218 : vector<16xi1>, vector<16xf32>
        %select_n3A_2222 = arith.select %ge3A_2220, %masked_sort3A_2124, %select_n3A_2219 : vector<16xi1>, vector<16xi32>
        %select_n3A_2223 = arith.select %ge3A_2220, %select_n3A_2218, %masked_sort3A_2123 : vector<16xi1>, vector<16xf32>
        %select_n3A_2224 = arith.select %ge3A_2220, %select_n3A_2219, %masked_sort3A_2124 : vector<16xi1>, vector<16xi32>
        %masked_sort3A_2225 = arith.constant dense<true> : vector<16xi1>
        %masked_sort3A_2226, %masked_sort3A_2227, %masked_sort3A_2228 = tpu.sort %select_n3A_2221, %select_n3A_2222 masked %masked_sort3A_2225 {descending = true} : (vector<16xf32>, vector<16xi32>, vector<16xi1>) -> (vector<16xi1>, vector<16xf32>, vector<16xi32>)
        %masked_sort3A_2229 = arith.constant dense<true> : vector<16xi1>
        %masked_sort3A_2230, %masked_sort3A_2231, %masked_sort3A_2232 = tpu.sort %select_n3A_2223, %select_n3A_2224 masked %masked_sort3A_2229 {descending = true} : (vector<16xf32>, vector<16xi32>, vector<16xi1>) -> (vector<16xi1>, vector<16xf32>, vector<16xi32>)
        %get3A_2233 = arith.index_cast %add3A_24 : i32 to index
        %get3A_2234 = arith.constant 352 : index
        %get3A_2235 = tpu.vector_load %arg5[%get3A_2233, %get3A_2234] {strides = array<i32>} : memref<64x512xf32, #tpu.memory_space<vmem>>, vector<16xf32>,
        %add3A_2236 = arith.constant 352 : i32
        %add3A_2237 = vector.broadcast %add3A_2236 : i32 to vector<16xi32>
        %add3A_2238 = arith.addi %iota3A, %add3A_2237 : vector<16xi32>
        %masked_sort3A_2239 = arith.constant dense<true> : vector<16xi1>
        %masked_sort3A_2240, %masked_sort3A_2241, %masked_sort3A_2242 = tpu.sort %get3A_2235, %add3A_2238 masked %masked_sort3A_2239 : (vector<16xf32>, vector<16xi32>, vector<16xi1>) -> (vector<16xi1>, vector<16xf32>, vector<16xi32>)
        %get3A_2243 = arith.index_cast %add3A_28 : i32 to index
        %get3A_2244 = arith.constant 352 : index
        %get3A_2245 = tpu.vector_load %arg5[%get3A_2243, %get3A_2244] {strides = array<i32>} : memref<64x512xf32, #tpu.memory_space<vmem>>, vector<16xf32>,
        %add3A_2246 = arith.constant 352 : i32
        %add3A_2247 = vector.broadcast %add3A_2246 : i32 to vector<16xi32>
        %add3A_2248 = arith.addi %iota3A, %add3A_2247 : vector<16xi32>
        %masked_sort3A_2249 = arith.constant dense<true> : vector<16xi1>
        %masked_sort3A_2250, %masked_sort3A_2251, %masked_sort3A_2252 = tpu.sort %get3A_2245, %add3A_2248 masked %masked_sort3A_2249 : (vector<16xf32>, vector<16xi32>, vector<16xi1>) -> (vector<16xi1>, vector<16xf32>, vector<16xi32>)
        %get3A_2253 = arith.index_cast %add3A_32 : i32 to index
        %get3A_2254 = arith.constant 352 : index
        %get3A_2255 = tpu.vector_load %arg5[%get3A_2253, %get3A_2254] {strides = array<i32>} : memref<64x512xf32, #tpu.memory_space<vmem>>, vector<16xf32>,
        %add3A_2256 = arith.constant 352 : i32
        %add3A_2257 = vector.broadcast %add3A_2256 : i32 to vector<16xi32>
        %add3A_2258 = arith.addi %iota3A, %add3A_2257 : vector<16xi32>
        %masked_sort3A_2259 = arith.constant dense<true> : vector<16xi1>
        %masked_sort3A_2260, %masked_sort3A_2261, %masked_sort3A_2262 = tpu.sort %get3A_2255, %add3A_2258 masked %masked_sort3A_2259 : (vector<16xf32>, vector<16xi32>, vector<16xi1>) -> (vector<16xi1>, vector<16xf32>, vector<16xi32>)
        %get3A_2263 = arith.index_cast %add3A_36 : i32 to index
        %get3A_2264 = arith.constant 352 : index
        %get3A_2265 = tpu.vector_load %arg5[%get3A_2263, %get3A_2264] {strides = array<i32>} : memref<64x512xf32, #tpu.memory_space<vmem>>, vector<16xf32>,
        %add3A_2266 = arith.constant 352 : i32
        %add3A_2267 = vector.broadcast %add3A_2266 : i32 to vector<16xi32>
        %add3A_2268 = arith.addi %iota3A, %add3A_2267 : vector<16xi32>
        %masked_sort3A_2269 = arith.constant dense<true> : vector<16xi1>
        %masked_sort3A_2270, %masked_sort3A_2271, %masked_sort3A_2272 = tpu.sort %get3A_2265, %add3A_2268 masked %masked_sort3A_2269 : (vector<16xf32>, vector<16xi32>, vector<16xi1>) -> (vector<16xi1>, vector<16xf32>, vector<16xi32>)
        %ge3A_2273 = arith.cmpf oge, %masked_sort3A_2183, %masked_sort3A_2241 : vector<16xf32>
        %select_n3A_2274 = arith.select %ge3A_2273, %masked_sort3A_2183, %masked_sort3A_2241 : vector<16xi1>, vector<16xf32>
        %select_n3A_2275 = arith.select %ge3A_2273, %masked_sort3A_2184, %masked_sort3A_2242 : vector<16xi1>, vector<16xi32>
        %ge3A_2276 = arith.cmpf oge, %masked_sort3A_2179, %select_n3A_2274 : vector<16xf32>
        %select_n3A_2277 = arith.select %ge3A_2276, %masked_sort3A_2179, %select_n3A_2274 : vector<16xi1>, vector<16xf32>
        %select_n3A_2278 = arith.select %ge3A_2276, %masked_sort3A_2180, %select_n3A_2275 : vector<16xi1>, vector<16xi32>
        %select_n3A_2279 = arith.select %ge3A_2276, %select_n3A_2274, %masked_sort3A_2179 : vector<16xi1>, vector<16xf32>
        %select_n3A_2280 = arith.select %ge3A_2276, %select_n3A_2275, %masked_sort3A_2180 : vector<16xi1>, vector<16xi32>
        %masked_sort3A_2281 = arith.constant dense<true> : vector<16xi1>
        %masked_sort3A_2282, %masked_sort3A_2283, %masked_sort3A_2284 = tpu.sort %select_n3A_2277, %select_n3A_2278 masked %masked_sort3A_2281 {descending = true} : (vector<16xf32>, vector<16xi32>, vector<16xi1>) -> (vector<16xi1>, vector<16xf32>, vector<16xi32>)
        %masked_sort3A_2285 = arith.constant dense<true> : vector<16xi1>
        %masked_sort3A_2286, %masked_sort3A_2287, %masked_sort3A_2288 = tpu.sort %select_n3A_2279, %select_n3A_2280 masked %masked_sort3A_2285 {descending = true} : (vector<16xf32>, vector<16xi32>, vector<16xi1>) -> (vector<16xi1>, vector<16xf32>, vector<16xi32>)
        %ge3A_2289 = arith.cmpf oge, %masked_sort3A_2199, %masked_sort3A_2251 : vector<16xf32>
        %select_n3A_2290 = arith.select %ge3A_2289, %masked_sort3A_2199, %masked_sort3A_2251 : vector<16xi1>, vector<16xf32>
        %select_n3A_2291 = arith.select %ge3A_2289, %masked_sort3A_2200, %masked_sort3A_2252 : vector<16xi1>, vector<16xi32>
        %ge3A_2292 = arith.cmpf oge, %masked_sort3A_2195, %select_n3A_2290 : vector<16xf32>
        %select_n3A_2293 = arith.select %ge3A_2292, %masked_sort3A_2195, %select_n3A_2290 : vector<16xi1>, vector<16xf32>
        %select_n3A_2294 = arith.select %ge3A_2292, %masked_sort3A_2196, %select_n3A_2291 : vector<16xi1>, vector<16xi32>
        %select_n3A_2295 = arith.select %ge3A_2292, %select_n3A_2290, %masked_sort3A_2195 : vector<16xi1>, vector<16xf32>
        %select_n3A_2296 = arith.select %ge3A_2292, %select_n3A_2291, %masked_sort3A_2196 : vector<16xi1>, vector<16xi32>
        %masked_sort3A_2297 = arith.constant dense<true> : vector<16xi1>
        %masked_sort3A_2298, %masked_sort3A_2299, %masked_sort3A_2300 = tpu.sort %select_n3A_2293, %select_n3A_2294 masked %masked_sort3A_2297 {descending = true} : (vector<16xf32>, vector<16xi32>, vector<16xi1>) -> (vector<16xi1>, vector<16xf32>, vector<16xi32>)
        %masked_sort3A_2301 = arith.constant dense<true> : vector<16xi1>
        %masked_sort3A_2302, %masked_sort3A_2303, %masked_sort3A_2304 = tpu.sort %select_n3A_2295, %select_n3A_2296 masked %masked_sort3A_2301 {descending = true} : (vector<16xf32>, vector<16xi32>, vector<16xi1>) -> (vector<16xi1>, vector<16xf32>, vector<16xi32>)
        %ge3A_2305 = arith.cmpf oge, %masked_sort3A_2215, %masked_sort3A_2261 : vector<16xf32>
        %select_n3A_2306 = arith.select %ge3A_2305, %masked_sort3A_2215, %masked_sort3A_2261 : vector<16xi1>, vector<16xf32>
        %select_n3A_2307 = arith.select %ge3A_2305, %masked_sort3A_2216, %masked_sort3A_2262 : vector<16xi1>, vector<16xi32>
        %ge3A_2308 = arith.cmpf oge, %masked_sort3A_2211, %select_n3A_2306 : vector<16xf32>
        %select_n3A_2309 = arith.select %ge3A_2308, %masked_sort3A_2211, %select_n3A_2306 : vector<16xi1>, vector<16xf32>
        %select_n3A_2310 = arith.select %ge3A_2308, %masked_sort3A_2212, %select_n3A_2307 : vector<16xi1>, vector<16xi32>
        %select_n3A_2311 = arith.select %ge3A_2308, %select_n3A_2306, %masked_sort3A_2211 : vector<16xi1>, vector<16xf32>
        %select_n3A_2312 = arith.select %ge3A_2308, %select_n3A_2307, %masked_sort3A_2212 : vector<16xi1>, vector<16xi32>
        %masked_sort3A_2313 = arith.constant dense<true> : vector<16xi1>
        %masked_sort3A_2314, %masked_sort3A_2315, %masked_sort3A_2316 = tpu.sort %select_n3A_2309, %select_n3A_2310 masked %masked_sort3A_2313 {descending = true} : (vector<16xf32>, vector<16xi32>, vector<16xi1>) -> (vector<16xi1>, vector<16xf32>, vector<16xi32>)
        %masked_sort3A_2317 = arith.constant dense<true> : vector<16xi1>
        %masked_sort3A_2318, %masked_sort3A_2319, %masked_sort3A_2320 = tpu.sort %select_n3A_2311, %select_n3A_2312 masked %masked_sort3A_2317 {descending = true} : (vector<16xf32>, vector<16xi32>, vector<16xi1>) -> (vector<16xi1>, vector<16xf32>, vector<16xi32>)
        %ge3A_2321 = arith.cmpf oge, %masked_sort3A_2231, %masked_sort3A_2271 : vector<16xf32>
        %select_n3A_2322 = arith.select %ge3A_2321, %masked_sort3A_2231, %masked_sort3A_2271 : vector<16xi1>, vector<16xf32>
        %select_n3A_2323 = arith.select %ge3A_2321, %masked_sort3A_2232, %masked_sort3A_2272 : vector<16xi1>, vector<16xi32>
        %ge3A_2324 = arith.cmpf oge, %masked_sort3A_2227, %select_n3A_2322 : vector<16xf32>
        %select_n3A_2325 = arith.select %ge3A_2324, %masked_sort3A_2227, %select_n3A_2322 : vector<16xi1>, vector<16xf32>
        %select_n3A_2326 = arith.select %ge3A_2324, %masked_sort3A_2228, %select_n3A_2323 : vector<16xi1>, vector<16xi32>
        %select_n3A_2327 = arith.select %ge3A_2324, %select_n3A_2322, %masked_sort3A_2227 : vector<16xi1>, vector<16xf32>
        %select_n3A_2328 = arith.select %ge3A_2324, %select_n3A_2323, %masked_sort3A_2228 : vector<16xi1>, vector<16xi32>
        %masked_sort3A_2329 = arith.constant dense<true> : vector<16xi1>
        %masked_sort3A_2330, %masked_sort3A_2331, %masked_sort3A_2332 = tpu.sort %select_n3A_2325, %select_n3A_2326 masked %masked_sort3A_2329 {descending = true} : (vector<16xf32>, vector<16xi32>, vector<16xi1>) -> (vector<16xi1>, vector<16xf32>, vector<16xi32>)
        %masked_sort3A_2333 = arith.constant dense<true> : vector<16xi1>
        %masked_sort3A_2334, %masked_sort3A_2335, %masked_sort3A_2336 = tpu.sort %select_n3A_2327, %select_n3A_2328 masked %masked_sort3A_2333 {descending = true} : (vector<16xf32>, vector<16xi32>, vector<16xi1>) -> (vector<16xi1>, vector<16xf32>, vector<16xi32>)
        %get3A_2337 = arith.index_cast %add3A_24 : i32 to index
        %get3A_2338 = arith.constant 368 : index
        %get3A_2339 = tpu.vector_load %arg5[%get3A_2337, %get3A_2338] {strides = array<i32>} : memref<64x512xf32, #tpu.memory_space<vmem>>, vector<16xf32>,
        %add3A_2340 = arith.constant 368 : i32
        %add3A_2341 = vector.broadcast %add3A_2340 : i32 to vector<16xi32>
        %add3A_2342 = arith.addi %iota3A, %add3A_2341 : vector<16xi32>
        %masked_sort3A_2343 = arith.constant dense<true> : vector<16xi1>
        %masked_sort3A_2344, %masked_sort3A_2345, %masked_sort3A_2346 = tpu.sort %get3A_2339, %add3A_2342 masked %masked_sort3A_2343 : (vector<16xf32>, vector<16xi32>, vector<16xi1>) -> (vector<16xi1>, vector<16xf32>, vector<16xi32>)
        %get3A_2347 = arith.index_cast %add3A_28 : i32 to index
        %get3A_2348 = arith.constant 368 : index
        %get3A_2349 = tpu.vector_load %arg5[%get3A_2347, %get3A_2348] {strides = array<i32>} : memref<64x512xf32, #tpu.memory_space<vmem>>, vector<16xf32>,
        %add3A_2350 = arith.constant 368 : i32
        %add3A_2351 = vector.broadcast %add3A_2350 : i32 to vector<16xi32>
        %add3A_2352 = arith.addi %iota3A, %add3A_2351 : vector<16xi32>
        %masked_sort3A_2353 = arith.constant dense<true> : vector<16xi1>
        %masked_sort3A_2354, %masked_sort3A_2355, %masked_sort3A_2356 = tpu.sort %get3A_2349, %add3A_2352 masked %masked_sort3A_2353 : (vector<16xf32>, vector<16xi32>, vector<16xi1>) -> (vector<16xi1>, vector<16xf32>, vector<16xi32>)
        %get3A_2357 = arith.index_cast %add3A_32 : i32 to index
        %get3A_2358 = arith.constant 368 : index
        %get3A_2359 = tpu.vector_load %arg5[%get3A_2357, %get3A_2358] {strides = array<i32>} : memref<64x512xf32, #tpu.memory_space<vmem>>, vector<16xf32>,
        %add3A_2360 = arith.constant 368 : i32
        %add3A_2361 = vector.broadcast %add3A_2360 : i32 to vector<16xi32>
        %add3A_2362 = arith.addi %iota3A, %add3A_2361 : vector<16xi32>
        %masked_sort3A_2363 = arith.constant dense<true> : vector<16xi1>
        %masked_sort3A_2364, %masked_sort3A_2365, %masked_sort3A_2366 = tpu.sort %get3A_2359, %add3A_2362 masked %masked_sort3A_2363 : (vector<16xf32>, vector<16xi32>, vector<16xi1>) -> (vector<16xi1>, vector<16xf32>, vector<16xi32>)
        %get3A_2367 = arith.index_cast %add3A_36 : i32 to index
        %get3A_2368 = arith.constant 368 : index
        %get3A_2369 = tpu.vector_load %arg5[%get3A_2367, %get3A_2368] {strides = array<i32>} : memref<64x512xf32, #tpu.memory_space<vmem>>, vector<16xf32>,
        %add3A_2370 = arith.constant 368 : i32
        %add3A_2371 = vector.broadcast %add3A_2370 : i32 to vector<16xi32>
        %add3A_2372 = arith.addi %iota3A, %add3A_2371 : vector<16xi32>
        %masked_sort3A_2373 = arith.constant dense<true> : vector<16xi1>
        %masked_sort3A_2374, %masked_sort3A_2375, %masked_sort3A_2376 = tpu.sort %get3A_2369, %add3A_2372 masked %masked_sort3A_2373 : (vector<16xf32>, vector<16xi32>, vector<16xi1>) -> (vector<16xi1>, vector<16xf32>, vector<16xi32>)
        %ge3A_2377 = arith.cmpf oge, %masked_sort3A_2287, %masked_sort3A_2345 : vector<16xf32>
        %select_n3A_2378 = arith.select %ge3A_2377, %masked_sort3A_2287, %masked_sort3A_2345 : vector<16xi1>, vector<16xf32>
        %select_n3A_2379 = arith.select %ge3A_2377, %masked_sort3A_2288, %masked_sort3A_2346 : vector<16xi1>, vector<16xi32>
        %ge3A_2380 = arith.cmpf oge, %masked_sort3A_2283, %select_n3A_2378 : vector<16xf32>
        %select_n3A_2381 = arith.select %ge3A_2380, %masked_sort3A_2283, %select_n3A_2378 : vector<16xi1>, vector<16xf32>
        %select_n3A_2382 = arith.select %ge3A_2380, %masked_sort3A_2284, %select_n3A_2379 : vector<16xi1>, vector<16xi32>
        %select_n3A_2383 = arith.select %ge3A_2380, %select_n3A_2378, %masked_sort3A_2283 : vector<16xi1>, vector<16xf32>
        %select_n3A_2384 = arith.select %ge3A_2380, %select_n3A_2379, %masked_sort3A_2284 : vector<16xi1>, vector<16xi32>
        %masked_sort3A_2385 = arith.constant dense<true> : vector<16xi1>
        %masked_sort3A_2386, %masked_sort3A_2387, %masked_sort3A_2388 = tpu.sort %select_n3A_2381, %select_n3A_2382 masked %masked_sort3A_2385 {descending = true} : (vector<16xf32>, vector<16xi32>, vector<16xi1>) -> (vector<16xi1>, vector<16xf32>, vector<16xi32>)
        %masked_sort3A_2389 = arith.constant dense<true> : vector<16xi1>
        %masked_sort3A_2390, %masked_sort3A_2391, %masked_sort3A_2392 = tpu.sort %select_n3A_2383, %select_n3A_2384 masked %masked_sort3A_2389 {descending = true} : (vector<16xf32>, vector<16xi32>, vector<16xi1>) -> (vector<16xi1>, vector<16xf32>, vector<16xi32>)
        %ge3A_2393 = arith.cmpf oge, %masked_sort3A_2303, %masked_sort3A_2355 : vector<16xf32>
        %select_n3A_2394 = arith.select %ge3A_2393, %masked_sort3A_2303, %masked_sort3A_2355 : vector<16xi1>, vector<16xf32>
        %select_n3A_2395 = arith.select %ge3A_2393, %masked_sort3A_2304, %masked_sort3A_2356 : vector<16xi1>, vector<16xi32>
        %ge3A_2396 = arith.cmpf oge, %masked_sort3A_2299, %select_n3A_2394 : vector<16xf32>
        %select_n3A_2397 = arith.select %ge3A_2396, %masked_sort3A_2299, %select_n3A_2394 : vector<16xi1>, vector<16xf32>
        %select_n3A_2398 = arith.select %ge3A_2396, %masked_sort3A_2300, %select_n3A_2395 : vector<16xi1>, vector<16xi32>
        %select_n3A_2399 = arith.select %ge3A_2396, %select_n3A_2394, %masked_sort3A_2299 : vector<16xi1>, vector<16xf32>
        %select_n3A_2400 = arith.select %ge3A_2396, %select_n3A_2395, %masked_sort3A_2300 : vector<16xi1>, vector<16xi32>
        %masked_sort3A_2401 = arith.constant dense<true> : vector<16xi1>
        %masked_sort3A_2402, %masked_sort3A_2403, %masked_sort3A_2404 = tpu.sort %select_n3A_2397, %select_n3A_2398 masked %masked_sort3A_2401 {descending = true} : (vector<16xf32>, vector<16xi32>, vector<16xi1>) -> (vector<16xi1>, vector<16xf32>, vector<16xi32>)
        %masked_sort3A_2405 = arith.constant dense<true> : vector<16xi1>
        %masked_sort3A_2406, %masked_sort3A_2407, %masked_sort3A_2408 = tpu.sort %select_n3A_2399, %select_n3A_2400 masked %masked_sort3A_2405 {descending = true} : (vector<16xf32>, vector<16xi32>, vector<16xi1>) -> (vector<16xi1>, vector<16xf32>, vector<16xi32>)
        %ge3A_2409 = arith.cmpf oge, %masked_sort3A_2319, %masked_sort3A_2365 : vector<16xf32>
        %select_n3A_2410 = arith.select %ge3A_2409, %masked_sort3A_2319, %masked_sort3A_2365 : vector<16xi1>, vector<16xf32>
        %select_n3A_2411 = arith.select %ge3A_2409, %masked_sort3A_2320, %masked_sort3A_2366 : vector<16xi1>, vector<16xi32>
        %ge3A_2412 = arith.cmpf oge, %masked_sort3A_2315, %select_n3A_2410 : vector<16xf32>
        %select_n3A_2413 = arith.select %ge3A_2412, %masked_sort3A_2315, %select_n3A_2410 : vector<16xi1>, vector<16xf32>
        %select_n3A_2414 = arith.select %ge3A_2412, %masked_sort3A_2316, %select_n3A_2411 : vector<16xi1>, vector<16xi32>
        %select_n3A_2415 = arith.select %ge3A_2412, %select_n3A_2410, %masked_sort3A_2315 : vector<16xi1>, vector<16xf32>
        %select_n3A_2416 = arith.select %ge3A_2412, %select_n3A_2411, %masked_sort3A_2316 : vector<16xi1>, vector<16xi32>
        %masked_sort3A_2417 = arith.constant dense<true> : vector<16xi1>
        %masked_sort3A_2418, %masked_sort3A_2419, %masked_sort3A_2420 = tpu.sort %select_n3A_2413, %select_n3A_2414 masked %masked_sort3A_2417 {descending = true} : (vector<16xf32>, vector<16xi32>, vector<16xi1>) -> (vector<16xi1>, vector<16xf32>, vector<16xi32>)
        %masked_sort3A_2421 = arith.constant dense<true> : vector<16xi1>
        %masked_sort3A_2422, %masked_sort3A_2423, %masked_sort3A_2424 = tpu.sort %select_n3A_2415, %select_n3A_2416 masked %masked_sort3A_2421 {descending = true} : (vector<16xf32>, vector<16xi32>, vector<16xi1>) -> (vector<16xi1>, vector<16xf32>, vector<16xi32>)
        %ge3A_2425 = arith.cmpf oge, %masked_sort3A_2335, %masked_sort3A_2375 : vector<16xf32>
        %select_n3A_2426 = arith.select %ge3A_2425, %masked_sort3A_2335, %masked_sort3A_2375 : vector<16xi1>, vector<16xf32>
        %select_n3A_2427 = arith.select %ge3A_2425, %masked_sort3A_2336, %masked_sort3A_2376 : vector<16xi1>, vector<16xi32>
        %ge3A_2428 = arith.cmpf oge, %masked_sort3A_2331, %select_n3A_2426 : vector<16xf32>
        %select_n3A_2429 = arith.select %ge3A_2428, %masked_sort3A_2331, %select_n3A_2426 : vector<16xi1>, vector<16xf32>
        %select_n3A_2430 = arith.select %ge3A_2428, %masked_sort3A_2332, %select_n3A_2427 : vector<16xi1>, vector<16xi32>
        %select_n3A_2431 = arith.select %ge3A_2428, %select_n3A_2426, %masked_sort3A_2331 : vector<16xi1>, vector<16xf32>
        %select_n3A_2432 = arith.select %ge3A_2428, %select_n3A_2427, %masked_sort3A_2332 : vector<16xi1>, vector<16xi32>
        %masked_sort3A_2433 = arith.constant dense<true> : vector<16xi1>
        %masked_sort3A_2434, %masked_sort3A_2435, %masked_sort3A_2436 = tpu.sort %select_n3A_2429, %select_n3A_2430 masked %masked_sort3A_2433 {descending = true} : (vector<16xf32>, vector<16xi32>, vector<16xi1>) -> (vector<16xi1>, vector<16xf32>, vector<16xi32>)
        %masked_sort3A_2437 = arith.constant dense<true> : vector<16xi1>
        %masked_sort3A_2438, %masked_sort3A_2439, %masked_sort3A_2440 = tpu.sort %select_n3A_2431, %select_n3A_2432 masked %masked_sort3A_2437 {descending = true} : (vector<16xf32>, vector<16xi32>, vector<16xi1>) -> (vector<16xi1>, vector<16xf32>, vector<16xi32>)
        %get3A_2441 = arith.index_cast %add3A_24 : i32 to index
        %get3A_2442 = arith.constant 384 : index
        %get3A_2443 = tpu.vector_load %arg5[%get3A_2441, %get3A_2442] {strides = array<i32>} : memref<64x512xf32, #tpu.memory_space<vmem>>, vector<16xf32>,
        %add3A_2444 = arith.constant 384 : i32
        %add3A_2445 = vector.broadcast %add3A_2444 : i32 to vector<16xi32>
        %add3A_2446 = arith.addi %iota3A, %add3A_2445 : vector<16xi32>
        %masked_sort3A_2447 = arith.constant dense<true> : vector<16xi1>
        %masked_sort3A_2448, %masked_sort3A_2449, %masked_sort3A_2450 = tpu.sort %get3A_2443, %add3A_2446 masked %masked_sort3A_2447 : (vector<16xf32>, vector<16xi32>, vector<16xi1>) -> (vector<16xi1>, vector<16xf32>, vector<16xi32>)
        %get3A_2451 = arith.index_cast %add3A_28 : i32 to index
        %get3A_2452 = arith.constant 384 : index
        %get3A_2453 = tpu.vector_load %arg5[%get3A_2451, %get3A_2452] {strides = array<i32>} : memref<64x512xf32, #tpu.memory_space<vmem>>, vector<16xf32>,
        %add3A_2454 = arith.constant 384 : i32
        %add3A_2455 = vector.broadcast %add3A_2454 : i32 to vector<16xi32>
        %add3A_2456 = arith.addi %iota3A, %add3A_2455 : vector<16xi32>
        %masked_sort3A_2457 = arith.constant dense<true> : vector<16xi1>
        %masked_sort3A_2458, %masked_sort3A_2459, %masked_sort3A_2460 = tpu.sort %get3A_2453, %add3A_2456 masked %masked_sort3A_2457 : (vector<16xf32>, vector<16xi32>, vector<16xi1>) -> (vector<16xi1>, vector<16xf32>, vector<16xi32>)
        %get3A_2461 = arith.index_cast %add3A_32 : i32 to index
        %get3A_2462 = arith.constant 384 : index
        %get3A_2463 = tpu.vector_load %arg5[%get3A_2461, %get3A_2462] {strides = array<i32>} : memref<64x512xf32, #tpu.memory_space<vmem>>, vector<16xf32>,
        %add3A_2464 = arith.constant 384 : i32
        %add3A_2465 = vector.broadcast %add3A_2464 : i32 to vector<16xi32>
        %add3A_2466 = arith.addi %iota3A, %add3A_2465 : vector<16xi32>
        %masked_sort3A_2467 = arith.constant dense<true> : vector<16xi1>
        %masked_sort3A_2468, %masked_sort3A_2469, %masked_sort3A_2470 = tpu.sort %get3A_2463, %add3A_2466 masked %masked_sort3A_2467 : (vector<16xf32>, vector<16xi32>, vector<16xi1>) -> (vector<16xi1>, vector<16xf32>, vector<16xi32>)
        %get3A_2471 = arith.index_cast %add3A_36 : i32 to index
        %get3A_2472 = arith.constant 384 : index
        %get3A_2473 = tpu.vector_load %arg5[%get3A_2471, %get3A_2472] {strides = array<i32>} : memref<64x512xf32, #tpu.memory_space<vmem>>, vector<16xf32>,
        %add3A_2474 = arith.constant 384 : i32
        %add3A_2475 = vector.broadcast %add3A_2474 : i32 to vector<16xi32>
        %add3A_2476 = arith.addi %iota3A, %add3A_2475 : vector<16xi32>
        %masked_sort3A_2477 = arith.constant dense<true> : vector<16xi1>
        %masked_sort3A_2478, %masked_sort3A_2479, %masked_sort3A_2480 = tpu.sort %get3A_2473, %add3A_2476 masked %masked_sort3A_2477 : (vector<16xf32>, vector<16xi32>, vector<16xi1>) -> (vector<16xi1>, vector<16xf32>, vector<16xi32>)
        %ge3A_2481 = arith.cmpf oge, %masked_sort3A_2391, %masked_sort3A_2449 : vector<16xf32>
        %select_n3A_2482 = arith.select %ge3A_2481, %masked_sort3A_2391, %masked_sort3A_2449 : vector<16xi1>, vector<16xf32>
        %select_n3A_2483 = arith.select %ge3A_2481, %masked_sort3A_2392, %masked_sort3A_2450 : vector<16xi1>, vector<16xi32>
        %ge3A_2484 = arith.cmpf oge, %masked_sort3A_2387, %select_n3A_2482 : vector<16xf32>
        %select_n3A_2485 = arith.select %ge3A_2484, %masked_sort3A_2387, %select_n3A_2482 : vector<16xi1>, vector<16xf32>
        %select_n3A_2486 = arith.select %ge3A_2484, %masked_sort3A_2388, %select_n3A_2483 : vector<16xi1>, vector<16xi32>
        %select_n3A_2487 = arith.select %ge3A_2484, %select_n3A_2482, %masked_sort3A_2387 : vector<16xi1>, vector<16xf32>
        %select_n3A_2488 = arith.select %ge3A_2484, %select_n3A_2483, %masked_sort3A_2388 : vector<16xi1>, vector<16xi32>
        %masked_sort3A_2489 = arith.constant dense<true> : vector<16xi1>
        %masked_sort3A_2490, %masked_sort3A_2491, %masked_sort3A_2492 = tpu.sort %select_n3A_2485, %select_n3A_2486 masked %masked_sort3A_2489 {descending = true} : (vector<16xf32>, vector<16xi32>, vector<16xi1>) -> (vector<16xi1>, vector<16xf32>, vector<16xi32>)
        %masked_sort3A_2493 = arith.constant dense<true> : vector<16xi1>
        %masked_sort3A_2494, %masked_sort3A_2495, %masked_sort3A_2496 = tpu.sort %select_n3A_2487, %select_n3A_2488 masked %masked_sort3A_2493 {descending = true} : (vector<16xf32>, vector<16xi32>, vector<16xi1>) -> (vector<16xi1>, vector<16xf32>, vector<16xi32>)
        %ge3A_2497 = arith.cmpf oge, %masked_sort3A_2407, %masked_sort3A_2459 : vector<16xf32>
        %select_n3A_2498 = arith.select %ge3A_2497, %masked_sort3A_2407, %masked_sort3A_2459 : vector<16xi1>, vector<16xf32>
        %select_n3A_2499 = arith.select %ge3A_2497, %masked_sort3A_2408, %masked_sort3A_2460 : vector<16xi1>, vector<16xi32>
        %ge3A_2500 = arith.cmpf oge, %masked_sort3A_2403, %select_n3A_2498 : vector<16xf32>
        %select_n3A_2501 = arith.select %ge3A_2500, %masked_sort3A_2403, %select_n3A_2498 : vector<16xi1>, vector<16xf32>
        %select_n3A_2502 = arith.select %ge3A_2500, %masked_sort3A_2404, %select_n3A_2499 : vector<16xi1>, vector<16xi32>
        %select_n3A_2503 = arith.select %ge3A_2500, %select_n3A_2498, %masked_sort3A_2403 : vector<16xi1>, vector<16xf32>
        %select_n3A_2504 = arith.select %ge3A_2500, %select_n3A_2499, %masked_sort3A_2404 : vector<16xi1>, vector<16xi32>
        %masked_sort3A_2505 = arith.constant dense<true> : vector<16xi1>
        %masked_sort3A_2506, %masked_sort3A_2507, %masked_sort3A_2508 = tpu.sort %select_n3A_2501, %select_n3A_2502 masked %masked_sort3A_2505 {descending = true} : (vector<16xf32>, vector<16xi32>, vector<16xi1>) -> (vector<16xi1>, vector<16xf32>, vector<16xi32>)
        %masked_sort3A_2509 = arith.constant dense<true> : vector<16xi1>
        %masked_sort3A_2510, %masked_sort3A_2511, %masked_sort3A_2512 = tpu.sort %select_n3A_2503, %select_n3A_2504 masked %masked_sort3A_2509 {descending = true} : (vector<16xf32>, vector<16xi32>, vector<16xi1>) -> (vector<16xi1>, vector<16xf32>, vector<16xi32>)
        %ge3A_2513 = arith.cmpf oge, %masked_sort3A_2423, %masked_sort3A_2469 : vector<16xf32>
        %select_n3A_2514 = arith.select %ge3A_2513, %masked_sort3A_2423, %masked_sort3A_2469 : vector<16xi1>, vector<16xf32>
        %select_n3A_2515 = arith.select %ge3A_2513, %masked_sort3A_2424, %masked_sort3A_2470 : vector<16xi1>, vector<16xi32>
        %ge3A_2516 = arith.cmpf oge, %masked_sort3A_2419, %select_n3A_2514 : vector<16xf32>
        %select_n3A_2517 = arith.select %ge3A_2516, %masked_sort3A_2419, %select_n3A_2514 : vector<16xi1>, vector<16xf32>
        %select_n3A_2518 = arith.select %ge3A_2516, %masked_sort3A_2420, %select_n3A_2515 : vector<16xi1>, vector<16xi32>
        %select_n3A_2519 = arith.select %ge3A_2516, %select_n3A_2514, %masked_sort3A_2419 : vector<16xi1>, vector<16xf32>
        %select_n3A_2520 = arith.select %ge3A_2516, %select_n3A_2515, %masked_sort3A_2420 : vector<16xi1>, vector<16xi32>
        %masked_sort3A_2521 = arith.constant dense<true> : vector<16xi1>
        %masked_sort3A_2522, %masked_sort3A_2523, %masked_sort3A_2524 = tpu.sort %select_n3A_2517, %select_n3A_2518 masked %masked_sort3A_2521 {descending = true} : (vector<16xf32>, vector<16xi32>, vector<16xi1>) -> (vector<16xi1>, vector<16xf32>, vector<16xi32>)
        %masked_sort3A_2525 = arith.constant dense<true> : vector<16xi1>
        %masked_sort3A_2526, %masked_sort3A_2527, %masked_sort3A_2528 = tpu.sort %select_n3A_2519, %select_n3A_2520 masked %masked_sort3A_2525 {descending = true} : (vector<16xf32>, vector<16xi32>, vector<16xi1>) -> (vector<16xi1>, vector<16xf32>, vector<16xi32>)
        %ge3A_2529 = arith.cmpf oge, %masked_sort3A_2439, %masked_sort3A_2479 : vector<16xf32>
        %select_n3A_2530 = arith.select %ge3A_2529, %masked_sort3A_2439, %masked_sort3A_2479 : vector<16xi1>, vector<16xf32>
        %select_n3A_2531 = arith.select %ge3A_2529, %masked_sort3A_2440, %masked_sort3A_2480 : vector<16xi1>, vector<16xi32>
        %ge3A_2532 = arith.cmpf oge, %masked_sort3A_2435, %select_n3A_2530 : vector<16xf32>
        %select_n3A_2533 = arith.select %ge3A_2532, %masked_sort3A_2435, %select_n3A_2530 : vector<16xi1>, vector<16xf32>
        %select_n3A_2534 = arith.select %ge3A_2532, %masked_sort3A_2436, %select_n3A_2531 : vector<16xi1>, vector<16xi32>
        %select_n3A_2535 = arith.select %ge3A_2532, %select_n3A_2530, %masked_sort3A_2435 : vector<16xi1>, vector<16xf32>
        %select_n3A_2536 = arith.select %ge3A_2532, %select_n3A_2531, %masked_sort3A_2436 : vector<16xi1>, vector<16xi32>
        %masked_sort3A_2537 = arith.constant dense<true> : vector<16xi1>
        %masked_sort3A_2538, %masked_sort3A_2539, %masked_sort3A_2540 = tpu.sort %select_n3A_2533, %select_n3A_2534 masked %masked_sort3A_2537 {descending = true} : (vector<16xf32>, vector<16xi32>, vector<16xi1>) -> (vector<16xi1>, vector<16xf32>, vector<16xi32>)
        %masked_sort3A_2541 = arith.constant dense<true> : vector<16xi1>
        %masked_sort3A_2542, %masked_sort3A_2543, %masked_sort3A_2544 = tpu.sort %select_n3A_2535, %select_n3A_2536 masked %masked_sort3A_2541 {descending = true} : (vector<16xf32>, vector<16xi32>, vector<16xi1>) -> (vector<16xi1>, vector<16xf32>, vector<16xi32>)
        %get3A_2545 = arith.index_cast %add3A_24 : i32 to index
        %get3A_2546 = arith.constant 400 : index
        %get3A_2547 = tpu.vector_load %arg5[%get3A_2545, %get3A_2546] {strides = array<i32>} : memref<64x512xf32, #tpu.memory_space<vmem>>, vector<16xf32>,
        %add3A_2548 = arith.constant 400 : i32
        %add3A_2549 = vector.broadcast %add3A_2548 : i32 to vector<16xi32>
        %add3A_2550 = arith.addi %iota3A, %add3A_2549 : vector<16xi32>
        %masked_sort3A_2551 = arith.constant dense<true> : vector<16xi1>
        %masked_sort3A_2552, %masked_sort3A_2553, %masked_sort3A_2554 = tpu.sort %get3A_2547, %add3A_2550 masked %masked_sort3A_2551 : (vector<16xf32>, vector<16xi32>, vector<16xi1>) -> (vector<16xi1>, vector<16xf32>, vector<16xi32>)
        %get3A_2555 = arith.index_cast %add3A_28 : i32 to index
        %get3A_2556 = arith.constant 400 : index
        %get3A_2557 = tpu.vector_load %arg5[%get3A_2555, %get3A_2556] {strides = array<i32>} : memref<64x512xf32, #tpu.memory_space<vmem>>, vector<16xf32>,
        %add3A_2558 = arith.constant 400 : i32
        %add3A_2559 = vector.broadcast %add3A_2558 : i32 to vector<16xi32>
        %add3A_2560 = arith.addi %iota3A, %add3A_2559 : vector<16xi32>
        %masked_sort3A_2561 = arith.constant dense<true> : vector<16xi1>
        %masked_sort3A_2562, %masked_sort3A_2563, %masked_sort3A_2564 = tpu.sort %get3A_2557, %add3A_2560 masked %masked_sort3A_2561 : (vector<16xf32>, vector<16xi32>, vector<16xi1>) -> (vector<16xi1>, vector<16xf32>, vector<16xi32>)
        %get3A_2565 = arith.index_cast %add3A_32 : i32 to index
        %get3A_2566 = arith.constant 400 : index
        %get3A_2567 = tpu.vector_load %arg5[%get3A_2565, %get3A_2566] {strides = array<i32>} : memref<64x512xf32, #tpu.memory_space<vmem>>, vector<16xf32>,
        %add3A_2568 = arith.constant 400 : i32
        %add3A_2569 = vector.broadcast %add3A_2568 : i32 to vector<16xi32>
        %add3A_2570 = arith.addi %iota3A, %add3A_2569 : vector<16xi32>
        %masked_sort3A_2571 = arith.constant dense<true> : vector<16xi1>
        %masked_sort3A_2572, %masked_sort3A_2573, %masked_sort3A_2574 = tpu.sort %get3A_2567, %add3A_2570 masked %masked_sort3A_2571 : (vector<16xf32>, vector<16xi32>, vector<16xi1>) -> (vector<16xi1>, vector<16xf32>, vector<16xi32>)
        %get3A_2575 = arith.index_cast %add3A_36 : i32 to index
        %get3A_2576 = arith.constant 400 : index
        %get3A_2577 = tpu.vector_load %arg5[%get3A_2575, %get3A_2576] {strides = array<i32>} : memref<64x512xf32, #tpu.memory_space<vmem>>, vector<16xf32>,
        %add3A_2578 = arith.constant 400 : i32
        %add3A_2579 = vector.broadcast %add3A_2578 : i32 to vector<16xi32>
        %add3A_2580 = arith.addi %iota3A, %add3A_2579 : vector<16xi32>
        %masked_sort3A_2581 = arith.constant dense<true> : vector<16xi1>
        %masked_sort3A_2582, %masked_sort3A_2583, %masked_sort3A_2584 = tpu.sort %get3A_2577, %add3A_2580 masked %masked_sort3A_2581 : (vector<16xf32>, vector<16xi32>, vector<16xi1>) -> (vector<16xi1>, vector<16xf32>, vector<16xi32>)
        %ge3A_2585 = arith.cmpf oge, %masked_sort3A_2495, %masked_sort3A_2553 : vector<16xf32>
        %select_n3A_2586 = arith.select %ge3A_2585, %masked_sort3A_2495, %masked_sort3A_2553 : vector<16xi1>, vector<16xf32>
        %select_n3A_2587 = arith.select %ge3A_2585, %masked_sort3A_2496, %masked_sort3A_2554 : vector<16xi1>, vector<16xi32>
        %ge3A_2588 = arith.cmpf oge, %masked_sort3A_2491, %select_n3A_2586 : vector<16xf32>
        %select_n3A_2589 = arith.select %ge3A_2588, %masked_sort3A_2491, %select_n3A_2586 : vector<16xi1>, vector<16xf32>
        %select_n3A_2590 = arith.select %ge3A_2588, %masked_sort3A_2492, %select_n3A_2587 : vector<16xi1>, vector<16xi32>
        %select_n3A_2591 = arith.select %ge3A_2588, %select_n3A_2586, %masked_sort3A_2491 : vector<16xi1>, vector<16xf32>
        %select_n3A_2592 = arith.select %ge3A_2588, %select_n3A_2587, %masked_sort3A_2492 : vector<16xi1>, vector<16xi32>
        %masked_sort3A_2593 = arith.constant dense<true> : vector<16xi1>
        %masked_sort3A_2594, %masked_sort3A_2595, %masked_sort3A_2596 = tpu.sort %select_n3A_2589, %select_n3A_2590 masked %masked_sort3A_2593 {descending = true} : (vector<16xf32>, vector<16xi32>, vector<16xi1>) -> (vector<16xi1>, vector<16xf32>, vector<16xi32>)
        %masked_sort3A_2597 = arith.constant dense<true> : vector<16xi1>
        %masked_sort3A_2598, %masked_sort3A_2599, %masked_sort3A_2600 = tpu.sort %select_n3A_2591, %select_n3A_2592 masked %masked_sort3A_2597 {descending = true} : (vector<16xf32>, vector<16xi32>, vector<16xi1>) -> (vector<16xi1>, vector<16xf32>, vector<16xi32>)
        %ge3A_2601 = arith.cmpf oge, %masked_sort3A_2511, %masked_sort3A_2563 : vector<16xf32>
        %select_n3A_2602 = arith.select %ge3A_2601, %masked_sort3A_2511, %masked_sort3A_2563 : vector<16xi1>, vector<16xf32>
        %select_n3A_2603 = arith.select %ge3A_2601, %masked_sort3A_2512, %masked_sort3A_2564 : vector<16xi1>, vector<16xi32>
        %ge3A_2604 = arith.cmpf oge, %masked_sort3A_2507, %select_n3A_2602 : vector<16xf32>
        %select_n3A_2605 = arith.select %ge3A_2604, %masked_sort3A_2507, %select_n3A_2602 : vector<16xi1>, vector<16xf32>
        %select_n3A_2606 = arith.select %ge3A_2604, %masked_sort3A_2508, %select_n3A_2603 : vector<16xi1>, vector<16xi32>
        %select_n3A_2607 = arith.select %ge3A_2604, %select_n3A_2602, %masked_sort3A_2507 : vector<16xi1>, vector<16xf32>
        %select_n3A_2608 = arith.select %ge3A_2604, %select_n3A_2603, %masked_sort3A_2508 : vector<16xi1>, vector<16xi32>
        %masked_sort3A_2609 = arith.constant dense<true> : vector<16xi1>
        %masked_sort3A_2610, %masked_sort3A_2611, %masked_sort3A_2612 = tpu.sort %select_n3A_2605, %select_n3A_2606 masked %masked_sort3A_2609 {descending = true} : (vector<16xf32>, vector<16xi32>, vector<16xi1>) -> (vector<16xi1>, vector<16xf32>, vector<16xi32>)
        %masked_sort3A_2613 = arith.constant dense<true> : vector<16xi1>
        %masked_sort3A_2614, %masked_sort3A_2615, %masked_sort3A_2616 = tpu.sort %select_n3A_2607, %select_n3A_2608 masked %masked_sort3A_2613 {descending = true} : (vector<16xf32>, vector<16xi32>, vector<16xi1>) -> (vector<16xi1>, vector<16xf32>, vector<16xi32>)
        %ge3A_2617 = arith.cmpf oge, %masked_sort3A_2527, %masked_sort3A_2573 : vector<16xf32>
        %select_n3A_2618 = arith.select %ge3A_2617, %masked_sort3A_2527, %masked_sort3A_2573 : vector<16xi1>, vector<16xf32>
        %select_n3A_2619 = arith.select %ge3A_2617, %masked_sort3A_2528, %masked_sort3A_2574 : vector<16xi1>, vector<16xi32>
        %ge3A_2620 = arith.cmpf oge, %masked_sort3A_2523, %select_n3A_2618 : vector<16xf32>
        %select_n3A_2621 = arith.select %ge3A_2620, %masked_sort3A_2523, %select_n3A_2618 : vector<16xi1>, vector<16xf32>
        %select_n3A_2622 = arith.select %ge3A_2620, %masked_sort3A_2524, %select_n3A_2619 : vector<16xi1>, vector<16xi32>
        %select_n3A_2623 = arith.select %ge3A_2620, %select_n3A_2618, %masked_sort3A_2523 : vector<16xi1>, vector<16xf32>
        %select_n3A_2624 = arith.select %ge3A_2620, %select_n3A_2619, %masked_sort3A_2524 : vector<16xi1>, vector<16xi32>
        %masked_sort3A_2625 = arith.constant dense<true> : vector<16xi1>
        %masked_sort3A_2626, %masked_sort3A_2627, %masked_sort3A_2628 = tpu.sort %select_n3A_2621, %select_n3A_2622 masked %masked_sort3A_2625 {descending = true} : (vector<16xf32>, vector<16xi32>, vector<16xi1>) -> (vector<16xi1>, vector<16xf32>, vector<16xi32>)
        %masked_sort3A_2629 = arith.constant dense<true> : vector<16xi1>
        %masked_sort3A_2630, %masked_sort3A_2631, %masked_sort3A_2632 = tpu.sort %select_n3A_2623, %select_n3A_2624 masked %masked_sort3A_2629 {descending = true} : (vector<16xf32>, vector<16xi32>, vector<16xi1>) -> (vector<16xi1>, vector<16xf32>, vector<16xi32>)
        %ge3A_2633 = arith.cmpf oge, %masked_sort3A_2543, %masked_sort3A_2583 : vector<16xf32>
        %select_n3A_2634 = arith.select %ge3A_2633, %masked_sort3A_2543, %masked_sort3A_2583 : vector<16xi1>, vector<16xf32>
        %select_n3A_2635 = arith.select %ge3A_2633, %masked_sort3A_2544, %masked_sort3A_2584 : vector<16xi1>, vector<16xi32>
        %ge3A_2636 = arith.cmpf oge, %masked_sort3A_2539, %select_n3A_2634 : vector<16xf32>
        %select_n3A_2637 = arith.select %ge3A_2636, %masked_sort3A_2539, %select_n3A_2634 : vector<16xi1>, vector<16xf32>
        %select_n3A_2638 = arith.select %ge3A_2636, %masked_sort3A_2540, %select_n3A_2635 : vector<16xi1>, vector<16xi32>
        %select_n3A_2639 = arith.select %ge3A_2636, %select_n3A_2634, %masked_sort3A_2539 : vector<16xi1>, vector<16xf32>
        %select_n3A_2640 = arith.select %ge3A_2636, %select_n3A_2635, %masked_sort3A_2540 : vector<16xi1>, vector<16xi32>
        %masked_sort3A_2641 = arith.constant dense<true> : vector<16xi1>
        %masked_sort3A_2642, %masked_sort3A_2643, %masked_sort3A_2644 = tpu.sort %select_n3A_2637, %select_n3A_2638 masked %masked_sort3A_2641 {descending = true} : (vector<16xf32>, vector<16xi32>, vector<16xi1>) -> (vector<16xi1>, vector<16xf32>, vector<16xi32>)
        %masked_sort3A_2645 = arith.constant dense<true> : vector<16xi1>
        %masked_sort3A_2646, %masked_sort3A_2647, %masked_sort3A_2648 = tpu.sort %select_n3A_2639, %select_n3A_2640 masked %masked_sort3A_2645 {descending = true} : (vector<16xf32>, vector<16xi32>, vector<16xi1>) -> (vector<16xi1>, vector<16xf32>, vector<16xi32>)
        %get3A_2649 = arith.index_cast %add3A_24 : i32 to index
        %get3A_2650 = arith.constant 416 : index
        %get3A_2651 = tpu.vector_load %arg5[%get3A_2649, %get3A_2650] {strides = array<i32>} : memref<64x512xf32, #tpu.memory_space<vmem>>, vector<16xf32>,
        %add3A_2652 = arith.constant 416 : i32
        %add3A_2653 = vector.broadcast %add3A_2652 : i32 to vector<16xi32>
        %add3A_2654 = arith.addi %iota3A, %add3A_2653 : vector<16xi32>
        %masked_sort3A_2655 = arith.constant dense<true> : vector<16xi1>
        %masked_sort3A_2656, %masked_sort3A_2657, %masked_sort3A_2658 = tpu.sort %get3A_2651, %add3A_2654 masked %masked_sort3A_2655 : (vector<16xf32>, vector<16xi32>, vector<16xi1>) -> (vector<16xi1>, vector<16xf32>, vector<16xi32>)
        %get3A_2659 = arith.index_cast %add3A_28 : i32 to index
        %get3A_2660 = arith.constant 416 : index
        %get3A_2661 = tpu.vector_load %arg5[%get3A_2659, %get3A_2660] {strides = array<i32>} : memref<64x512xf32, #tpu.memory_space<vmem>>, vector<16xf32>,
        %add3A_2662 = arith.constant 416 : i32
        %add3A_2663 = vector.broadcast %add3A_2662 : i32 to vector<16xi32>
        %add3A_2664 = arith.addi %iota3A, %add3A_2663 : vector<16xi32>
        %masked_sort3A_2665 = arith.constant dense<true> : vector<16xi1>
        %masked_sort3A_2666, %masked_sort3A_2667, %masked_sort3A_2668 = tpu.sort %get3A_2661, %add3A_2664 masked %masked_sort3A_2665 : (vector<16xf32>, vector<16xi32>, vector<16xi1>) -> (vector<16xi1>, vector<16xf32>, vector<16xi32>)
        %get3A_2669 = arith.index_cast %add3A_32 : i32 to index
        %get3A_2670 = arith.constant 416 : index
        %get3A_2671 = tpu.vector_load %arg5[%get3A_2669, %get3A_2670] {strides = array<i32>} : memref<64x512xf32, #tpu.memory_space<vmem>>, vector<16xf32>,
        %add3A_2672 = arith.constant 416 : i32
        %add3A_2673 = vector.broadcast %add3A_2672 : i32 to vector<16xi32>
        %add3A_2674 = arith.addi %iota3A, %add3A_2673 : vector<16xi32>
        %masked_sort3A_2675 = arith.constant dense<true> : vector<16xi1>
        %masked_sort3A_2676, %masked_sort3A_2677, %masked_sort3A_2678 = tpu.sort %get3A_2671, %add3A_2674 masked %masked_sort3A_2675 : (vector<16xf32>, vector<16xi32>, vector<16xi1>) -> (vector<16xi1>, vector<16xf32>, vector<16xi32>)
        %get3A_2679 = arith.index_cast %add3A_36 : i32 to index
        %get3A_2680 = arith.constant 416 : index
        %get3A_2681 = tpu.vector_load %arg5[%get3A_2679, %get3A_2680] {strides = array<i32>} : memref<64x512xf32, #tpu.memory_space<vmem>>, vector<16xf32>,
        %add3A_2682 = arith.constant 416 : i32
        %add3A_2683 = vector.broadcast %add3A_2682 : i32 to vector<16xi32>
        %add3A_2684 = arith.addi %iota3A, %add3A_2683 : vector<16xi32>
        %masked_sort3A_2685 = arith.constant dense<true> : vector<16xi1>
        %masked_sort3A_2686, %masked_sort3A_2687, %masked_sort3A_2688 = tpu.sort %get3A_2681, %add3A_2684 masked %masked_sort3A_2685 : (vector<16xf32>, vector<16xi32>, vector<16xi1>) -> (vector<16xi1>, vector<16xf32>, vector<16xi32>)
        %ge3A_2689 = arith.cmpf oge, %masked_sort3A_2599, %masked_sort3A_2657 : vector<16xf32>
        %select_n3A_2690 = arith.select %ge3A_2689, %masked_sort3A_2599, %masked_sort3A_2657 : vector<16xi1>, vector<16xf32>
        %select_n3A_2691 = arith.select %ge3A_2689, %masked_sort3A_2600, %masked_sort3A_2658 : vector<16xi1>, vector<16xi32>
        %ge3A_2692 = arith.cmpf oge, %masked_sort3A_2595, %select_n3A_2690 : vector<16xf32>
        %select_n3A_2693 = arith.select %ge3A_2692, %masked_sort3A_2595, %select_n3A_2690 : vector<16xi1>, vector<16xf32>
        %select_n3A_2694 = arith.select %ge3A_2692, %masked_sort3A_2596, %select_n3A_2691 : vector<16xi1>, vector<16xi32>
        %select_n3A_2695 = arith.select %ge3A_2692, %select_n3A_2690, %masked_sort3A_2595 : vector<16xi1>, vector<16xf32>
        %select_n3A_2696 = arith.select %ge3A_2692, %select_n3A_2691, %masked_sort3A_2596 : vector<16xi1>, vector<16xi32>
        %masked_sort3A_2697 = arith.constant dense<true> : vector<16xi1>
        %masked_sort3A_2698, %masked_sort3A_2699, %masked_sort3A_2700 = tpu.sort %select_n3A_2693, %select_n3A_2694 masked %masked_sort3A_2697 {descending = true} : (vector<16xf32>, vector<16xi32>, vector<16xi1>) -> (vector<16xi1>, vector<16xf32>, vector<16xi32>)
        %masked_sort3A_2701 = arith.constant dense<true> : vector<16xi1>
        %masked_sort3A_2702, %masked_sort3A_2703, %masked_sort3A_2704 = tpu.sort %select_n3A_2695, %select_n3A_2696 masked %masked_sort3A_2701 {descending = true} : (vector<16xf32>, vector<16xi32>, vector<16xi1>) -> (vector<16xi1>, vector<16xf32>, vector<16xi32>)
        %ge3A_2705 = arith.cmpf oge, %masked_sort3A_2615, %masked_sort3A_2667 : vector<16xf32>
        %select_n3A_2706 = arith.select %ge3A_2705, %masked_sort3A_2615, %masked_sort3A_2667 : vector<16xi1>, vector<16xf32>
        %select_n3A_2707 = arith.select %ge3A_2705, %masked_sort3A_2616, %masked_sort3A_2668 : vector<16xi1>, vector<16xi32>
        %ge3A_2708 = arith.cmpf oge, %masked_sort3A_2611, %select_n3A_2706 : vector<16xf32>
        %select_n3A_2709 = arith.select %ge3A_2708, %masked_sort3A_2611, %select_n3A_2706 : vector<16xi1>, vector<16xf32>
        %select_n3A_2710 = arith.select %ge3A_2708, %masked_sort3A_2612, %select_n3A_2707 : vector<16xi1>, vector<16xi32>
        %select_n3A_2711 = arith.select %ge3A_2708, %select_n3A_2706, %masked_sort3A_2611 : vector<16xi1>, vector<16xf32>
        %select_n3A_2712 = arith.select %ge3A_2708, %select_n3A_2707, %masked_sort3A_2612 : vector<16xi1>, vector<16xi32>
        %masked_sort3A_2713 = arith.constant dense<true> : vector<16xi1>
        %masked_sort3A_2714, %masked_sort3A_2715, %masked_sort3A_2716 = tpu.sort %select_n3A_2709, %select_n3A_2710 masked %masked_sort3A_2713 {descending = true} : (vector<16xf32>, vector<16xi32>, vector<16xi1>) -> (vector<16xi1>, vector<16xf32>, vector<16xi32>)
        %masked_sort3A_2717 = arith.constant dense<true> : vector<16xi1>
        %masked_sort3A_2718, %masked_sort3A_2719, %masked_sort3A_2720 = tpu.sort %select_n3A_2711, %select_n3A_2712 masked %masked_sort3A_2717 {descending = true} : (vector<16xf32>, vector<16xi32>, vector<16xi1>) -> (vector<16xi1>, vector<16xf32>, vector<16xi32>)
        %ge3A_2721 = arith.cmpf oge, %masked_sort3A_2631, %masked_sort3A_2677 : vector<16xf32>
        %select_n3A_2722 = arith.select %ge3A_2721, %masked_sort3A_2631, %masked_sort3A_2677 : vector<16xi1>, vector<16xf32>
        %select_n3A_2723 = arith.select %ge3A_2721, %masked_sort3A_2632, %masked_sort3A_2678 : vector<16xi1>, vector<16xi32>
        %ge3A_2724 = arith.cmpf oge, %masked_sort3A_2627, %select_n3A_2722 : vector<16xf32>
        %select_n3A_2725 = arith.select %ge3A_2724, %masked_sort3A_2627, %select_n3A_2722 : vector<16xi1>, vector<16xf32>
        %select_n3A_2726 = arith.select %ge3A_2724, %masked_sort3A_2628, %select_n3A_2723 : vector<16xi1>, vector<16xi32>
        %select_n3A_2727 = arith.select %ge3A_2724, %select_n3A_2722, %masked_sort3A_2627 : vector<16xi1>, vector<16xf32>
        %select_n3A_2728 = arith.select %ge3A_2724, %select_n3A_2723, %masked_sort3A_2628 : vector<16xi1>, vector<16xi32>
        %masked_sort3A_2729 = arith.constant dense<true> : vector<16xi1>
        %masked_sort3A_2730, %masked_sort3A_2731, %masked_sort3A_2732 = tpu.sort %select_n3A_2725, %select_n3A_2726 masked %masked_sort3A_2729 {descending = true} : (vector<16xf32>, vector<16xi32>, vector<16xi1>) -> (vector<16xi1>, vector<16xf32>, vector<16xi32>)
        %masked_sort3A_2733 = arith.constant dense<true> : vector<16xi1>
        %masked_sort3A_2734, %masked_sort3A_2735, %masked_sort3A_2736 = tpu.sort %select_n3A_2727, %select_n3A_2728 masked %masked_sort3A_2733 {descending = true} : (vector<16xf32>, vector<16xi32>, vector<16xi1>) -> (vector<16xi1>, vector<16xf32>, vector<16xi32>)
        %ge3A_2737 = arith.cmpf oge, %masked_sort3A_2647, %masked_sort3A_2687 : vector<16xf32>
        %select_n3A_2738 = arith.select %ge3A_2737, %masked_sort3A_2647, %masked_sort3A_2687 : vector<16xi1>, vector<16xf32>
        %select_n3A_2739 = arith.select %ge3A_2737, %masked_sort3A_2648, %masked_sort3A_2688 : vector<16xi1>, vector<16xi32>
        %ge3A_2740 = arith.cmpf oge, %masked_sort3A_2643, %select_n3A_2738 : vector<16xf32>
        %select_n3A_2741 = arith.select %ge3A_2740, %masked_sort3A_2643, %select_n3A_2738 : vector<16xi1>, vector<16xf32>
        %select_n3A_2742 = arith.select %ge3A_2740, %masked_sort3A_2644, %select_n3A_2739 : vector<16xi1>, vector<16xi32>
        %select_n3A_2743 = arith.select %ge3A_2740, %select_n3A_2738, %masked_sort3A_2643 : vector<16xi1>, vector<16xf32>
        %select_n3A_2744 = arith.select %ge3A_2740, %select_n3A_2739, %masked_sort3A_2644 : vector<16xi1>, vector<16xi32>
        %masked_sort3A_2745 = arith.constant dense<true> : vector<16xi1>
        %masked_sort3A_2746, %masked_sort3A_2747, %masked_sort3A_2748 = tpu.sort %select_n3A_2741, %select_n3A_2742 masked %masked_sort3A_2745 {descending = true} : (vector<16xf32>, vector<16xi32>, vector<16xi1>) -> (vector<16xi1>, vector<16xf32>, vector<16xi32>)
        %masked_sort3A_2749 = arith.constant dense<true> : vector<16xi1>
        %masked_sort3A_2750, %masked_sort3A_2751, %masked_sort3A_2752 = tpu.sort %select_n3A_2743, %select_n3A_2744 masked %masked_sort3A_2749 {descending = true} : (vector<16xf32>, vector<16xi32>, vector<16xi1>) -> (vector<16xi1>, vector<16xf32>, vector<16xi32>)
        %get3A_2753 = arith.index_cast %add3A_24 : i32 to index
        %get3A_2754 = arith.constant 432 : index
        %get3A_2755 = tpu.vector_load %arg5[%get3A_2753, %get3A_2754] {strides = array<i32>} : memref<64x512xf32, #tpu.memory_space<vmem>>, vector<16xf32>,
        %add3A_2756 = arith.constant 432 : i32
        %add3A_2757 = vector.broadcast %add3A_2756 : i32 to vector<16xi32>
        %add3A_2758 = arith.addi %iota3A, %add3A_2757 : vector<16xi32>
        %masked_sort3A_2759 = arith.constant dense<true> : vector<16xi1>
        %masked_sort3A_2760, %masked_sort3A_2761, %masked_sort3A_2762 = tpu.sort %get3A_2755, %add3A_2758 masked %masked_sort3A_2759 : (vector<16xf32>, vector<16xi32>, vector<16xi1>) -> (vector<16xi1>, vector<16xf32>, vector<16xi32>)
        %get3A_2763 = arith.index_cast %add3A_28 : i32 to index
        %get3A_2764 = arith.constant 432 : index
        %get3A_2765 = tpu.vector_load %arg5[%get3A_2763, %get3A_2764] {strides = array<i32>} : memref<64x512xf32, #tpu.memory_space<vmem>>, vector<16xf32>,
        %add3A_2766 = arith.constant 432 : i32
        %add3A_2767 = vector.broadcast %add3A_2766 : i32 to vector<16xi32>
        %add3A_2768 = arith.addi %iota3A, %add3A_2767 : vector<16xi32>
        %masked_sort3A_2769 = arith.constant dense<true> : vector<16xi1>
        %masked_sort3A_2770, %masked_sort3A_2771, %masked_sort3A_2772 = tpu.sort %get3A_2765, %add3A_2768 masked %masked_sort3A_2769 : (vector<16xf32>, vector<16xi32>, vector<16xi1>) -> (vector<16xi1>, vector<16xf32>, vector<16xi32>)
        %get3A_2773 = arith.index_cast %add3A_32 : i32 to index
        %get3A_2774 = arith.constant 432 : index
        %get3A_2775 = tpu.vector_load %arg5[%get3A_2773, %get3A_2774] {strides = array<i32>} : memref<64x512xf32, #tpu.memory_space<vmem>>, vector<16xf32>,
        %add3A_2776 = arith.constant 432 : i32
        %add3A_2777 = vector.broadcast %add3A_2776 : i32 to vector<16xi32>
        %add3A_2778 = arith.addi %iota3A, %add3A_2777 : vector<16xi32>
        %masked_sort3A_2779 = arith.constant dense<true> : vector<16xi1>
        %masked_sort3A_2780, %masked_sort3A_2781, %masked_sort3A_2782 = tpu.sort %get3A_2775, %add3A_2778 masked %masked_sort3A_2779 : (vector<16xf32>, vector<16xi32>, vector<16xi1>) -> (vector<16xi1>, vector<16xf32>, vector<16xi32>)
        %get3A_2783 = arith.index_cast %add3A_36 : i32 to index
        %get3A_2784 = arith.constant 432 : index
        %get3A_2785 = tpu.vector_load %arg5[%get3A_2783, %get3A_2784] {strides = array<i32>} : memref<64x512xf32, #tpu.memory_space<vmem>>, vector<16xf32>,
        %add3A_2786 = arith.constant 432 : i32
        %add3A_2787 = vector.broadcast %add3A_2786 : i32 to vector<16xi32>
        %add3A_2788 = arith.addi %iota3A, %add3A_2787 : vector<16xi32>
        %masked_sort3A_2789 = arith.constant dense<true> : vector<16xi1>
        %masked_sort3A_2790, %masked_sort3A_2791, %masked_sort3A_2792 = tpu.sort %get3A_2785, %add3A_2788 masked %masked_sort3A_2789 : (vector<16xf32>, vector<16xi32>, vector<16xi1>) -> (vector<16xi1>, vector<16xf32>, vector<16xi32>)
        %ge3A_2793 = arith.cmpf oge, %masked_sort3A_2703, %masked_sort3A_2761 : vector<16xf32>
        %select_n3A_2794 = arith.select %ge3A_2793, %masked_sort3A_2703, %masked_sort3A_2761 : vector<16xi1>, vector<16xf32>
        %select_n3A_2795 = arith.select %ge3A_2793, %masked_sort3A_2704, %masked_sort3A_2762 : vector<16xi1>, vector<16xi32>
        %ge3A_2796 = arith.cmpf oge, %masked_sort3A_2699, %select_n3A_2794 : vector<16xf32>
        %select_n3A_2797 = arith.select %ge3A_2796, %masked_sort3A_2699, %select_n3A_2794 : vector<16xi1>, vector<16xf32>
        %select_n3A_2798 = arith.select %ge3A_2796, %masked_sort3A_2700, %select_n3A_2795 : vector<16xi1>, vector<16xi32>
        %select_n3A_2799 = arith.select %ge3A_2796, %select_n3A_2794, %masked_sort3A_2699 : vector<16xi1>, vector<16xf32>
        %select_n3A_2800 = arith.select %ge3A_2796, %select_n3A_2795, %masked_sort3A_2700 : vector<16xi1>, vector<16xi32>
        %masked_sort3A_2801 = arith.constant dense<true> : vector<16xi1>
        %masked_sort3A_2802, %masked_sort3A_2803, %masked_sort3A_2804 = tpu.sort %select_n3A_2797, %select_n3A_2798 masked %masked_sort3A_2801 {descending = true} : (vector<16xf32>, vector<16xi32>, vector<16xi1>) -> (vector<16xi1>, vector<16xf32>, vector<16xi32>)
        %masked_sort3A_2805 = arith.constant dense<true> : vector<16xi1>
        %masked_sort3A_2806, %masked_sort3A_2807, %masked_sort3A_2808 = tpu.sort %select_n3A_2799, %select_n3A_2800 masked %masked_sort3A_2805 {descending = true} : (vector<16xf32>, vector<16xi32>, vector<16xi1>) -> (vector<16xi1>, vector<16xf32>, vector<16xi32>)
        %ge3A_2809 = arith.cmpf oge, %masked_sort3A_2719, %masked_sort3A_2771 : vector<16xf32>
        %select_n3A_2810 = arith.select %ge3A_2809, %masked_sort3A_2719, %masked_sort3A_2771 : vector<16xi1>, vector<16xf32>
        %select_n3A_2811 = arith.select %ge3A_2809, %masked_sort3A_2720, %masked_sort3A_2772 : vector<16xi1>, vector<16xi32>
        %ge3A_2812 = arith.cmpf oge, %masked_sort3A_2715, %select_n3A_2810 : vector<16xf32>
        %select_n3A_2813 = arith.select %ge3A_2812, %masked_sort3A_2715, %select_n3A_2810 : vector<16xi1>, vector<16xf32>
        %select_n3A_2814 = arith.select %ge3A_2812, %masked_sort3A_2716, %select_n3A_2811 : vector<16xi1>, vector<16xi32>
        %select_n3A_2815 = arith.select %ge3A_2812, %select_n3A_2810, %masked_sort3A_2715 : vector<16xi1>, vector<16xf32>
        %select_n3A_2816 = arith.select %ge3A_2812, %select_n3A_2811, %masked_sort3A_2716 : vector<16xi1>, vector<16xi32>
        %masked_sort3A_2817 = arith.constant dense<true> : vector<16xi1>
        %masked_sort3A_2818, %masked_sort3A_2819, %masked_sort3A_2820 = tpu.sort %select_n3A_2813, %select_n3A_2814 masked %masked_sort3A_2817 {descending = true} : (vector<16xf32>, vector<16xi32>, vector<16xi1>) -> (vector<16xi1>, vector<16xf32>, vector<16xi32>)
        %masked_sort3A_2821 = arith.constant dense<true> : vector<16xi1>
        %masked_sort3A_2822, %masked_sort3A_2823, %masked_sort3A_2824 = tpu.sort %select_n3A_2815, %select_n3A_2816 masked %masked_sort3A_2821 {descending = true} : (vector<16xf32>, vector<16xi32>, vector<16xi1>) -> (vector<16xi1>, vector<16xf32>, vector<16xi32>)
        %ge3A_2825 = arith.cmpf oge, %masked_sort3A_2735, %masked_sort3A_2781 : vector<16xf32>
        %select_n3A_2826 = arith.select %ge3A_2825, %masked_sort3A_2735, %masked_sort3A_2781 : vector<16xi1>, vector<16xf32>
        %select_n3A_2827 = arith.select %ge3A_2825, %masked_sort3A_2736, %masked_sort3A_2782 : vector<16xi1>, vector<16xi32>
        %ge3A_2828 = arith.cmpf oge, %masked_sort3A_2731, %select_n3A_2826 : vector<16xf32>
        %select_n3A_2829 = arith.select %ge3A_2828, %masked_sort3A_2731, %select_n3A_2826 : vector<16xi1>, vector<16xf32>
        %select_n3A_2830 = arith.select %ge3A_2828, %masked_sort3A_2732, %select_n3A_2827 : vector<16xi1>, vector<16xi32>
        %select_n3A_2831 = arith.select %ge3A_2828, %select_n3A_2826, %masked_sort3A_2731 : vector<16xi1>, vector<16xf32>
        %select_n3A_2832 = arith.select %ge3A_2828, %select_n3A_2827, %masked_sort3A_2732 : vector<16xi1>, vector<16xi32>
        %masked_sort3A_2833 = arith.constant dense<true> : vector<16xi1>
        %masked_sort3A_2834, %masked_sort3A_2835, %masked_sort3A_2836 = tpu.sort %select_n3A_2829, %select_n3A_2830 masked %masked_sort3A_2833 {descending = true} : (vector<16xf32>, vector<16xi32>, vector<16xi1>) -> (vector<16xi1>, vector<16xf32>, vector<16xi32>)
        %masked_sort3A_2837 = arith.constant dense<true> : vector<16xi1>
        %masked_sort3A_2838, %masked_sort3A_2839, %masked_sort3A_2840 = tpu.sort %select_n3A_2831, %select_n3A_2832 masked %masked_sort3A_2837 {descending = true} : (vector<16xf32>, vector<16xi32>, vector<16xi1>) -> (vector<16xi1>, vector<16xf32>, vector<16xi32>)
        %ge3A_2841 = arith.cmpf oge, %masked_sort3A_2751, %masked_sort3A_2791 : vector<16xf32>
        %select_n3A_2842 = arith.select %ge3A_2841, %masked_sort3A_2751, %masked_sort3A_2791 : vector<16xi1>, vector<16xf32>
        %select_n3A_2843 = arith.select %ge3A_2841, %masked_sort3A_2752, %masked_sort3A_2792 : vector<16xi1>, vector<16xi32>
        %ge3A_2844 = arith.cmpf oge, %masked_sort3A_2747, %select_n3A_2842 : vector<16xf32>
        %select_n3A_2845 = arith.select %ge3A_2844, %masked_sort3A_2747, %select_n3A_2842 : vector<16xi1>, vector<16xf32>
        %select_n3A_2846 = arith.select %ge3A_2844, %masked_sort3A_2748, %select_n3A_2843 : vector<16xi1>, vector<16xi32>
        %select_n3A_2847 = arith.select %ge3A_2844, %select_n3A_2842, %masked_sort3A_2747 : vector<16xi1>, vector<16xf32>
        %select_n3A_2848 = arith.select %ge3A_2844, %select_n3A_2843, %masked_sort3A_2748 : vector<16xi1>, vector<16xi32>
        %masked_sort3A_2849 = arith.constant dense<true> : vector<16xi1>
        %masked_sort3A_2850, %masked_sort3A_2851, %masked_sort3A_2852 = tpu.sort %select_n3A_2845, %select_n3A_2846 masked %masked_sort3A_2849 {descending = true} : (vector<16xf32>, vector<16xi32>, vector<16xi1>) -> (vector<16xi1>, vector<16xf32>, vector<16xi32>)
        %masked_sort3A_2853 = arith.constant dense<true> : vector<16xi1>
        %masked_sort3A_2854, %masked_sort3A_2855, %masked_sort3A_2856 = tpu.sort %select_n3A_2847, %select_n3A_2848 masked %masked_sort3A_2853 {descending = true} : (vector<16xf32>, vector<16xi32>, vector<16xi1>) -> (vector<16xi1>, vector<16xf32>, vector<16xi32>)
        %get3A_2857 = arith.index_cast %add3A_24 : i32 to index
        %get3A_2858 = arith.constant 448 : index
        %get3A_2859 = tpu.vector_load %arg5[%get3A_2857, %get3A_2858] {strides = array<i32>} : memref<64x512xf32, #tpu.memory_space<vmem>>, vector<16xf32>,
        %add3A_2860 = arith.constant 448 : i32
        %add3A_2861 = vector.broadcast %add3A_2860 : i32 to vector<16xi32>
        %add3A_2862 = arith.addi %iota3A, %add3A_2861 : vector<16xi32>
        %masked_sort3A_2863 = arith.constant dense<true> : vector<16xi1>
        %masked_sort3A_2864, %masked_sort3A_2865, %masked_sort3A_2866 = tpu.sort %get3A_2859, %add3A_2862 masked %masked_sort3A_2863 : (vector<16xf32>, vector<16xi32>, vector<16xi1>) -> (vector<16xi1>, vector<16xf32>, vector<16xi32>)
        %get3A_2867 = arith.index_cast %add3A_28 : i32 to index
        %get3A_2868 = arith.constant 448 : index
        %get3A_2869 = tpu.vector_load %arg5[%get3A_2867, %get3A_2868] {strides = array<i32>} : memref<64x512xf32, #tpu.memory_space<vmem>>, vector<16xf32>,
        %add3A_2870 = arith.constant 448 : i32
        %add3A_2871 = vector.broadcast %add3A_2870 : i32 to vector<16xi32>
        %add3A_2872 = arith.addi %iota3A, %add3A_2871 : vector<16xi32>
        %masked_sort3A_2873 = arith.constant dense<true> : vector<16xi1>
        %masked_sort3A_2874, %masked_sort3A_2875, %masked_sort3A_2876 = tpu.sort %get3A_2869, %add3A_2872 masked %masked_sort3A_2873 : (vector<16xf32>, vector<16xi32>, vector<16xi1>) -> (vector<16xi1>, vector<16xf32>, vector<16xi32>)
        %get3A_2877 = arith.index_cast %add3A_32 : i32 to index
        %get3A_2878 = arith.constant 448 : index
        %get3A_2879 = tpu.vector_load %arg5[%get3A_2877, %get3A_2878] {strides = array<i32>} : memref<64x512xf32, #tpu.memory_space<vmem>>, vector<16xf32>,
        %add3A_2880 = arith.constant 448 : i32
        %add3A_2881 = vector.broadcast %add3A_2880 : i32 to vector<16xi32>
        %add3A_2882 = arith.addi %iota3A, %add3A_2881 : vector<16xi32>
        %masked_sort3A_2883 = arith.constant dense<true> : vector<16xi1>
        %masked_sort3A_2884, %masked_sort3A_2885, %masked_sort3A_2886 = tpu.sort %get3A_2879, %add3A_2882 masked %masked_sort3A_2883 : (vector<16xf32>, vector<16xi32>, vector<16xi1>) -> (vector<16xi1>, vector<16xf32>, vector<16xi32>)
        %get3A_2887 = arith.index_cast %add3A_36 : i32 to index
        %get3A_2888 = arith.constant 448 : index
        %get3A_2889 = tpu.vector_load %arg5[%get3A_2887, %get3A_2888] {strides = array<i32>} : memref<64x512xf32, #tpu.memory_space<vmem>>, vector<16xf32>,
        %add3A_2890 = arith.constant 448 : i32
        %add3A_2891 = vector.broadcast %add3A_2890 : i32 to vector<16xi32>
        %add3A_2892 = arith.addi %iota3A, %add3A_2891 : vector<16xi32>
        %masked_sort3A_2893 = arith.constant dense<true> : vector<16xi1>
        %masked_sort3A_2894, %masked_sort3A_2895, %masked_sort3A_2896 = tpu.sort %get3A_2889, %add3A_2892 masked %masked_sort3A_2893 : (vector<16xf32>, vector<16xi32>, vector<16xi1>) -> (vector<16xi1>, vector<16xf32>, vector<16xi32>)
        %ge3A_2897 = arith.cmpf oge, %masked_sort3A_2807, %masked_sort3A_2865 : vector<16xf32>
        %select_n3A_2898 = arith.select %ge3A_2897, %masked_sort3A_2807, %masked_sort3A_2865 : vector<16xi1>, vector<16xf32>
        %select_n3A_2899 = arith.select %ge3A_2897, %masked_sort3A_2808, %masked_sort3A_2866 : vector<16xi1>, vector<16xi32>
        %ge3A_2900 = arith.cmpf oge, %masked_sort3A_2803, %select_n3A_2898 : vector<16xf32>
        %select_n3A_2901 = arith.select %ge3A_2900, %masked_sort3A_2803, %select_n3A_2898 : vector<16xi1>, vector<16xf32>
        %select_n3A_2902 = arith.select %ge3A_2900, %masked_sort3A_2804, %select_n3A_2899 : vector<16xi1>, vector<16xi32>
        %select_n3A_2903 = arith.select %ge3A_2900, %select_n3A_2898, %masked_sort3A_2803 : vector<16xi1>, vector<16xf32>
        %select_n3A_2904 = arith.select %ge3A_2900, %select_n3A_2899, %masked_sort3A_2804 : vector<16xi1>, vector<16xi32>
        %masked_sort3A_2905 = arith.constant dense<true> : vector<16xi1>
        %masked_sort3A_2906, %masked_sort3A_2907, %masked_sort3A_2908 = tpu.sort %select_n3A_2901, %select_n3A_2902 masked %masked_sort3A_2905 {descending = true} : (vector<16xf32>, vector<16xi32>, vector<16xi1>) -> (vector<16xi1>, vector<16xf32>, vector<16xi32>)
        %masked_sort3A_2909 = arith.constant dense<true> : vector<16xi1>
        %masked_sort3A_2910, %masked_sort3A_2911, %masked_sort3A_2912 = tpu.sort %select_n3A_2903, %select_n3A_2904 masked %masked_sort3A_2909 {descending = true} : (vector<16xf32>, vector<16xi32>, vector<16xi1>) -> (vector<16xi1>, vector<16xf32>, vector<16xi32>)
        %ge3A_2913 = arith.cmpf oge, %masked_sort3A_2823, %masked_sort3A_2875 : vector<16xf32>
        %select_n3A_2914 = arith.select %ge3A_2913, %masked_sort3A_2823, %masked_sort3A_2875 : vector<16xi1>, vector<16xf32>
        %select_n3A_2915 = arith.select %ge3A_2913, %masked_sort3A_2824, %masked_sort3A_2876 : vector<16xi1>, vector<16xi32>
        %ge3A_2916 = arith.cmpf oge, %masked_sort3A_2819, %select_n3A_2914 : vector<16xf32>
        %select_n3A_2917 = arith.select %ge3A_2916, %masked_sort3A_2819, %select_n3A_2914 : vector<16xi1>, vector<16xf32>
        %select_n3A_2918 = arith.select %ge3A_2916, %masked_sort3A_2820, %select_n3A_2915 : vector<16xi1>, vector<16xi32>
        %select_n3A_2919 = arith.select %ge3A_2916, %select_n3A_2914, %masked_sort3A_2819 : vector<16xi1>, vector<16xf32>
        %select_n3A_2920 = arith.select %ge3A_2916, %select_n3A_2915, %masked_sort3A_2820 : vector<16xi1>, vector<16xi32>
        %masked_sort3A_2921 = arith.constant dense<true> : vector<16xi1>
        %masked_sort3A_2922, %masked_sort3A_2923, %masked_sort3A_2924 = tpu.sort %select_n3A_2917, %select_n3A_2918 masked %masked_sort3A_2921 {descending = true} : (vector<16xf32>, vector<16xi32>, vector<16xi1>) -> (vector<16xi1>, vector<16xf32>, vector<16xi32>)
        %masked_sort3A_2925 = arith.constant dense<true> : vector<16xi1>
        %masked_sort3A_2926, %masked_sort3A_2927, %masked_sort3A_2928 = tpu.sort %select_n3A_2919, %select_n3A_2920 masked %masked_sort3A_2925 {descending = true} : (vector<16xf32>, vector<16xi32>, vector<16xi1>) -> (vector<16xi1>, vector<16xf32>, vector<16xi32>)
        %ge3A_2929 = arith.cmpf oge, %masked_sort3A_2839, %masked_sort3A_2885 : vector<16xf32>
        %select_n3A_2930 = arith.select %ge3A_2929, %masked_sort3A_2839, %masked_sort3A_2885 : vector<16xi1>, vector<16xf32>
        %select_n3A_2931 = arith.select %ge3A_2929, %masked_sort3A_2840, %masked_sort3A_2886 : vector<16xi1>, vector<16xi32>
        %ge3A_2932 = arith.cmpf oge, %masked_sort3A_2835, %select_n3A_2930 : vector<16xf32>
        %select_n3A_2933 = arith.select %ge3A_2932, %masked_sort3A_2835, %select_n3A_2930 : vector<16xi1>, vector<16xf32>
        %select_n3A_2934 = arith.select %ge3A_2932, %masked_sort3A_2836, %select_n3A_2931 : vector<16xi1>, vector<16xi32>
        %select_n3A_2935 = arith.select %ge3A_2932, %select_n3A_2930, %masked_sort3A_2835 : vector<16xi1>, vector<16xf32>
        %select_n3A_2936 = arith.select %ge3A_2932, %select_n3A_2931, %masked_sort3A_2836 : vector<16xi1>, vector<16xi32>
        %masked_sort3A_2937 = arith.constant dense<true> : vector<16xi1>
        %masked_sort3A_2938, %masked_sort3A_2939, %masked_sort3A_2940 = tpu.sort %select_n3A_2933, %select_n3A_2934 masked %masked_sort3A_2937 {descending = true} : (vector<16xf32>, vector<16xi32>, vector<16xi1>) -> (vector<16xi1>, vector<16xf32>, vector<16xi32>)
        %masked_sort3A_2941 = arith.constant dense<true> : vector<16xi1>
        %masked_sort3A_2942, %masked_sort3A_2943, %masked_sort3A_2944 = tpu.sort %select_n3A_2935, %select_n3A_2936 masked %masked_sort3A_2941 {descending = true} : (vector<16xf32>, vector<16xi32>, vector<16xi1>) -> (vector<16xi1>, vector<16xf32>, vector<16xi32>)
        %ge3A_2945 = arith.cmpf oge, %masked_sort3A_2855, %masked_sort3A_2895 : vector<16xf32>
        %select_n3A_2946 = arith.select %ge3A_2945, %masked_sort3A_2855, %masked_sort3A_2895 : vector<16xi1>, vector<16xf32>
        %select_n3A_2947 = arith.select %ge3A_2945, %masked_sort3A_2856, %masked_sort3A_2896 : vector<16xi1>, vector<16xi32>
        %ge3A_2948 = arith.cmpf oge, %masked_sort3A_2851, %select_n3A_2946 : vector<16xf32>
        %select_n3A_2949 = arith.select %ge3A_2948, %masked_sort3A_2851, %select_n3A_2946 : vector<16xi1>, vector<16xf32>
        %select_n3A_2950 = arith.select %ge3A_2948, %masked_sort3A_2852, %select_n3A_2947 : vector<16xi1>, vector<16xi32>
        %select_n3A_2951 = arith.select %ge3A_2948, %select_n3A_2946, %masked_sort3A_2851 : vector<16xi1>, vector<16xf32>
        %select_n3A_2952 = arith.select %ge3A_2948, %select_n3A_2947, %masked_sort3A_2852 : vector<16xi1>, vector<16xi32>
        %masked_sort3A_2953 = arith.constant dense<true> : vector<16xi1>
        %masked_sort3A_2954, %masked_sort3A_2955, %masked_sort3A_2956 = tpu.sort %select_n3A_2949, %select_n3A_2950 masked %masked_sort3A_2953 {descending = true} : (vector<16xf32>, vector<16xi32>, vector<16xi1>) -> (vector<16xi1>, vector<16xf32>, vector<16xi32>)
        %masked_sort3A_2957 = arith.constant dense<true> : vector<16xi1>
        %masked_sort3A_2958, %masked_sort3A_2959, %masked_sort3A_2960 = tpu.sort %select_n3A_2951, %select_n3A_2952 masked %masked_sort3A_2957 {descending = true} : (vector<16xf32>, vector<16xi32>, vector<16xi1>) -> (vector<16xi1>, vector<16xf32>, vector<16xi32>)
        %get3A_2961 = arith.index_cast %add3A_24 : i32 to index
        %get3A_2962 = arith.constant 464 : index
        %get3A_2963 = tpu.vector_load %arg5[%get3A_2961, %get3A_2962] {strides = array<i32>} : memref<64x512xf32, #tpu.memory_space<vmem>>, vector<16xf32>,
        %add3A_2964 = arith.constant 464 : i32
        %add3A_2965 = vector.broadcast %add3A_2964 : i32 to vector<16xi32>
        %add3A_2966 = arith.addi %iota3A, %add3A_2965 : vector<16xi32>
        %masked_sort3A_2967 = arith.constant dense<true> : vector<16xi1>
        %masked_sort3A_2968, %masked_sort3A_2969, %masked_sort3A_2970 = tpu.sort %get3A_2963, %add3A_2966 masked %masked_sort3A_2967 : (vector<16xf32>, vector<16xi32>, vector<16xi1>) -> (vector<16xi1>, vector<16xf32>, vector<16xi32>)
        %get3A_2971 = arith.index_cast %add3A_28 : i32 to index
        %get3A_2972 = arith.constant 464 : index
        %get3A_2973 = tpu.vector_load %arg5[%get3A_2971, %get3A_2972] {strides = array<i32>} : memref<64x512xf32, #tpu.memory_space<vmem>>, vector<16xf32>,
        %add3A_2974 = arith.constant 464 : i32
        %add3A_2975 = vector.broadcast %add3A_2974 : i32 to vector<16xi32>
        %add3A_2976 = arith.addi %iota3A, %add3A_2975 : vector<16xi32>
        %masked_sort3A_2977 = arith.constant dense<true> : vector<16xi1>
        %masked_sort3A_2978, %masked_sort3A_2979, %masked_sort3A_2980 = tpu.sort %get3A_2973, %add3A_2976 masked %masked_sort3A_2977 : (vector<16xf32>, vector<16xi32>, vector<16xi1>) -> (vector<16xi1>, vector<16xf32>, vector<16xi32>)
        %get3A_2981 = arith.index_cast %add3A_32 : i32 to index
        %get3A_2982 = arith.constant 464 : index
        %get3A_2983 = tpu.vector_load %arg5[%get3A_2981, %get3A_2982] {strides = array<i32>} : memref<64x512xf32, #tpu.memory_space<vmem>>, vector<16xf32>,
        %add3A_2984 = arith.constant 464 : i32
        %add3A_2985 = vector.broadcast %add3A_2984 : i32 to vector<16xi32>
        %add3A_2986 = arith.addi %iota3A, %add3A_2985 : vector<16xi32>
        %masked_sort3A_2987 = arith.constant dense<true> : vector<16xi1>
        %masked_sort3A_2988, %masked_sort3A_2989, %masked_sort3A_2990 = tpu.sort %get3A_2983, %add3A_2986 masked %masked_sort3A_2987 : (vector<16xf32>, vector<16xi32>, vector<16xi1>) -> (vector<16xi1>, vector<16xf32>, vector<16xi32>)
        %get3A_2991 = arith.index_cast %add3A_36 : i32 to index
        %get3A_2992 = arith.constant 464 : index
        %get3A_2993 = tpu.vector_load %arg5[%get3A_2991, %get3A_2992] {strides = array<i32>} : memref<64x512xf32, #tpu.memory_space<vmem>>, vector<16xf32>,
        %add3A_2994 = arith.constant 464 : i32
        %add3A_2995 = vector.broadcast %add3A_2994 : i32 to vector<16xi32>
        %add3A_2996 = arith.addi %iota3A, %add3A_2995 : vector<16xi32>
        %masked_sort3A_2997 = arith.constant dense<true> : vector<16xi1>
        %masked_sort3A_2998, %masked_sort3A_2999, %masked_sort3A_3000 = tpu.sort %get3A_2993, %add3A_2996 masked %masked_sort3A_2997 : (vector<16xf32>, vector<16xi32>, vector<16xi1>) -> (vector<16xi1>, vector<16xf32>, vector<16xi32>)
        %ge3A_3001 = arith.cmpf oge, %masked_sort3A_2911, %masked_sort3A_2969 : vector<16xf32>
        %select_n3A_3002 = arith.select %ge3A_3001, %masked_sort3A_2911, %masked_sort3A_2969 : vector<16xi1>, vector<16xf32>
        %select_n3A_3003 = arith.select %ge3A_3001, %masked_sort3A_2912, %masked_sort3A_2970 : vector<16xi1>, vector<16xi32>
        %ge3A_3004 = arith.cmpf oge, %masked_sort3A_2907, %select_n3A_3002 : vector<16xf32>
        %select_n3A_3005 = arith.select %ge3A_3004, %masked_sort3A_2907, %select_n3A_3002 : vector<16xi1>, vector<16xf32>
        %select_n3A_3006 = arith.select %ge3A_3004, %masked_sort3A_2908, %select_n3A_3003 : vector<16xi1>, vector<16xi32>
        %select_n3A_3007 = arith.select %ge3A_3004, %select_n3A_3002, %masked_sort3A_2907 : vector<16xi1>, vector<16xf32>
        %select_n3A_3008 = arith.select %ge3A_3004, %select_n3A_3003, %masked_sort3A_2908 : vector<16xi1>, vector<16xi32>
        %masked_sort3A_3009 = arith.constant dense<true> : vector<16xi1>
        %masked_sort3A_3010, %masked_sort3A_3011, %masked_sort3A_3012 = tpu.sort %select_n3A_3005, %select_n3A_3006 masked %masked_sort3A_3009 {descending = true} : (vector<16xf32>, vector<16xi32>, vector<16xi1>) -> (vector<16xi1>, vector<16xf32>, vector<16xi32>)
        %masked_sort3A_3013 = arith.constant dense<true> : vector<16xi1>
        %masked_sort3A_3014, %masked_sort3A_3015, %masked_sort3A_3016 = tpu.sort %select_n3A_3007, %select_n3A_3008 masked %masked_sort3A_3013 {descending = true} : (vector<16xf32>, vector<16xi32>, vector<16xi1>) -> (vector<16xi1>, vector<16xf32>, vector<16xi32>)
        %ge3A_3017 = arith.cmpf oge, %masked_sort3A_2927, %masked_sort3A_2979 : vector<16xf32>
        %select_n3A_3018 = arith.select %ge3A_3017, %masked_sort3A_2927, %masked_sort3A_2979 : vector<16xi1>, vector<16xf32>
        %select_n3A_3019 = arith.select %ge3A_3017, %masked_sort3A_2928, %masked_sort3A_2980 : vector<16xi1>, vector<16xi32>
        %ge3A_3020 = arith.cmpf oge, %masked_sort3A_2923, %select_n3A_3018 : vector<16xf32>
        %select_n3A_3021 = arith.select %ge3A_3020, %masked_sort3A_2923, %select_n3A_3018 : vector<16xi1>, vector<16xf32>
        %select_n3A_3022 = arith.select %ge3A_3020, %masked_sort3A_2924, %select_n3A_3019 : vector<16xi1>, vector<16xi32>
        %select_n3A_3023 = arith.select %ge3A_3020, %select_n3A_3018, %masked_sort3A_2923 : vector<16xi1>, vector<16xf32>
        %select_n3A_3024 = arith.select %ge3A_3020, %select_n3A_3019, %masked_sort3A_2924 : vector<16xi1>, vector<16xi32>
        %masked_sort3A_3025 = arith.constant dense<true> : vector<16xi1>
        %masked_sort3A_3026, %masked_sort3A_3027, %masked_sort3A_3028 = tpu.sort %select_n3A_3021, %select_n3A_3022 masked %masked_sort3A_3025 {descending = true} : (vector<16xf32>, vector<16xi32>, vector<16xi1>) -> (vector<16xi1>, vector<16xf32>, vector<16xi32>)
        %masked_sort3A_3029 = arith.constant dense<true> : vector<16xi1>
        %masked_sort3A_3030, %masked_sort3A_3031, %masked_sort3A_3032 = tpu.sort %select_n3A_3023, %select_n3A_3024 masked %masked_sort3A_3029 {descending = true} : (vector<16xf32>, vector<16xi32>, vector<16xi1>) -> (vector<16xi1>, vector<16xf32>, vector<16xi32>)
        %ge3A_3033 = arith.cmpf oge, %masked_sort3A_2943, %masked_sort3A_2989 : vector<16xf32>
        %select_n3A_3034 = arith.select %ge3A_3033, %masked_sort3A_2943, %masked_sort3A_2989 : vector<16xi1>, vector<16xf32>
        %select_n3A_3035 = arith.select %ge3A_3033, %masked_sort3A_2944, %masked_sort3A_2990 : vector<16xi1>, vector<16xi32>
        %ge3A_3036 = arith.cmpf oge, %masked_sort3A_2939, %select_n3A_3034 : vector<16xf32>
        %select_n3A_3037 = arith.select %ge3A_3036, %masked_sort3A_2939, %select_n3A_3034 : vector<16xi1>, vector<16xf32>
        %select_n3A_3038 = arith.select %ge3A_3036, %masked_sort3A_2940, %select_n3A_3035 : vector<16xi1>, vector<16xi32>
        %select_n3A_3039 = arith.select %ge3A_3036, %select_n3A_3034, %masked_sort3A_2939 : vector<16xi1>, vector<16xf32>
        %select_n3A_3040 = arith.select %ge3A_3036, %select_n3A_3035, %masked_sort3A_2940 : vector<16xi1>, vector<16xi32>
        %masked_sort3A_3041 = arith.constant dense<true> : vector<16xi1>
        %masked_sort3A_3042, %masked_sort3A_3043, %masked_sort3A_3044 = tpu.sort %select_n3A_3037, %select_n3A_3038 masked %masked_sort3A_3041 {descending = true} : (vector<16xf32>, vector<16xi32>, vector<16xi1>) -> (vector<16xi1>, vector<16xf32>, vector<16xi32>)
        %masked_sort3A_3045 = arith.constant dense<true> : vector<16xi1>
        %masked_sort3A_3046, %masked_sort3A_3047, %masked_sort3A_3048 = tpu.sort %select_n3A_3039, %select_n3A_3040 masked %masked_sort3A_3045 {descending = true} : (vector<16xf32>, vector<16xi32>, vector<16xi1>) -> (vector<16xi1>, vector<16xf32>, vector<16xi32>)
        %ge3A_3049 = arith.cmpf oge, %masked_sort3A_2959, %masked_sort3A_2999 : vector<16xf32>
        %select_n3A_3050 = arith.select %ge3A_3049, %masked_sort3A_2959, %masked_sort3A_2999 : vector<16xi1>, vector<16xf32>
        %select_n3A_3051 = arith.select %ge3A_3049, %masked_sort3A_2960, %masked_sort3A_3000 : vector<16xi1>, vector<16xi32>
        %ge3A_3052 = arith.cmpf oge, %masked_sort3A_2955, %select_n3A_3050 : vector<16xf32>
        %select_n3A_3053 = arith.select %ge3A_3052, %masked_sort3A_2955, %select_n3A_3050 : vector<16xi1>, vector<16xf32>
        %select_n3A_3054 = arith.select %ge3A_3052, %masked_sort3A_2956, %select_n3A_3051 : vector<16xi1>, vector<16xi32>
        %select_n3A_3055 = arith.select %ge3A_3052, %select_n3A_3050, %masked_sort3A_2955 : vector<16xi1>, vector<16xf32>
        %select_n3A_3056 = arith.select %ge3A_3052, %select_n3A_3051, %masked_sort3A_2956 : vector<16xi1>, vector<16xi32>
        %masked_sort3A_3057 = arith.constant dense<true> : vector<16xi1>
        %masked_sort3A_3058, %masked_sort3A_3059, %masked_sort3A_3060 = tpu.sort %select_n3A_3053, %select_n3A_3054 masked %masked_sort3A_3057 {descending = true} : (vector<16xf32>, vector<16xi32>, vector<16xi1>) -> (vector<16xi1>, vector<16xf32>, vector<16xi32>)
        %masked_sort3A_3061 = arith.constant dense<true> : vector<16xi1>
        %masked_sort3A_3062, %masked_sort3A_3063, %masked_sort3A_3064 = tpu.sort %select_n3A_3055, %select_n3A_3056 masked %masked_sort3A_3061 {descending = true} : (vector<16xf32>, vector<16xi32>, vector<16xi1>) -> (vector<16xi1>, vector<16xf32>, vector<16xi32>)
        %get3A_3065 = arith.index_cast %add3A_24 : i32 to index
        %get3A_3066 = arith.constant 480 : index
        %get3A_3067 = tpu.vector_load %arg5[%get3A_3065, %get3A_3066] {strides = array<i32>} : memref<64x512xf32, #tpu.memory_space<vmem>>, vector<16xf32>,
        %add3A_3068 = arith.constant 480 : i32
        %add3A_3069 = vector.broadcast %add3A_3068 : i32 to vector<16xi32>
        %add3A_3070 = arith.addi %iota3A, %add3A_3069 : vector<16xi32>
        %masked_sort3A_3071 = arith.constant dense<true> : vector<16xi1>
        %masked_sort3A_3072, %masked_sort3A_3073, %masked_sort3A_3074 = tpu.sort %get3A_3067, %add3A_3070 masked %masked_sort3A_3071 : (vector<16xf32>, vector<16xi32>, vector<16xi1>) -> (vector<16xi1>, vector<16xf32>, vector<16xi32>)
        %get3A_3075 = arith.index_cast %add3A_28 : i32 to index
        %get3A_3076 = arith.constant 480 : index
        %get3A_3077 = tpu.vector_load %arg5[%get3A_3075, %get3A_3076] {strides = array<i32>} : memref<64x512xf32, #tpu.memory_space<vmem>>, vector<16xf32>,
        %add3A_3078 = arith.constant 480 : i32
        %add3A_3079 = vector.broadcast %add3A_3078 : i32 to vector<16xi32>
        %add3A_3080 = arith.addi %iota3A, %add3A_3079 : vector<16xi32>
        %masked_sort3A_3081 = arith.constant dense<true> : vector<16xi1>
        %masked_sort3A_3082, %masked_sort3A_3083, %masked_sort3A_3084 = tpu.sort %get3A_3077, %add3A_3080 masked %masked_sort3A_3081 : (vector<16xf32>, vector<16xi32>, vector<16xi1>) -> (vector<16xi1>, vector<16xf32>, vector<16xi32>)
        %get3A_3085 = arith.index_cast %add3A_32 : i32 to index
        %get3A_3086 = arith.constant 480 : index
        %get3A_3087 = tpu.vector_load %arg5[%get3A_3085, %get3A_3086] {strides = array<i32>} : memref<64x512xf32, #tpu.memory_space<vmem>>, vector<16xf32>,
        %add3A_3088 = arith.constant 480 : i32
        %add3A_3089 = vector.broadcast %add3A_3088 : i32 to vector<16xi32>
        %add3A_3090 = arith.addi %iota3A, %add3A_3089 : vector<16xi32>
        %masked_sort3A_3091 = arith.constant dense<true> : vector<16xi1>
        %masked_sort3A_3092, %masked_sort3A_3093, %masked_sort3A_3094 = tpu.sort %get3A_3087, %add3A_3090 masked %masked_sort3A_3091 : (vector<16xf32>, vector<16xi32>, vector<16xi1>) -> (vector<16xi1>, vector<16xf32>, vector<16xi32>)
        %get3A_3095 = arith.index_cast %add3A_36 : i32 to index
        %get3A_3096 = arith.constant 480 : index
        %get3A_3097 = tpu.vector_load %arg5[%get3A_3095, %get3A_3096] {strides = array<i32>} : memref<64x512xf32, #tpu.memory_space<vmem>>, vector<16xf32>,
        %add3A_3098 = arith.constant 480 : i32
        %add3A_3099 = vector.broadcast %add3A_3098 : i32 to vector<16xi32>
        %add3A_3100 = arith.addi %iota3A, %add3A_3099 : vector<16xi32>
        %masked_sort3A_3101 = arith.constant dense<true> : vector<16xi1>
        %masked_sort3A_3102, %masked_sort3A_3103, %masked_sort3A_3104 = tpu.sort %get3A_3097, %add3A_3100 masked %masked_sort3A_3101 : (vector<16xf32>, vector<16xi32>, vector<16xi1>) -> (vector<16xi1>, vector<16xf32>, vector<16xi32>)
        %ge3A_3105 = arith.cmpf oge, %masked_sort3A_3015, %masked_sort3A_3073 : vector<16xf32>
        %select_n3A_3106 = arith.select %ge3A_3105, %masked_sort3A_3015, %masked_sort3A_3073 : vector<16xi1>, vector<16xf32>
        %select_n3A_3107 = arith.select %ge3A_3105, %masked_sort3A_3016, %masked_sort3A_3074 : vector<16xi1>, vector<16xi32>
        %ge3A_3108 = arith.cmpf oge, %masked_sort3A_3011, %select_n3A_3106 : vector<16xf32>
        %select_n3A_3109 = arith.select %ge3A_3108, %masked_sort3A_3011, %select_n3A_3106 : vector<16xi1>, vector<16xf32>
        %select_n3A_3110 = arith.select %ge3A_3108, %masked_sort3A_3012, %select_n3A_3107 : vector<16xi1>, vector<16xi32>
        %select_n3A_3111 = arith.select %ge3A_3108, %select_n3A_3106, %masked_sort3A_3011 : vector<16xi1>, vector<16xf32>
        %select_n3A_3112 = arith.select %ge3A_3108, %select_n3A_3107, %masked_sort3A_3012 : vector<16xi1>, vector<16xi32>
        %masked_sort3A_3113 = arith.constant dense<true> : vector<16xi1>
        %masked_sort3A_3114, %masked_sort3A_3115, %masked_sort3A_3116 = tpu.sort %select_n3A_3109, %select_n3A_3110 masked %masked_sort3A_3113 {descending = true} : (vector<16xf32>, vector<16xi32>, vector<16xi1>) -> (vector<16xi1>, vector<16xf32>, vector<16xi32>)
        %masked_sort3A_3117 = arith.constant dense<true> : vector<16xi1>
        %masked_sort3A_3118, %masked_sort3A_3119, %masked_sort3A_3120 = tpu.sort %select_n3A_3111, %select_n3A_3112 masked %masked_sort3A_3117 {descending = true} : (vector<16xf32>, vector<16xi32>, vector<16xi1>) -> (vector<16xi1>, vector<16xf32>, vector<16xi32>)
        %ge3A_3121 = arith.cmpf oge, %masked_sort3A_3031, %masked_sort3A_3083 : vector<16xf32>
        %select_n3A_3122 = arith.select %ge3A_3121, %masked_sort3A_3031, %masked_sort3A_3083 : vector<16xi1>, vector<16xf32>
        %select_n3A_3123 = arith.select %ge3A_3121, %masked_sort3A_3032, %masked_sort3A_3084 : vector<16xi1>, vector<16xi32>
        %ge3A_3124 = arith.cmpf oge, %masked_sort3A_3027, %select_n3A_3122 : vector<16xf32>
        %select_n3A_3125 = arith.select %ge3A_3124, %masked_sort3A_3027, %select_n3A_3122 : vector<16xi1>, vector<16xf32>
        %select_n3A_3126 = arith.select %ge3A_3124, %masked_sort3A_3028, %select_n3A_3123 : vector<16xi1>, vector<16xi32>
        %select_n3A_3127 = arith.select %ge3A_3124, %select_n3A_3122, %masked_sort3A_3027 : vector<16xi1>, vector<16xf32>
        %select_n3A_3128 = arith.select %ge3A_3124, %select_n3A_3123, %masked_sort3A_3028 : vector<16xi1>, vector<16xi32>
        %masked_sort3A_3129 = arith.constant dense<true> : vector<16xi1>
        %masked_sort3A_3130, %masked_sort3A_3131, %masked_sort3A_3132 = tpu.sort %select_n3A_3125, %select_n3A_3126 masked %masked_sort3A_3129 {descending = true} : (vector<16xf32>, vector<16xi32>, vector<16xi1>) -> (vector<16xi1>, vector<16xf32>, vector<16xi32>)
        %masked_sort3A_3133 = arith.constant dense<true> : vector<16xi1>
        %masked_sort3A_3134, %masked_sort3A_3135, %masked_sort3A_3136 = tpu.sort %select_n3A_3127, %select_n3A_3128 masked %masked_sort3A_3133 {descending = true} : (vector<16xf32>, vector<16xi32>, vector<16xi1>) -> (vector<16xi1>, vector<16xf32>, vector<16xi32>)
        %ge3A_3137 = arith.cmpf oge, %masked_sort3A_3047, %masked_sort3A_3093 : vector<16xf32>
        %select_n3A_3138 = arith.select %ge3A_3137, %masked_sort3A_3047, %masked_sort3A_3093 : vector<16xi1>, vector<16xf32>
        %select_n3A_3139 = arith.select %ge3A_3137, %masked_sort3A_3048, %masked_sort3A_3094 : vector<16xi1>, vector<16xi32>
        %ge3A_3140 = arith.cmpf oge, %masked_sort3A_3043, %select_n3A_3138 : vector<16xf32>
        %select_n3A_3141 = arith.select %ge3A_3140, %masked_sort3A_3043, %select_n3A_3138 : vector<16xi1>, vector<16xf32>
        %select_n3A_3142 = arith.select %ge3A_3140, %masked_sort3A_3044, %select_n3A_3139 : vector<16xi1>, vector<16xi32>
        %select_n3A_3143 = arith.select %ge3A_3140, %select_n3A_3138, %masked_sort3A_3043 : vector<16xi1>, vector<16xf32>
        %select_n3A_3144 = arith.select %ge3A_3140, %select_n3A_3139, %masked_sort3A_3044 : vector<16xi1>, vector<16xi32>
        %masked_sort3A_3145 = arith.constant dense<true> : vector<16xi1>
        %masked_sort3A_3146, %masked_sort3A_3147, %masked_sort3A_3148 = tpu.sort %select_n3A_3141, %select_n3A_3142 masked %masked_sort3A_3145 {descending = true} : (vector<16xf32>, vector<16xi32>, vector<16xi1>) -> (vector<16xi1>, vector<16xf32>, vector<16xi32>)
        %masked_sort3A_3149 = arith.constant dense<true> : vector<16xi1>
        %masked_sort3A_3150, %masked_sort3A_3151, %masked_sort3A_3152 = tpu.sort %select_n3A_3143, %select_n3A_3144 masked %masked_sort3A_3149 {descending = true} : (vector<16xf32>, vector<16xi32>, vector<16xi1>) -> (vector<16xi1>, vector<16xf32>, vector<16xi32>)
        %ge3A_3153 = arith.cmpf oge, %masked_sort3A_3063, %masked_sort3A_3103 : vector<16xf32>
        %select_n3A_3154 = arith.select %ge3A_3153, %masked_sort3A_3063, %masked_sort3A_3103 : vector<16xi1>, vector<16xf32>
        %select_n3A_3155 = arith.select %ge3A_3153, %masked_sort3A_3064, %masked_sort3A_3104 : vector<16xi1>, vector<16xi32>
        %ge3A_3156 = arith.cmpf oge, %masked_sort3A_3059, %select_n3A_3154 : vector<16xf32>
        %select_n3A_3157 = arith.select %ge3A_3156, %masked_sort3A_3059, %select_n3A_3154 : vector<16xi1>, vector<16xf32>
        %select_n3A_3158 = arith.select %ge3A_3156, %masked_sort3A_3060, %select_n3A_3155 : vector<16xi1>, vector<16xi32>
        %select_n3A_3159 = arith.select %ge3A_3156, %select_n3A_3154, %masked_sort3A_3059 : vector<16xi1>, vector<16xf32>
        %select_n3A_3160 = arith.select %ge3A_3156, %select_n3A_3155, %masked_sort3A_3060 : vector<16xi1>, vector<16xi32>
        %masked_sort3A_3161 = arith.constant dense<true> : vector<16xi1>
        %masked_sort3A_3162, %masked_sort3A_3163, %masked_sort3A_3164 = tpu.sort %select_n3A_3157, %select_n3A_3158 masked %masked_sort3A_3161 {descending = true} : (vector<16xf32>, vector<16xi32>, vector<16xi1>) -> (vector<16xi1>, vector<16xf32>, vector<16xi32>)
        %masked_sort3A_3165 = arith.constant dense<true> : vector<16xi1>
        %masked_sort3A_3166, %masked_sort3A_3167, %masked_sort3A_3168 = tpu.sort %select_n3A_3159, %select_n3A_3160 masked %masked_sort3A_3165 {descending = true} : (vector<16xf32>, vector<16xi32>, vector<16xi1>) -> (vector<16xi1>, vector<16xf32>, vector<16xi32>)
        %get3A_3169 = arith.index_cast %add3A_24 : i32 to index
        %get3A_3170 = arith.constant 496 : index
        %get3A_3171 = tpu.vector_load %arg5[%get3A_3169, %get3A_3170] {strides = array<i32>} : memref<64x512xf32, #tpu.memory_space<vmem>>, vector<16xf32>,
        %add3A_3172 = arith.constant 496 : i32
        %add3A_3173 = vector.broadcast %add3A_3172 : i32 to vector<16xi32>
        %add3A_3174 = arith.addi %iota3A, %add3A_3173 : vector<16xi32>
        %masked_sort3A_3175 = arith.constant dense<true> : vector<16xi1>
        %masked_sort3A_3176, %masked_sort3A_3177, %masked_sort3A_3178 = tpu.sort %get3A_3171, %add3A_3174 masked %masked_sort3A_3175 : (vector<16xf32>, vector<16xi32>, vector<16xi1>) -> (vector<16xi1>, vector<16xf32>, vector<16xi32>)
        %get3A_3179 = arith.index_cast %add3A_28 : i32 to index
        %get3A_3180 = arith.constant 496 : index
        %get3A_3181 = tpu.vector_load %arg5[%get3A_3179, %get3A_3180] {strides = array<i32>} : memref<64x512xf32, #tpu.memory_space<vmem>>, vector<16xf32>,
        %add3A_3182 = arith.constant 496 : i32
        %add3A_3183 = vector.broadcast %add3A_3182 : i32 to vector<16xi32>
        %add3A_3184 = arith.addi %iota3A, %add3A_3183 : vector<16xi32>
        %masked_sort3A_3185 = arith.constant dense<true> : vector<16xi1>
        %masked_sort3A_3186, %masked_sort3A_3187, %masked_sort3A_3188 = tpu.sort %get3A_3181, %add3A_3184 masked %masked_sort3A_3185 : (vector<16xf32>, vector<16xi32>, vector<16xi1>) -> (vector<16xi1>, vector<16xf32>, vector<16xi32>)
        %get3A_3189 = arith.index_cast %add3A_32 : i32 to index
        %get3A_3190 = arith.constant 496 : index
        %get3A_3191 = tpu.vector_load %arg5[%get3A_3189, %get3A_3190] {strides = array<i32>} : memref<64x512xf32, #tpu.memory_space<vmem>>, vector<16xf32>,
        %add3A_3192 = arith.constant 496 : i32
        %add3A_3193 = vector.broadcast %add3A_3192 : i32 to vector<16xi32>
        %add3A_3194 = arith.addi %iota3A, %add3A_3193 : vector<16xi32>
        %masked_sort3A_3195 = arith.constant dense<true> : vector<16xi1>
        %masked_sort3A_3196, %masked_sort3A_3197, %masked_sort3A_3198 = tpu.sort %get3A_3191, %add3A_3194 masked %masked_sort3A_3195 : (vector<16xf32>, vector<16xi32>, vector<16xi1>) -> (vector<16xi1>, vector<16xf32>, vector<16xi32>)
        %get3A_3199 = arith.index_cast %add3A_36 : i32 to index
        %get3A_3200 = arith.constant 496 : index
        %get3A_3201 = tpu.vector_load %arg5[%get3A_3199, %get3A_3200] {strides = array<i32>} : memref<64x512xf32, #tpu.memory_space<vmem>>, vector<16xf32>,
        %add3A_3202 = arith.constant 496 : i32
        %add3A_3203 = vector.broadcast %add3A_3202 : i32 to vector<16xi32>
        %add3A_3204 = arith.addi %iota3A, %add3A_3203 : vector<16xi32>
        %masked_sort3A_3205 = arith.constant dense<true> : vector<16xi1>
        %masked_sort3A_3206, %masked_sort3A_3207, %masked_sort3A_3208 = tpu.sort %get3A_3201, %add3A_3204 masked %masked_sort3A_3205 : (vector<16xf32>, vector<16xi32>, vector<16xi1>) -> (vector<16xi1>, vector<16xf32>, vector<16xi32>)
        %ge3A_3209 = arith.cmpf oge, %masked_sort3A_3119, %masked_sort3A_3177 : vector<16xf32>
        %select_n3A_3210 = arith.select %ge3A_3209, %masked_sort3A_3119, %masked_sort3A_3177 : vector<16xi1>, vector<16xf32>
        %select_n3A_3211 = arith.select %ge3A_3209, %masked_sort3A_3120, %masked_sort3A_3178 : vector<16xi1>, vector<16xi32>
        %ge3A_3212 = arith.cmpf oge, %masked_sort3A_3115, %select_n3A_3210 : vector<16xf32>
        %select_n3A_3213 = arith.select %ge3A_3212, %masked_sort3A_3115, %select_n3A_3210 : vector<16xi1>, vector<16xf32>
        %select_n3A_3214 = arith.select %ge3A_3212, %masked_sort3A_3116, %select_n3A_3211 : vector<16xi1>, vector<16xi32>
        %select_n3A_3215 = arith.select %ge3A_3212, %select_n3A_3210, %masked_sort3A_3115 : vector<16xi1>, vector<16xf32>
        %select_n3A_3216 = arith.select %ge3A_3212, %select_n3A_3211, %masked_sort3A_3116 : vector<16xi1>, vector<16xi32>
        %masked_sort3A_3217 = arith.constant dense<true> : vector<16xi1>
        %masked_sort3A_3218, %masked_sort3A_3219, %masked_sort3A_3220 = tpu.sort %select_n3A_3213, %select_n3A_3214 masked %masked_sort3A_3217 {descending = true} : (vector<16xf32>, vector<16xi32>, vector<16xi1>) -> (vector<16xi1>, vector<16xf32>, vector<16xi32>)
        %masked_sort3A_3221 = arith.constant dense<true> : vector<16xi1>
        %masked_sort3A_3222, %masked_sort3A_3223, %masked_sort3A_3224 = tpu.sort %select_n3A_3215, %select_n3A_3216 masked %masked_sort3A_3221 {descending = true} : (vector<16xf32>, vector<16xi32>, vector<16xi1>) -> (vector<16xi1>, vector<16xf32>, vector<16xi32>)
        %ge3A_3225 = arith.cmpf oge, %masked_sort3A_3135, %masked_sort3A_3187 : vector<16xf32>
        %select_n3A_3226 = arith.select %ge3A_3225, %masked_sort3A_3135, %masked_sort3A_3187 : vector<16xi1>, vector<16xf32>
        %select_n3A_3227 = arith.select %ge3A_3225, %masked_sort3A_3136, %masked_sort3A_3188 : vector<16xi1>, vector<16xi32>
        %ge3A_3228 = arith.cmpf oge, %masked_sort3A_3131, %select_n3A_3226 : vector<16xf32>
        %select_n3A_3229 = arith.select %ge3A_3228, %masked_sort3A_3131, %select_n3A_3226 : vector<16xi1>, vector<16xf32>
        %select_n3A_3230 = arith.select %ge3A_3228, %masked_sort3A_3132, %select_n3A_3227 : vector<16xi1>, vector<16xi32>
        %select_n3A_3231 = arith.select %ge3A_3228, %select_n3A_3226, %masked_sort3A_3131 : vector<16xi1>, vector<16xf32>
        %select_n3A_3232 = arith.select %ge3A_3228, %select_n3A_3227, %masked_sort3A_3132 : vector<16xi1>, vector<16xi32>
        %masked_sort3A_3233 = arith.constant dense<true> : vector<16xi1>
        %masked_sort3A_3234, %masked_sort3A_3235, %masked_sort3A_3236 = tpu.sort %select_n3A_3229, %select_n3A_3230 masked %masked_sort3A_3233 {descending = true} : (vector<16xf32>, vector<16xi32>, vector<16xi1>) -> (vector<16xi1>, vector<16xf32>, vector<16xi32>)
        %masked_sort3A_3237 = arith.constant dense<true> : vector<16xi1>
        %masked_sort3A_3238, %masked_sort3A_3239, %masked_sort3A_3240 = tpu.sort %select_n3A_3231, %select_n3A_3232 masked %masked_sort3A_3237 {descending = true} : (vector<16xf32>, vector<16xi32>, vector<16xi1>) -> (vector<16xi1>, vector<16xf32>, vector<16xi32>)
        %ge3A_3241 = arith.cmpf oge, %masked_sort3A_3151, %masked_sort3A_3197 : vector<16xf32>
        %select_n3A_3242 = arith.select %ge3A_3241, %masked_sort3A_3151, %masked_sort3A_3197 : vector<16xi1>, vector<16xf32>
        %select_n3A_3243 = arith.select %ge3A_3241, %masked_sort3A_3152, %masked_sort3A_3198 : vector<16xi1>, vector<16xi32>
        %ge3A_3244 = arith.cmpf oge, %masked_sort3A_3147, %select_n3A_3242 : vector<16xf32>
        %select_n3A_3245 = arith.select %ge3A_3244, %masked_sort3A_3147, %select_n3A_3242 : vector<16xi1>, vector<16xf32>
        %select_n3A_3246 = arith.select %ge3A_3244, %masked_sort3A_3148, %select_n3A_3243 : vector<16xi1>, vector<16xi32>
        %select_n3A_3247 = arith.select %ge3A_3244, %select_n3A_3242, %masked_sort3A_3147 : vector<16xi1>, vector<16xf32>
        %select_n3A_3248 = arith.select %ge3A_3244, %select_n3A_3243, %masked_sort3A_3148 : vector<16xi1>, vector<16xi32>
        %masked_sort3A_3249 = arith.constant dense<true> : vector<16xi1>
        %masked_sort3A_3250, %masked_sort3A_3251, %masked_sort3A_3252 = tpu.sort %select_n3A_3245, %select_n3A_3246 masked %masked_sort3A_3249 {descending = true} : (vector<16xf32>, vector<16xi32>, vector<16xi1>) -> (vector<16xi1>, vector<16xf32>, vector<16xi32>)
        %masked_sort3A_3253 = arith.constant dense<true> : vector<16xi1>
        %masked_sort3A_3254, %masked_sort3A_3255, %masked_sort3A_3256 = tpu.sort %select_n3A_3247, %select_n3A_3248 masked %masked_sort3A_3253 {descending = true} : (vector<16xf32>, vector<16xi32>, vector<16xi1>) -> (vector<16xi1>, vector<16xf32>, vector<16xi32>)
        %ge3A_3257 = arith.cmpf oge, %masked_sort3A_3167, %masked_sort3A_3207 : vector<16xf32>
        %select_n3A_3258 = arith.select %ge3A_3257, %masked_sort3A_3167, %masked_sort3A_3207 : vector<16xi1>, vector<16xf32>
        %select_n3A_3259 = arith.select %ge3A_3257, %masked_sort3A_3168, %masked_sort3A_3208 : vector<16xi1>, vector<16xi32>
        %ge3A_3260 = arith.cmpf oge, %masked_sort3A_3163, %select_n3A_3258 : vector<16xf32>
        %select_n3A_3261 = arith.select %ge3A_3260, %masked_sort3A_3163, %select_n3A_3258 : vector<16xi1>, vector<16xf32>
        %select_n3A_3262 = arith.select %ge3A_3260, %masked_sort3A_3164, %select_n3A_3259 : vector<16xi1>, vector<16xi32>
        %select_n3A_3263 = arith.select %ge3A_3260, %select_n3A_3258, %masked_sort3A_3163 : vector<16xi1>, vector<16xf32>
        %select_n3A_3264 = arith.select %ge3A_3260, %select_n3A_3259, %masked_sort3A_3164 : vector<16xi1>, vector<16xi32>
        %masked_sort3A_3265 = arith.constant dense<true> : vector<16xi1>
        %masked_sort3A_3266, %masked_sort3A_3267, %masked_sort3A_3268 = tpu.sort %select_n3A_3261, %select_n3A_3262 masked %masked_sort3A_3265 {descending = true} : (vector<16xf32>, vector<16xi32>, vector<16xi1>) -> (vector<16xi1>, vector<16xf32>, vector<16xi32>)
        %masked_sort3A_3269 = arith.constant dense<true> : vector<16xi1>
        %masked_sort3A_3270, %masked_sort3A_3271, %masked_sort3A_3272 = tpu.sort %select_n3A_3263, %select_n3A_3264 masked %masked_sort3A_3269 {descending = true} : (vector<16xf32>, vector<16xi32>, vector<16xi1>) -> (vector<16xi1>, vector<16xf32>, vector<16xi32>)
        %swap3A = arith.index_cast %add3A_24 : i32 to index
        %swap3A_3273 = arith.constant 0 : index
        %swap3A_3274 = tpu.vector_load %arg6[%swap3A, %swap3A_3273] {strides = array<i32>} : memref<64x32xf32, #tpu.memory_space<vmem>>, vector<16xf32>,
        tpu.vector_store %arg6[%swap3A, %swap3A_3273], %masked_sort3A_3219 {strides = array<i32>} : memref<64x32xf32, #tpu.memory_space<vmem>>, vector<16xf32>,
        %swap3A_3275 = arith.index_cast %add3A_24 : i32 to index
        %swap3A_3276 = arith.constant 16 : index
        %swap3A_3277 = tpu.vector_load %arg6[%swap3A_3275, %swap3A_3276] {strides = array<i32>} : memref<64x32xf32, #tpu.memory_space<vmem>>, vector<16xf32>,
        tpu.vector_store %arg6[%swap3A_3275, %swap3A_3276], %masked_sort3A_3223 {strides = array<i32>} : memref<64x32xf32, #tpu.memory_space<vmem>>, vector<16xf32>,
        %swap3A_3278 = arith.index_cast %add3A_24 : i32 to index
        %swap3A_3279 = arith.constant 0 : index
        %swap3A_3280 = tpu.vector_load %arg7[%swap3A_3278, %swap3A_3279] {strides = array<i32>} : memref<64x32xi32, #tpu.memory_space<vmem>>, vector<16xi32>,
        tpu.vector_store %arg7[%swap3A_3278, %swap3A_3279], %masked_sort3A_3220 {strides = array<i32>} : memref<64x32xi32, #tpu.memory_space<vmem>>, vector<16xi32>,
        %swap3A_3281 = arith.index_cast %add3A_24 : i32 to index
        %swap3A_3282 = arith.constant 16 : index
        %swap3A_3283 = tpu.vector_load %arg7[%swap3A_3281, %swap3A_3282] {strides = array<i32>} : memref<64x32xi32, #tpu.memory_space<vmem>>, vector<16xi32>,
        tpu.vector_store %arg7[%swap3A_3281, %swap3A_3282], %masked_sort3A_3224 {strides = array<i32>} : memref<64x32xi32, #tpu.memory_space<vmem>>, vector<16xi32>,
        %swap3A_3284 = arith.index_cast %add3A_28 : i32 to index
        %swap3A_3285 = arith.constant 0 : index
        %swap3A_3286 = tpu.vector_load %arg6[%swap3A_3284, %swap3A_3285] {strides = array<i32>} : memref<64x32xf32, #tpu.memory_space<vmem>>, vector<16xf32>,
        tpu.vector_store %arg6[%swap3A_3284, %swap3A_3285], %masked_sort3A_3235 {strides = array<i32>} : memref<64x32xf32, #tpu.memory_space<vmem>>, vector<16xf32>,
        %swap3A_3287 = arith.index_cast %add3A_28 : i32 to index
        %swap3A_3288 = arith.constant 16 : index
        %swap3A_3289 = tpu.vector_load %arg6[%swap3A_3287, %swap3A_3288] {strides = array<i32>} : memref<64x32xf32, #tpu.memory_space<vmem>>, vector<16xf32>,
        tpu.vector_store %arg6[%swap3A_3287, %swap3A_3288], %masked_sort3A_3239 {strides = array<i32>} : memref<64x32xf32, #tpu.memory_space<vmem>>, vector<16xf32>,
        %swap3A_3290 = arith.index_cast %add3A_28 : i32 to index
        %swap3A_3291 = arith.constant 0 : index
        %swap3A_3292 = tpu.vector_load %arg7[%swap3A_3290, %swap3A_3291] {strides = array<i32>} : memref<64x32xi32, #tpu.memory_space<vmem>>, vector<16xi32>,
        tpu.vector_store %arg7[%swap3A_3290, %swap3A_3291], %masked_sort3A_3236 {strides = array<i32>} : memref<64x32xi32, #tpu.memory_space<vmem>>, vector<16xi32>,
        %swap3A_3293 = arith.index_cast %add3A_28 : i32 to index
        %swap3A_3294 = arith.constant 16 : index
        %swap3A_3295 = tpu.vector_load %arg7[%swap3A_3293, %swap3A_3294] {strides = array<i32>} : memref<64x32xi32, #tpu.memory_space<vmem>>, vector<16xi32>,
        tpu.vector_store %arg7[%swap3A_3293, %swap3A_3294], %masked_sort3A_3240 {strides = array<i32>} : memref<64x32xi32, #tpu.memory_space<vmem>>, vector<16xi32>,
        %swap3A_3296 = arith.index_cast %add3A_32 : i32 to index
        %swap3A_3297 = arith.constant 0 : index
        %swap3A_3298 = tpu.vector_load %arg6[%swap3A_3296, %swap3A_3297] {strides = array<i32>} : memref<64x32xf32, #tpu.memory_space<vmem>>, vector<16xf32>,
        tpu.vector_store %arg6[%swap3A_3296, %swap3A_3297], %masked_sort3A_3251 {strides = array<i32>} : memref<64x32xf32, #tpu.memory_space<vmem>>, vector<16xf32>,
        %swap3A_3299 = arith.index_cast %add3A_32 : i32 to index
        %swap3A_3300 = arith.constant 16 : index
        %swap3A_3301 = tpu.vector_load %arg6[%swap3A_3299, %swap3A_3300] {strides = array<i32>} : memref<64x32xf32, #tpu.memory_space<vmem>>, vector<16xf32>,
        tpu.vector_store %arg6[%swap3A_3299, %swap3A_3300], %masked_sort3A_3255 {strides = array<i32>} : memref<64x32xf32, #tpu.memory_space<vmem>>, vector<16xf32>,
        %swap3A_3302 = arith.index_cast %add3A_32 : i32 to index
        %swap3A_3303 = arith.constant 0 : index
        %swap3A_3304 = tpu.vector_load %arg7[%swap3A_3302, %swap3A_3303] {strides = array<i32>} : memref<64x32xi32, #tpu.memory_space<vmem>>, vector<16xi32>,
        tpu.vector_store %arg7[%swap3A_3302, %swap3A_3303], %masked_sort3A_3252 {strides = array<i32>} : memref<64x32xi32, #tpu.memory_space<vmem>>, vector<16xi32>,
        %swap3A_3305 = arith.index_cast %add3A_32 : i32 to index
        %swap3A_3306 = arith.constant 16 : index
        %swap3A_3307 = tpu.vector_load %arg7[%swap3A_3305, %swap3A_3306] {strides = array<i32>} : memref<64x32xi32, #tpu.memory_space<vmem>>, vector<16xi32>,
        tpu.vector_store %arg7[%swap3A_3305, %swap3A_3306], %masked_sort3A_3256 {strides = array<i32>} : memref<64x32xi32, #tpu.memory_space<vmem>>, vector<16xi32>,
        %swap3A_3308 = arith.index_cast %add3A_36 : i32 to index
        %swap3A_3309 = arith.constant 0 : index
        %swap3A_3310 = tpu.vector_load %arg6[%swap3A_3308, %swap3A_3309] {strides = array<i32>} : memref<64x32xf32, #tpu.memory_space<vmem>>, vector<16xf32>,
        tpu.vector_store %arg6[%swap3A_3308, %swap3A_3309], %masked_sort3A_3267 {strides = array<i32>} : memref<64x32xf32, #tpu.memory_space<vmem>>, vector<16xf32>,
        %swap3A_3311 = arith.index_cast %add3A_36 : i32 to index
        %swap3A_3312 = arith.constant 16 : index
        %swap3A_3313 = tpu.vector_load %arg6[%swap3A_3311, %swap3A_3312] {strides = array<i32>} : memref<64x32xf32, #tpu.memory_space<vmem>>, vector<16xf32>,
        tpu.vector_store %arg6[%swap3A_3311, %swap3A_3312], %masked_sort3A_3271 {strides = array<i32>} : memref<64x32xf32, #tpu.memory_space<vmem>>, vector<16xf32>,
        %swap3A_3314 = arith.index_cast %add3A_36 : i32 to index
        %swap3A_3315 = arith.constant 0 : index
        %swap3A_3316 = tpu.vector_load %arg7[%swap3A_3314, %swap3A_3315] {strides = array<i32>} : memref<64x32xi32, #tpu.memory_space<vmem>>, vector<16xi32>,
        tpu.vector_store %arg7[%swap3A_3314, %swap3A_3315], %masked_sort3A_3268 {strides = array<i32>} : memref<64x32xi32, #tpu.memory_space<vmem>>, vector<16xi32>,
        %swap3A_3317 = arith.index_cast %add3A_36 : i32 to index
        %swap3A_3318 = arith.constant 16 : index
        %swap3A_3319 = tpu.vector_load %arg7[%swap3A_3317, %swap3A_3318] {strides = array<i32>} : memref<64x32xi32, #tpu.memory_space<vmem>>, vector<16xi32>,
        tpu.vector_store %arg7[%swap3A_3317, %swap3A_3318], %masked_sort3A_3272 {strides = array<i32>} : memref<64x32xi32, #tpu.memory_space<vmem>>, vector<16xi32>,
      }
      %scan3A_19 = arith.constant 16 : i32
      "tpu.region"() ({
        %run_scoped3A = tpu.sem_alloc : memref<!tpu.dma_semaphore, #tpu.memory_space<semaphore_mem>>
        %dma_start3A = arith.constant 0 : i32
        %dma_start3A_20 = tpu.memref_slice %arg4[%add3A_11, %dma_start3A] : memref<12288x32xf32, #tpu.memory_space<hbm>> -> memref<64x32xf32, #tpu.memory_space<hbm>>
        %dma_start3A_21 = arith.constant 0 : i32
        %dma_start3A_22 = tpu.memref_slice %arg4[%add3A_11, %dma_start3A_21] : memref<12288x32xf32, #tpu.memory_space<hbm>> -> memref<64x32xf32, #tpu.memory_space<hbm>>
        tpu.enqueue_dma source(%arg6 : memref<64x32xf32, #tpu.memory_space<vmem>>) target(%dma_start3A_22 : memref<64x32xf32, #tpu.memory_space<hbm>>) target_semaphore(%run_scoped3A : memref<!tpu.dma_semaphore, #tpu.memory_space<semaphore_mem>>)
        %dma_wait3A = arith.constant 0 : i32
        %dma_wait3A_23 = tpu.memref_slice %arg4[%add3A_11, %dma_wait3A] : memref<12288x32xf32, #tpu.memory_space<hbm>> -> memref<64x32xf32, #tpu.memory_space<hbm>>
        %dma_wait3A_24 = arith.constant 0 : i32
        %dma_wait3A_25 = tpu.memref_slice %arg4[%add3A_11, %dma_wait3A_24] : memref<12288x32xf32, #tpu.memory_space<hbm>> -> memref<64x32xf32, #tpu.memory_space<hbm>>
        tpu.wait_dma2 semaphore(%run_scoped3A : memref<!tpu.dma_semaphore, #tpu.memory_space<semaphore_mem>>) src(%arg6 : memref<64x32xf32, #tpu.memory_space<vmem>>) dst(%dma_wait3A_25 : memref<64x32xf32, #tpu.memory_space<hbm>>)
        tpu.yield
      }) : () -> ()
      "tpu.region"() ({
        %run_scoped3A = tpu.sem_alloc : memref<!tpu.dma_semaphore, #tpu.memory_space<semaphore_mem>>
        %dma_start3A = arith.constant 0 : i32
        %dma_start3A_20 = tpu.memref_slice %arg3[%add3A_11, %dma_start3A] : memref<12288x32xi32, #tpu.memory_space<hbm>> -> memref<64x32xi32, #tpu.memory_space<hbm>>
        %dma_start3A_21 = arith.constant 0 : i32
        %dma_start3A_22 = tpu.memref_slice %arg3[%add3A_11, %dma_start3A_21] : memref<12288x32xi32, #tpu.memory_space<hbm>> -> memref<64x32xi32, #tpu.memory_space<hbm>>
        tpu.enqueue_dma source(%arg7 : memref<64x32xi32, #tpu.memory_space<vmem>>) target(%dma_start3A_22 : memref<64x32xi32, #tpu.memory_space<hbm>>) target_semaphore(%run_scoped3A : memref<!tpu.dma_semaphore, #tpu.memory_space<semaphore_mem>>)
        %dma_wait3A = arith.constant 0 : i32
        %dma_wait3A_23 = tpu.memref_slice %arg3[%add3A_11, %dma_wait3A] : memref<12288x32xi32, #tpu.memory_space<hbm>> -> memref<64x32xi32, #tpu.memory_space<hbm>>
        %dma_wait3A_24 = arith.constant 0 : i32
        %dma_wait3A_25 = tpu.memref_slice %arg3[%add3A_11, %dma_wait3A_24] : memref<12288x32xi32, #tpu.memory_space<hbm>> -> memref<64x32xi32, #tpu.memory_space<hbm>>
        tpu.wait_dma2 semaphore(%run_scoped3A : memref<!tpu.dma_semaphore, #tpu.memory_space<semaphore_mem>>) src(%arg7 : memref<64x32xi32, #tpu.memory_space<vmem>>) dst(%dma_wait3A_25 : memref<64x32xi32, #tpu.memory_space<hbm>>)
        tpu.yield
      }) : () -> ()
    }
    %scan3A_5 = arith.constant 6 : i32
    return
  }
}

module attributes {stable_mosaic.version = 14 : i64} {
  func.func @_tc_topk_body(%arg0: i32, %arg1: memref<1x512x512xf32, #tpu.memory_space<vmem>>, %arg2: memref<1x512x32xi32, #tpu.memory_space<vmem>>, %arg3: memref<1x512x32xf32, #tpu.memory_space<vmem>>) attributes {dimension_semantics = [#tpu.dimension_semantics<parallel>], iteration_bounds = array<i64: 8>, scalar_prefetch = 0 : i64, scratch_operands = 0 : i64, tpu.core_type = #tpu.core_type<tc>, window_params = [{transform_indices = @transform_0, window_bounds = array<i64: 1, 512, 512>}, {transform_indices = @transform_1, window_bounds = array<i64: 1, 512, 32>}, {transform_indices = @transform_2, window_bounds = array<i64: 1, 512, 32>}]} {
    %get3A = arith.constant 0 : index
    %get3A_0 = arith.constant 0 : index
    %get3A_1 = arith.constant 0 : index
    %get3A_2 = vector.load %arg1[%get3A, %get3A_0, %get3A_1] : memref<1x512x512xf32, #tpu.memory_space<vmem>>, vector<1x512x512xf32>
    %get3A_3 = vector.shape_cast %get3A_2 : vector<1x512x512xf32> to vector<512x512xf32>
    %iota3A = tpu.iota {dimensions = array<i32: 1>} : vector<512x512xi32>
    %convert_element_type3A = arith.sitofp %iota3A : vector<512x512xi32> to vector<512x512xf32>
    %reduce_max3A = arith.constant dense<0xFF800000> : vector<512xf32>
    %reduce_max3A_4 = vector.multi_reduction <maximumf>, %get3A_3, %reduce_max3A [1] : vector<512x512xf32> to vector<512xf32>
    %broadcast_in_dim3A = vector.shape_cast %reduce_max3A_4 : vector<512xf32> to vector<512x1xf32>
    %eq3A = vector.broadcast %broadcast_in_dim3A : vector<512x1xf32> to vector<512x512xf32>
    %eq3A_5 = arith.cmpf oeq, %get3A_3, %eq3A : vector<512x512xf32>
    %jit3A = arith.constant 5.120000e+02 : f32
    %broadcast_in_dim3A_6 = vector.broadcast %jit3A : f32 to vector<512x512xf32>
    %select_n3A = arith.select %eq3A_5, %convert_element_type3A, %broadcast_in_dim3A_6 : vector<512x512xi1>, vector<512x512xf32>
    %reduce_min3A = arith.constant dense<0x7F800000> : vector<512xf32>
    %reduce_min3A_7 = vector.multi_reduction <minimumf>, %select_n3A, %reduce_min3A [1] : vector<512x512xf32> to vector<512xf32>
    %broadcast_in_dim3A_8 = vector.shape_cast %reduce_min3A_7 : vector<512xf32> to vector<512x1xf32>
    %eq3A_9 = vector.broadcast %broadcast_in_dim3A_8 : vector<512x1xf32> to vector<512x512xf32>
    %eq3A_10 = arith.cmpf oeq, %convert_element_type3A, %eq3A_9 : vector<512x512xf32>
    %jit3A_11 = arith.constant 0xFF800000 : f32
    %broadcast_in_dim3A_12 = vector.broadcast %jit3A_11 : f32 to vector<512x512xf32>
    %select_n3A_13 = arith.select %eq3A_10, %broadcast_in_dim3A_12, %get3A_3 : vector<512x512xi1>, vector<512x512xf32>
    %reduce_max3A_14 = arith.constant dense<0xFF800000> : vector<512xf32>
    %reduce_max3A_15 = vector.multi_reduction <maximumf>, %select_n3A_13, %reduce_max3A_14 [1] : vector<512x512xf32> to vector<512xf32>
    %broadcast_in_dim3A_16 = vector.shape_cast %reduce_max3A_15 : vector<512xf32> to vector<512x1xf32>
    %eq3A_17 = vector.broadcast %broadcast_in_dim3A_16 : vector<512x1xf32> to vector<512x512xf32>
    %eq3A_18 = arith.cmpf oeq, %select_n3A_13, %eq3A_17 : vector<512x512xf32>
    %jit3A_19 = arith.constant 5.120000e+02 : f32
    %broadcast_in_dim3A_20 = vector.broadcast %jit3A_19 : f32 to vector<512x512xf32>
    %select_n3A_21 = arith.select %eq3A_18, %convert_element_type3A, %broadcast_in_dim3A_20 : vector<512x512xi1>, vector<512x512xf32>
    %reduce_min3A_22 = arith.constant dense<0x7F800000> : vector<512xf32>
    %reduce_min3A_23 = vector.multi_reduction <minimumf>, %select_n3A_21, %reduce_min3A_22 [1] : vector<512x512xf32> to vector<512xf32>
    %broadcast_in_dim3A_24 = vector.shape_cast %reduce_min3A_23 : vector<512xf32> to vector<512x1xf32>
    %eq3A_25 = vector.broadcast %broadcast_in_dim3A_24 : vector<512x1xf32> to vector<512x512xf32>
    %eq3A_26 = arith.cmpf oeq, %convert_element_type3A, %eq3A_25 : vector<512x512xf32>
    %jit3A_27 = arith.constant 0xFF800000 : f32
    %broadcast_in_dim3A_28 = vector.broadcast %jit3A_27 : f32 to vector<512x512xf32>
    %select_n3A_29 = arith.select %eq3A_26, %broadcast_in_dim3A_28, %select_n3A_13 : vector<512x512xi1>, vector<512x512xf32>
    %reduce_max3A_30 = arith.constant dense<0xFF800000> : vector<512xf32>
    %reduce_max3A_31 = vector.multi_reduction <maximumf>, %select_n3A_29, %reduce_max3A_30 [1] : vector<512x512xf32> to vector<512xf32>
    %broadcast_in_dim3A_32 = vector.shape_cast %reduce_max3A_31 : vector<512xf32> to vector<512x1xf32>
    %eq3A_33 = vector.broadcast %broadcast_in_dim3A_32 : vector<512x1xf32> to vector<512x512xf32>
    %eq3A_34 = arith.cmpf oeq, %select_n3A_29, %eq3A_33 : vector<512x512xf32>
    %jit3A_35 = arith.constant 5.120000e+02 : f32
    %broadcast_in_dim3A_36 = vector.broadcast %jit3A_35 : f32 to vector<512x512xf32>
    %select_n3A_37 = arith.select %eq3A_34, %convert_element_type3A, %broadcast_in_dim3A_36 : vector<512x512xi1>, vector<512x512xf32>
    %reduce_min3A_38 = arith.constant dense<0x7F800000> : vector<512xf32>
    %reduce_min3A_39 = vector.multi_reduction <minimumf>, %select_n3A_37, %reduce_min3A_38 [1] : vector<512x512xf32> to vector<512xf32>
    %broadcast_in_dim3A_40 = vector.shape_cast %reduce_min3A_39 : vector<512xf32> to vector<512x1xf32>
    %eq3A_41 = vector.broadcast %broadcast_in_dim3A_40 : vector<512x1xf32> to vector<512x512xf32>
    %eq3A_42 = arith.cmpf oeq, %convert_element_type3A, %eq3A_41 : vector<512x512xf32>
    %jit3A_43 = arith.constant 0xFF800000 : f32
    %broadcast_in_dim3A_44 = vector.broadcast %jit3A_43 : f32 to vector<512x512xf32>
    %select_n3A_45 = arith.select %eq3A_42, %broadcast_in_dim3A_44, %select_n3A_29 : vector<512x512xi1>, vector<512x512xf32>
    %reduce_max3A_46 = arith.constant dense<0xFF800000> : vector<512xf32>
    %reduce_max3A_47 = vector.multi_reduction <maximumf>, %select_n3A_45, %reduce_max3A_46 [1] : vector<512x512xf32> to vector<512xf32>
    %broadcast_in_dim3A_48 = vector.shape_cast %reduce_max3A_47 : vector<512xf32> to vector<512x1xf32>
    %eq3A_49 = vector.broadcast %broadcast_in_dim3A_48 : vector<512x1xf32> to vector<512x512xf32>
    %eq3A_50 = arith.cmpf oeq, %select_n3A_45, %eq3A_49 : vector<512x512xf32>
    %jit3A_51 = arith.constant 5.120000e+02 : f32
    %broadcast_in_dim3A_52 = vector.broadcast %jit3A_51 : f32 to vector<512x512xf32>
    %select_n3A_53 = arith.select %eq3A_50, %convert_element_type3A, %broadcast_in_dim3A_52 : vector<512x512xi1>, vector<512x512xf32>
    %reduce_min3A_54 = arith.constant dense<0x7F800000> : vector<512xf32>
    %reduce_min3A_55 = vector.multi_reduction <minimumf>, %select_n3A_53, %reduce_min3A_54 [1] : vector<512x512xf32> to vector<512xf32>
    %broadcast_in_dim3A_56 = vector.shape_cast %reduce_min3A_55 : vector<512xf32> to vector<512x1xf32>
    %eq3A_57 = vector.broadcast %broadcast_in_dim3A_56 : vector<512x1xf32> to vector<512x512xf32>
    %eq3A_58 = arith.cmpf oeq, %convert_element_type3A, %eq3A_57 : vector<512x512xf32>
    %jit3A_59 = arith.constant 0xFF800000 : f32
    %broadcast_in_dim3A_60 = vector.broadcast %jit3A_59 : f32 to vector<512x512xf32>
    %select_n3A_61 = arith.select %eq3A_58, %broadcast_in_dim3A_60, %select_n3A_45 : vector<512x512xi1>, vector<512x512xf32>
    %reduce_max3A_62 = arith.constant dense<0xFF800000> : vector<512xf32>
    %reduce_max3A_63 = vector.multi_reduction <maximumf>, %select_n3A_61, %reduce_max3A_62 [1] : vector<512x512xf32> to vector<512xf32>
    %broadcast_in_dim3A_64 = vector.shape_cast %reduce_max3A_63 : vector<512xf32> to vector<512x1xf32>
    %eq3A_65 = vector.broadcast %broadcast_in_dim3A_64 : vector<512x1xf32> to vector<512x512xf32>
    %eq3A_66 = arith.cmpf oeq, %select_n3A_61, %eq3A_65 : vector<512x512xf32>
    %jit3A_67 = arith.constant 5.120000e+02 : f32
    %broadcast_in_dim3A_68 = vector.broadcast %jit3A_67 : f32 to vector<512x512xf32>
    %select_n3A_69 = arith.select %eq3A_66, %convert_element_type3A, %broadcast_in_dim3A_68 : vector<512x512xi1>, vector<512x512xf32>
    %reduce_min3A_70 = arith.constant dense<0x7F800000> : vector<512xf32>
    %reduce_min3A_71 = vector.multi_reduction <minimumf>, %select_n3A_69, %reduce_min3A_70 [1] : vector<512x512xf32> to vector<512xf32>
    %broadcast_in_dim3A_72 = vector.shape_cast %reduce_min3A_71 : vector<512xf32> to vector<512x1xf32>
    %eq3A_73 = vector.broadcast %broadcast_in_dim3A_72 : vector<512x1xf32> to vector<512x512xf32>
    %eq3A_74 = arith.cmpf oeq, %convert_element_type3A, %eq3A_73 : vector<512x512xf32>
    %jit3A_75 = arith.constant 0xFF800000 : f32
    %broadcast_in_dim3A_76 = vector.broadcast %jit3A_75 : f32 to vector<512x512xf32>
    %select_n3A_77 = arith.select %eq3A_74, %broadcast_in_dim3A_76, %select_n3A_61 : vector<512x512xi1>, vector<512x512xf32>
    %reduce_max3A_78 = arith.constant dense<0xFF800000> : vector<512xf32>
    %reduce_max3A_79 = vector.multi_reduction <maximumf>, %select_n3A_77, %reduce_max3A_78 [1] : vector<512x512xf32> to vector<512xf32>
    %broadcast_in_dim3A_80 = vector.shape_cast %reduce_max3A_79 : vector<512xf32> to vector<512x1xf32>
    %eq3A_81 = vector.broadcast %broadcast_in_dim3A_80 : vector<512x1xf32> to vector<512x512xf32>
    %eq3A_82 = arith.cmpf oeq, %select_n3A_77, %eq3A_81 : vector<512x512xf32>
    %jit3A_83 = arith.constant 5.120000e+02 : f32
    %broadcast_in_dim3A_84 = vector.broadcast %jit3A_83 : f32 to vector<512x512xf32>
    %select_n3A_85 = arith.select %eq3A_82, %convert_element_type3A, %broadcast_in_dim3A_84 : vector<512x512xi1>, vector<512x512xf32>
    %reduce_min3A_86 = arith.constant dense<0x7F800000> : vector<512xf32>
    %reduce_min3A_87 = vector.multi_reduction <minimumf>, %select_n3A_85, %reduce_min3A_86 [1] : vector<512x512xf32> to vector<512xf32>
    %broadcast_in_dim3A_88 = vector.shape_cast %reduce_min3A_87 : vector<512xf32> to vector<512x1xf32>
    %eq3A_89 = vector.broadcast %broadcast_in_dim3A_88 : vector<512x1xf32> to vector<512x512xf32>
    %eq3A_90 = arith.cmpf oeq, %convert_element_type3A, %eq3A_89 : vector<512x512xf32>
    %jit3A_91 = arith.constant 0xFF800000 : f32
    %broadcast_in_dim3A_92 = vector.broadcast %jit3A_91 : f32 to vector<512x512xf32>
    %select_n3A_93 = arith.select %eq3A_90, %broadcast_in_dim3A_92, %select_n3A_77 : vector<512x512xi1>, vector<512x512xf32>
    %reduce_max3A_94 = arith.constant dense<0xFF800000> : vector<512xf32>
    %reduce_max3A_95 = vector.multi_reduction <maximumf>, %select_n3A_93, %reduce_max3A_94 [1] : vector<512x512xf32> to vector<512xf32>
    %broadcast_in_dim3A_96 = vector.shape_cast %reduce_max3A_95 : vector<512xf32> to vector<512x1xf32>
    %eq3A_97 = vector.broadcast %broadcast_in_dim3A_96 : vector<512x1xf32> to vector<512x512xf32>
    %eq3A_98 = arith.cmpf oeq, %select_n3A_93, %eq3A_97 : vector<512x512xf32>
    %jit3A_99 = arith.constant 5.120000e+02 : f32
    %broadcast_in_dim3A_100 = vector.broadcast %jit3A_99 : f32 to vector<512x512xf32>
    %select_n3A_101 = arith.select %eq3A_98, %convert_element_type3A, %broadcast_in_dim3A_100 : vector<512x512xi1>, vector<512x512xf32>
    %reduce_min3A_102 = arith.constant dense<0x7F800000> : vector<512xf32>
    %reduce_min3A_103 = vector.multi_reduction <minimumf>, %select_n3A_101, %reduce_min3A_102 [1] : vector<512x512xf32> to vector<512xf32>
    %broadcast_in_dim3A_104 = vector.shape_cast %reduce_min3A_103 : vector<512xf32> to vector<512x1xf32>
    %eq3A_105 = vector.broadcast %broadcast_in_dim3A_104 : vector<512x1xf32> to vector<512x512xf32>
    %eq3A_106 = arith.cmpf oeq, %convert_element_type3A, %eq3A_105 : vector<512x512xf32>
    %jit3A_107 = arith.constant 0xFF800000 : f32
    %broadcast_in_dim3A_108 = vector.broadcast %jit3A_107 : f32 to vector<512x512xf32>
    %select_n3A_109 = arith.select %eq3A_106, %broadcast_in_dim3A_108, %select_n3A_93 : vector<512x512xi1>, vector<512x512xf32>
    %reduce_max3A_110 = arith.constant dense<0xFF800000> : vector<512xf32>
    %reduce_max3A_111 = vector.multi_reduction <maximumf>, %select_n3A_109, %reduce_max3A_110 [1] : vector<512x512xf32> to vector<512xf32>
    %broadcast_in_dim3A_112 = vector.shape_cast %reduce_max3A_111 : vector<512xf32> to vector<512x1xf32>
    %eq3A_113 = vector.broadcast %broadcast_in_dim3A_112 : vector<512x1xf32> to vector<512x512xf32>
    %eq3A_114 = arith.cmpf oeq, %select_n3A_109, %eq3A_113 : vector<512x512xf32>
    %jit3A_115 = arith.constant 5.120000e+02 : f32
    %broadcast_in_dim3A_116 = vector.broadcast %jit3A_115 : f32 to vector<512x512xf32>
    %select_n3A_117 = arith.select %eq3A_114, %convert_element_type3A, %broadcast_in_dim3A_116 : vector<512x512xi1>, vector<512x512xf32>
    %reduce_min3A_118 = arith.constant dense<0x7F800000> : vector<512xf32>
    %reduce_min3A_119 = vector.multi_reduction <minimumf>, %select_n3A_117, %reduce_min3A_118 [1] : vector<512x512xf32> to vector<512xf32>
    %broadcast_in_dim3A_120 = vector.shape_cast %reduce_min3A_119 : vector<512xf32> to vector<512x1xf32>
    %eq3A_121 = vector.broadcast %broadcast_in_dim3A_120 : vector<512x1xf32> to vector<512x512xf32>
    %eq3A_122 = arith.cmpf oeq, %convert_element_type3A, %eq3A_121 : vector<512x512xf32>
    %jit3A_123 = arith.constant 0xFF800000 : f32
    %broadcast_in_dim3A_124 = vector.broadcast %jit3A_123 : f32 to vector<512x512xf32>
    %select_n3A_125 = arith.select %eq3A_122, %broadcast_in_dim3A_124, %select_n3A_109 : vector<512x512xi1>, vector<512x512xf32>
    %reduce_max3A_126 = arith.constant dense<0xFF800000> : vector<512xf32>
    %reduce_max3A_127 = vector.multi_reduction <maximumf>, %select_n3A_125, %reduce_max3A_126 [1] : vector<512x512xf32> to vector<512xf32>
    %broadcast_in_dim3A_128 = vector.shape_cast %reduce_max3A_127 : vector<512xf32> to vector<512x1xf32>
    %eq3A_129 = vector.broadcast %broadcast_in_dim3A_128 : vector<512x1xf32> to vector<512x512xf32>
    %eq3A_130 = arith.cmpf oeq, %select_n3A_125, %eq3A_129 : vector<512x512xf32>
    %jit3A_131 = arith.constant 5.120000e+02 : f32
    %broadcast_in_dim3A_132 = vector.broadcast %jit3A_131 : f32 to vector<512x512xf32>
    %select_n3A_133 = arith.select %eq3A_130, %convert_element_type3A, %broadcast_in_dim3A_132 : vector<512x512xi1>, vector<512x512xf32>
    %reduce_min3A_134 = arith.constant dense<0x7F800000> : vector<512xf32>
    %reduce_min3A_135 = vector.multi_reduction <minimumf>, %select_n3A_133, %reduce_min3A_134 [1] : vector<512x512xf32> to vector<512xf32>
    %broadcast_in_dim3A_136 = vector.shape_cast %reduce_min3A_135 : vector<512xf32> to vector<512x1xf32>
    %eq3A_137 = vector.broadcast %broadcast_in_dim3A_136 : vector<512x1xf32> to vector<512x512xf32>
    %eq3A_138 = arith.cmpf oeq, %convert_element_type3A, %eq3A_137 : vector<512x512xf32>
    %jit3A_139 = arith.constant 0xFF800000 : f32
    %broadcast_in_dim3A_140 = vector.broadcast %jit3A_139 : f32 to vector<512x512xf32>
    %select_n3A_141 = arith.select %eq3A_138, %broadcast_in_dim3A_140, %select_n3A_125 : vector<512x512xi1>, vector<512x512xf32>
    %reduce_max3A_142 = arith.constant dense<0xFF800000> : vector<512xf32>
    %reduce_max3A_143 = vector.multi_reduction <maximumf>, %select_n3A_141, %reduce_max3A_142 [1] : vector<512x512xf32> to vector<512xf32>
    %broadcast_in_dim3A_144 = vector.shape_cast %reduce_max3A_143 : vector<512xf32> to vector<512x1xf32>
    %eq3A_145 = vector.broadcast %broadcast_in_dim3A_144 : vector<512x1xf32> to vector<512x512xf32>
    %eq3A_146 = arith.cmpf oeq, %select_n3A_141, %eq3A_145 : vector<512x512xf32>
    %jit3A_147 = arith.constant 5.120000e+02 : f32
    %broadcast_in_dim3A_148 = vector.broadcast %jit3A_147 : f32 to vector<512x512xf32>
    %select_n3A_149 = arith.select %eq3A_146, %convert_element_type3A, %broadcast_in_dim3A_148 : vector<512x512xi1>, vector<512x512xf32>
    %reduce_min3A_150 = arith.constant dense<0x7F800000> : vector<512xf32>
    %reduce_min3A_151 = vector.multi_reduction <minimumf>, %select_n3A_149, %reduce_min3A_150 [1] : vector<512x512xf32> to vector<512xf32>
    %broadcast_in_dim3A_152 = vector.shape_cast %reduce_min3A_151 : vector<512xf32> to vector<512x1xf32>
    %eq3A_153 = vector.broadcast %broadcast_in_dim3A_152 : vector<512x1xf32> to vector<512x512xf32>
    %eq3A_154 = arith.cmpf oeq, %convert_element_type3A, %eq3A_153 : vector<512x512xf32>
    %jit3A_155 = arith.constant 0xFF800000 : f32
    %broadcast_in_dim3A_156 = vector.broadcast %jit3A_155 : f32 to vector<512x512xf32>
    %select_n3A_157 = arith.select %eq3A_154, %broadcast_in_dim3A_156, %select_n3A_141 : vector<512x512xi1>, vector<512x512xf32>
    %reduce_max3A_158 = arith.constant dense<0xFF800000> : vector<512xf32>
    %reduce_max3A_159 = vector.multi_reduction <maximumf>, %select_n3A_157, %reduce_max3A_158 [1] : vector<512x512xf32> to vector<512xf32>
    %broadcast_in_dim3A_160 = vector.shape_cast %reduce_max3A_159 : vector<512xf32> to vector<512x1xf32>
    %eq3A_161 = vector.broadcast %broadcast_in_dim3A_160 : vector<512x1xf32> to vector<512x512xf32>
    %eq3A_162 = arith.cmpf oeq, %select_n3A_157, %eq3A_161 : vector<512x512xf32>
    %jit3A_163 = arith.constant 5.120000e+02 : f32
    %broadcast_in_dim3A_164 = vector.broadcast %jit3A_163 : f32 to vector<512x512xf32>
    %select_n3A_165 = arith.select %eq3A_162, %convert_element_type3A, %broadcast_in_dim3A_164 : vector<512x512xi1>, vector<512x512xf32>
    %reduce_min3A_166 = arith.constant dense<0x7F800000> : vector<512xf32>
    %reduce_min3A_167 = vector.multi_reduction <minimumf>, %select_n3A_165, %reduce_min3A_166 [1] : vector<512x512xf32> to vector<512xf32>
    %broadcast_in_dim3A_168 = vector.shape_cast %reduce_min3A_167 : vector<512xf32> to vector<512x1xf32>
    %eq3A_169 = vector.broadcast %broadcast_in_dim3A_168 : vector<512x1xf32> to vector<512x512xf32>
    %eq3A_170 = arith.cmpf oeq, %convert_element_type3A, %eq3A_169 : vector<512x512xf32>
    %jit3A_171 = arith.constant 0xFF800000 : f32
    %broadcast_in_dim3A_172 = vector.broadcast %jit3A_171 : f32 to vector<512x512xf32>
    %select_n3A_173 = arith.select %eq3A_170, %broadcast_in_dim3A_172, %select_n3A_157 : vector<512x512xi1>, vector<512x512xf32>
    %reduce_max3A_174 = arith.constant dense<0xFF800000> : vector<512xf32>
    %reduce_max3A_175 = vector.multi_reduction <maximumf>, %select_n3A_173, %reduce_max3A_174 [1] : vector<512x512xf32> to vector<512xf32>
    %broadcast_in_dim3A_176 = vector.shape_cast %reduce_max3A_175 : vector<512xf32> to vector<512x1xf32>
    %eq3A_177 = vector.broadcast %broadcast_in_dim3A_176 : vector<512x1xf32> to vector<512x512xf32>
    %eq3A_178 = arith.cmpf oeq, %select_n3A_173, %eq3A_177 : vector<512x512xf32>
    %jit3A_179 = arith.constant 5.120000e+02 : f32
    %broadcast_in_dim3A_180 = vector.broadcast %jit3A_179 : f32 to vector<512x512xf32>
    %select_n3A_181 = arith.select %eq3A_178, %convert_element_type3A, %broadcast_in_dim3A_180 : vector<512x512xi1>, vector<512x512xf32>
    %reduce_min3A_182 = arith.constant dense<0x7F800000> : vector<512xf32>
    %reduce_min3A_183 = vector.multi_reduction <minimumf>, %select_n3A_181, %reduce_min3A_182 [1] : vector<512x512xf32> to vector<512xf32>
    %broadcast_in_dim3A_184 = vector.shape_cast %reduce_min3A_183 : vector<512xf32> to vector<512x1xf32>
    %eq3A_185 = vector.broadcast %broadcast_in_dim3A_184 : vector<512x1xf32> to vector<512x512xf32>
    %eq3A_186 = arith.cmpf oeq, %convert_element_type3A, %eq3A_185 : vector<512x512xf32>
    %jit3A_187 = arith.constant 0xFF800000 : f32
    %broadcast_in_dim3A_188 = vector.broadcast %jit3A_187 : f32 to vector<512x512xf32>
    %select_n3A_189 = arith.select %eq3A_186, %broadcast_in_dim3A_188, %select_n3A_173 : vector<512x512xi1>, vector<512x512xf32>
    %reduce_max3A_190 = arith.constant dense<0xFF800000> : vector<512xf32>
    %reduce_max3A_191 = vector.multi_reduction <maximumf>, %select_n3A_189, %reduce_max3A_190 [1] : vector<512x512xf32> to vector<512xf32>
    %broadcast_in_dim3A_192 = vector.shape_cast %reduce_max3A_191 : vector<512xf32> to vector<512x1xf32>
    %eq3A_193 = vector.broadcast %broadcast_in_dim3A_192 : vector<512x1xf32> to vector<512x512xf32>
    %eq3A_194 = arith.cmpf oeq, %select_n3A_189, %eq3A_193 : vector<512x512xf32>
    %jit3A_195 = arith.constant 5.120000e+02 : f32
    %broadcast_in_dim3A_196 = vector.broadcast %jit3A_195 : f32 to vector<512x512xf32>
    %select_n3A_197 = arith.select %eq3A_194, %convert_element_type3A, %broadcast_in_dim3A_196 : vector<512x512xi1>, vector<512x512xf32>
    %reduce_min3A_198 = arith.constant dense<0x7F800000> : vector<512xf32>
    %reduce_min3A_199 = vector.multi_reduction <minimumf>, %select_n3A_197, %reduce_min3A_198 [1] : vector<512x512xf32> to vector<512xf32>
    %broadcast_in_dim3A_200 = vector.shape_cast %reduce_min3A_199 : vector<512xf32> to vector<512x1xf32>
    %eq3A_201 = vector.broadcast %broadcast_in_dim3A_200 : vector<512x1xf32> to vector<512x512xf32>
    %eq3A_202 = arith.cmpf oeq, %convert_element_type3A, %eq3A_201 : vector<512x512xf32>
    %jit3A_203 = arith.constant 0xFF800000 : f32
    %broadcast_in_dim3A_204 = vector.broadcast %jit3A_203 : f32 to vector<512x512xf32>
    %select_n3A_205 = arith.select %eq3A_202, %broadcast_in_dim3A_204, %select_n3A_189 : vector<512x512xi1>, vector<512x512xf32>
    %reduce_max3A_206 = arith.constant dense<0xFF800000> : vector<512xf32>
    %reduce_max3A_207 = vector.multi_reduction <maximumf>, %select_n3A_205, %reduce_max3A_206 [1] : vector<512x512xf32> to vector<512xf32>
    %broadcast_in_dim3A_208 = vector.shape_cast %reduce_max3A_207 : vector<512xf32> to vector<512x1xf32>
    %eq3A_209 = vector.broadcast %broadcast_in_dim3A_208 : vector<512x1xf32> to vector<512x512xf32>
    %eq3A_210 = arith.cmpf oeq, %select_n3A_205, %eq3A_209 : vector<512x512xf32>
    %jit3A_211 = arith.constant 5.120000e+02 : f32
    %broadcast_in_dim3A_212 = vector.broadcast %jit3A_211 : f32 to vector<512x512xf32>
    %select_n3A_213 = arith.select %eq3A_210, %convert_element_type3A, %broadcast_in_dim3A_212 : vector<512x512xi1>, vector<512x512xf32>
    %reduce_min3A_214 = arith.constant dense<0x7F800000> : vector<512xf32>
    %reduce_min3A_215 = vector.multi_reduction <minimumf>, %select_n3A_213, %reduce_min3A_214 [1] : vector<512x512xf32> to vector<512xf32>
    %broadcast_in_dim3A_216 = vector.shape_cast %reduce_min3A_215 : vector<512xf32> to vector<512x1xf32>
    %eq3A_217 = vector.broadcast %broadcast_in_dim3A_216 : vector<512x1xf32> to vector<512x512xf32>
    %eq3A_218 = arith.cmpf oeq, %convert_element_type3A, %eq3A_217 : vector<512x512xf32>
    %jit3A_219 = arith.constant 0xFF800000 : f32
    %broadcast_in_dim3A_220 = vector.broadcast %jit3A_219 : f32 to vector<512x512xf32>
    %select_n3A_221 = arith.select %eq3A_218, %broadcast_in_dim3A_220, %select_n3A_205 : vector<512x512xi1>, vector<512x512xf32>
    %reduce_max3A_222 = arith.constant dense<0xFF800000> : vector<512xf32>
    %reduce_max3A_223 = vector.multi_reduction <maximumf>, %select_n3A_221, %reduce_max3A_222 [1] : vector<512x512xf32> to vector<512xf32>
    %broadcast_in_dim3A_224 = vector.shape_cast %reduce_max3A_223 : vector<512xf32> to vector<512x1xf32>
    %eq3A_225 = vector.broadcast %broadcast_in_dim3A_224 : vector<512x1xf32> to vector<512x512xf32>
    %eq3A_226 = arith.cmpf oeq, %select_n3A_221, %eq3A_225 : vector<512x512xf32>
    %jit3A_227 = arith.constant 5.120000e+02 : f32
    %broadcast_in_dim3A_228 = vector.broadcast %jit3A_227 : f32 to vector<512x512xf32>
    %select_n3A_229 = arith.select %eq3A_226, %convert_element_type3A, %broadcast_in_dim3A_228 : vector<512x512xi1>, vector<512x512xf32>
    %reduce_min3A_230 = arith.constant dense<0x7F800000> : vector<512xf32>
    %reduce_min3A_231 = vector.multi_reduction <minimumf>, %select_n3A_229, %reduce_min3A_230 [1] : vector<512x512xf32> to vector<512xf32>
    %broadcast_in_dim3A_232 = vector.shape_cast %reduce_min3A_231 : vector<512xf32> to vector<512x1xf32>
    %eq3A_233 = vector.broadcast %broadcast_in_dim3A_232 : vector<512x1xf32> to vector<512x512xf32>
    %eq3A_234 = arith.cmpf oeq, %convert_element_type3A, %eq3A_233 : vector<512x512xf32>
    %jit3A_235 = arith.constant 0xFF800000 : f32
    %broadcast_in_dim3A_236 = vector.broadcast %jit3A_235 : f32 to vector<512x512xf32>
    %select_n3A_237 = arith.select %eq3A_234, %broadcast_in_dim3A_236, %select_n3A_221 : vector<512x512xi1>, vector<512x512xf32>
    %reduce_max3A_238 = arith.constant dense<0xFF800000> : vector<512xf32>
    %reduce_max3A_239 = vector.multi_reduction <maximumf>, %select_n3A_237, %reduce_max3A_238 [1] : vector<512x512xf32> to vector<512xf32>
    %broadcast_in_dim3A_240 = vector.shape_cast %reduce_max3A_239 : vector<512xf32> to vector<512x1xf32>
    %eq3A_241 = vector.broadcast %broadcast_in_dim3A_240 : vector<512x1xf32> to vector<512x512xf32>
    %eq3A_242 = arith.cmpf oeq, %select_n3A_237, %eq3A_241 : vector<512x512xf32>
    %jit3A_243 = arith.constant 5.120000e+02 : f32
    %broadcast_in_dim3A_244 = vector.broadcast %jit3A_243 : f32 to vector<512x512xf32>
    %select_n3A_245 = arith.select %eq3A_242, %convert_element_type3A, %broadcast_in_dim3A_244 : vector<512x512xi1>, vector<512x512xf32>
    %reduce_min3A_246 = arith.constant dense<0x7F800000> : vector<512xf32>
    %reduce_min3A_247 = vector.multi_reduction <minimumf>, %select_n3A_245, %reduce_min3A_246 [1] : vector<512x512xf32> to vector<512xf32>
    %broadcast_in_dim3A_248 = vector.shape_cast %reduce_min3A_247 : vector<512xf32> to vector<512x1xf32>
    %eq3A_249 = vector.broadcast %broadcast_in_dim3A_248 : vector<512x1xf32> to vector<512x512xf32>
    %eq3A_250 = arith.cmpf oeq, %convert_element_type3A, %eq3A_249 : vector<512x512xf32>
    %jit3A_251 = arith.constant 0xFF800000 : f32
    %broadcast_in_dim3A_252 = vector.broadcast %jit3A_251 : f32 to vector<512x512xf32>
    %select_n3A_253 = arith.select %eq3A_250, %broadcast_in_dim3A_252, %select_n3A_237 : vector<512x512xi1>, vector<512x512xf32>
    %reduce_max3A_254 = arith.constant dense<0xFF800000> : vector<512xf32>
    %reduce_max3A_255 = vector.multi_reduction <maximumf>, %select_n3A_253, %reduce_max3A_254 [1] : vector<512x512xf32> to vector<512xf32>
    %broadcast_in_dim3A_256 = vector.shape_cast %reduce_max3A_255 : vector<512xf32> to vector<512x1xf32>
    %eq3A_257 = vector.broadcast %broadcast_in_dim3A_256 : vector<512x1xf32> to vector<512x512xf32>
    %eq3A_258 = arith.cmpf oeq, %select_n3A_253, %eq3A_257 : vector<512x512xf32>
    %jit3A_259 = arith.constant 5.120000e+02 : f32
    %broadcast_in_dim3A_260 = vector.broadcast %jit3A_259 : f32 to vector<512x512xf32>
    %select_n3A_261 = arith.select %eq3A_258, %convert_element_type3A, %broadcast_in_dim3A_260 : vector<512x512xi1>, vector<512x512xf32>
    %reduce_min3A_262 = arith.constant dense<0x7F800000> : vector<512xf32>
    %reduce_min3A_263 = vector.multi_reduction <minimumf>, %select_n3A_261, %reduce_min3A_262 [1] : vector<512x512xf32> to vector<512xf32>
    %broadcast_in_dim3A_264 = vector.shape_cast %reduce_min3A_263 : vector<512xf32> to vector<512x1xf32>
    %eq3A_265 = vector.broadcast %broadcast_in_dim3A_264 : vector<512x1xf32> to vector<512x512xf32>
    %eq3A_266 = arith.cmpf oeq, %convert_element_type3A, %eq3A_265 : vector<512x512xf32>
    %jit3A_267 = arith.constant 0xFF800000 : f32
    %broadcast_in_dim3A_268 = vector.broadcast %jit3A_267 : f32 to vector<512x512xf32>
    %select_n3A_269 = arith.select %eq3A_266, %broadcast_in_dim3A_268, %select_n3A_253 : vector<512x512xi1>, vector<512x512xf32>
    %reduce_max3A_270 = arith.constant dense<0xFF800000> : vector<512xf32>
    %reduce_max3A_271 = vector.multi_reduction <maximumf>, %select_n3A_269, %reduce_max3A_270 [1] : vector<512x512xf32> to vector<512xf32>
    %broadcast_in_dim3A_272 = vector.shape_cast %reduce_max3A_271 : vector<512xf32> to vector<512x1xf32>
    %eq3A_273 = vector.broadcast %broadcast_in_dim3A_272 : vector<512x1xf32> to vector<512x512xf32>
    %eq3A_274 = arith.cmpf oeq, %select_n3A_269, %eq3A_273 : vector<512x512xf32>
    %jit3A_275 = arith.constant 5.120000e+02 : f32
    %broadcast_in_dim3A_276 = vector.broadcast %jit3A_275 : f32 to vector<512x512xf32>
    %select_n3A_277 = arith.select %eq3A_274, %convert_element_type3A, %broadcast_in_dim3A_276 : vector<512x512xi1>, vector<512x512xf32>
    %reduce_min3A_278 = arith.constant dense<0x7F800000> : vector<512xf32>
    %reduce_min3A_279 = vector.multi_reduction <minimumf>, %select_n3A_277, %reduce_min3A_278 [1] : vector<512x512xf32> to vector<512xf32>
    %broadcast_in_dim3A_280 = vector.shape_cast %reduce_min3A_279 : vector<512xf32> to vector<512x1xf32>
    %eq3A_281 = vector.broadcast %broadcast_in_dim3A_280 : vector<512x1xf32> to vector<512x512xf32>
    %eq3A_282 = arith.cmpf oeq, %convert_element_type3A, %eq3A_281 : vector<512x512xf32>
    %jit3A_283 = arith.constant 0xFF800000 : f32
    %broadcast_in_dim3A_284 = vector.broadcast %jit3A_283 : f32 to vector<512x512xf32>
    %select_n3A_285 = arith.select %eq3A_282, %broadcast_in_dim3A_284, %select_n3A_269 : vector<512x512xi1>, vector<512x512xf32>
    %reduce_max3A_286 = arith.constant dense<0xFF800000> : vector<512xf32>
    %reduce_max3A_287 = vector.multi_reduction <maximumf>, %select_n3A_285, %reduce_max3A_286 [1] : vector<512x512xf32> to vector<512xf32>
    %broadcast_in_dim3A_288 = vector.shape_cast %reduce_max3A_287 : vector<512xf32> to vector<512x1xf32>
    %eq3A_289 = vector.broadcast %broadcast_in_dim3A_288 : vector<512x1xf32> to vector<512x512xf32>
    %eq3A_290 = arith.cmpf oeq, %select_n3A_285, %eq3A_289 : vector<512x512xf32>
    %jit3A_291 = arith.constant 5.120000e+02 : f32
    %broadcast_in_dim3A_292 = vector.broadcast %jit3A_291 : f32 to vector<512x512xf32>
    %select_n3A_293 = arith.select %eq3A_290, %convert_element_type3A, %broadcast_in_dim3A_292 : vector<512x512xi1>, vector<512x512xf32>
    %reduce_min3A_294 = arith.constant dense<0x7F800000> : vector<512xf32>
    %reduce_min3A_295 = vector.multi_reduction <minimumf>, %select_n3A_293, %reduce_min3A_294 [1] : vector<512x512xf32> to vector<512xf32>
    %broadcast_in_dim3A_296 = vector.shape_cast %reduce_min3A_295 : vector<512xf32> to vector<512x1xf32>
    %eq3A_297 = vector.broadcast %broadcast_in_dim3A_296 : vector<512x1xf32> to vector<512x512xf32>
    %eq3A_298 = arith.cmpf oeq, %convert_element_type3A, %eq3A_297 : vector<512x512xf32>
    %jit3A_299 = arith.constant 0xFF800000 : f32
    %broadcast_in_dim3A_300 = vector.broadcast %jit3A_299 : f32 to vector<512x512xf32>
    %select_n3A_301 = arith.select %eq3A_298, %broadcast_in_dim3A_300, %select_n3A_285 : vector<512x512xi1>, vector<512x512xf32>
    %reduce_max3A_302 = arith.constant dense<0xFF800000> : vector<512xf32>
    %reduce_max3A_303 = vector.multi_reduction <maximumf>, %select_n3A_301, %reduce_max3A_302 [1] : vector<512x512xf32> to vector<512xf32>
    %broadcast_in_dim3A_304 = vector.shape_cast %reduce_max3A_303 : vector<512xf32> to vector<512x1xf32>
    %eq3A_305 = vector.broadcast %broadcast_in_dim3A_304 : vector<512x1xf32> to vector<512x512xf32>
    %eq3A_306 = arith.cmpf oeq, %select_n3A_301, %eq3A_305 : vector<512x512xf32>
    %jit3A_307 = arith.constant 5.120000e+02 : f32
    %broadcast_in_dim3A_308 = vector.broadcast %jit3A_307 : f32 to vector<512x512xf32>
    %select_n3A_309 = arith.select %eq3A_306, %convert_element_type3A, %broadcast_in_dim3A_308 : vector<512x512xi1>, vector<512x512xf32>
    %reduce_min3A_310 = arith.constant dense<0x7F800000> : vector<512xf32>
    %reduce_min3A_311 = vector.multi_reduction <minimumf>, %select_n3A_309, %reduce_min3A_310 [1] : vector<512x512xf32> to vector<512xf32>
    %broadcast_in_dim3A_312 = vector.shape_cast %reduce_min3A_311 : vector<512xf32> to vector<512x1xf32>
    %eq3A_313 = vector.broadcast %broadcast_in_dim3A_312 : vector<512x1xf32> to vector<512x512xf32>
    %eq3A_314 = arith.cmpf oeq, %convert_element_type3A, %eq3A_313 : vector<512x512xf32>
    %jit3A_315 = arith.constant 0xFF800000 : f32
    %broadcast_in_dim3A_316 = vector.broadcast %jit3A_315 : f32 to vector<512x512xf32>
    %select_n3A_317 = arith.select %eq3A_314, %broadcast_in_dim3A_316, %select_n3A_301 : vector<512x512xi1>, vector<512x512xf32>
    %reduce_max3A_318 = arith.constant dense<0xFF800000> : vector<512xf32>
    %reduce_max3A_319 = vector.multi_reduction <maximumf>, %select_n3A_317, %reduce_max3A_318 [1] : vector<512x512xf32> to vector<512xf32>
    %broadcast_in_dim3A_320 = vector.shape_cast %reduce_max3A_319 : vector<512xf32> to vector<512x1xf32>
    %eq3A_321 = vector.broadcast %broadcast_in_dim3A_320 : vector<512x1xf32> to vector<512x512xf32>
    %eq3A_322 = arith.cmpf oeq, %select_n3A_317, %eq3A_321 : vector<512x512xf32>
    %jit3A_323 = arith.constant 5.120000e+02 : f32
    %broadcast_in_dim3A_324 = vector.broadcast %jit3A_323 : f32 to vector<512x512xf32>
    %select_n3A_325 = arith.select %eq3A_322, %convert_element_type3A, %broadcast_in_dim3A_324 : vector<512x512xi1>, vector<512x512xf32>
    %reduce_min3A_326 = arith.constant dense<0x7F800000> : vector<512xf32>
    %reduce_min3A_327 = vector.multi_reduction <minimumf>, %select_n3A_325, %reduce_min3A_326 [1] : vector<512x512xf32> to vector<512xf32>
    %broadcast_in_dim3A_328 = vector.shape_cast %reduce_min3A_327 : vector<512xf32> to vector<512x1xf32>
    %eq3A_329 = vector.broadcast %broadcast_in_dim3A_328 : vector<512x1xf32> to vector<512x512xf32>
    %eq3A_330 = arith.cmpf oeq, %convert_element_type3A, %eq3A_329 : vector<512x512xf32>
    %jit3A_331 = arith.constant 0xFF800000 : f32
    %broadcast_in_dim3A_332 = vector.broadcast %jit3A_331 : f32 to vector<512x512xf32>
    %select_n3A_333 = arith.select %eq3A_330, %broadcast_in_dim3A_332, %select_n3A_317 : vector<512x512xi1>, vector<512x512xf32>
    %reduce_max3A_334 = arith.constant dense<0xFF800000> : vector<512xf32>
    %reduce_max3A_335 = vector.multi_reduction <maximumf>, %select_n3A_333, %reduce_max3A_334 [1] : vector<512x512xf32> to vector<512xf32>
    %broadcast_in_dim3A_336 = vector.shape_cast %reduce_max3A_335 : vector<512xf32> to vector<512x1xf32>
    %eq3A_337 = vector.broadcast %broadcast_in_dim3A_336 : vector<512x1xf32> to vector<512x512xf32>
    %eq3A_338 = arith.cmpf oeq, %select_n3A_333, %eq3A_337 : vector<512x512xf32>
    %jit3A_339 = arith.constant 5.120000e+02 : f32
    %broadcast_in_dim3A_340 = vector.broadcast %jit3A_339 : f32 to vector<512x512xf32>
    %select_n3A_341 = arith.select %eq3A_338, %convert_element_type3A, %broadcast_in_dim3A_340 : vector<512x512xi1>, vector<512x512xf32>
    %reduce_min3A_342 = arith.constant dense<0x7F800000> : vector<512xf32>
    %reduce_min3A_343 = vector.multi_reduction <minimumf>, %select_n3A_341, %reduce_min3A_342 [1] : vector<512x512xf32> to vector<512xf32>
    %broadcast_in_dim3A_344 = vector.shape_cast %reduce_min3A_343 : vector<512xf32> to vector<512x1xf32>
    %eq3A_345 = vector.broadcast %broadcast_in_dim3A_344 : vector<512x1xf32> to vector<512x512xf32>
    %eq3A_346 = arith.cmpf oeq, %convert_element_type3A, %eq3A_345 : vector<512x512xf32>
    %jit3A_347 = arith.constant 0xFF800000 : f32
    %broadcast_in_dim3A_348 = vector.broadcast %jit3A_347 : f32 to vector<512x512xf32>
    %select_n3A_349 = arith.select %eq3A_346, %broadcast_in_dim3A_348, %select_n3A_333 : vector<512x512xi1>, vector<512x512xf32>
    %reduce_max3A_350 = arith.constant dense<0xFF800000> : vector<512xf32>
    %reduce_max3A_351 = vector.multi_reduction <maximumf>, %select_n3A_349, %reduce_max3A_350 [1] : vector<512x512xf32> to vector<512xf32>
    %broadcast_in_dim3A_352 = vector.shape_cast %reduce_max3A_351 : vector<512xf32> to vector<512x1xf32>
    %eq3A_353 = vector.broadcast %broadcast_in_dim3A_352 : vector<512x1xf32> to vector<512x512xf32>
    %eq3A_354 = arith.cmpf oeq, %select_n3A_349, %eq3A_353 : vector<512x512xf32>
    %jit3A_355 = arith.constant 5.120000e+02 : f32
    %broadcast_in_dim3A_356 = vector.broadcast %jit3A_355 : f32 to vector<512x512xf32>
    %select_n3A_357 = arith.select %eq3A_354, %convert_element_type3A, %broadcast_in_dim3A_356 : vector<512x512xi1>, vector<512x512xf32>
    %reduce_min3A_358 = arith.constant dense<0x7F800000> : vector<512xf32>
    %reduce_min3A_359 = vector.multi_reduction <minimumf>, %select_n3A_357, %reduce_min3A_358 [1] : vector<512x512xf32> to vector<512xf32>
    %broadcast_in_dim3A_360 = vector.shape_cast %reduce_min3A_359 : vector<512xf32> to vector<512x1xf32>
    %eq3A_361 = vector.broadcast %broadcast_in_dim3A_360 : vector<512x1xf32> to vector<512x512xf32>
    %eq3A_362 = arith.cmpf oeq, %convert_element_type3A, %eq3A_361 : vector<512x512xf32>
    %jit3A_363 = arith.constant 0xFF800000 : f32
    %broadcast_in_dim3A_364 = vector.broadcast %jit3A_363 : f32 to vector<512x512xf32>
    %select_n3A_365 = arith.select %eq3A_362, %broadcast_in_dim3A_364, %select_n3A_349 : vector<512x512xi1>, vector<512x512xf32>
    %reduce_max3A_366 = arith.constant dense<0xFF800000> : vector<512xf32>
    %reduce_max3A_367 = vector.multi_reduction <maximumf>, %select_n3A_365, %reduce_max3A_366 [1] : vector<512x512xf32> to vector<512xf32>
    %broadcast_in_dim3A_368 = vector.shape_cast %reduce_max3A_367 : vector<512xf32> to vector<512x1xf32>
    %eq3A_369 = vector.broadcast %broadcast_in_dim3A_368 : vector<512x1xf32> to vector<512x512xf32>
    %eq3A_370 = arith.cmpf oeq, %select_n3A_365, %eq3A_369 : vector<512x512xf32>
    %jit3A_371 = arith.constant 5.120000e+02 : f32
    %broadcast_in_dim3A_372 = vector.broadcast %jit3A_371 : f32 to vector<512x512xf32>
    %select_n3A_373 = arith.select %eq3A_370, %convert_element_type3A, %broadcast_in_dim3A_372 : vector<512x512xi1>, vector<512x512xf32>
    %reduce_min3A_374 = arith.constant dense<0x7F800000> : vector<512xf32>
    %reduce_min3A_375 = vector.multi_reduction <minimumf>, %select_n3A_373, %reduce_min3A_374 [1] : vector<512x512xf32> to vector<512xf32>
    %broadcast_in_dim3A_376 = vector.shape_cast %reduce_min3A_375 : vector<512xf32> to vector<512x1xf32>
    %eq3A_377 = vector.broadcast %broadcast_in_dim3A_376 : vector<512x1xf32> to vector<512x512xf32>
    %eq3A_378 = arith.cmpf oeq, %convert_element_type3A, %eq3A_377 : vector<512x512xf32>
    %jit3A_379 = arith.constant 0xFF800000 : f32
    %broadcast_in_dim3A_380 = vector.broadcast %jit3A_379 : f32 to vector<512x512xf32>
    %select_n3A_381 = arith.select %eq3A_378, %broadcast_in_dim3A_380, %select_n3A_365 : vector<512x512xi1>, vector<512x512xf32>
    %reduce_max3A_382 = arith.constant dense<0xFF800000> : vector<512xf32>
    %reduce_max3A_383 = vector.multi_reduction <maximumf>, %select_n3A_381, %reduce_max3A_382 [1] : vector<512x512xf32> to vector<512xf32>
    %broadcast_in_dim3A_384 = vector.shape_cast %reduce_max3A_383 : vector<512xf32> to vector<512x1xf32>
    %eq3A_385 = vector.broadcast %broadcast_in_dim3A_384 : vector<512x1xf32> to vector<512x512xf32>
    %eq3A_386 = arith.cmpf oeq, %select_n3A_381, %eq3A_385 : vector<512x512xf32>
    %jit3A_387 = arith.constant 5.120000e+02 : f32
    %broadcast_in_dim3A_388 = vector.broadcast %jit3A_387 : f32 to vector<512x512xf32>
    %select_n3A_389 = arith.select %eq3A_386, %convert_element_type3A, %broadcast_in_dim3A_388 : vector<512x512xi1>, vector<512x512xf32>
    %reduce_min3A_390 = arith.constant dense<0x7F800000> : vector<512xf32>
    %reduce_min3A_391 = vector.multi_reduction <minimumf>, %select_n3A_389, %reduce_min3A_390 [1] : vector<512x512xf32> to vector<512xf32>
    %broadcast_in_dim3A_392 = vector.shape_cast %reduce_min3A_391 : vector<512xf32> to vector<512x1xf32>
    %eq3A_393 = vector.broadcast %broadcast_in_dim3A_392 : vector<512x1xf32> to vector<512x512xf32>
    %eq3A_394 = arith.cmpf oeq, %convert_element_type3A, %eq3A_393 : vector<512x512xf32>
    %jit3A_395 = arith.constant 0xFF800000 : f32
    %broadcast_in_dim3A_396 = vector.broadcast %jit3A_395 : f32 to vector<512x512xf32>
    %select_n3A_397 = arith.select %eq3A_394, %broadcast_in_dim3A_396, %select_n3A_381 : vector<512x512xi1>, vector<512x512xf32>
    %reduce_max3A_398 = arith.constant dense<0xFF800000> : vector<512xf32>
    %reduce_max3A_399 = vector.multi_reduction <maximumf>, %select_n3A_397, %reduce_max3A_398 [1] : vector<512x512xf32> to vector<512xf32>
    %broadcast_in_dim3A_400 = vector.shape_cast %reduce_max3A_399 : vector<512xf32> to vector<512x1xf32>
    %eq3A_401 = vector.broadcast %broadcast_in_dim3A_400 : vector<512x1xf32> to vector<512x512xf32>
    %eq3A_402 = arith.cmpf oeq, %select_n3A_397, %eq3A_401 : vector<512x512xf32>
    %jit3A_403 = arith.constant 5.120000e+02 : f32
    %broadcast_in_dim3A_404 = vector.broadcast %jit3A_403 : f32 to vector<512x512xf32>
    %select_n3A_405 = arith.select %eq3A_402, %convert_element_type3A, %broadcast_in_dim3A_404 : vector<512x512xi1>, vector<512x512xf32>
    %reduce_min3A_406 = arith.constant dense<0x7F800000> : vector<512xf32>
    %reduce_min3A_407 = vector.multi_reduction <minimumf>, %select_n3A_405, %reduce_min3A_406 [1] : vector<512x512xf32> to vector<512xf32>
    %broadcast_in_dim3A_408 = vector.shape_cast %reduce_min3A_407 : vector<512xf32> to vector<512x1xf32>
    %eq3A_409 = vector.broadcast %broadcast_in_dim3A_408 : vector<512x1xf32> to vector<512x512xf32>
    %eq3A_410 = arith.cmpf oeq, %convert_element_type3A, %eq3A_409 : vector<512x512xf32>
    %jit3A_411 = arith.constant 0xFF800000 : f32
    %broadcast_in_dim3A_412 = vector.broadcast %jit3A_411 : f32 to vector<512x512xf32>
    %select_n3A_413 = arith.select %eq3A_410, %broadcast_in_dim3A_412, %select_n3A_397 : vector<512x512xi1>, vector<512x512xf32>
    %reduce_max3A_414 = arith.constant dense<0xFF800000> : vector<512xf32>
    %reduce_max3A_415 = vector.multi_reduction <maximumf>, %select_n3A_413, %reduce_max3A_414 [1] : vector<512x512xf32> to vector<512xf32>
    %broadcast_in_dim3A_416 = vector.shape_cast %reduce_max3A_415 : vector<512xf32> to vector<512x1xf32>
    %eq3A_417 = vector.broadcast %broadcast_in_dim3A_416 : vector<512x1xf32> to vector<512x512xf32>
    %eq3A_418 = arith.cmpf oeq, %select_n3A_413, %eq3A_417 : vector<512x512xf32>
    %jit3A_419 = arith.constant 5.120000e+02 : f32
    %broadcast_in_dim3A_420 = vector.broadcast %jit3A_419 : f32 to vector<512x512xf32>
    %select_n3A_421 = arith.select %eq3A_418, %convert_element_type3A, %broadcast_in_dim3A_420 : vector<512x512xi1>, vector<512x512xf32>
    %reduce_min3A_422 = arith.constant dense<0x7F800000> : vector<512xf32>
    %reduce_min3A_423 = vector.multi_reduction <minimumf>, %select_n3A_421, %reduce_min3A_422 [1] : vector<512x512xf32> to vector<512xf32>
    %broadcast_in_dim3A_424 = vector.shape_cast %reduce_min3A_423 : vector<512xf32> to vector<512x1xf32>
    %eq3A_425 = vector.broadcast %broadcast_in_dim3A_424 : vector<512x1xf32> to vector<512x512xf32>
    %eq3A_426 = arith.cmpf oeq, %convert_element_type3A, %eq3A_425 : vector<512x512xf32>
    %jit3A_427 = arith.constant 0xFF800000 : f32
    %broadcast_in_dim3A_428 = vector.broadcast %jit3A_427 : f32 to vector<512x512xf32>
    %select_n3A_429 = arith.select %eq3A_426, %broadcast_in_dim3A_428, %select_n3A_413 : vector<512x512xi1>, vector<512x512xf32>
    %reduce_max3A_430 = arith.constant dense<0xFF800000> : vector<512xf32>
    %reduce_max3A_431 = vector.multi_reduction <maximumf>, %select_n3A_429, %reduce_max3A_430 [1] : vector<512x512xf32> to vector<512xf32>
    %broadcast_in_dim3A_432 = vector.shape_cast %reduce_max3A_431 : vector<512xf32> to vector<512x1xf32>
    %eq3A_433 = vector.broadcast %broadcast_in_dim3A_432 : vector<512x1xf32> to vector<512x512xf32>
    %eq3A_434 = arith.cmpf oeq, %select_n3A_429, %eq3A_433 : vector<512x512xf32>
    %jit3A_435 = arith.constant 5.120000e+02 : f32
    %broadcast_in_dim3A_436 = vector.broadcast %jit3A_435 : f32 to vector<512x512xf32>
    %select_n3A_437 = arith.select %eq3A_434, %convert_element_type3A, %broadcast_in_dim3A_436 : vector<512x512xi1>, vector<512x512xf32>
    %reduce_min3A_438 = arith.constant dense<0x7F800000> : vector<512xf32>
    %reduce_min3A_439 = vector.multi_reduction <minimumf>, %select_n3A_437, %reduce_min3A_438 [1] : vector<512x512xf32> to vector<512xf32>
    %broadcast_in_dim3A_440 = vector.shape_cast %reduce_min3A_439 : vector<512xf32> to vector<512x1xf32>
    %eq3A_441 = vector.broadcast %broadcast_in_dim3A_440 : vector<512x1xf32> to vector<512x512xf32>
    %eq3A_442 = arith.cmpf oeq, %convert_element_type3A, %eq3A_441 : vector<512x512xf32>
    %jit3A_443 = arith.constant 0xFF800000 : f32
    %broadcast_in_dim3A_444 = vector.broadcast %jit3A_443 : f32 to vector<512x512xf32>
    %select_n3A_445 = arith.select %eq3A_442, %broadcast_in_dim3A_444, %select_n3A_429 : vector<512x512xi1>, vector<512x512xf32>
    %reduce_max3A_446 = arith.constant dense<0xFF800000> : vector<512xf32>
    %reduce_max3A_447 = vector.multi_reduction <maximumf>, %select_n3A_445, %reduce_max3A_446 [1] : vector<512x512xf32> to vector<512xf32>
    %broadcast_in_dim3A_448 = vector.shape_cast %reduce_max3A_447 : vector<512xf32> to vector<512x1xf32>
    %eq3A_449 = vector.broadcast %broadcast_in_dim3A_448 : vector<512x1xf32> to vector<512x512xf32>
    %eq3A_450 = arith.cmpf oeq, %select_n3A_445, %eq3A_449 : vector<512x512xf32>
    %jit3A_451 = arith.constant 5.120000e+02 : f32
    %broadcast_in_dim3A_452 = vector.broadcast %jit3A_451 : f32 to vector<512x512xf32>
    %select_n3A_453 = arith.select %eq3A_450, %convert_element_type3A, %broadcast_in_dim3A_452 : vector<512x512xi1>, vector<512x512xf32>
    %reduce_min3A_454 = arith.constant dense<0x7F800000> : vector<512xf32>
    %reduce_min3A_455 = vector.multi_reduction <minimumf>, %select_n3A_453, %reduce_min3A_454 [1] : vector<512x512xf32> to vector<512xf32>
    %broadcast_in_dim3A_456 = vector.shape_cast %reduce_min3A_455 : vector<512xf32> to vector<512x1xf32>
    %eq3A_457 = vector.broadcast %broadcast_in_dim3A_456 : vector<512x1xf32> to vector<512x512xf32>
    %eq3A_458 = arith.cmpf oeq, %convert_element_type3A, %eq3A_457 : vector<512x512xf32>
    %jit3A_459 = arith.constant 0xFF800000 : f32
    %broadcast_in_dim3A_460 = vector.broadcast %jit3A_459 : f32 to vector<512x512xf32>
    %select_n3A_461 = arith.select %eq3A_458, %broadcast_in_dim3A_460, %select_n3A_445 : vector<512x512xi1>, vector<512x512xf32>
    %reduce_max3A_462 = arith.constant dense<0xFF800000> : vector<512xf32>
    %reduce_max3A_463 = vector.multi_reduction <maximumf>, %select_n3A_461, %reduce_max3A_462 [1] : vector<512x512xf32> to vector<512xf32>
    %broadcast_in_dim3A_464 = vector.shape_cast %reduce_max3A_463 : vector<512xf32> to vector<512x1xf32>
    %eq3A_465 = vector.broadcast %broadcast_in_dim3A_464 : vector<512x1xf32> to vector<512x512xf32>
    %eq3A_466 = arith.cmpf oeq, %select_n3A_461, %eq3A_465 : vector<512x512xf32>
    %jit3A_467 = arith.constant 5.120000e+02 : f32
    %broadcast_in_dim3A_468 = vector.broadcast %jit3A_467 : f32 to vector<512x512xf32>
    %select_n3A_469 = arith.select %eq3A_466, %convert_element_type3A, %broadcast_in_dim3A_468 : vector<512x512xi1>, vector<512x512xf32>
    %reduce_min3A_470 = arith.constant dense<0x7F800000> : vector<512xf32>
    %reduce_min3A_471 = vector.multi_reduction <minimumf>, %select_n3A_469, %reduce_min3A_470 [1] : vector<512x512xf32> to vector<512xf32>
    %broadcast_in_dim3A_472 = vector.shape_cast %reduce_min3A_471 : vector<512xf32> to vector<512x1xf32>
    %eq3A_473 = vector.broadcast %broadcast_in_dim3A_472 : vector<512x1xf32> to vector<512x512xf32>
    %eq3A_474 = arith.cmpf oeq, %convert_element_type3A, %eq3A_473 : vector<512x512xf32>
    %jit3A_475 = arith.constant 0xFF800000 : f32
    %broadcast_in_dim3A_476 = vector.broadcast %jit3A_475 : f32 to vector<512x512xf32>
    %select_n3A_477 = arith.select %eq3A_474, %broadcast_in_dim3A_476, %select_n3A_461 : vector<512x512xi1>, vector<512x512xf32>
    %reduce_max3A_478 = arith.constant dense<0xFF800000> : vector<512xf32>
    %reduce_max3A_479 = vector.multi_reduction <maximumf>, %select_n3A_477, %reduce_max3A_478 [1] : vector<512x512xf32> to vector<512xf32>
    %broadcast_in_dim3A_480 = vector.shape_cast %reduce_max3A_479 : vector<512xf32> to vector<512x1xf32>
    %eq3A_481 = vector.broadcast %broadcast_in_dim3A_480 : vector<512x1xf32> to vector<512x512xf32>
    %eq3A_482 = arith.cmpf oeq, %select_n3A_477, %eq3A_481 : vector<512x512xf32>
    %jit3A_483 = arith.constant 5.120000e+02 : f32
    %broadcast_in_dim3A_484 = vector.broadcast %jit3A_483 : f32 to vector<512x512xf32>
    %select_n3A_485 = arith.select %eq3A_482, %convert_element_type3A, %broadcast_in_dim3A_484 : vector<512x512xi1>, vector<512x512xf32>
    %reduce_min3A_486 = arith.constant dense<0x7F800000> : vector<512xf32>
    %reduce_min3A_487 = vector.multi_reduction <minimumf>, %select_n3A_485, %reduce_min3A_486 [1] : vector<512x512xf32> to vector<512xf32>
    %broadcast_in_dim3A_488 = vector.shape_cast %reduce_min3A_487 : vector<512xf32> to vector<512x1xf32>
    %eq3A_489 = vector.broadcast %broadcast_in_dim3A_488 : vector<512x1xf32> to vector<512x512xf32>
    %eq3A_490 = arith.cmpf oeq, %convert_element_type3A, %eq3A_489 : vector<512x512xf32>
    %jit3A_491 = arith.constant 0xFF800000 : f32
    %broadcast_in_dim3A_492 = vector.broadcast %jit3A_491 : f32 to vector<512x512xf32>
    %select_n3A_493 = arith.select %eq3A_490, %broadcast_in_dim3A_492, %select_n3A_477 : vector<512x512xi1>, vector<512x512xf32>
    %reduce_max3A_494 = arith.constant dense<0xFF800000> : vector<512xf32>
    %reduce_max3A_495 = vector.multi_reduction <maximumf>, %select_n3A_493, %reduce_max3A_494 [1] : vector<512x512xf32> to vector<512xf32>
    %broadcast_in_dim3A_496 = vector.shape_cast %reduce_max3A_495 : vector<512xf32> to vector<512x1xf32>
    %eq3A_497 = vector.broadcast %broadcast_in_dim3A_496 : vector<512x1xf32> to vector<512x512xf32>
    %eq3A_498 = arith.cmpf oeq, %select_n3A_493, %eq3A_497 : vector<512x512xf32>
    %jit3A_499 = arith.constant 5.120000e+02 : f32
    %broadcast_in_dim3A_500 = vector.broadcast %jit3A_499 : f32 to vector<512x512xf32>
    %select_n3A_501 = arith.select %eq3A_498, %convert_element_type3A, %broadcast_in_dim3A_500 : vector<512x512xi1>, vector<512x512xf32>
    %reduce_min3A_502 = arith.constant dense<0x7F800000> : vector<512xf32>
    %reduce_min3A_503 = vector.multi_reduction <minimumf>, %select_n3A_501, %reduce_min3A_502 [1] : vector<512x512xf32> to vector<512xf32>
    %broadcast_in_dim3A_504 = vector.shape_cast %reduce_min3A_503 : vector<512xf32> to vector<512x1xf32>
    %concatenate3A = tpu.concatenate %broadcast_in_dim3A, %broadcast_in_dim3A_16, %broadcast_in_dim3A_32, %broadcast_in_dim3A_48, %broadcast_in_dim3A_64, %broadcast_in_dim3A_80, %broadcast_in_dim3A_96, %broadcast_in_dim3A_112, %broadcast_in_dim3A_128, %broadcast_in_dim3A_144, %broadcast_in_dim3A_160, %broadcast_in_dim3A_176, %broadcast_in_dim3A_192, %broadcast_in_dim3A_208, %broadcast_in_dim3A_224, %broadcast_in_dim3A_240, %broadcast_in_dim3A_256, %broadcast_in_dim3A_272, %broadcast_in_dim3A_288, %broadcast_in_dim3A_304, %broadcast_in_dim3A_320, %broadcast_in_dim3A_336, %broadcast_in_dim3A_352, %broadcast_in_dim3A_368, %broadcast_in_dim3A_384, %broadcast_in_dim3A_400, %broadcast_in_dim3A_416, %broadcast_in_dim3A_432, %broadcast_in_dim3A_448, %broadcast_in_dim3A_464, %broadcast_in_dim3A_480, %broadcast_in_dim3A_496 in 1 : vector<512x1xf32>, vector<512x1xf32>, vector<512x1xf32>, vector<512x1xf32>, vector<512x1xf32>, vector<512x1xf32>, vector<512x1xf32>, vector<512x1xf32>, vector<512x1xf32>, vector<512x1xf32>, vector<512x1xf32>, vector<512x1xf32>, vector<512x1xf32>, vector<512x1xf32>, vector<512x1xf32>, vector<512x1xf32>, vector<512x1xf32>, vector<512x1xf32>, vector<512x1xf32>, vector<512x1xf32>, vector<512x1xf32>, vector<512x1xf32>, vector<512x1xf32>, vector<512x1xf32>, vector<512x1xf32>, vector<512x1xf32>, vector<512x1xf32>, vector<512x1xf32>, vector<512x1xf32>, vector<512x1xf32>, vector<512x1xf32>, vector<512x1xf32> -> vector<512x32xf32>
    %swap3A = arith.constant 0 : index
    %swap3A_505 = arith.constant 0 : index
    %swap3A_506 = arith.constant 0 : index
    %swap3A_507 = vector.load %arg3[%swap3A, %swap3A_505, %swap3A_506] : memref<1x512x32xf32, #tpu.memory_space<vmem>>, vector<1x512x32xf32>
    %swap3A_508 = vector.shape_cast %swap3A_507 : vector<1x512x32xf32> to vector<512x32xf32>
    %swap3A_509 = vector.shape_cast %concatenate3A : vector<512x32xf32> to vector<1x512x32xf32>
    tpu.vector_store %arg3[%swap3A, %swap3A_505, %swap3A_506], %swap3A_509 {strides = array<i32>} : memref<1x512x32xf32, #tpu.memory_space<vmem>>, vector<1x512x32xf32>,
    %concatenate3A_510 = tpu.concatenate %broadcast_in_dim3A_8, %broadcast_in_dim3A_24, %broadcast_in_dim3A_40, %broadcast_in_dim3A_56, %broadcast_in_dim3A_72, %broadcast_in_dim3A_88, %broadcast_in_dim3A_104, %broadcast_in_dim3A_120, %broadcast_in_dim3A_136, %broadcast_in_dim3A_152, %broadcast_in_dim3A_168, %broadcast_in_dim3A_184, %broadcast_in_dim3A_200, %broadcast_in_dim3A_216, %broadcast_in_dim3A_232, %broadcast_in_dim3A_248, %broadcast_in_dim3A_264, %broadcast_in_dim3A_280, %broadcast_in_dim3A_296, %broadcast_in_dim3A_312, %broadcast_in_dim3A_328, %broadcast_in_dim3A_344, %broadcast_in_dim3A_360, %broadcast_in_dim3A_376, %broadcast_in_dim3A_392, %broadcast_in_dim3A_408, %broadcast_in_dim3A_424, %broadcast_in_dim3A_440, %broadcast_in_dim3A_456, %broadcast_in_dim3A_472, %broadcast_in_dim3A_488, %broadcast_in_dim3A_504 in 1 : vector<512x1xf32>, vector<512x1xf32>, vector<512x1xf32>, vector<512x1xf32>, vector<512x1xf32>, vector<512x1xf32>, vector<512x1xf32>, vector<512x1xf32>, vector<512x1xf32>, vector<512x1xf32>, vector<512x1xf32>, vector<512x1xf32>, vector<512x1xf32>, vector<512x1xf32>, vector<512x1xf32>, vector<512x1xf32>, vector<512x1xf32>, vector<512x1xf32>, vector<512x1xf32>, vector<512x1xf32>, vector<512x1xf32>, vector<512x1xf32>, vector<512x1xf32>, vector<512x1xf32>, vector<512x1xf32>, vector<512x1xf32>, vector<512x1xf32>, vector<512x1xf32>, vector<512x1xf32>, vector<512x1xf32>, vector<512x1xf32>, vector<512x1xf32> -> vector<512x32xf32>
    %convert_element_type3A_511 = arith.fptosi %concatenate3A_510 : vector<512x32xf32> to vector<512x32xi32>
    %swap3A_512 = arith.constant 0 : index
    %swap3A_513 = arith.constant 0 : index
    %swap3A_514 = arith.constant 0 : index
    %swap3A_515 = vector.load %arg2[%swap3A_512, %swap3A_513, %swap3A_514] : memref<1x512x32xi32, #tpu.memory_space<vmem>>, vector<1x512x32xi32>
    %swap3A_516 = vector.shape_cast %swap3A_515 : vector<1x512x32xi32> to vector<512x32xi32>
    %swap3A_517 = vector.shape_cast %convert_element_type3A_511 : vector<512x32xi32> to vector<1x512x32xi32>
    tpu.vector_store %arg2[%swap3A_512, %swap3A_513, %swap3A_514], %swap3A_517 {strides = array<i32>} : memref<1x512x32xi32, #tpu.memory_space<vmem>>, vector<1x512x32xi32>,
    return
  }
  func.func @transform_0(%arg0: i32) -> (i32, i32, i32) {
    %c0_i32 = arith.constant 0 : i32
    %c0_i32_0 = arith.constant 0 : i32
    %c0_i32_1 = arith.constant 0 : i32
    return %arg0, %c0_i32, %c0_i32_0 : i32, i32, i32
  }
  func.func @transform_1(%arg0: i32) -> (i32, i32, i32) {
    %c0_i32 = arith.constant 0 : i32
    %c0_i32_0 = arith.constant 0 : i32
    %c0_i32_1 = arith.constant 0 : i32
    return %arg0, %c0_i32, %c0_i32_0 : i32, i32, i32
  }
  func.func @transform_2(%arg0: i32) -> (i32, i32, i32) {
    %c0_i32 = arith.constant 0 : i32
    %c0_i32_0 = arith.constant 0 : i32
    %c0_i32_1 = arith.constant 0 : i32
    return %arg0, %c0_i32, %c0_i32_0 : i32, i32, i32
  }
}

module attributes {stable_mosaic.version = 14 : i64} {
  func.func @_scores_body(%arg0: i32, %arg1: memref<1x512x256xf32, #tpu.memory_space<vmem>>, %arg2: memref<256x512xf32, #tpu.memory_space<vmem>>, %arg3: memref<1x512xf32, #tpu.memory_space<vmem>>, %arg4: memref<1x512x512xf32, #tpu.memory_space<vmem>>) attributes {dimension_semantics = [#tpu.dimension_semantics<parallel>], iteration_bounds = array<i64: 32>, scalar_prefetch = 0 : i64, scratch_operands = 0 : i64, tpu.core_type = #tpu.core_type<tc>, window_params = [{transform_indices = @transform_0, window_bounds = array<i64: 1, 512, 256>}, {pipeline_mode = #tpu.pipeline_mode<synchronous>, transform_indices = @transform_1, window_bounds = array<i64: 256, 512>}, {pipeline_mode = #tpu.pipeline_mode<synchronous>, transform_indices = @transform_2, window_bounds = array<i64: 1, 512>}, {transform_indices = @transform_3, window_bounds = array<i64: 1, 512, 512>}]} {
    %get3A = arith.constant 0 : index
    %get3A_0 = arith.constant 0 : index
    %get3A_1 = arith.constant 0 : index
    %get3A_2 = vector.load %arg1[%get3A, %get3A_0, %get3A_1] : memref<1x512x256xf32, #tpu.memory_space<vmem>>, vector<1x512x256xf32>
    %get3A_3 = vector.shape_cast %get3A_2 : vector<1x512x256xf32> to vector<512x256xf32>
    %get3A_4 = arith.constant 0 : index
    %get3A_5 = arith.constant 0 : index
    %get3A_6 = vector.load %arg2[%get3A_4, %get3A_5] : memref<256x512xf32, #tpu.memory_space<vmem>>, vector<256x512xf32>
    %dot_general3A = arith.constant dense<0.000000e+00> : vector<512x512xf32>
    %dot_general3A_7 = tpu.matmul %get3A_3, %get3A_6, %dot_general3A {dimension_numbers = #tpu.dot_dimension_numbers<[1], [0], [0], [1], [0, 0, 1, 1], [], []>, transpose_lhs_hint = false} : vector<512x256xf32>, vector<256x512xf32>, vector<512x512xf32> -> vector<512x512xf32>
    %get3A_8 = arith.constant 0 : index
    %get3A_9 = arith.constant 0 : index
    %get3A_10 = vector.load %arg3[%get3A_8, %get3A_9] : memref<1x512xf32, #tpu.memory_space<vmem>>, vector<1x512xf32>
    %add3A = vector.broadcast %get3A_10 : vector<1x512xf32> to vector<512x512xf32>
    %add3A_11 = arith.addf %dot_general3A_7, %add3A : vector<512x512xf32>
    %slice3A = vector.extract_strided_slice %add3A_11 {offsets = [0, 0], sizes = [512, 256], strides = [1, 1]} : vector<512x512xf32> to vector<512x256xf32>
    %slice3A_12 = vector.extract_strided_slice %add3A_11 {offsets = [0, 256], sizes = [512, 256], strides = [1, 1]} : vector<512x512xf32> to vector<512x256xf32>
    %dot_general3A_13 = arith.constant dense<0.000000e+00> : vector<512x512xf32>
    %dot_general3A_14 = tpu.matmul %slice3A, %slice3A_12, %dot_general3A_13 {dimension_numbers = #tpu.dot_dimension_numbers<[1], [1], [0], [0], [0, 0, 1, 0], [], []>, transpose_lhs_hint = false} : vector<512x256xf32>, vector<512x256xf32>, vector<512x512xf32> -> vector<512x512xf32>
    %mul3A = arith.constant 6.250000e-02 : f32
    %mul3A_15 = vector.broadcast %mul3A : f32 to vector<512x512xf32>
    %mul3A_16 = arith.mulf %dot_general3A_14, %mul3A_15 : vector<512x512xf32>
    %iota3A = tpu.iota {dimensions = array<i32: 0>} : vector<512x512xi32>
    %iota3A_17 = tpu.iota {dimensions = array<i32: 1>} : vector<512x512xi32>
    %eq3A = arith.cmpi eq, %iota3A, %iota3A_17 : vector<512x512xi32>
    %jit3A = arith.constant 0xFF800000 : f32
    %broadcast_in_dim3A = vector.broadcast %jit3A : f32 to vector<512x512xf32>
    %select_n3A = arith.select %eq3A, %broadcast_in_dim3A, %mul3A_16 : vector<512x512xi1>, vector<512x512xf32>
    %swap3A = arith.constant 0 : index
    %swap3A_18 = arith.constant 0 : index
    %swap3A_19 = arith.constant 0 : index
    %swap3A_20 = vector.load %arg4[%swap3A, %swap3A_18, %swap3A_19] : memref<1x512x512xf32, #tpu.memory_space<vmem>>, vector<1x512x512xf32>
    %swap3A_21 = vector.shape_cast %swap3A_20 : vector<1x512x512xf32> to vector<512x512xf32>
    %swap3A_22 = vector.shape_cast %select_n3A : vector<512x512xf32> to vector<1x512x512xf32>
    tpu.vector_store %arg4[%swap3A, %swap3A_18, %swap3A_19], %swap3A_22 {strides = array<i32>} : memref<1x512x512xf32, #tpu.memory_space<vmem>>, vector<1x512x512xf32>,
    return
  }
  func.func @transform_0(%arg0: i32) -> (i32, i32, i32) {
    %c0_i32 = arith.constant 0 : i32
    %c0_i32_0 = arith.constant 0 : i32
    %c0_i32_1 = arith.constant 0 : i32
    return %arg0, %c0_i32, %c0_i32_0 : i32, i32, i32
  }
  func.func @transform_1(%arg0: i32) -> (i32, i32) {
    %c0_i32 = arith.constant 0 : i32
    %c0_i32_0 = arith.constant 0 : i32
    %c0_i32_1 = arith.constant 0 : i32
    return %c0_i32, %c0_i32_0 : i32, i32
  }
  func.func @transform_2(%arg0: i32) -> (i32, i32) {
    %c0_i32 = arith.constant 0 : i32
    %c0_i32_0 = arith.constant 0 : i32
    %c0_i32_1 = arith.constant 0 : i32
    return %c0_i32, %c0_i32_0 : i32, i32
  }
  func.func @transform_3(%arg0: i32) -> (i32, i32, i32) {
    %c0_i32 = arith.constant 0 : i32
    %c0_i32_0 = arith.constant 0 : i32
    %c0_i32_1 = arith.constant 0 : i32
    return %arg0, %c0_i32, %c0_i32_0 : i32, i32, i32
  }
}

</mosaic_0001>

<sc_bundles>
// kernel: kernel.5.cloned.1.call-start
scs
__scs_entry_jumppad:
0x0: {  	(pc) =	sbr.rel $0x88, $3  }
0x1: {  	(tag) =	ssettag $0x0;
	lr =	simm.s32 $0x1  }
0x2: {  	[smem:$0x3F9C] =	sst lr;
	_ =	strace $0xD0000000  }
0x3: {  	_ = 	snop  }
0x4: {  	_ = 	snop  }
0x5: {  	_ = 	snop  }
0x6: {  	_ = 	snop  }
0x7: {  	_ = 	snop  }
__scs_overlays_trampoline_lowered:
0x8: {  	[smem:$0x3FAB] =	sst s0  }
0x9: {  	[smem:$0x3FAC] =	sst s1  }
0xa: {  	[smem:$0x3FAD] =	sst s2  }
0xb: {  	[smem:$0x3FAE] =	sst s3  }
0xc: {  	[smem:$0x3FAF] =	sst s4  }
0xd: {  	[smem:$0x3FB0] =	sst s5  }
0xe: {  	[smem:$0x3FB1] =	sst s6  }
0xf: {  	[smem:$0x3FB2] =	sst s7  }
0x10: {  	[smem:$0x3FB3] =	sst s8  }
0x11: {  	[smem:$0x3FB4] =	sst s9;
	s0 =	simm.s32 @!p0 $0x0  }
0x12: {  	s1 =	sld [smem:$0x3F9A];
	s0 =	simm.s32 @p0 $0x1  }
0x13: {  	[smem:$0x3FB5] =	sst s0;
	s0 =	simm.s32 @!p1 $0x0  }
0x14: {  	s2 =	sld [smem:$0x3F99];
	s0 =	simm.s32 @p1 $0x1  }
0x15: {  	[smem:$0x3FB6] =	sst s0;
	s0 =	simm.s32 @!p2 $0x0  }
0x16: {  	s3 =	sld [smem:$0x3FDB];
	s0 =	simm.s32 @p2 $0x1  }
0x17: {  	s4 =	simm.s32 $0x1BF5;
	[smem:$0x3FB8] =	sst s0  }
0x18: {  	s0 =	sld [smem:$0x3F9B];
	_ =	swait.ge [sflag:s4], $0x0  }
0x19: {  	s7 =	sld [smem:$0x3F9C]  }
0x1a: {  	s8 =	sadd.s32 $0xFFFFE003, lr  }
0x1b: {  	s9 =	sadd.s32 $0xFFFFFEF7, lr;
	s5 =	simm.s32 $0xFFFFFFFF;
	p2 =	slt.u32 s8, $0xFFFFF086  }
0x1c: {  	p1 =	slt.u32 s9, $0xF7A;
	s5 =	simm.s32 @!p2 $0x0  }
0x1d: {  	s5 =	simm.s32 @p1 $0x1;
	p0 =	seq.s32 s7, s2  }
0x1e: {  	s7 =	smul.u32 @!p0 $0xF7A, s2;
	p2 =	seq.s32 @!p0 s5, $0x0  }
0x1f: {  	s9 =	smul.u32 $0xF7A, s1;
	s8 =	simm.s32 @!p0 $0x1BF5;
	p2 =	por !p2, p0  }
0x20: {  	[sflag:s8] =	ssyncset.s32 @!p0 $0xFFFFF086;
	s6 =	sadd.s32 @!p0 s3, s7;
	s7 =	simm.s32 @!p0 $0x108  }
0x21: {  	s3 =	sadd.s32 s3, s9;
	s6 =	sadd.s32 @!p0 $0x88, s6;
	s7 =	simm.s32 @p2 $0x1082  }
0x22: {  	[simem:s7], [sflag:s8] =	dma.local @!p0 [hbm:s6], $0xF7A  }
0x23: {  	s9 =	sor.u32 $0xD0000000, s2;
	s6 =	simm.s32 $0x108;
	_ =	swait.ge @!p0 [sflag:s8], $0x0  }
0x24: {  	s3 =	sadd.s32 $0x88, s3;
	s6 =	simm.s32 @!p1 $0x1082;
	[sflag:s4] =	ssyncset.s32 $0xFFFFF086  }
0x25: {  	[simem:s6], [sflag:s4] =	dma.local [hbm:s3], $0xF7A  }
0x26: {  	[smem:$0x3F9C] =	sst s1;
	(tag) =	ssettag s2;
	_ =	strace s9  }
0x27: {  	s1 =	sld [smem:$0x3FAC]  }
0x28: {  	s2 =	sld [smem:$0x3FAD]  }
0x29: {  	s4 =	sld [smem:$0x3FAF]  }
0x2a: {  	p0 =	seq.s32 s5, $0x0;
	s5 =	sld [smem:$0x3FB0]  }
0x2b: {  	s6 =	sld [smem:$0x3FB1]  }
0x2c: {  	s7 =	sld [smem:$0x3FB2]  }
0x2d: {  	s3 =	simm.s32 $0x108;
	s8 =	sld [smem:$0x3FB3]  }
0x2e: {  	s3 =	simm.s32 @!p0 $0x1082;
	s9 =	sld [smem:$0x3FB4]  }
0x2f: {  	lr =	sadd.s32 s0, s3;
	s0 =	sld [smem:$0x3FAB]  }
0x30: {  	s3 =	sld [smem:$0x3FAE]  }
0x31: {  	[smem:$0x3FB7] =	sst s10  }
0x32: {  	s10 =	sld [smem:$0x3FB5];
	_ =	sdelay $0x3  }
0x33: {  	p0 =	seq.s32 s10, $0x1;
	s10 =	sld [smem:$0x3FB7];
	_ =	sdelay $0x3  }
0x34: {  	[smem:$0x3FB7] =	sst s10  }
0x35: {  	s10 =	sld [smem:$0x3FB6];
	_ =	sdelay $0x3  }
0x36: {  	p1 =	seq.s32 s10, $0x1;
	s10 =	sld [smem:$0x3FB7];
	_ =	sdelay $0x3  }
0x37: {  	[smem:$0x3FB7] =	sst s10  }
0x38: {  	s10 =	sld [smem:$0x3FB8]  }
0x39: {  	_ = 	snop;
	(pc) =	sbr.ind lr, $3  }
0x3a: {  	_ = 	snop  }
0x3b: {  	_ = 	snop  }
0x3c: {  	p2 =	seq.s32 s10, $0x1;
	s10 =	sld [smem:$0x3FB7]  }
0x3d: {  	_ =	shalt  }
0x3e: {  	_ =	shalt  }
0x3f: {  	_ =	shalt  }
0x40: {  	_ =	shalt  }
0x41: {  	_ =	shalt  }
0x42: {  	_ =	shalt  }
0x43: {  	_ =	shalt  }
0x44: {  	_ =	shalt  }
0x45: {  	_ =	shalt  }
0x46: {  	_ =	shalt  }
0x47: {  	_ =	shalt  }
0x48: {  	_ =	shalt  }
0x49: {  	_ =	shalt  }
0x4a: {  	_ =	shalt  }
0x4b: {  	_ =	shalt  }
0x4c: {  	_ =	shalt  }
0x4d: {  	_ =	shalt  }
0x4e: {  	_ =	shalt  }
0x4f: {  	_ =	shalt  }
0x50: {  	_ =	shalt  }
0x51: {  	_ =	shalt  }
0x52: {  	_ =	shalt  }
0x53: {  	_ =	shalt  }
0x54: {  	_ =	shalt  }
0x55: {  	_ =	shalt  }
0x56: {  	_ =	shalt  }
0x57: {  	_ =	shalt  }
0x58: {  	_ =	shalt  }
0x59: {  	_ =	shalt  }
0x5a: {  	_ =	shalt  }
0x5b: {  	_ =	shalt  }
0x5c: {  	_ =	shalt  }
0x5d: {  	_ =	shalt  }
0x5e: {  	_ =	shalt  }
0x5f: {  	_ =	shalt  }
0x60: {  	_ =	shalt  }
0x61: {  	_ =	shalt  }
0x62: {  	_ =	shalt  }
0x63: {  	_ =	shalt  }
0x64: {  	_ =	shalt  }
0x65: {  	_ =	shalt  }
0x66: {  	_ =	shalt  }
0x67: {  	_ =	shalt  }
0x68: {  	_ =	shalt  }
0x69: {  	_ =	shalt  }
0x6a: {  	_ =	shalt  }
0x6b: {  	_ =	shalt  }
0x6c: {  	_ =	shalt  }
0x6d: {  	_ =	shalt  }
0x6e: {  	_ =	shalt  }
0x6f: {  	_ =	shalt  }
0x70: {  	_ =	shalt  }
0x71: {  	_ =	shalt  }
0x72: {  	_ =	shalt  }
0x73: {  	_ =	shalt  }
0x74: {  	_ =	shalt  }
0x75: {  	_ =	shalt  }
0x76: {  	_ =	shalt  }
0x77: {  	_ =	shalt  }
0x78: {  	_ =	shalt  }
0x79: {  	_ =	shalt  }
0x7a: {  	_ =	shalt  }
0x7b: {  	_ =	shalt  }
0x7c: {  	_ =	shalt  }
0x7d: {  	_ =	shalt  }
0x7e: {  	_ =	shalt  }
0x7f: {  	_ =	shalt  }
0x80: {  	_ =	shalt  }
0x81: {  	_ =	shalt  }
0x82: {  	_ =	shalt  }
0x83: {  	_ =	shalt  }
0x84: {  	_ =	shalt  }
0x85: {  	_ =	shalt  }
0x86: {  	_ =	shalt  }
0x87: {  	_ =	shalt  }
.Lfunc_end0:
.L_simem_size_0:
called_computation_lowered:
.L_overlay_start_0:
0x88: {  	s2 =	sld [smem:$0x3FD9]  }
0x89: {  	s3 =	sld [smem:$0x3FFE];
	_ =	sdelay $0x1  }
0x8a: {  	s1 =	srdreg.scid  }
0x8b: {  	s0 =	sand.u32 $0x1, s1  }
0x8c: {  	s14 =	sshll.u32 s0, $0xA;
	s2 =	sadd.s32 s3, s2  }
0x8d: {  	s2 =	sadd.s32 s2, s14  }
0x8e: {  	[smem:$0x3FC3] =	sst s2  }
0x8f: {  	_ = 	snop  }
0x90: {  	s2 =	sld [smem:$0x3FD0];
	_ =	sdelay $0x2  }
0x91: {  	s15 =	simm.s32 $0xA;
	s4 =	simm.s32 $0x10  }
0x92: {  	[smem:s4], [sflag:s15] =	dma.local [hbm:s2], $0x1  }
0x93: {  	_ =	swait.eq [sflag:s15], $0x1  }
0x94: {  	[sflag:s15] =	ssyncset.done $0x0  }
0x95: {  	[sflag:s15] =	ssyncadd.s32 $0xFFFFFFFF  }
0x96: {  	s16 =	sld [smem:$0x12];
	(tm) =	ssettm $0x1  }
0x97: {  	s17 =	sld [smem:$0x3FFB];
	_ =	sdelay $0x3  }
0x98: {  	_ =	strace s17  }
0x99: {  	s3 =	sld [smem:$0x3FFC];
	_ =	sdelay $0x3  }
0x9a: {  	_ =	strace s3  }
0x9b: {  	s3 =	sld [smem:$0x3FFD];
	_ =	sdelay $0x3  }
0x9c: {  	_ =	strace s3  }
0x9d: {  	_ =	strace $0x8FFFFFFF  }
0x9e: {  	s18 =	sld [smem:$0x3FDB];
	_ =	sdelay $0x1  }
0x9f: {  	s19 =	simm.s32 $_scs_section_size  }
0xa0: {  	s5 =	simm.s32 $_size__tile_overlayer_lowered;
	s6 =	simm.s32 $_tile_overlayer_lowered  }
0xa1: {  	s22 =	simm.s32 $0x1BFF;
	s21 =	sshll.u32 s6, $0x1;
	s3 =	sadd.s32 s19, s18  }
0xa2: {  	s7 =	simm.s32 $0x0;
	s20 =	sshll.u32 s5, $0x1;
	s5 =	sadd.s32 s21, s3  }
0xa3: {  	[timem:s7], [sflag:s22] =	dma.local [hbm:s5], s20  }
0xa4: {  	_ =	swait.ge [sflag:s22], s20  }
0xa5: {  	s4 =	ssub.s32 $0x0, s20;
	[sflag:s22] =	ssyncset.done $0x0  }
0xa6: {  	[sflag:s22] =	ssyncadd.s32 s4;
	_ =	sdelay $0x1  }
0xa7: {  	s23 =	simm.s32 $0x1B8B  }
0xa8: {  	_ =	swait.ge [sflag:s23], $0x1  }
0xa9: {  	[sflag:s23] =	ssyncset.done $0x0  }
0xaa: {  	s25 =	simm.s32 $0x1B8E;
	s24 =	sld [smem:$0x3FFE];
	[sflag:s23] =	ssyncadd.s32 $0xFFFFFFFF  }
0xab: {  	s26 =	simm.s32 $execute0_lowered;
	[smem:$0x3FD2] =	sst s25  }
0xac: {  	s5 =	sshll.u32 s26, $0x1;
	_ =	strace $0x80000046;
	[dreg:$0x1] =	wrdreg $0xFFFFFFFF  }
0xad: {  	s28 =	simm.s32 $_size_execute0_lowered;
	s3 =	sadd.s32 s3, s5;
	[dreg:$0x0] =	wrdreg $0x0  }
0xae: {  	s5 =	sshll.u32 s28, $0x1;
	[dreg:$0x2] =	wrdreg s3  }
0xaf: {  	[dreg:$0x3] =	wrdreg s5  }
0xb0: {  	[dreg:$0x4] =	wrdreg $0xC0  }
0xb1: {  	_ =	task [dreg:s7], $0x5FFFF  }
0xb2: {  	[dreg:$0x1] =	wrdreg $0xFFFFFFFF  }
0xb3: {  	[dreg:$0x0] =	wrdreg $0x60  }
0xb4: {  	[dreg:$0x2] =	wrdreg s16  }
0xb5: {  	[dreg:$0x3] =	wrdreg s24  }
0xb6: {  	[dreg:$0x4] =	wrdreg $0x9  }
0xb7: {  	_ =	task.clear_ibuf [dreg:s7], $0x5FFFF;
	_ =	strace $0x90000046  }
0xb8: {  	s29 =	simm.s32 $0x9;
	_ =	strace $0x80000048  }
0xb9: {  	_ =	swait.ge [sflag:s29], $0x1  }
0xba: {  	[sflag:s29] =	ssyncadd.s32 $0xFFFFFFFF  }
0xbb: {  	_ =	strace $0x90000048  }
0xbc: {  	_ =	sfence  }
0xbd: {  	s30 =	sld [smem:$0x0];
	_ =	sdelay $0x2  }
0xbe: {  	s31 =	sshll.u32 s1, $0xD;
	s1 =	sshrl.u32 s1, $0x2  }
0xbf: {  	s3 =	sand.u32 $0x4000, s31;
	s1 =	sadd.s32 s1, s30  }
0xc0: {  	s0 =	sor.u32 s3, s0;
	s1 =	sshll.u32 s1, $0x11  }
0xc1: {  	s0 =	sor.u32 s1, s0  }
0xc2: {  	s0 =	sadd.s32 $0x8F2B, s0  }
0xc3: {  	[sflag:s0] =	ssyncadd.remote.s32 $0x1  }
0xc4: {  	_ =	sfence.sel $0xFFFF  }
0xc5: {  	[dreg:$0x0] =	wrdreg $0xFFFFFFFF;
	(pc) =	sbr.abs _section_cstart, $3  }
0xc6: {  	[dreg:$0x1] =	wrdreg $0xFFFFFFFF  }
0xc7: {  	_ =	task.clear_ibuf [dreg:s7], $0x2FFFF;
	_ =	strace $0x9FFFFFFF  }
0xc8: {  	(tm) =	ssettm $0x7FFFFFFF  }
0xc9: {  	_ =	shalt  }
tec
execute0_lowered:
.L_overlay_start_1:
0x0: {  	(tag) =	ssettag $0x1  }
0x1: {  	v0 =	vlaneseq.u32  }
0x2: {  	v1 =	vor.u32 $0x10, v0  }
0x3: {  	v2 =	vor.u32 $0x20, v0;
	v3 =	vor.u32 $0x30, v0;
	v4 =	vor.u32 $0x40, v0  }
0x4: {  	s6 =	rddreg [dreg:$0x0];
	v5 =	vor.u32 $0x50, v0;
	v6 =	vor.u32 $0x60, v0;
	v7 =	vor.u32 $0x70, v0  }
0x5: {  	s4 =	rddreg [dreg:$0x1];
	v8 =	vor.u32 $0x80, v0;
	v9 =	vor.u32 $0x90, v0;
	v10 =	vor.u32 $0xA0, v0  }
0x6: {  	s0 =	rddreg [dreg:$0x2];
	s1 =	simm.s32 $0x0;
	s3 =	srdreg.scid;
	v11 =	vor.u32 $0xB0, v0;
	v12 =	vor.u32 $0xC0, v0;
	v13 =	vor.u32 $0xD0, v0  }
0x7: {  	s2 =	stileid.u32;
	s10 =	simm.s32 $0xA000;
	s11 =	simm.s32 $0x0;
	v14 =	vor.u32 $0xE0, v0;
	v15 =	vor.u32 $0xF0, v0;
	v16 =	vor.u32 $0x100, v0  }
0x8: {  	[smem:$0x7FF] =	sst s1;
	s5 =	sand.u32 $0x1, s3;
	s8 =	sshll.u32 s2, $0x1;
	v17 =	vor.u32 $0x110, v0;
	v18 =	vor.u32 $0x120, v0;
	v19 =	vor.u32 $0x130, v0  }
0x9: {  	s3 =	sadd.s32 $0xE00, s4;
	v20 =	vor.u32 $0x140, v0;
	v21 =	vor.u32 $0x150, v0;
	v22 =	vor.u32 $0x160, v0;
	s4 =	sadd.s32 $0x30E00, s4;
	s7 =	ssub.s32 $0x2, s5  }
0xa: {  	v23 =	vor.u32 $0x170, v0;
	v24 =	vor.u32 $0x180, v0;
	v25 =	vor.u32 $0x190, v0;
	s6 =	sadd.s32 $0x40000, s6;
	_ =	strace $0x80000047;
	s9 =	sshrl.u32 s7, $0x1  }
0xb: {  	v26 =	vor.u32 $0x1A0, v0;
	v27 =	vor.u32 $0x1B0, v0;
	v28 =	vor.u32 $0x1C0, v0;
	s5 =	sor.u32 s5, s8;
	s8 =	simm.s32 $0x1;
	s7 =	ssub.s32 s7, s9  }
0xc: {  	v29 =	vor.u32 $0x1D0, v0;
	v30 =	vor.u32 $0x1E0, v0;
	v31 =	vor.u32 $0x1F0, v0;
	s5 =	smul.u32 $0x180, s5;
	s9 =	simm.s32 $0x8000;
	s7 =	smax.u32 s7, $0x1  }
.LBB2_1:
0xd: {  	s12 =	simm.s32 $0x0  }
.LBB2_2:
0xe: {  	s13 =	sshll.u32 s12, $0x6  }
0xf: {  	s13 =	sadd.s32 s5, s13  }
0x10: {  	s14 =	sshll.u32 s13, $0x6  }
0x11: {  	s15 =	sadd.s32 s14, s6;
	s14 =	simm.s32 $0x0  }
0x12: {  	[tilespmem:s14], [sflag:$0x1] =	stream.linear.gather [hbm4b:s15+s14], $0x8000, $0x38;
	[tilespmem:$0xC000] =	vst v63  }
0x13: {  	_ =	swait.ge [sflag:s8], $0x8000  }
0x14: {  	p0 =	por $0x0, $0x0;
	s16 =	simm.s32 $0x0;
	[sflag:s8] =	ssyncset.done $0x0  }
0x15: {  	s17 =	simm.s32 $0x0;
	s15 =	simm.s32 $0x0;
	[sflag:s8] =	ssyncadd.s32 $0xFFFF8000  }
.LBB2_3:
0x16: {  	s21 =	sand.u32 $0x7000, s17;
	s18 =	sand.u32 $0x200, s14  }
0x17: {  	s19 =	sor.u32 s18, s21  }
0x18: {  	v32 =	vld [tilespmem:s19+$0x0]  }
0x19: {  	v33 =	vld [tilespmem:s19+$0x10];
	_ =	sdelay $0x3  }
0x1a: {  	(xrf1) =	vsort.dscd.msk.f32 $0xffff, v32, v0  }
0x1b: {  	(xrf1) =	vsort.ascd.msk.f32 $0xffff, v33, v1;
	_ =	sdelay $0xa  }
0x1c: {  	s28 =	sadd.s32 $0x80, s14  }
0x1d: {  	s18 =	sand.u32 $0x280, s28  }
0x1e: {  	s18 =	sor.u32 s18, s21;
	v32, v57, _ =	vpop (xrf1)  }
0x1f: {  	v36 =	vld [tilespmem:s18+$0x0];
	v34, v35, _ =	vpop (xrf1)  }
0x20: {  	v37 =	vld [tilespmem:s18+$0x10];
	vm0 =	vge.f32 v32, v34  }
0x21: {  	v38 =	vsel vm0, v32, v34;
	v39 =	vsel vm0, v57, v35  }
0x22: {  	v32 =	vsel vm0, v34, v32;
	v33 =	vsel vm0, v35, v57;
	(xrf1) =	vsort.dscd.msk.f32 $0xffff, v38, v39  }
0x23: {  	(xrf1) =	vsort.dscd.msk.f32 $0xffff, v32, v33  }
0x24: {  	(xrf1) =	vsort.dscd.msk.f32 $0xffff, v36, v0  }
0x25: {  	(xrf1) =	vsort.ascd.msk.f32 $0xffff, v37, v1;
	_ =	sdelay $0xa  }
0x26: {  	s20 =	sadd.s32 $0x100, s14;
	v32, v33, _ =	vpop (xrf1)  }
0x27: {  	s20 =	sand.u32 $0x300, s20;
	v58, v59, _ =	vpop (xrf1)  }
0x28: {  	s20 =	sor.u32 s20, s21;
	v36, v60, _ =	vpop (xrf1)  }
0x29: {  	v40 =	vld [tilespmem:s20+$0x0];
	v38, v39, _ =	vpop (xrf1)  }
0x2a: {  	v41 =	vld [tilespmem:s20+$0x10];
	vm14 =	vge.f32 v36, v38  }
0x2b: {  	v42 =	vsel vm14, v36, v38;
	v43 =	vsel vm14, v60, v39  }
0x2c: {  	v36 =	vsel vm14, v38, v36;
	v37 =	vsel vm14, v39, v60;
	(xrf1) =	vsort.dscd.msk.f32 $0xffff, v42, v43  }
0x2d: {  	(xrf1) =	vsort.dscd.msk.f32 $0xffff, v36, v37  }
0x2e: {  	(xrf1) =	vsort.dscd.msk.f32 $0xffff, v40, v0  }
0x2f: {  	(xrf1) =	vsort.ascd.msk.f32 $0xffff, v41, v1;
	_ =	sdelay $0xa  }
0x30: {  	s22 =	sadd.s32 $0x180, s14;
	v36, v37, _ =	vpop (xrf1)  }
0x31: {  	s22 =	sand.u32 $0x380, s22;
	v61, v39, _ =	vpop (xrf1)  }
0x32: {  	s21 =	sor.u32 s22, s21;
	v40, v62, _ =	vpop (xrf1)  }
0x33: {  	v44 =	vld [tilespmem:s21+$0x0];
	v42, v43, _ =	vpop (xrf1)  }
0x34: {  	v45 =	vld [tilespmem:s21+$0x10];
	vm15 =	vge.f32 v40, v42  }
0x35: {  	v46 =	vsel vm15, v40, v42;
	v47 =	vsel vm15, v62, v43  }
0x36: {  	v40 =	vsel vm15, v42, v40;
	v41 =	vsel vm15, v43, v62;
	(xrf1) =	vsort.dscd.msk.f32 $0xffff, v46, v47  }
0x37: {  	(xrf1) =	vsort.dscd.msk.f32 $0xffff, v40, v41  }
0x38: {  	(xrf1) =	vsort.dscd.msk.f32 $0xffff, v44, v0  }
0x39: {  	(xrf1) =	vsort.ascd.msk.f32 $0xffff, v45, v1;
	_ =	sdelay $0xa  }
0x3a: {  	v40, v41, _ =	vpop (xrf1)  }
0x3b: {  	v42, v43, _ =	vpop (xrf1)  }
0x3c: {  	v44, v63, _ =	vpop (xrf1)  }
0x3d: {  	v48 =	vld [tilespmem:s19+$0x20];
	v46, v47, _ =	vpop (xrf1)  }
0x3e: {  	v51 =	vld [tilespmem:s18+$0x20];
	vm4 =	vge.f32 v44, v46  }
0x3f: {  	v49 =	vsel vm4, v44, v46;
	v50 =	vsel vm4, v63, v47  }
0x40: {  	v44 =	vsel vm4, v46, v44;
	v45 =	vsel vm4, v47, v63;
	(xrf1) =	vsort.dscd.msk.f32 $0xffff, v49, v50  }
0x41: {  	(xrf1) =	vsort.dscd.msk.f32 $0xffff, v44, v45  }
0x42: {  	v52 =	vld [tilespmem:s20+$0x20];
	(xrf1) =	vsort.ascd.msk.f32 $0xffff, v48, v2  }
0x43: {  	(xrf1) =	vsort.ascd.msk.f32 $0xffff, v51, v2  }
0x44: {  	v53 =	vld [tilespmem:s21+$0x20];
	_ =	sdelay $0x2  }
0x45: {  	(xrf1) =	vsort.ascd.msk.f32 $0xffff, v52, v2;
	_ =	sdelay $0x1  }
0x46: {  	(xrf1) =	vsort.ascd.msk.f32 $0xffff, v53, v2;
	_ =	sdelay $0x4  }
0x47: {  	v44, v45, _ =	vpop (xrf1)  }
0x48: {  	v54, v47, _ =	vpop (xrf1)  }
0x49: {  	v48, v55, _ =	vpop (xrf1)  }
0x4a: {  	vm5 =	vge.f32 v58, v48;
	v57, v56, _ =	vpop (xrf1)  }
0x4b: {  	v34 =	vsel vm5, v58, v48;
	vm6 =	vge.f32 v61, v57  }
0x4c: {  	v35 =	vsel vm5, v59, v55;
	vm1 =	vge.f32 v32, v34;
	v59 =	vsel vm6, v61, v57  }
0x4d: {  	v62 =	vsel vm6, v39, v56;
	v58 =	vsel vm1, v32, v34;
	v51 =	vsel vm1, v33, v35  }
0x4e: {  	v61, v60, _ =	vpop (xrf1);
	v32 =	vsel vm1, v34, v32;
	v33 =	vsel vm1, v35, v33;
	vm7 =	vge.f32 v36, v59  }
0x4f: {  	vm8 =	vge.f32 v42, v61;
	(xrf1) =	vsort.dscd.msk.f32 $0xffff, v58, v51;
	v63 =	vsel vm7, v36, v59  }
0x50: {  	v49, v48, _ =	vpop (xrf1);
	v39 =	vsel vm7, v37, v62;
	v34 =	vsel vm7, v59, v36;
	v42 =	vsel vm8, v42, v61  }
0x51: {  	v50 =	vsel vm8, v43, v60;
	vm10 =	vge.f32 v54, v49;
	(xrf1) =	vsort.dscd.msk.f32 $0xffff, v32, v33  }
0x52: {  	v32 =	vsel vm7, v62, v37;
	vm9 =	vge.f32 v40, v42;
	(xrf1) =	vsort.dscd.msk.f32 $0xffff, v63, v39  }
0x53: {  	v51 =	vsel vm9, v40, v42;
	v52 =	vsel vm9, v41, v50;
	(xrf1) =	vsort.dscd.msk.f32 $0xffff, v34, v32  }
0x54: {  	v53 =	vld [tilespmem:s19+$0x30];
	v35 =	vsel vm10, v54, v49;
	v54 =	vsel vm10, v47, v48;
	(xrf1) =	vsort.dscd.msk.f32 $0xffff, v51, v52  }
0x55: {  	v57 =	vld [tilespmem:s18+$0x30];
	v33 =	vsel vm9, v42, v40;
	vm11 =	vge.f32 v44, v35;
	v32 =	vsel vm9, v50, v41  }
0x56: {  	v55 =	vsel vm11, v44, v35;
	v56 =	vsel vm11, v45, v54;
	(xrf1) =	vsort.dscd.msk.f32 $0xffff, v33, v32  }
0x57: {  	v35 =	vsel vm11, v35, v44;
	v34 =	vsel vm11, v54, v45;
	(xrf1) =	vsort.dscd.msk.f32 $0xffff, v55, v56  }
0x58: {  	(xrf1) =	vsort.dscd.msk.f32 $0xffff, v35, v34  }
0x59: {  	(xrf1) =	vsort.ascd.msk.f32 $0xffff, v53, v3  }
0x5a: {  	v58 =	vld [tilespmem:s20+$0x30];
	(xrf1) =	vsort.ascd.msk.f32 $0xffff, v57, v3;
	_ =	sdelay $0x2  }
0x5b: {  	v59 =	vld [tilespmem:s21+$0x30]  }
0x5c: {  	v34, v35, _ =	vpop (xrf1)  }
0x5d: {  	v61, v60, _ =	vpop (xrf1);
	(xrf1) =	vsort.ascd.msk.f32 $0xffff, v58, v3  }
0x5e: {  	v33, v38, _ =	vpop (xrf1)  }
0x5f: {  	v62, v63, _ =	vpop (xrf1)  }
0x60: {  	v41, v42, _ =	vpop (xrf1);
	(xrf1) =	vsort.ascd.msk.f32 $0xffff, v59, v3;
	_ =	sdelay $0x1  }
0x61: {  	v32, v43, _ =	vpop (xrf1)  }
0x62: {  	v44, v45, _ =	vpop (xrf1)  }
0x63: {  	v46, v47, _ =	vpop (xrf1)  }
0x64: {  	v53, v54, _ =	vpop (xrf1)  }
0x65: {  	vm12 =	vge.f32 v61, v53;
	v56, v55, _ =	vpop (xrf1)  }
0x66: {  	v36 =	vsel vm12, v61, v53;
	vm14 =	vge.f32 v62, v56  }
0x67: {  	v37 =	vsel vm12, v60, v54;
	vm13 =	vge.f32 v34, v36;
	v59 =	vsel vm14, v62, v56  }
0x68: {  	v62 =	vsel vm14, v63, v55;
	v57 =	vsel vm13, v34, v36;
	v58 =	vsel vm13, v35, v37  }
0x69: {  	v34 =	vsel vm13, v36, v34;
	v35 =	vsel vm13, v37, v35;
	vm15 =	vge.f32 v33, v59  }
0x6a: {  	(xrf1) =	vsort.dscd.msk.f32 $0xffff, v57, v58;
	v63 =	vsel vm15, v33, v59;
	v40 =	vsel vm15, v38, v62;
	v61, v60, _ =	vpop (xrf1)  }
0x6b: {  	v33 =	vsel vm15, v59, v33;
	(xrf1) =	vsort.dscd.msk.f32 $0xffff, v34, v35;
	vm4 =	vge.f32 v32, v61  }
0x6c: {  	v34 =	vsel vm15, v62, v38;
	(xrf1) =	vsort.dscd.msk.f32 $0xffff, v63, v40;
	v32 =	vsel vm4, v32, v61  }
0x6d: {  	(xrf1) =	vsort.dscd.msk.f32 $0xffff, v33, v34;
	v50 =	vsel vm4, v43, v60;
	v49, v48, _ =	vpop (xrf1);
	vm5 =	vge.f32 v41, v32  }
0x6e: {  	v51 =	vsel vm5, v41, v32;
	v52 =	vsel vm5, v42, v50;
	vm6 =	vge.f32 v46, v49  }
0x6f: {  	v53 =	vld [tilespmem:s19+$0x40];
	v32 =	vsel vm5, v32, v41;
	v35 =	vsel vm6, v46, v49;
	(xrf1) =	vsort.dscd.msk.f32 $0xffff, v51, v52  }
0x70: {  	v57 =	vld [tilespmem:s18+$0x40];
	v33 =	vsel vm5, v50, v42;
	v54 =	vsel vm6, v47, v48;
	vm7 =	vge.f32 v44, v35  }
0x71: {  	(xrf1) =	vsort.dscd.msk.f32 $0xffff, v32, v33;
	v55 =	vsel vm7, v44, v35;
	v56 =	vsel vm7, v45, v54  }
0x72: {  	v35 =	vsel vm7, v35, v44;
	v34 =	vsel vm7, v54, v45;
	(xrf1) =	vsort.dscd.msk.f32 $0xffff, v55, v56  }
0x73: {  	(xrf1) =	vsort.dscd.msk.f32 $0xffff, v35, v34  }
0x74: {  	v58 =	vld [tilespmem:s20+$0x40];
	(xrf1) =	vsort.ascd.msk.f32 $0xffff, v53, v4  }
0x75: {  	(xrf1) =	vsort.ascd.msk.f32 $0xffff, v57, v4;
	_ =	sdelay $0x2  }
0x76: {  	v59 =	vld [tilespmem:s21+$0x40];
	v34, v35, _ =	vpop (xrf1)  }
0x77: {  	v61, v60, _ =	vpop (xrf1);
	(xrf1) =	vsort.ascd.msk.f32 $0xffff, v58, v4;
	_ =	sdelay $0x1  }
0x78: {  	v33, v38, _ =	vpop (xrf1)  }
0x79: {  	v63, v62, _ =	vpop (xrf1)  }
0x7a: {  	v41, v42, _ =	vpop (xrf1);
	(xrf1) =	vsort.ascd.msk.f32 $0xffff, v59, v4;
	_ =	sdelay $0x1  }
0x7b: {  	v32, v43, _ =	vpop (xrf1)  }
0x7c: {  	v44, v45, _ =	vpop (xrf1)  }
0x7d: {  	v46, v47, _ =	vpop (xrf1)  }
0x7e: {  	v53, v54, _ =	vpop (xrf1)  }
0x7f: {  	vm8 =	vge.f32 v61, v53;
	v56, v55, _ =	vpop (xrf1)  }
0x80: {  	v36 =	vsel vm8, v61, v53;
	vm10 =	vge.f32 v63, v56  }
0x81: {  	v37 =	vsel vm8, v60, v54;
	vm9 =	vge.f32 v34, v36;
	v59 =	vsel vm10, v63, v56  }
0x82: {  	v62 =	vsel vm10, v62, v55;
	v57 =	vsel vm9, v34, v36;
	v58 =	vsel vm9, v35, v37  }
0x83: {  	v61, v60, _ =	vpop (xrf1);
	v34 =	vsel vm9, v36, v34;
	v35 =	vsel vm9, v37, v35;
	vm11 =	vge.f32 v33, v59  }
0x84: {  	vm12 =	vge.f32 v32, v61;
	(xrf1) =	vsort.dscd.msk.f32 $0xffff, v57, v58;
	v63 =	vsel vm11, v33, v59  }
0x85: {  	v40 =	vsel vm11, v38, v62;
	v33 =	vsel vm11, v59, v33;
	v32 =	vsel vm12, v32, v61  }
0x86: {  	v50 =	vsel vm12, v43, v60;
	(xrf1) =	vsort.dscd.msk.f32 $0xffff, v34, v35;
	vm13 =	vge.f32 v41, v32  }
0x87: {  	v34 =	vsel vm11, v62, v38;
	(xrf1) =	vsort.dscd.msk.f32 $0xffff, v63, v40;
	v51 =	vsel vm13, v41, v32;
	v49, v48, _ =	vpop (xrf1)  }
0x88: {  	v52 =	vsel vm13, v42, v50;
	(xrf1) =	vsort.dscd.msk.f32 $0xffff, v33, v34;
	vm14 =	vge.f32 v46, v49  }
0x89: {  	v53 =	vld [tilespmem:s19+$0x50];
	v32 =	vsel vm13, v32, v41;
	(xrf1) =	vsort.dscd.msk.f32 $0xffff, v51, v52;
	v35 =	vsel vm14, v46, v49  }
0x8a: {  	v57 =	vld [tilespmem:s18+$0x50];
	v33 =	vsel vm13, v50, v42;
	v54 =	vsel vm14, v47, v48;
	vm15 =	vge.f32 v44, v35  }
0x8b: {  	(xrf1) =	vsort.dscd.msk.f32 $0xffff, v32, v33;
	v55 =	vsel vm15, v44, v35;
	v56 =	vsel vm15, v45, v54  }
0x8c: {  	v35 =	vsel vm15, v35, v44;
	v34 =	vsel vm15, v54, v45;
	(xrf1) =	vsort.dscd.msk.f32 $0xffff, v55, v56  }
0x8d: {  	(xrf1) =	vsort.dscd.msk.f32 $0xffff, v35, v34  }
0x8e: {  	(xrf1) =	vsort.ascd.msk.f32 $0xffff, v53, v5  }
0x8f: {  	v58 =	vld [tilespmem:s20+$0x50];
	(xrf1) =	vsort.ascd.msk.f32 $0xffff, v57, v5;
	_ =	sdelay $0x2  }
0x90: {  	v59 =	vld [tilespmem:s21+$0x50]  }
0x91: {  	v34, v35, _ =	vpop (xrf1)  }
0x92: {  	v61, v60, _ =	vpop (xrf1);
	(xrf1) =	vsort.ascd.msk.f32 $0xffff, v58, v5  }
0x93: {  	v33, v38, _ =	vpop (xrf1)  }
0x94: {  	v63, v62, _ =	vpop (xrf1)  }
0x95: {  	v41, v42, _ =	vpop (xrf1);
	(xrf1) =	vsort.ascd.msk.f32 $0xffff, v59, v5;
	_ =	sdelay $0x1  }
0x96: {  	v32, v43, _ =	vpop (xrf1)  }
0x97: {  	v44, v45, _ =	vpop (xrf1)  }
0x98: {  	v46, v47, _ =	vpop (xrf1)  }
0x99: {  	v53, v54, _ =	vpop (xrf1)  }
0x9a: {  	vm4 =	vge.f32 v61, v53;
	v56, v55, _ =	vpop (xrf1)  }
0x9b: {  	v36 =	vsel vm4, v61, v53;
	vm6 =	vge.f32 v63, v56  }
0x9c: {  	v37 =	vsel vm4, v60, v54;
	vm5 =	vge.f32 v34, v36;
	v59 =	vsel vm6, v63, v56  }
0x9d: {  	v62 =	vsel vm6, v62, v55;
	v57 =	vsel vm5, v34, v36;
	v58 =	vsel vm5, v35, v37  }
0x9e: {  	v34 =	vsel vm5, v36, v34;
	v35 =	vsel vm5, v37, v35;
	vm7 =	vge.f32 v33, v59  }
0x9f: {  	v61, v60, _ =	vpop (xrf1);
	(xrf1) =	vsort.dscd.msk.f32 $0xffff, v57, v58;
	v63 =	vsel vm7, v33, v59;
	v40 =	vsel vm7, v38, v62  }
0xa0: {  	v33 =	vsel vm7, v59, v33;
	vm8 =	vge.f32 v32, v61;
	(xrf1) =	vsort.dscd.msk.f32 $0xffff, v34, v35  }
0xa1: {  	v34 =	vsel vm7, v62, v38;
	v32 =	vsel vm8, v32, v61;
	(xrf1) =	vsort.dscd.msk.f32 $0xffff, v63, v40  }
0xa2: {  	v50 =	vsel vm8, v43, v60;
	v49, v48, _ =	vpop (xrf1);
	vm9 =	vge.f32 v41, v32;
	(xrf1) =	vsort.dscd.msk.f32 $0xffff, v33, v34  }
0xa3: {  	v51 =	vsel vm9, v41, v32;
	v52 =	vsel vm9, v42, v50;
	vm10 =	vge.f32 v46, v49  }
0xa4: {  	v53 =	vld [tilespmem:s19+$0x60];
	v32 =	vsel vm9, v32, v41;
	v35 =	vsel vm10, v46, v49;
	(xrf1) =	vsort.dscd.msk.f32 $0xffff, v51, v52  }
0xa5: {  	v57 =	vld [tilespmem:s18+$0x60];
	v33 =	vsel vm9, v50, v42;
	v54 =	vsel vm10, v47, v48;
	vm11 =	vge.f32 v44, v35  }
0xa6: {  	(xrf1) =	vsort.dscd.msk.f32 $0xffff, v32, v33;
	v55 =	vsel vm11, v44, v35;
	v56 =	vsel vm11, v45, v54  }
0xa7: {  	v35 =	vsel vm11, v35, v44;
	v34 =	vsel vm11, v54, v45;
	(xrf1) =	vsort.dscd.msk.f32 $0xffff, v55, v56  }
0xa8: {  	(xrf1) =	vsort.dscd.msk.f32 $0xffff, v35, v34  }
0xa9: {  	(xrf1) =	vsort.ascd.msk.f32 $0xffff, v53, v6  }
0xaa: {  	v58 =	vld [tilespmem:s20+$0x60];
	(xrf1) =	vsort.ascd.msk.f32 $0xffff, v57, v6;
	_ =	sdelay $0x2  }
0xab: {  	v59 =	vld [tilespmem:s21+$0x60]  }
0xac: {  	v34, v35, _ =	vpop (xrf1)  }
0xad: {  	v61, v60, _ =	vpop (xrf1);
	(xrf1) =	vsort.ascd.msk.f32 $0xffff, v58, v6  }
0xae: {  	v33, v38, _ =	vpop (xrf1)  }
0xaf: {  	v63, v62, _ =	vpop (xrf1)  }
0xb0: {  	v41, v42, _ =	vpop (xrf1);
	(xrf1) =	vsort.ascd.msk.f32 $0xffff, v59, v6;
	_ =	sdelay $0x1  }
0xb1: {  	v32, v43, _ =	vpop (xrf1)  }
0xb2: {  	v44, v45, _ =	vpop (xrf1)  }
0xb3: {  	v46, v47, _ =	vpop (xrf1)  }
0xb4: {  	v53, v54, _ =	vpop (xrf1)  }
0xb5: {  	vm12 =	vge.f32 v61, v53;
	v56, v55, _ =	vpop (xrf1)  }
0xb6: {  	v36 =	vsel vm12, v61, v53;
	vm14 =	vge.f32 v63, v56  }
0xb7: {  	v37 =	vsel vm12, v60, v54;
	vm13 =	vge.f32 v34, v36;
	v59 =	vsel vm14, v63, v56  }
0xb8: {  	v62 =	vsel vm14, v62, v55;
	v57 =	vsel vm13, v34, v36;
	v58 =	vsel vm13, v35, v37  }
0xb9: {  	v34 =	vsel vm13, v36, v34;
	v35 =	vsel vm13, v37, v35;
	vm15 =	vge.f32 v33, v59  }
0xba: {  	(xrf1) =	vsort.dscd.msk.f32 $0xffff, v57, v58;
	v63 =	vsel vm15, v33, v59;
	v40 =	vsel vm15, v38, v62;
	v61, v60, _ =	vpop (xrf1)  }
0xbb: {  	v33 =	vsel vm15, v59, v33;
	(xrf1) =	vsort.dscd.msk.f32 $0xffff, v34, v35;
	vm4 =	vge.f32 v32, v61  }
0xbc: {  	v34 =	vsel vm15, v62, v38;
	(xrf1) =	vsort.dscd.msk.f32 $0xffff, v63, v40;
	v32 =	vsel vm4, v32, v61  }
0xbd: {  	(xrf1) =	vsort.dscd.msk.f32 $0xffff, v33, v34;
	v50 =	vsel vm4, v43, v60;
	v49, v48, _ =	vpop (xrf1);
	vm5 =	vge.f32 v41, v32  }
0xbe: {  	v51 =	vsel vm5, v41, v32;
	v52 =	vsel vm5, v42, v50;
	vm6 =	vge.f32 v46, v49  }
0xbf: {  	v53 =	vld [tilespmem:s19+$0x70];
	v32 =	vsel vm5, v32, v41;
	v35 =	vsel vm6, v46, v49;
	(xrf1) =	vsort.dscd.msk.f32 $0xffff, v51, v52  }
0xc0: {  	v57 =	vld [tilespmem:s18+$0x70];
	v33 =	vsel vm5, v50, v42;
	v54 =	vsel vm6, v47, v48;
	vm7 =	vge.f32 v44, v35  }
0xc1: {  	(xrf1) =	vsort.dscd.msk.f32 $0xffff, v32, v33;
	v55 =	vsel vm7, v44, v35;
	v56 =	vsel vm7, v45, v54  }
0xc2: {  	v35 =	vsel vm7, v35, v44;
	v34 =	vsel vm7, v54, v45;
	(xrf1) =	vsort.dscd.msk.f32 $0xffff, v55, v56  }
0xc3: {  	(xrf1) =	vsort.dscd.msk.f32 $0xffff, v35, v34  }
0xc4: {  	(xrf1) =	vsort.ascd.msk.f32 $0xffff, v53, v7  }
0xc5: {  	v58 =	vld [tilespmem:s20+$0x70];
	(xrf1) =	vsort.ascd.msk.f32 $0xffff, v57, v7;
	_ =	sdelay $0x2  }
0xc6: {  	v59 =	vld [tilespmem:s21+$0x70]  }
0xc7: {  	v34, v35, _ =	vpop (xrf1)  }
0xc8: {  	v61, v60, _ =	vpop (xrf1);
	(xrf1) =	vsort.ascd.msk.f32 $0xffff, v58, v7  }
0xc9: {  	v33, v38, _ =	vpop (xrf1)  }
0xca: {  	v63, v62, _ =	vpop (xrf1)  }
0xcb: {  	v41, v42, _ =	vpop (xrf1);
	(xrf1) =	vsort.ascd.msk.f32 $0xffff, v59, v7;
	_ =	sdelay $0x1  }
0xcc: {  	v32, v43, _ =	vpop (xrf1)  }
0xcd: {  	v44, v45, _ =	vpop (xrf1)  }
0xce: {  	v46, v47, _ =	vpop (xrf1)  }
0xcf: {  	v53, v54, _ =	vpop (xrf1)  }
0xd0: {  	vm8 =	vge.f32 v61, v53;
	v56, v55, _ =	vpop (xrf1)  }
0xd1: {  	v36 =	vsel vm8, v61, v53;
	vm10 =	vge.f32 v63, v56  }
0xd2: {  	v37 =	vsel vm8, v60, v54;
	vm9 =	vge.f32 v34, v36;
	v59 =	vsel vm10, v63, v56  }
0xd3: {  	v62 =	vsel vm10, v62, v55;
	v57 =	vsel vm9, v34, v36;
	v58 =	vsel vm9, v35, v37  }
0xd4: {  	v34 =	vsel vm9, v36, v34;
	v35 =	vsel vm9, v37, v35;
	vm11 =	vge.f32 v33, v59  }
0xd5: {  	v61, v60, _ =	vpop (xrf1);
	(xrf1) =	vsort.dscd.msk.f32 $0xffff, v57, v58;
	v63 =	vsel vm11, v33, v59;
	v40 =	vsel vm11, v38, v62  }
0xd6: {  	v33 =	vsel vm11, v59, v33;
	vm12 =	vge.f32 v32, v61;
	(xrf1) =	vsort.dscd.msk.f32 $0xffff, v34, v35  }
0xd7: {  	v34 =	vsel vm11, v62, v38;
	v32 =	vsel vm12, v32, v61;
	(xrf1) =	vsort.dscd.msk.f32 $0xffff, v63, v40  }
0xd8: {  	v50 =	vsel vm12, v43, v60;
	vm13 =	vge.f32 v41, v32;
	(xrf1) =	vsort.dscd.msk.f32 $0xffff, v33, v34;
	v49, v48, _ =	vpop (xrf1)  }
0xd9: {  	v51 =	vsel vm13, v41, v32;
	v52 =	vsel vm13, v42, v50;
	vm14 =	vge.f32 v46, v49  }
0xda: {  	v53 =	vld [tilespmem:s19+$0x400];
	v32 =	vsel vm13, v32, v41;
	(xrf1) =	vsort.dscd.msk.f32 $0xffff, v51, v52;
	v35 =	vsel vm14, v46, v49  }
0xdb: {  	v57 =	vld [tilespmem:s18+$0x400];
	v33 =	vsel vm13, v50, v42;
	v54 =	vsel vm14, v47, v48;
	vm15 =	vge.f32 v44, v35  }
0xdc: {  	(xrf1) =	vsort.dscd.msk.f32 $0xffff, v32, v33;
	v55 =	vsel vm15, v44, v35;
	v56 =	vsel vm15, v45, v54  }
0xdd: {  	v35 =	vsel vm15, v35, v44;
	v34 =	vsel vm15, v54, v45;
	(xrf1) =	vsort.dscd.msk.f32 $0xffff, v55, v56  }
0xde: {  	(xrf1) =	vsort.dscd.msk.f32 $0xffff, v35, v34  }
0xdf: {  	(xrf1) =	vsort.ascd.msk.f32 $0xffff, v53, v8  }
0xe0: {  	v58 =	vld [tilespmem:s20+$0x400];
	(xrf1) =	vsort.ascd.msk.f32 $0xffff, v57, v8;
	_ =	sdelay $0x2  }
0xe1: {  	v59 =	vld [tilespmem:s21+$0x400]  }
0xe2: {  	v34, v35, _ =	vpop (xrf1)  }
0xe3: {  	v61, v60, _ =	vpop (xrf1);
	(xrf1) =	vsort.ascd.msk.f32 $0xffff, v58, v8  }
0xe4: {  	v33, v38, _ =	vpop (xrf1)  }
0xe5: {  	v63, v62, _ =	vpop (xrf1)  }
0xe6: {  	v41, v42, _ =	vpop (xrf1);
	(xrf1) =	vsort.ascd.msk.f32 $0xffff, v59, v8;
	_ =	sdelay $0x1  }
0xe7: {  	v32, v43, _ =	vpop (xrf1)  }
0xe8: {  	v44, v45, _ =	vpop (xrf1)  }
0xe9: {  	v46, v47, _ =	vpop (xrf1)  }
0xea: {  	v53, v54, _ =	vpop (xrf1)  }
0xeb: {  	vm4 =	vge.f32 v61, v53;
	v56, v55, _ =	vpop (xrf1)  }
0xec: {  	v36 =	vsel vm4, v61, v53;
	vm6 =	vge.f32 v63, v56  }
0xed: {  	v37 =	vsel vm4, v60, v54;
	vm5 =	vge.f32 v34, v36;
	v59 =	vsel vm6, v63, v56  }
0xee: {  	v62 =	vsel vm6, v62, v55;
	v57 =	vsel vm5, v34, v36;
	v58 =	vsel vm5, v35, v37  }
0xef: {  	v34 =	vsel vm5, v36, v34;
	v35 =	vsel vm5, v37, v35;
	vm7 =	vge.f32 v33, v59  }
0xf0: {  	v61, v60, _ =	vpop (xrf1);
	(xrf1) =	vsort.dscd.msk.f32 $0xffff, v57, v58;
	v63 =	vsel vm7, v33, v59;
	v40 =	vsel vm7, v38, v62  }
0xf1: {  	v33 =	vsel vm7, v59, v33;
	vm8 =	vge.f32 v32, v61;
	(xrf1) =	vsort.dscd.msk.f32 $0xffff, v34, v35  }
0xf2: {  	v34 =	vsel vm7, v62, v38;
	v32 =	vsel vm8, v32, v61;
	(xrf1) =	vsort.dscd.msk.f32 $0xffff, v63, v40  }
0xf3: {  	v50 =	vsel vm8, v43, v60;
	v49, v48, _ =	vpop (xrf1);
	vm9 =	vge.f32 v41, v32;
	(xrf1) =	vsort.dscd.msk.f32 $0xffff, v33, v34  }
0xf4: {  	v51 =	vsel vm9, v41, v32;
	v52 =	vsel vm9, v42, v50;
	vm10 =	vge.f32 v46, v49  }
0xf5: {  	v53 =	vld [tilespmem:s19+$0x410];
	v32 =	vsel vm9, v32, v41;
	v35 =	vsel vm10, v46, v49;
	(xrf1) =	vsort.dscd.msk.f32 $0xffff, v51, v52  }
0xf6: {  	v57 =	vld [tilespmem:s18+$0x410];
	v33 =	vsel vm9, v50, v42;
	v54 =	vsel vm10, v47, v48;
	vm11 =	vge.f32 v44, v35  }
0xf7: {  	(xrf1) =	vsort.dscd.msk.f32 $0xffff, v32, v33;
	v55 =	vsel vm11, v44, v35;
	v56 =	vsel vm11, v45, v54  }
0xf8: {  	v35 =	vsel vm11, v35, v44;
	v34 =	vsel vm11, v54, v45;
	(xrf1) =	vsort.dscd.msk.f32 $0xffff, v55, v56  }
0xf9: {  	(xrf1) =	vsort.dscd.msk.f32 $0xffff, v35, v34  }
0xfa: {  	(xrf1) =	vsort.ascd.msk.f32 $0xffff, v53, v9  }
0xfb: {  	v58 =	vld [tilespmem:s20+$0x410];
	(xrf1) =	vsort.ascd.msk.f32 $0xffff, v57, v9;
	_ =	sdelay $0x2  }
0xfc: {  	v59 =	vld [tilespmem:s21+$0x410]  }
0xfd: {  	v34, v35, _ =	vpop (xrf1)  }
0xfe: {  	v61, v60, _ =	vpop (xrf1);
	(xrf1) =	vsort.ascd.msk.f32 $0xffff, v58, v9  }
0xff: {  	v33, v38, _ =	vpop (xrf1)  }
0x100: {  	v63, v62, _ =	vpop (xrf1)  }
0x101: {  	v41, v42, _ =	vpop (xrf1);
	(xrf1) =	vsort.ascd.msk.f32 $0xffff, v59, v9;
	_ =	sdelay $0x1  }
0x102: {  	v32, v43, _ =	vpop (xrf1)  }
0x103: {  	v44, v45, _ =	vpop (xrf1)  }
0x104: {  	v46, v47, _ =	vpop (xrf1)  }
0x105: {  	v53, v54, _ =	vpop (xrf1)  }
0x106: {  	vm12 =	vge.f32 v61, v53;
	v56, v55, _ =	vpop (xrf1)  }
0x107: {  	v36 =	vsel vm12, v61, v53;
	vm14 =	vge.f32 v63, v56  }
0x108: {  	v37 =	vsel vm12, v60, v54;
	vm13 =	vge.f32 v34, v36;
	v59 =	vsel vm14, v63, v56  }
0x109: {  	v62 =	vsel vm14, v62, v55;
	v57 =	vsel vm13, v34, v36;
	v58 =	vsel vm13, v35, v37  }
0x10a: {  	v34 =	vsel vm13, v36, v34;
	v35 =	vsel vm13, v37, v35;
	vm15 =	vge.f32 v33, v59  }
0x10b: {  	(xrf1) =	vsort.dscd.msk.f32 $0xffff, v57, v58;
	v63 =	vsel vm15, v33, v59;
	v40 =	vsel vm15, v38, v62;
	v61, v60, _ =	vpop (xrf1)  }
0x10c: {  	v33 =	vsel vm15, v59, v33;
	(xrf1) =	vsort.dscd.msk.f32 $0xffff, v34, v35;
	vm4 =	vge.f32 v32, v61  }
0x10d: {  	v34 =	vsel vm15, v62, v38;
	(xrf1) =	vsort.dscd.msk.f32 $0xffff, v63, v40;
	v32 =	vsel vm4, v32, v61  }
0x10e: {  	(xrf1) =	vsort.dscd.msk.f32 $0xffff, v33, v34;
	v50 =	vsel vm4, v43, v60;
	v49, v48, _ =	vpop (xrf1);
	vm5 =	vge.f32 v41, v32  }
0x10f: {  	v51 =	vsel vm5, v41, v32;
	v52 =	vsel vm5, v42, v50;
	vm6 =	vge.f32 v46, v49  }
0x110: {  	v53 =	vld [tilespmem:s19+$0x420];
	v32 =	vsel vm5, v32, v41;
	v35 =	vsel vm6, v46, v49;
	(xrf1) =	vsort.dscd.msk.f32 $0xffff, v51, v52  }
0x111: {  	v57 =	vld [tilespmem:s18+$0x420];
	v33 =	vsel vm5, v50, v42;
	v54 =	vsel vm6, v47, v48;
	vm7 =	vge.f32 v44, v35  }
0x112: {  	(xrf1) =	vsort.dscd.msk.f32 $0xffff, v32, v33;
	v55 =	vsel vm7, v44, v35;
	v56 =	vsel vm7, v45, v54  }
0x113: {  	v35 =	vsel vm7, v35, v44;
	v34 =	vsel vm7, v54, v45;
	(xrf1) =	vsort.dscd.msk.f32 $0xffff, v55, v56  }
0x114: {  	(xrf1) =	vsort.dscd.msk.f32 $0xffff, v35, v34  }
0x115: {  	(xrf1) =	vsort.ascd.msk.f32 $0xffff, v53, v10  }
0x116: {  	v58 =	vld [tilespmem:s20+$0x420];
	(xrf1) =	vsort.ascd.msk.f32 $0xffff, v57, v10;
	_ =	sdelay $0x2  }
0x117: {  	v59 =	vld [tilespmem:s21+$0x420]  }
0x118: {  	v34, v35, _ =	vpop (xrf1)  }
0x119: {  	v61, v60, _ =	vpop (xrf1);
	(xrf1) =	vsort.ascd.msk.f32 $0xffff, v58, v10  }
0x11a: {  	v33, v38, _ =	vpop (xrf1)  }
0x11b: {  	v63, v62, _ =	vpop (xrf1)  }
0x11c: {  	v41, v42, _ =	vpop (xrf1);
	(xrf1) =	vsort.ascd.msk.f32 $0xffff, v59, v10;
	_ =	sdelay $0x1  }
0x11d: {  	v32, v43, _ =	vpop (xrf1)  }
0x11e: {  	v44, v45, _ =	vpop (xrf1)  }
0x11f: {  	v46, v47, _ =	vpop (xrf1)  }
0x120: {  	v53, v54, _ =	vpop (xrf1)  }
0x121: {  	vm8 =	vge.f32 v61, v53;
	v56, v55, _ =	vpop (xrf1)  }
0x122: {  	v36 =	vsel vm8, v61, v53;
	vm10 =	vge.f32 v63, v56  }
0x123: {  	v37 =	vsel vm8, v60, v54;
	vm9 =	vge.f32 v34, v36;
	v59 =	vsel vm10, v63, v56  }
0x124: {  	v62 =	vsel vm10, v62, v55;
	v57 =	vsel vm9, v34, v36;
	v58 =	vsel vm9, v35, v37  }
0x125: {  	v34 =	vsel vm9, v36, v34;
	v35 =	vsel vm9, v37, v35;
	vm11 =	vge.f32 v33, v59  }
0x126: {  	v61, v60, _ =	vpop (xrf1);
	(xrf1) =	vsort.dscd.msk.f32 $0xffff, v57, v58;
	v63 =	vsel vm11, v33, v59;
	v40 =	vsel vm11, v38, v62  }
0x127: {  	v33 =	vsel vm11, v59, v33;
	vm12 =	vge.f32 v32, v61;
	(xrf1) =	vsort.dscd.msk.f32 $0xffff, v34, v35  }
0x128: {  	v34 =	vsel vm11, v62, v38;
	v32 =	vsel vm12, v32, v61;
	(xrf1) =	vsort.dscd.msk.f32 $0xffff, v63, v40  }
0x129: {  	v50 =	vsel vm12, v43, v60;
	vm13 =	vge.f32 v41, v32;
	(xrf1) =	vsort.dscd.msk.f32 $0xffff, v33, v34;
	v49, v48, _ =	vpop (xrf1)  }
0x12a: {  	v51 =	vsel vm13, v41, v32;
	v52 =	vsel vm13, v42, v50;
	vm14 =	vge.f32 v46, v49  }
0x12b: {  	v53 =	vld [tilespmem:s19+$0x430];
	v32 =	vsel vm13, v32, v41;
	(xrf1) =	vsort.dscd.msk.f32 $0xffff, v51, v52;
	v35 =	vsel vm14, v46, v49  }
0x12c: {  	v57 =	vld [tilespmem:s18+$0x430];
	v33 =	vsel vm13, v50, v42;
	v54 =	vsel vm14, v47, v48;
	vm15 =	vge.f32 v44, v35  }
0x12d: {  	(xrf1) =	vsort.dscd.msk.f32 $0xffff, v32, v33;
	v55 =	vsel vm15, v44, v35;
	v56 =	vsel vm15, v45, v54  }
0x12e: {  	v35 =	vsel vm15, v35, v44;
	v34 =	vsel vm15, v54, v45;
	(xrf1) =	vsort.dscd.msk.f32 $0xffff, v55, v56  }
0x12f: {  	(xrf1) =	vsort.dscd.msk.f32 $0xffff, v35, v34  }
0x130: {  	(xrf1) =	vsort.ascd.msk.f32 $0xffff, v53, v11  }
0x131: {  	v58 =	vld [tilespmem:s20+$0x430];
	(xrf1) =	vsort.ascd.msk.f32 $0xffff, v57, v11;
	_ =	sdelay $0x2  }
0x132: {  	v59 =	vld [tilespmem:s21+$0x430]  }
0x133: {  	v34, v35, _ =	vpop (xrf1)  }
0x134: {  	v61, v60, _ =	vpop (xrf1);
	(xrf1) =	vsort.ascd.msk.f32 $0xffff, v58, v11  }
0x135: {  	v33, v38, _ =	vpop (xrf1)  }
0x136: {  	v63, v62, _ =	vpop (xrf1)  }
0x137: {  	v41, v42, _ =	vpop (xrf1);
	(xrf1) =	vsort.ascd.msk.f32 $0xffff, v59, v11;
	_ =	sdelay $0x1  }
0x138: {  	v32, v43, _ =	vpop (xrf1)  }
0x139: {  	v44, v45, _ =	vpop (xrf1)  }
0x13a: {  	v46, v47, _ =	vpop (xrf1)  }
0x13b: {  	v53, v54, _ =	vpop (xrf1)  }
0x13c: {  	vm4 =	vge.f32 v61, v53;
	v56, v55, _ =	vpop (xrf1)  }
0x13d: {  	v36 =	vsel vm4, v61, v53;
	vm6 =	vge.f32 v63, v56  }
0x13e: {  	v37 =	vsel vm4, v60, v54;
	vm5 =	vge.f32 v34, v36;
	v59 =	vsel vm6, v63, v56  }
0x13f: {  	v62 =	vsel vm6, v62, v55;
	v57 =	vsel vm5, v34, v36;
	v58 =	vsel vm5, v35, v37  }
0x140: {  	v34 =	vsel vm5, v36, v34;
	v35 =	vsel vm5, v37, v35;
	vm7 =	vge.f32 v33, v59  }
0x141: {  	v61, v60, _ =	vpop (xrf1);
	(xrf1) =	vsort.dscd.msk.f32 $0xffff, v57, v58;
	v63 =	vsel vm7, v33, v59;
	v40 =	vsel vm7, v38, v62  }
0x142: {  	v33 =	vsel vm7, v59, v33;
	vm8 =	vge.f32 v32, v61;
	(xrf1) =	vsort.dscd.msk.f32 $0xffff, v34, v35  }
0x143: {  	v34 =	vsel vm7, v62, v38;
	v32 =	vsel vm8, v32, v61;
	(xrf1) =	vsort.dscd.msk.f32 $0xffff, v63, v40  }
0x144: {  	v50 =	vsel vm8, v43, v60;
	v49, v48, _ =	vpop (xrf1);
	vm9 =	vge.f32 v41, v32;
	(xrf1) =	vsort.dscd.msk.f32 $0xffff, v33, v34  }
0x145: {  	v51 =	vsel vm9, v41, v32;
	v52 =	vsel vm9, v42, v50;
	vm10 =	vge.f32 v46, v49  }
0x146: {  	v53 =	vld [tilespmem:s19+$0x440];
	v32 =	vsel vm9, v32, v41;
	v35 =	vsel vm10, v46, v49;
	(xrf1) =	vsort.dscd.msk.f32 $0xffff, v51, v52  }
0x147: {  	v57 =	vld [tilespmem:s18+$0x440];
	v33 =	vsel vm9, v50, v42;
	v54 =	vsel vm10, v47, v48;
	vm11 =	vge.f32 v44, v35  }
0x148: {  	(xrf1) =	vsort.dscd.msk.f32 $0xffff, v32, v33;
	v55 =	vsel vm11, v44, v35;
	v56 =	vsel vm11, v45, v54  }
0x149: {  	v35 =	vsel vm11, v35, v44;
	v34 =	vsel vm11, v54, v45;
	(xrf1) =	vsort.dscd.msk.f32 $0xffff, v55, v56  }
0x14a: {  	(xrf1) =	vsort.dscd.msk.f32 $0xffff, v35, v34  }
0x14b: {  	(xrf1) =	vsort.ascd.msk.f32 $0xffff, v53, v12  }
0x14c: {  	v58 =	vld [tilespmem:s20+$0x440];
	(xrf1) =	vsort.ascd.msk.f32 $0xffff, v57, v12;
	_ =	sdelay $0x2  }
0x14d: {  	v59 =	vld [tilespmem:s21+$0x440]  }
0x14e: {  	v34, v35, _ =	vpop (xrf1)  }
0x14f: {  	v61, v60, _ =	vpop (xrf1);
	(xrf1) =	vsort.ascd.msk.f32 $0xffff, v58, v12  }
0x150: {  	v33, v38, _ =	vpop (xrf1)  }
0x151: {  	v63, v62, _ =	vpop (xrf1)  }
0x152: {  	v41, v42, _ =	vpop (xrf1);
	(xrf1) =	vsort.ascd.msk.f32 $0xffff, v59, v12;
	_ =	sdelay $0x1  }
0x153: {  	v32, v43, _ =	vpop (xrf1)  }
0x154: {  	v44, v45, _ =	vpop (xrf1)  }
0x155: {  	v46, v47, _ =	vpop (xrf1)  }
0x156: {  	v53, v54, _ =	vpop (xrf1)  }
0x157: {  	vm12 =	vge.f32 v61, v53;
	v56, v55, _ =	vpop (xrf1)  }
0x158: {  	v36 =	vsel vm12, v61, v53;
	vm14 =	vge.f32 v63, v56  }
0x159: {  	v37 =	vsel vm12, v60, v54;
	vm13 =	vge.f32 v34, v36;
	v59 =	vsel vm14, v63, v56  }
0x15a: {  	v62 =	vsel vm14, v62, v55;
	v57 =	vsel vm13, v34, v36;
	vm15 =	vge.f32 v33, v59  }
0x15b: {  	v58 =	vsel vm13, v35, v37;
	v34 =	vsel vm13, v36, v34;
	v40 =	vsel vm15, v38, v62  }
0x15c: {  	v35 =	vsel vm13, v37, v35;
	(xrf1) =	vsort.dscd.msk.f32 $0xffff, v57, v58;
	v63 =	vsel vm15, v33, v59;
	v61, v60, _ =	vpop (xrf1)  }
0x15d: {  	v33 =	vsel vm15, v59, v33;
	(xrf1) =	vsort.dscd.msk.f32 $0xffff, v34, v35;
	vm4 =	vge.f32 v32, v61  }
0x15e: {  	v34 =	vsel vm15, v62, v38;
	(xrf1) =	vsort.dscd.msk.f32 $0xffff, v63, v40;
	v32 =	vsel vm4, v32, v61  }
0x15f: {  	(xrf1) =	vsort.dscd.msk.f32 $0xffff, v33, v34;
	v49 =	vsel vm4, v43, v60;
	v48, v40, _ =	vpop (xrf1);
	vm5 =	vge.f32 v41, v32  }
0x160: {  	v50 =	vsel vm5, v41, v32;
	v51 =	vsel vm5, v42, v49;
	vm6 =	vge.f32 v46, v48  }
0x161: {  	v52 =	vld [tilespmem:s19+$0x450];
	v32 =	vsel vm5, v32, v41;
	v35 =	vsel vm6, v46, v48;
	(xrf1) =	vsort.dscd.msk.f32 $0xffff, v50, v51  }
0x162: {  	v56 =	vld [tilespmem:s18+$0x450];
	v33 =	vsel vm5, v49, v42;
	v53 =	vsel vm6, v47, v40;
	vm7 =	vge.f32 v44, v35  }
0x163: {  	(xrf1) =	vsort.dscd.msk.f32 $0xffff, v32, v33;
	v54 =	vsel vm7, v44, v35;
	v55 =	vsel vm7, v45, v53  }
0x164: {  	v35 =	vsel vm7, v35, v44;
	v34 =	vsel vm7, v53, v45;
	(xrf1) =	vsort.dscd.msk.f32 $0xffff, v54, v55  }
0x165: {  	(xrf1) =	vsort.dscd.msk.f32 $0xffff, v35, v34  }
0x166: {  	(xrf1) =	vsort.ascd.msk.f32 $0xffff, v52, v13  }
0x167: {  	v57 =	vld [tilespmem:s20+$0x450];
	(xrf1) =	vsort.ascd.msk.f32 $0xffff, v56, v13;
	_ =	sdelay $0x2  }
0x168: {  	v58 =	vld [tilespmem:s21+$0x450]  }
0x169: {  	v34, v35, _ =	vpop (xrf1)  }
0x16a: {  	v60, v59, _ =	vpop (xrf1);
	(xrf1) =	vsort.ascd.msk.f32 $0xffff, v57, v13  }
0x16b: {  	v33, v38, _ =	vpop (xrf1)  }
0x16c: {  	v62, v61, _ =	vpop (xrf1)  }
0x16d: {  	v41, v42, _ =	vpop (xrf1);
	(xrf1) =	vsort.ascd.msk.f32 $0xffff, v58, v13;
	_ =	sdelay $0x1  }
0x16e: {  	v63, v43, _ =	vpop (xrf1)  }
0x16f: {  	v44, v45, _ =	vpop (xrf1)  }
0x170: {  	v46, v47, _ =	vpop (xrf1)  }
0x171: {  	v52, v53, _ =	vpop (xrf1)  }
0x172: {  	vm8 =	vge.f32 v60, v52;
	v55, v54, _ =	vpop (xrf1)  }
0x173: {  	v36 =	vsel vm8, v60, v52;
	vm10 =	vge.f32 v62, v55  }
0x174: {  	v37 =	vsel vm8, v59, v53;
	vm9 =	vge.f32 v34, v36;
	v58 =	vsel vm10, v62, v55  }
0x175: {  	v61 =	vsel vm10, v61, v54;
	v56 =	vsel vm9, v34, v36;
	v57 =	vsel vm9, v35, v37  }
0x176: {  	v34 =	vsel vm9, v36, v34;
	v35 =	vsel vm9, v37, v35;
	vm11 =	vge.f32 v33, v58  }
0x177: {  	v60, v59, _ =	vpop (xrf1);
	(xrf1) =	vsort.dscd.msk.f32 $0xffff, v56, v57;
	v62 =	vsel vm11, v33, v58;
	v40 =	vsel vm11, v38, v61  }
0x178: {  	v33 =	vsel vm11, v58, v33;
	vm12 =	vge.f32 v63, v60;
	(xrf1) =	vsort.dscd.msk.f32 $0xffff, v34, v35  }
0x179: {  	v34 =	vsel vm11, v61, v38;
	v32 =	vsel vm12, v63, v60;
	(xrf1) =	vsort.dscd.msk.f32 $0xffff, v62, v40  }
0x17a: {  	v43 =	vsel vm12, v43, v59;
	vm13 =	vge.f32 v41, v32;
	(xrf1) =	vsort.dscd.msk.f32 $0xffff, v33, v34;
	v40, v63, _ =	vpop (xrf1)  }
0x17b: {  	v48 =	vsel vm13, v41, v32;
	v49 =	vsel vm13, v42, v43;
	vm14 =	vge.f32 v46, v40  }
0x17c: {  	v50 =	vld [tilespmem:s19+$0x460];
	v32 =	vsel vm13, v32, v41;
	v33 =	vsel vm13, v43, v42;
	v35 =	vsel vm14, v46, v40  }
0x17d: {  	(xrf1) =	vsort.dscd.msk.f32 $0xffff, v48, v49;
	v51 =	vsel vm14, v47, v63;
	vm15 =	vge.f32 v44, v35  }
0x17e: {  	v54 =	vld [tilespmem:s18+$0x460];
	(xrf1) =	vsort.dscd.msk.f32 $0xffff, v32, v33;
	v52 =	vsel vm15, v44, v35;
	v53 =	vsel vm15, v45, v51  }
0x17f: {  	v35 =	vsel vm15, v35, v44;
	v34 =	vsel vm15, v51, v45;
	(xrf1) =	vsort.dscd.msk.f32 $0xffff, v52, v53  }
0x180: {  	(xrf1) =	vsort.dscd.msk.f32 $0xffff, v35, v34  }
0x181: {  	(xrf1) =	vsort.ascd.msk.f32 $0xffff, v50, v14;
	_ =	sdelay $0x1  }
0x182: {  	(xrf1) =	vsort.ascd.msk.f32 $0xffff, v54, v14;
	_ =	sdelay $0x3  }
0x183: {  	v55, v33, _ =	vpop (xrf1)  }
0x184: {  	v34, v35, _ =	vpop (xrf1)  }
0x185: {  	v36, v37, _ =	vpop (xrf1)  }
0x186: {  	v57, v56, _ =	vpop (xrf1)  }
0x187: {  	v40, v41, _ =	vpop (xrf1)  }
0x188: {  	v58 =	vld [tilespmem:s20+$0x460];
	v42, v43, _ =	vpop (xrf1)  }
0x189: {  	v59 =	vld [tilespmem:s21+$0x460];
	v45, v46, _ =	vpop (xrf1)  }
0x18a: {  	v48, v49, _ =	vpop (xrf1)  }
0x18b: {  	v61, v60, _ =	vpop (xrf1)  }
0x18c: {  	vm4 =	vge.f32 v34, v61  }
0x18d: {  	(xrf1) =	vsort.ascd.msk.f32 $0xffff, v58, v14;
	v62, v63, _ =	vpop (xrf1);
	v34 =	vsel vm4, v34, v61  }
0x18e: {  	(xrf1) =	vsort.ascd.msk.f32 $0xffff, v59, v14;
	vm6 =	vge.f32 v57, v62;
	vm5 =	vge.f32 v55, v34  }
0x18f: {  	v35 =	vsel vm4, v35, v60;
	v56 =	vsel vm6, v56, v63;
	v54 =	vsel vm5, v55, v34  }
0x190: {  	v51 =	vsel vm5, v33, v35;
	v32 =	vsel vm5, v34, v55;
	v55 =	vsel vm6, v57, v62  }
0x191: {  	v33 =	vsel vm5, v35, v33;
	(xrf1) =	vsort.dscd.msk.f32 $0xffff, v54, v51;
	vm7 =	vge.f32 v36, v55  }
0x192: {  	(xrf1) =	vsort.dscd.msk.f32 $0xffff, v32, v33;
	v57 =	vsel vm7, v36, v55;
	v58 =	vsel vm7, v37, v56  }
0x193: {  	v34 =	vsel vm7, v55, v36;
	v35 =	vsel vm7, v56, v37;
	(xrf1) =	vsort.dscd.msk.f32 $0xffff, v57, v58  }
0x194: {  	(xrf1) =	vsort.dscd.msk.f32 $0xffff, v34, v35;
	_ =	sdelay $0x8  }
0x195: {  	v32, v33, _ =	vpop (xrf1)  }
0x196: {  	v34, v35, _ =	vpop (xrf1)  }
0x197: {  	vm8 =	vge.f32 v42, v32;
	v36, v37, _ =	vpop (xrf1)  }
0x198: {  	v32 =	vsel vm8, v42, v32;
	v59, v60, _ =	vpop (xrf1)  }
0x199: {  	v33 =	vsel vm8, v43, v33;
	vm9 =	vge.f32 v40, v32;
	v42, v44, _ =	vpop (xrf1)  }
0x19a: {  	v62 =	vsel vm9, v40, v32;
	v63 =	vsel vm9, v41, v33;
	v61, v47, _ =	vpop (xrf1)  }
0x19b: {  	vm10 =	vge.f32 v48, v34;
	(xrf1) =	vsort.dscd.msk.f32 $0xffff, v62, v63  }
0x19c: {  	v32 =	vsel vm9, v32, v40;
	v34 =	vsel vm10, v48, v34;
	v48 =	vld [tilespmem:s19+$0x470]  }
0x19d: {  	v33 =	vsel vm9, v33, v41;
	v35 =	vsel vm10, v49, v35;
	vm11 =	vge.f32 v45, v34;
	v51 =	vld [tilespmem:s18+$0x470]  }
0x19e: {  	v49 =	vsel vm11, v45, v34;
	v50 =	vsel vm11, v46, v35;
	(xrf1) =	vsort.dscd.msk.f32 $0xffff, v32, v33  }
0x19f: {  	v34 =	vsel vm11, v34, v45;
	v35 =	vsel vm11, v35, v46;
	(xrf1) =	vsort.dscd.msk.f32 $0xffff, v49, v50  }
0x1a0: {  	(xrf1) =	vsort.dscd.msk.f32 $0xffff, v34, v35  }
0x1a1: {  	v52 =	vld [tilespmem:s20+$0x470];
	(xrf1) =	vsort.ascd.msk.f32 $0xffff, v48, v15  }
0x1a2: {  	(xrf1) =	vsort.ascd.msk.f32 $0xffff, v51, v15;
	_ =	sdelay $0x2  }
0x1a3: {  	v53 =	vld [tilespmem:s21+$0x470]  }
0x1a4: {  	(xrf1) =	vsort.ascd.msk.f32 $0xffff, v52, v15;
	_ =	sdelay $0x3  }
0x1a5: {  	(xrf1) =	vsort.ascd.msk.f32 $0xffff, v53, v15  }
0x1a6: {  	v33, v34, _ =	vpop (xrf1)  }
0x1a7: {  	v32, v35, _ =	vpop (xrf1)  }
0x1a8: {  	v40, v41, _ =	vpop (xrf1)  }
0x1a9: {  	v45, v46, _ =	vpop (xrf1)  }
0x1aa: {  	v54, v55, _ =	vpop (xrf1)  }
0x1ab: {  	vm12 =	vge.f32 v59, v54;
	v56, v50, _ =	vpop (xrf1)  }
0x1ac: {  	v38 =	vsel vm12, v59, v54;
	vm14 =	vge.f32 v61, v56  }
0x1ad: {  	v39 =	vsel vm12, v60, v55;
	vm13 =	vge.f32 v36, v38;
	v59 =	vsel vm14, v61, v56  }
0x1ae: {  	v62 =	vsel vm14, v47, v50;
	v57 =	vsel vm13, v36, v38;
	vm15 =	vge.f32 v42, v59  }
0x1af: {  	v61, v60, _ =	vpop (xrf1);
	v58 =	vsel vm13, v37, v39;
	v36 =	vsel vm13, v38, v36;
	v47 =	vsel vm15, v44, v62  }
0x1b0: {  	s18 =	simm.s32 $0x1;
	v37 =	vsel vm13, v39, v37;
	vm4 =	vge.f32 v32, v61;
	(xrf1) =	vsort.dscd.msk.f32 $0xffff, v57, v58  }
0x1b1: {  	s18 =	simm.s32 @!p0 $0x0;
	v63 =	vsel vm15, v42, v59;
	v38 =	vsel vm15, v59, v42;
	v32 =	vsel vm4, v32, v61  }
0x1b2: {  	s18 =	sshll.u32 s18, $0x9;
	v35 =	vsel vm4, v35, v60;
	(xrf1) =	vsort.dscd.msk.f32 $0xffff, v36, v37;
	vm5 =	vge.f32 v33, v32  }
0x1b3: {  	s29 =	sand.u32 $0x7, s16;
	s18 =	sadd.s32 s18, s17;
	v36 =	vsel vm15, v62, v44;
	(xrf1) =	vsort.dscd.msk.f32 $0xffff, v63, v47;
	v48 =	vsel vm5, v33, v32;
	v44, v47, _ =	vpop (xrf1)  }
0x1b4: {  	s19 =	sshll.u32 s29, $0x7;
	s30 =	sor.u32 $0x800, s18;
	v49 =	vsel vm5, v34, v35;
	v32 =	vsel vm5, v32, v33;
	vm6 =	vge.f32 v45, v44  }
0x1b5: {  	s23 =	sand.u32 $0x3, s15;
	s31 =	sadd.s32 s19, s17;
	v52 =	vld [tilespmem:s30+$0x0];
	v50 =	vsel vm5, v35, v34;
	(xrf1) =	vsort.dscd.msk.f32 $0xffff, v38, v36;
	v51 =	vsel vm6, v45, v44  }
0x1b6: {  	s20 =	sshll.u32 s23, $0x8;
	s19 =	sadd.s32 $0x80, s31;
	(xrf1) =	vsort.dscd.msk.f32 $0xffff, v48, v49;
	v53 =	vsel vm6, v46, v47;
	vm7 =	vge.f32 v40, v51  }
0x1b7: {  	s20 =	sadd.s32 s17, s20;
	s24 =	sor.u32 $0x800, s19;
	(xrf1) =	vsort.dscd.msk.f32 $0xffff, v32, v50;
	v54 =	vsel vm7, v40, v51;
	v55 =	vsel vm7, v41, v53  }
0x1b8: {  	s20 =	sadd.s32 $0x100, s20;
	v56 =	vld [tilespmem:s24+$0x0];
	v34 =	vsel vm7, v51, v40;
	v36 =	vsel vm7, v53, v41;
	(xrf1) =	vsort.dscd.msk.f32 $0xffff, v54, v55  }
0x1b9: {  	s25 =	sor.u32 $0x800, s20;
	(xrf1) =	vsort.dscd.msk.f32 $0xffff, v34, v36  }
0x1ba: {  	v57 =	vld [tilespmem:s25+$0x0];
	(xrf1) =	vsort.ascd.msk.f32 $0xffff, v52, v16;
	_ =	sdelay $0x2  }
0x1bb: {  	s21 =	sadd.s32 $0x180, s31;
	(xrf1) =	vsort.ascd.msk.f32 $0xffff, v56, v16  }
0x1bc: {  	s26 =	sor.u32 $0x800, s21  }
0x1bd: {  	v58 =	vld [tilespmem:s26+$0x0];
	v59, v35, _ =	vpop (xrf1);
	(xrf1) =	vsort.ascd.msk.f32 $0xffff, v57, v16;
	_ =	sdelay $0x1  }
0x1be: {  	v61, v60, _ =	vpop (xrf1)  }
0x1bf: {  	v33, v38, _ =	vpop (xrf1)  }
0x1c0: {  	v62, v63, _ =	vpop (xrf1)  }
0x1c1: {  	v41, v42, _ =	vpop (xrf1);
	(xrf1) =	vsort.ascd.msk.f32 $0xffff, v58, v16  }
0x1c2: {  	v32, v43, _ =	vpop (xrf1)  }
0x1c3: {  	v44, v45, _ =	vpop (xrf1)  }
0x1c4: {  	v46, v47, _ =	vpop (xrf1)  }
0x1c5: {  	v53, v54, _ =	vpop (xrf1)  }
0x1c6: {  	vm8 =	vge.f32 v61, v53  }
0x1c7: {  	v36 =	vsel vm8, v61, v53  }
0x1c8: {  	v56, v55, _ =	vpop (xrf1);
	vm9 =	vge.f32 v59, v36  }
0x1c9: {  	v37 =	vsel vm8, v60, v54;
	vm10 =	vge.f32 v62, v56;
	v57 =	vsel vm9, v59, v36  }
0x1ca: {  	v61, v60, _ =	vpop (xrf1);
	v58 =	vsel vm9, v35, v37;
	v34 =	vsel vm9, v36, v59;
	v59 =	vsel vm10, v62, v56  }
0x1cb: {  	v35 =	vsel vm9, v37, v35;
	v62 =	vsel vm10, v63, v55;
	vm12 =	vge.f32 v32, v61  }
0x1cc: {  	(xrf1) =	vsort.dscd.msk.f32 $0xffff, v57, v58;
	vm11 =	vge.f32 v33, v59;
	v32 =	vsel vm12, v32, v61  }
0x1cd: {  	v50 =	vsel vm12, v43, v60;
	(xrf1) =	vsort.dscd.msk.f32 $0xffff, v34, v35;
	v63 =	vsel vm11, v33, v59  }
0x1ce: {  	v40 =	vsel vm11, v38, v62;
	v33 =	vsel vm11, v59, v33;
	vm13 =	vge.f32 v41, v32  }
0x1cf: {  	v34 =	vsel vm11, v62, v38;
	(xrf1) =	vsort.dscd.msk.f32 $0xffff, v63, v40;
	v49, v48, _ =	vpop (xrf1);
	v51 =	vsel vm13, v41, v32  }
0x1d0: {  	s28 =	sor.u32 $0x810, s18;
	v52 =	vsel vm13, v42, v50;
	(xrf1) =	vsort.dscd.msk.f32 $0xffff, v33, v34;
	vm14 =	vge.f32 v46, v49  }
0x1d1: {  	s29 =	sor.u32 $0x810, s19;
	v53 =	vld [tilespmem:s28+$0x0];
	v32 =	vsel vm13, v32, v41;
	v35 =	vsel vm14, v46, v49;
	(xrf1) =	vsort.dscd.msk.f32 $0xffff, v51, v52  }
0x1d2: {  	v57 =	vld [tilespmem:s29+$0x0];
	v33 =	vsel vm13, v50, v42;
	v54 =	vsel vm14, v47, v48;
	vm15 =	vge.f32 v44, v35  }
0x1d3: {  	(xrf1) =	vsort.dscd.msk.f32 $0xffff, v32, v33;
	v55 =	vsel vm15, v44, v35;
	v56 =	vsel vm15, v45, v54  }
0x1d4: {  	v35 =	vsel vm15, v35, v44;
	v34 =	vsel vm15, v54, v45;
	(xrf1) =	vsort.dscd.msk.f32 $0xffff, v55, v56  }
0x1d5: {  	(xrf1) =	vsort.dscd.msk.f32 $0xffff, v35, v34  }
0x1d6: {  	s30 =	sor.u32 $0x810, s20;
	(xrf1) =	vsort.ascd.msk.f32 $0xffff, v53, v17  }
0x1d7: {  	v58 =	vld [tilespmem:s30+$0x0];
	(xrf1) =	vsort.ascd.msk.f32 $0xffff, v57, v17;
	_ =	sdelay $0x1  }
0x1d8: {  	s31 =	sor.u32 $0x810, s21  }
0x1d9: {  	v59 =	vld [tilespmem:s31+$0x0]  }
0x1da: {  	v34, v35, _ =	vpop (xrf1)  }
0x1db: {  	v61, v60, _ =	vpop (xrf1);
	(xrf1) =	vsort.ascd.msk.f32 $0xffff, v58, v17  }
0x1dc: {  	v33, v38, _ =	vpop (xrf1)  }
0x1dd: {  	v63, v62, _ =	vpop (xrf1)  }
0x1de: {  	v41, v42, _ =	vpop (xrf1);
	(xrf1) =	vsort.ascd.msk.f32 $0xffff, v59, v17;
	_ =	sdelay $0x1  }
0x1df: {  	v32, v43, _ =	vpop (xrf1)  }
0x1e0: {  	v44, v45, _ =	vpop (xrf1)  }
0x1e1: {  	v46, v47, _ =	vpop (xrf1)  }
0x1e2: {  	v53, v54, _ =	vpop (xrf1)  }
0x1e3: {  	vm4 =	vge.f32 v61, v53;
	v56, v55, _ =	vpop (xrf1)  }
0x1e4: {  	v36 =	vsel vm4, v61, v53;
	vm6 =	vge.f32 v63, v56  }
0x1e5: {  	v37 =	vsel vm4, v60, v54;
	vm5 =	vge.f32 v34, v36;
	v59 =	vsel vm6, v63, v56  }
0x1e6: {  	v62 =	vsel vm6, v62, v55;
	v57 =	vsel vm5, v34, v36;
	v58 =	vsel vm5, v35, v37  }
0x1e7: {  	v34 =	vsel vm5, v36, v34;
	v35 =	vsel vm5, v37, v35;
	vm7 =	vge.f32 v33, v59  }
0x1e8: {  	(xrf1) =	vsort.dscd.msk.f32 $0xffff, v57, v58;
	v63 =	vsel vm7, v33, v59;
	v40 =	vsel vm7, v38, v62;
	v61, v60, _ =	vpop (xrf1)  }
0x1e9: {  	v33 =	vsel vm7, v59, v33;
	(xrf1) =	vsort.dscd.msk.f32 $0xffff, v34, v35;
	vm8 =	vge.f32 v32, v61  }
0x1ea: {  	v34 =	vsel vm7, v62, v38;
	(xrf1) =	vsort.dscd.msk.f32 $0xffff, v63, v40;
	v32 =	vsel vm8, v32, v61  }
0x1eb: {  	(xrf1) =	vsort.dscd.msk.f32 $0xffff, v33, v34;
	v50 =	vsel vm8, v43, v60;
	v49, v48, _ =	vpop (xrf1);
	vm9 =	vge.f32 v41, v32  }
0x1ec: {  	s23 =	sor.u32 $0x820, s18;
	v51 =	vsel vm9, v41, v32;
	v52 =	vsel vm9, v42, v50;
	vm10 =	vge.f32 v46, v49  }
0x1ed: {  	s24 =	sor.u32 $0x820, s19;
	v53 =	vld [tilespmem:s23+$0x0];
	v32 =	vsel vm9, v32, v41;
	v35 =	vsel vm10, v46, v49;
	(xrf1) =	vsort.dscd.msk.f32 $0xffff, v51, v52  }
0x1ee: {  	v57 =	vld [tilespmem:s24+$0x0];
	v33 =	vsel vm9, v50, v42;
	v54 =	vsel vm10, v47, v48;
	vm11 =	vge.f32 v44, v35  }
0x1ef: {  	(xrf1) =	vsort.dscd.msk.f32 $0xffff, v32, v33;
	v55 =	vsel vm11, v44, v35;
	v56 =	vsel vm11, v45, v54  }
0x1f0: {  	v35 =	vsel vm11, v35, v44;
	v34 =	vsel vm11, v54, v45;
	(xrf1) =	vsort.dscd.msk.f32 $0xffff, v55, v56  }
0x1f1: {  	(xrf1) =	vsort.dscd.msk.f32 $0xffff, v35, v34  }
0x1f2: {  	s25 =	sor.u32 $0x820, s20;
	(xrf1) =	vsort.ascd.msk.f32 $0xffff, v53, v18  }
0x1f3: {  	v58 =	vld [tilespmem:s25+$0x0];
	(xrf1) =	vsort.ascd.msk.f32 $0xffff, v57, v18;
	_ =	sdelay $0x1  }
0x1f4: {  	s26 =	sor.u32 $0x820, s21  }
0x1f5: {  	v59 =	vld [tilespmem:s26+$0x0]  }
0x1f6: {  	v34, v35, _ =	vpop (xrf1)  }
0x1f7: {  	v61, v60, _ =	vpop (xrf1);
	(xrf1) =	vsort.ascd.msk.f32 $0xffff, v58, v18  }
0x1f8: {  	v33, v38, _ =	vpop (xrf1)  }
0x1f9: {  	v63, v62, _ =	vpop (xrf1)  }
0x1fa: {  	v41, v42, _ =	vpop (xrf1);
	(xrf1) =	vsort.ascd.msk.f32 $0xffff, v59, v18;
	_ =	sdelay $0x1  }
0x1fb: {  	v32, v43, _ =	vpop (xrf1)  }
0x1fc: {  	v44, v45, _ =	vpop (xrf1)  }
0x1fd: {  	v46, v47, _ =	vpop (xrf1)  }
0x1fe: {  	v53, v54, _ =	vpop (xrf1)  }
0x1ff: {  	vm12 =	vge.f32 v61, v53;
	v56, v55, _ =	vpop (xrf1)  }
0x200: {  	v36 =	vsel vm12, v61, v53;
	vm14 =	vge.f32 v63, v56  }
0x201: {  	v37 =	vsel vm12, v60, v54;
	vm13 =	vge.f32 v34, v36;
	v59 =	vsel vm14, v63, v56  }
0x202: {  	v62 =	vsel vm14, v62, v55;
	v57 =	vsel vm13, v34, v36;
	v58 =	vsel vm13, v35, v37  }
0x203: {  	v34 =	vsel vm13, v36, v34;
	v35 =	vsel vm13, v37, v35;
	vm15 =	vge.f32 v33, v59  }
0x204: {  	v61, v60, _ =	vpop (xrf1);
	(xrf1) =	vsort.dscd.msk.f32 $0xffff, v57, v58;
	v63 =	vsel vm15, v33, v59;
	v40 =	vsel vm15, v38, v62  }
0x205: {  	v33 =	vsel vm15, v59, v33;
	vm4 =	vge.f32 v32, v61;
	(xrf1) =	vsort.dscd.msk.f32 $0xffff, v34, v35  }
0x206: {  	v34 =	vsel vm15, v62, v38;
	v32 =	vsel vm4, v32, v61;
	(xrf1) =	vsort.dscd.msk.f32 $0xffff, v63, v40  }
0x207: {  	v50 =	vsel vm4, v43, v60;
	vm5 =	vge.f32 v41, v32;
	(xrf1) =	vsort.dscd.msk.f32 $0xffff, v33, v34;
	v49, v48, _ =	vpop (xrf1)  }
0x208: {  	s28 =	sor.u32 $0x830, s18;
	v51 =	vsel vm5, v41, v32;
	v52 =	vsel vm5, v42, v50;
	vm6 =	vge.f32 v46, v49  }
0x209: {  	s29 =	sor.u32 $0x830, s19;
	v53 =	vld [tilespmem:s28+$0x0];
	v32 =	vsel vm5, v32, v41;
	(xrf1) =	vsort.dscd.msk.f32 $0xffff, v51, v52;
	v35 =	vsel vm6, v46, v49  }
0x20a: {  	v57 =	vld [tilespmem:s29+$0x0];
	v33 =	vsel vm5, v50, v42;
	v54 =	vsel vm6, v47, v48;
	vm7 =	vge.f32 v44, v35  }
0x20b: {  	(xrf1) =	vsort.dscd.msk.f32 $0xffff, v32, v33;
	v55 =	vsel vm7, v44, v35;
	v56 =	vsel vm7, v45, v54  }
0x20c: {  	v35 =	vsel vm7, v35, v44;
	v34 =	vsel vm7, v54, v45;
	(xrf1) =	vsort.dscd.msk.f32 $0xffff, v55, v56  }
0x20d: {  	(xrf1) =	vsort.dscd.msk.f32 $0xffff, v35, v34  }
0x20e: {  	s30 =	sor.u32 $0x830, s20;
	(xrf1) =	vsort.ascd.msk.f32 $0xffff, v53, v19  }
0x20f: {  	v58 =	vld [tilespmem:s30+$0x0];
	(xrf1) =	vsort.ascd.msk.f32 $0xffff, v57, v19;
	_ =	sdelay $0x1  }
0x210: {  	s31 =	sor.u32 $0x830, s21  }
0x211: {  	v59 =	vld [tilespmem:s31+$0x0]  }
0x212: {  	v34, v35, _ =	vpop (xrf1)  }
0x213: {  	v61, v60, _ =	vpop (xrf1);
	(xrf1) =	vsort.ascd.msk.f32 $0xffff, v58, v19  }
0x214: {  	v33, v38, _ =	vpop (xrf1)  }
0x215: {  	v63, v62, _ =	vpop (xrf1)  }
0x216: {  	v41, v42, _ =	vpop (xrf1);
	(xrf1) =	vsort.ascd.msk.f32 $0xffff, v59, v19;
	_ =	sdelay $0x1  }
0x217: {  	v32, v43, _ =	vpop (xrf1)  }
0x218: {  	v44, v45, _ =	vpop (xrf1)  }
0x219: {  	v46, v47, _ =	vpop (xrf1)  }
0x21a: {  	v53, v54, _ =	vpop (xrf1)  }
0x21b: {  	vm8 =	vge.f32 v61, v53;
	v56, v55, _ =	vpop (xrf1)  }
0x21c: {  	v36 =	vsel vm8, v61, v53;
	vm10 =	vge.f32 v63, v56  }
0x21d: {  	v37 =	vsel vm8, v60, v54;
	vm9 =	vge.f32 v34, v36;
	v59 =	vsel vm10, v63, v56  }
0x21e: {  	v62 =	vsel vm10, v62, v55;
	v57 =	vsel vm9, v34, v36;
	v58 =	vsel vm9, v35, v37  }
0x21f: {  	v34 =	vsel vm9, v36, v34;
	v35 =	vsel vm9, v37, v35;
	vm11 =	vge.f32 v33, v59  }
0x220: {  	v61, v60, _ =	vpop (xrf1);
	(xrf1) =	vsort.dscd.msk.f32 $0xffff, v57, v58;
	v63 =	vsel vm11, v33, v59;
	v40 =	vsel vm11, v38, v62  }
0x221: {  	v33 =	vsel vm11, v59, v33;
	vm12 =	vge.f32 v32, v61;
	(xrf1) =	vsort.dscd.msk.f32 $0xffff, v34, v35  }
0x222: {  	v34 =	vsel vm11, v62, v38;
	v32 =	vsel vm12, v32, v61;
	(xrf1) =	vsort.dscd.msk.f32 $0xffff, v63, v40  }
0x223: {  	v50 =	vsel vm12, v43, v60;
	v49, v48, _ =	vpop (xrf1);
	vm13 =	vge.f32 v41, v32;
	(xrf1) =	vsort.dscd.msk.f32 $0xffff, v33, v34  }
0x224: {  	s23 =	sor.u32 $0x840, s18;
	v51 =	vsel vm13, v41, v32;
	v52 =	vsel vm13, v42, v50;
	vm14 =	vge.f32 v46, v49  }
0x225: {  	s24 =	sor.u32 $0x840, s19;
	v53 =	vld [tilespmem:s23+$0x0];
	v32 =	vsel vm13, v32, v41;
	v35 =	vsel vm14, v46, v49;
	(xrf1) =	vsort.dscd.msk.f32 $0xffff, v51, v52  }
0x226: {  	v57 =	vld [tilespmem:s24+$0x0];
	v33 =	vsel vm13, v50, v42;
	v54 =	vsel vm14, v47, v48;
	vm15 =	vge.f32 v44, v35  }
0x227: {  	(xrf1) =	vsort.dscd.msk.f32 $0xffff, v32, v33;
	v55 =	vsel vm15, v44, v35;
	v56 =	vsel vm15, v45, v54  }
0x228: {  	v35 =	vsel vm15, v35, v44;
	v34 =	vsel vm15, v54, v45;
	(xrf1) =	vsort.dscd.msk.f32 $0xffff, v55, v56  }
0x229: {  	(xrf1) =	vsort.dscd.msk.f32 $0xffff, v35, v34  }
0x22a: {  	s25 =	sor.u32 $0x840, s20;
	(xrf1) =	vsort.ascd.msk.f32 $0xffff, v53, v20  }
0x22b: {  	v58 =	vld [tilespmem:s25+$0x0];
	(xrf1) =	vsort.ascd.msk.f32 $0xffff, v57, v20;
	_ =	sdelay $0x1  }
0x22c: {  	s26 =	sor.u32 $0x840, s21  }
0x22d: {  	v59 =	vld [tilespmem:s26+$0x0]  }
0x22e: {  	v34, v35, _ =	vpop (xrf1)  }
0x22f: {  	v61, v60, _ =	vpop (xrf1);
	(xrf1) =	vsort.ascd.msk.f32 $0xffff, v58, v20  }
0x230: {  	v33, v38, _ =	vpop (xrf1)  }
0x231: {  	v63, v62, _ =	vpop (xrf1)  }
0x232: {  	v41, v42, _ =	vpop (xrf1);
	(xrf1) =	vsort.ascd.msk.f32 $0xffff, v59, v20;
	_ =	sdelay $0x1  }
0x233: {  	v32, v43, _ =	vpop (xrf1)  }
0x234: {  	v44, v45, _ =	vpop (xrf1)  }
0x235: {  	v46, v47, _ =	vpop (xrf1)  }
0x236: {  	v53, v54, _ =	vpop (xrf1)  }
0x237: {  	vm4 =	vge.f32 v61, v53;
	v56, v55, _ =	vpop (xrf1)  }
0x238: {  	v36 =	vsel vm4, v61, v53;
	vm6 =	vge.f32 v63, v56  }
0x239: {  	v37 =	vsel vm4, v60, v54;
	vm5 =	vge.f32 v34, v36;
	v59 =	vsel vm6, v63, v56  }
0x23a: {  	v62 =	vsel vm6, v62, v55;
	v57 =	vsel vm5, v34, v36;
	v58 =	vsel vm5, v35, v37  }
0x23b: {  	v34 =	vsel vm5, v36, v34;
	v35 =	vsel vm5, v37, v35;
	vm7 =	vge.f32 v33, v59  }
0x23c: {  	(xrf1) =	vsort.dscd.msk.f32 $0xffff, v57, v58;
	v63 =	vsel vm7, v33, v59;
	v40 =	vsel vm7, v38, v62;
	v61, v60, _ =	vpop (xrf1)  }
0x23d: {  	v33 =	vsel vm7, v59, v33;
	(xrf1) =	vsort.dscd.msk.f32 $0xffff, v34, v35;
	vm8 =	vge.f32 v32, v61  }
0x23e: {  	v34 =	vsel vm7, v62, v38;
	(xrf1) =	vsort.dscd.msk.f32 $0xffff, v63, v40;
	v32 =	vsel vm8, v32, v61  }
0x23f: {  	(xrf1) =	vsort.dscd.msk.f32 $0xffff, v33, v34;
	v50 =	vsel vm8, v43, v60;
	v49, v48, _ =	vpop (xrf1);
	vm9 =	vge.f32 v41, v32  }
0x240: {  	s28 =	sor.u32 $0x850, s18;
	v51 =	vsel vm9, v41, v32;
	v52 =	vsel vm9, v42, v50;
	vm10 =	vge.f32 v46, v49  }
0x241: {  	s29 =	sor.u32 $0x850, s19;
	v53 =	vld [tilespmem:s28+$0x0];
	v32 =	vsel vm9, v32, v41;
	v35 =	vsel vm10, v46, v49;
	(xrf1) =	vsort.dscd.msk.f32 $0xffff, v51, v52  }
0x242: {  	v57 =	vld [tilespmem:s29+$0x0];
	v33 =	vsel vm9, v50, v42;
	v54 =	vsel vm10, v47, v48;
	vm11 =	vge.f32 v44, v35  }
0x243: {  	(xrf1) =	vsort.dscd.msk.f32 $0xffff, v32, v33;
	v55 =	vsel vm11, v44, v35;
	v56 =	vsel vm11, v45, v54  }
0x244: {  	v35 =	vsel vm11, v35, v44;
	v34 =	vsel vm11, v54, v45;
	(xrf1) =	vsort.dscd.msk.f32 $0xffff, v55, v56  }
0x245: {  	(xrf1) =	vsort.dscd.msk.f32 $0xffff, v35, v34  }
0x246: {  	s30 =	sor.u32 $0x850, s20;
	(xrf1) =	vsort.ascd.msk.f32 $0xffff, v53, v21  }
0x247: {  	v58 =	vld [tilespmem:s30+$0x0];
	(xrf1) =	vsort.ascd.msk.f32 $0xffff, v57, v21;
	_ =	sdelay $0x1  }
0x248: {  	s31 =	sor.u32 $0x850, s21  }
0x249: {  	v59 =	vld [tilespmem:s31+$0x0]  }
0x24a: {  	v34, v35, _ =	vpop (xrf1)  }
0x24b: {  	v61, v60, _ =	vpop (xrf1);
	(xrf1) =	vsort.ascd.msk.f32 $0xffff, v58, v21  }
0x24c: {  	v33, v38, _ =	vpop (xrf1)  }
0x24d: {  	v63, v62, _ =	vpop (xrf1)  }
0x24e: {  	v41, v42, _ =	vpop (xrf1);
	(xrf1) =	vsort.ascd.msk.f32 $0xffff, v59, v21;
	_ =	sdelay $0x1  }
0x24f: {  	v32, v43, _ =	vpop (xrf1)  }
0x250: {  	v44, v45, _ =	vpop (xrf1)  }
0x251: {  	v46, v47, _ =	vpop (xrf1)  }
0x252: {  	v53, v54, _ =	vpop (xrf1)  }
0x253: {  	vm12 =	vge.f32 v61, v53;
	v56, v55, _ =	vpop (xrf1)  }
0x254: {  	v36 =	vsel vm12, v61, v53;
	vm14 =	vge.f32 v63, v56  }
0x255: {  	v37 =	vsel vm12, v60, v54;
	vm13 =	vge.f32 v34, v36;
	v59 =	vsel vm14, v63, v56  }
0x256: {  	v62 =	vsel vm14, v62, v55;
	v57 =	vsel vm13, v34, v36;
	v58 =	vsel vm13, v35, v37  }
0x257: {  	v34 =	vsel vm13, v36, v34;
	v35 =	vsel vm13, v37, v35;
	vm15 =	vge.f32 v33, v59  }
0x258: {  	v61, v60, _ =	vpop (xrf1);
	(xrf1) =	vsort.dscd.msk.f32 $0xffff, v57, v58;
	v63 =	vsel vm15, v33, v59;
	v40 =	vsel vm15, v38, v62  }
0x259: {  	v33 =	vsel vm15, v59, v33;
	vm4 =	vge.f32 v32, v61;
	(xrf1) =	vsort.dscd.msk.f32 $0xffff, v34, v35  }
0x25a: {  	v34 =	vsel vm15, v62, v38;
	v32 =	vsel vm4, v32, v61;
	(xrf1) =	vsort.dscd.msk.f32 $0xffff, v63, v40  }
0x25b: {  	v50 =	vsel vm4, v43, v60;
	vm5 =	vge.f32 v41, v32;
	(xrf1) =	vsort.dscd.msk.f32 $0xffff, v33, v34;
	v49, v48, _ =	vpop (xrf1)  }
0x25c: {  	s23 =	sor.u32 $0x860, s18;
	v51 =	vsel vm5, v41, v32;
	v52 =	vsel vm5, v42, v50;
	vm6 =	vge.f32 v46, v49  }
0x25d: {  	s24 =	sor.u32 $0x860, s19;
	v53 =	vld [tilespmem:s23+$0x0];
	v32 =	vsel vm5, v32, v41;
	(xrf1) =	vsort.dscd.msk.f32 $0xffff, v51, v52;
	v35 =	vsel vm6, v46, v49  }
0x25e: {  	v57 =	vld [tilespmem:s24+$0x0];
	v33 =	vsel vm5, v50, v42;
	v54 =	vsel vm6, v47, v48;
	vm7 =	vge.f32 v44, v35  }
0x25f: {  	(xrf1) =	vsort.dscd.msk.f32 $0xffff, v32, v33;
	v55 =	vsel vm7, v44, v35;
	v56 =	vsel vm7, v45, v54  }
0x260: {  	v35 =	vsel vm7, v35, v44;
	v34 =	vsel vm7, v54, v45;
	(xrf1) =	vsort.dscd.msk.f32 $0xffff, v55, v56  }
0x261: {  	(xrf1) =	vsort.dscd.msk.f32 $0xffff, v35, v34  }
0x262: {  	s25 =	sor.u32 $0x860, s20;
	(xrf1) =	vsort.ascd.msk.f32 $0xffff, v53, v22  }
0x263: {  	v58 =	vld [tilespmem:s25+$0x0];
	(xrf1) =	vsort.ascd.msk.f32 $0xffff, v57, v22;
	_ =	sdelay $0x1  }
0x264: {  	s26 =	sor.u32 $0x860, s21  }
0x265: {  	v59 =	vld [tilespmem:s26+$0x0]  }
0x266: {  	v34, v35, _ =	vpop (xrf1)  }
0x267: {  	v61, v60, _ =	vpop (xrf1);
	(xrf1) =	vsort.ascd.msk.f32 $0xffff, v58, v22  }
0x268: {  	v33, v38, _ =	vpop (xrf1)  }
0x269: {  	v63, v62, _ =	vpop (xrf1)  }
0x26a: {  	v41, v42, _ =	vpop (xrf1);
	(xrf1) =	vsort.ascd.msk.f32 $0xffff, v59, v22;
	_ =	sdelay $0x1  }
0x26b: {  	v32, v43, _ =	vpop (xrf1)  }
0x26c: {  	v44, v45, _ =	vpop (xrf1)  }
0x26d: {  	v46, v47, _ =	vpop (xrf1)  }
0x26e: {  	v53, v54, _ =	vpop (xrf1)  }
0x26f: {  	vm8 =	vge.f32 v61, v53;
	v56, v55, _ =	vpop (xrf1)  }
0x270: {  	v36 =	vsel vm8, v61, v53;
	vm10 =	vge.f32 v63, v56  }
0x271: {  	v37 =	vsel vm8, v60, v54;
	vm9 =	vge.f32 v34, v36;
	v59 =	vsel vm10, v63, v56  }
0x272: {  	v62 =	vsel vm10, v62, v55;
	v57 =	vsel vm9, v34, v36;
	v58 =	vsel vm9, v35, v37  }
0x273: {  	v34 =	vsel vm9, v36, v34;
	v35 =	vsel vm9, v37, v35;
	vm11 =	vge.f32 v33, v59  }
0x274: {  	v61, v60, _ =	vpop (xrf1);
	(xrf1) =	vsort.dscd.msk.f32 $0xffff, v57, v58;
	v63 =	vsel vm11, v33, v59;
	v40 =	vsel vm11, v38, v62  }
0x275: {  	v33 =	vsel vm11, v59, v33;
	vm12 =	vge.f32 v32, v61;
	(xrf1) =	vsort.dscd.msk.f32 $0xffff, v34, v35  }
0x276: {  	v34 =	vsel vm11, v62, v38;
	v32 =	vsel vm12, v32, v61;
	(xrf1) =	vsort.dscd.msk.f32 $0xffff, v63, v40  }
0x277: {  	v50 =	vsel vm12, v43, v60;
	v49, v48, _ =	vpop (xrf1);
	vm13 =	vge.f32 v41, v32;
	(xrf1) =	vsort.dscd.msk.f32 $0xffff, v33, v34  }
0x278: {  	s28 =	sor.u32 $0x870, s18;
	v51 =	vsel vm13, v41, v32;
	v52 =	vsel vm13, v42, v50;
	vm14 =	vge.f32 v46, v49  }
0x279: {  	s29 =	sor.u32 $0x870, s19;
	v53 =	vld [tilespmem:s28+$0x0];
	v32 =	vsel vm13, v32, v41;
	v35 =	vsel vm14, v46, v49;
	(xrf1) =	vsort.dscd.msk.f32 $0xffff, v51, v52  }
0x27a: {  	v57 =	vld [tilespmem:s29+$0x0];
	v33 =	vsel vm13, v50, v42;
	v54 =	vsel vm14, v47, v48;
	vm15 =	vge.f32 v44, v35  }
0x27b: {  	(xrf1) =	vsort.dscd.msk.f32 $0xffff, v32, v33;
	v55 =	vsel vm15, v44, v35;
	v56 =	vsel vm15, v45, v54  }
0x27c: {  	v35 =	vsel vm15, v35, v44;
	v34 =	vsel vm15, v54, v45;
	(xrf1) =	vsort.dscd.msk.f32 $0xffff, v55, v56  }
0x27d: {  	(xrf1) =	vsort.dscd.msk.f32 $0xffff, v35, v34  }
0x27e: {  	s30 =	sor.u32 $0x870, s20;
	(xrf1) =	vsort.ascd.msk.f32 $0xffff, v53, v23  }
0x27f: {  	v58 =	vld [tilespmem:s30+$0x0];
	(xrf1) =	vsort.ascd.msk.f32 $0xffff, v57, v23;
	_ =	sdelay $0x1  }
0x280: {  	s31 =	sor.u32 $0x870, s21  }
0x281: {  	v59 =	vld [tilespmem:s31+$0x0]  }
0x282: {  	v34, v35, _ =	vpop (xrf1)  }
0x283: {  	v61, v60, _ =	vpop (xrf1);
	(xrf1) =	vsort.ascd.msk.f32 $0xffff, v58, v23  }
0x284: {  	v33, v38, _ =	vpop (xrf1)  }
0x285: {  	v63, v62, _ =	vpop (xrf1)  }
0x286: {  	v41, v42, _ =	vpop (xrf1);
	(xrf1) =	vsort.ascd.msk.f32 $0xffff, v59, v23;
	_ =	sdelay $0x1  }
0x287: {  	v32, v43, _ =	vpop (xrf1)  }
0x288: {  	v44, v45, _ =	vpop (xrf1)  }
0x289: {  	v46, v47, _ =	vpop (xrf1)  }
0x28a: {  	v53, v54, _ =	vpop (xrf1)  }
0x28b: {  	vm4 =	vge.f32 v61, v53;
	v56, v55, _ =	vpop (xrf1)  }
0x28c: {  	v36 =	vsel vm4, v61, v53;
	vm6 =	vge.f32 v63, v56  }
0x28d: {  	v37 =	vsel vm4, v60, v54;
	vm5 =	vge.f32 v34, v36;
	v59 =	vsel vm6, v63, v56  }
0x28e: {  	v62 =	vsel vm6, v62, v55;
	v57 =	vsel vm5, v34, v36;
	v58 =	vsel vm5, v35, v37  }
0x28f: {  	v34 =	vsel vm5, v36, v34;
	v35 =	vsel vm5, v37, v35;
	vm7 =	vge.f32 v33, v59  }
0x290: {  	(xrf1) =	vsort.dscd.msk.f32 $0xffff, v57, v58;
	v63 =	vsel vm7, v33, v59;
	v40 =	vsel vm7, v38, v62;
	v61, v60, _ =	vpop (xrf1)  }
0x291: {  	v33 =	vsel vm7, v59, v33;
	(xrf1) =	vsort.dscd.msk.f32 $0xffff, v34, v35;
	vm8 =	vge.f32 v32, v61  }
0x292: {  	v34 =	vsel vm7, v62, v38;
	(xrf1) =	vsort.dscd.msk.f32 $0xffff, v63, v40;
	v32 =	vsel vm8, v32, v61  }
0x293: {  	(xrf1) =	vsort.dscd.msk.f32 $0xffff, v33, v34;
	v50 =	vsel vm8, v43, v60;
	v49, v48, _ =	vpop (xrf1);
	vm9 =	vge.f32 v41, v32  }
0x294: {  	s23 =	sor.u32 $0xC00, s18;
	v51 =	vsel vm9, v41, v32;
	v52 =	vsel vm9, v42, v50;
	vm10 =	vge.f32 v46, v49  }
0x295: {  	s24 =	sor.u32 $0xC00, s19;
	v53 =	vld [tilespmem:s23+$0x0];
	v32 =	vsel vm9, v32, v41;
	v35 =	vsel vm10, v46, v49;
	(xrf1) =	vsort.dscd.msk.f32 $0xffff, v51, v52  }
0x296: {  	v57 =	vld [tilespmem:s24+$0x0];
	v33 =	vsel vm9, v50, v42;
	v54 =	vsel vm10, v47, v48;
	vm11 =	vge.f32 v44, v35  }
0x297: {  	(xrf1) =	vsort.dscd.msk.f32 $0xffff, v32, v33;
	v55 =	vsel vm11, v44, v35;
	v56 =	vsel vm11, v45, v54  }
0x298: {  	v35 =	vsel vm11, v35, v44;
	v34 =	vsel vm11, v54, v45;
	(xrf1) =	vsort.dscd.msk.f32 $0xffff, v55, v56  }
0x299: {  	(xrf1) =	vsort.dscd.msk.f32 $0xffff, v35, v34  }
0x29a: {  	s25 =	sor.u32 $0xC00, s20;
	(xrf1) =	vsort.ascd.msk.f32 $0xffff, v53, v24  }
0x29b: {  	v58 =	vld [tilespmem:s25+$0x0];
	(xrf1) =	vsort.ascd.msk.f32 $0xffff, v57, v24;
	_ =	sdelay $0x1  }
0x29c: {  	s26 =	sor.u32 $0xC00, s21  }
0x29d: {  	v59 =	vld [tilespmem:s26+$0x0]  }
0x29e: {  	v34, v35, _ =	vpop (xrf1)  }
0x29f: {  	v61, v60, _ =	vpop (xrf1);
	(xrf1) =	vsort.ascd.msk.f32 $0xffff, v58, v24  }
0x2a0: {  	v33, v38, _ =	vpop (xrf1)  }
0x2a1: {  	v63, v62, _ =	vpop (xrf1)  }
0x2a2: {  	v41, v42, _ =	vpop (xrf1);
	(xrf1) =	vsort.ascd.msk.f32 $0xffff, v59, v24;
	_ =	sdelay $0x1  }
0x2a3: {  	v32, v43, _ =	vpop (xrf1)  }
0x2a4: {  	v44, v45, _ =	vpop (xrf1)  }
0x2a5: {  	v46, v47, _ =	vpop (xrf1)  }
0x2a6: {  	v53, v54, _ =	vpop (xrf1)  }
0x2a7: {  	vm12 =	vge.f32 v61, v53;
	v56, v55, _ =	vpop (xrf1)  }
0x2a8: {  	v36 =	vsel vm12, v61, v53;
	vm14 =	vge.f32 v63, v56  }
0x2a9: {  	v37 =	vsel vm12, v60, v54;
	vm13 =	vge.f32 v34, v36;
	v59 =	vsel vm14, v63, v56  }
0x2aa: {  	v62 =	vsel vm14, v62, v55;
	v57 =	vsel vm13, v34, v36;
	v58 =	vsel vm13, v35, v37  }
0x2ab: {  	v34 =	vsel vm13, v36, v34;
	v35 =	vsel vm13, v37, v35;
	vm15 =	vge.f32 v33, v59  }
0x2ac: {  	v61, v60, _ =	vpop (xrf1);
	(xrf1) =	vsort.dscd.msk.f32 $0xffff, v57, v58;
	v63 =	vsel vm15, v33, v59;
	v40 =	vsel vm15, v38, v62  }
0x2ad: {  	v33 =	vsel vm15, v59, v33;
	vm4 =	vge.f32 v32, v61;
	(xrf1) =	vsort.dscd.msk.f32 $0xffff, v34, v35  }
0x2ae: {  	v34 =	vsel vm15, v62, v38;
	v32 =	vsel vm4, v32, v61;
	(xrf1) =	vsort.dscd.msk.f32 $0xffff, v63, v40  }
0x2af: {  	v50 =	vsel vm4, v43, v60;
	vm5 =	vge.f32 v41, v32;
	(xrf1) =	vsort.dscd.msk.f32 $0xffff, v33, v34;
	v49, v48, _ =	vpop (xrf1)  }
0x2b0: {  	s28 =	sor.u32 $0xC10, s18;
	v51 =	vsel vm5, v41, v32;
	v52 =	vsel vm5, v42, v50;
	vm6 =	vge.f32 v46, v49  }
0x2b1: {  	s29 =	sor.u32 $0xC10, s19;
	v53 =	vld [tilespmem:s28+$0x0];
	v32 =	vsel vm5, v32, v41;
	(xrf1) =	vsort.dscd.msk.f32 $0xffff, v51, v52;
	v35 =	vsel vm6, v46, v49  }
0x2b2: {  	v57 =	vld [tilespmem:s29+$0x0];
	v33 =	vsel vm5, v50, v42;
	v54 =	vsel vm6, v47, v48;
	vm7 =	vge.f32 v44, v35  }
0x2b3: {  	(xrf1) =	vsort.dscd.msk.f32 $0xffff, v32, v33;
	v55 =	vsel vm7, v44, v35;
	v56 =	vsel vm7, v45, v54  }
0x2b4: {  	v35 =	vsel vm7, v35, v44;
	v34 =	vsel vm7, v54, v45;
	(xrf1) =	vsort.dscd.msk.f32 $0xffff, v55, v56  }
0x2b5: {  	(xrf1) =	vsort.dscd.msk.f32 $0xffff, v35, v34  }
0x2b6: {  	s30 =	sor.u32 $0xC10, s20;
	(xrf1) =	vsort.ascd.msk.f32 $0xffff, v53, v25  }
0x2b7: {  	v58 =	vld [tilespmem:s30+$0x0];
	(xrf1) =	vsort.ascd.msk.f32 $0xffff, v57, v25;
	_ =	sdelay $0x1  }
0x2b8: {  	s31 =	sor.u32 $0xC10, s21  }
0x2b9: {  	v59 =	vld [tilespmem:s31+$0x0]  }
0x2ba: {  	v34, v35, _ =	vpop (xrf1)  }
0x2bb: {  	v61, v60, _ =	vpop (xrf1);
	(xrf1) =	vsort.ascd.msk.f32 $0xffff, v58, v25  }
0x2bc: {  	v33, v38, _ =	vpop (xrf1)  }
0x2bd: {  	v63, v62, _ =	vpop (xrf1)  }
0x2be: {  	v41, v42, _ =	vpop (xrf1);
	(xrf1) =	vsort.ascd.msk.f32 $0xffff, v59, v25;
	_ =	sdelay $0x1  }
0x2bf: {  	v32, v43, _ =	vpop (xrf1)  }
0x2c0: {  	v44, v45, _ =	vpop (xrf1)  }
0x2c1: {  	v46, v47, _ =	vpop (xrf1)  }
0x2c2: {  	v53, v54, _ =	vpop (xrf1)  }
0x2c3: {  	vm8 =	vge.f32 v61, v53;
	v56, v55, _ =	vpop (xrf1)  }
0x2c4: {  	v36 =	vsel vm8, v61, v53;
	vm10 =	vge.f32 v63, v56  }
0x2c5: {  	v37 =	vsel vm8, v60, v54;
	vm9 =	vge.f32 v34, v36;
	v59 =	vsel vm10, v63, v56  }
0x2c6: {  	v62 =	vsel vm10, v62, v55;
	v57 =	vsel vm9, v34, v36;
	v58 =	vsel vm9, v35, v37  }
0x2c7: {  	v34 =	vsel vm9, v36, v34;
	v35 =	vsel vm9, v37, v35;
	vm11 =	vge.f32 v33, v59  }
0x2c8: {  	v61, v60, _ =	vpop (xrf1);
	(xrf1) =	vsort.dscd.msk.f32 $0xffff, v57, v58;
	v63 =	vsel vm11, v33, v59;
	v40 =	vsel vm11, v38, v62  }
0x2c9: {  	v33 =	vsel vm11, v59, v33;
	vm12 =	vge.f32 v32, v61;
	(xrf1) =	vsort.dscd.msk.f32 $0xffff, v34, v35  }
0x2ca: {  	v34 =	vsel vm11, v62, v38;
	v32 =	vsel vm12, v32, v61;
	(xrf1) =	vsort.dscd.msk.f32 $0xffff, v63, v40  }
0x2cb: {  	v50 =	vsel vm12, v43, v60;
	v49, v48, _ =	vpop (xrf1);
	vm13 =	vge.f32 v41, v32;
	(xrf1) =	vsort.dscd.msk.f32 $0xffff, v33, v34  }
0x2cc: {  	s23 =	sor.u32 $0xC20, s18;
	v51 =	vsel vm13, v41, v32;
	v52 =	vsel vm13, v42, v50;
	vm14 =	vge.f32 v46, v49  }
0x2cd: {  	s24 =	sor.u32 $0xC20, s19;
	v53 =	vld [tilespmem:s23+$0x0];
	v32 =	vsel vm13, v32, v41;
	v35 =	vsel vm14, v46, v49;
	(xrf1) =	vsort.dscd.msk.f32 $0xffff, v51, v52  }
0x2ce: {  	v57 =	vld [tilespmem:s24+$0x0];
	v33 =	vsel vm13, v50, v42;
	v54 =	vsel vm14, v47, v48;
	vm15 =	vge.f32 v44, v35  }
0x2cf: {  	(xrf1) =	vsort.dscd.msk.f32 $0xffff, v32, v33;
	v55 =	vsel vm15, v44, v35;
	v56 =	vsel vm15, v45, v54  }
0x2d0: {  	v35 =	vsel vm15, v35, v44;
	v34 =	vsel vm15, v54, v45;
	(xrf1) =	vsort.dscd.msk.f32 $0xffff, v55, v56  }
0x2d1: {  	(xrf1) =	vsort.dscd.msk.f32 $0xffff, v35, v34  }
0x2d2: {  	s25 =	sor.u32 $0xC20, s20;
	(xrf1) =	vsort.ascd.msk.f32 $0xffff, v53, v26  }
0x2d3: {  	v58 =	vld [tilespmem:s25+$0x0];
	(xrf1) =	vsort.ascd.msk.f32 $0xffff, v57, v26;
	_ =	sdelay $0x1  }
0x2d4: {  	s26 =	sor.u32 $0xC20, s21  }
0x2d5: {  	v59 =	vld [tilespmem:s26+$0x0]  }
0x2d6: {  	v34, v35, _ =	vpop (xrf1)  }
0x2d7: {  	v61, v60, _ =	vpop (xrf1);
	(xrf1) =	vsort.ascd.msk.f32 $0xffff, v58, v26  }
0x2d8: {  	v33, v38, _ =	vpop (xrf1)  }
0x2d9: {  	v63, v62, _ =	vpop (xrf1)  }
0x2da: {  	v41, v42, _ =	vpop (xrf1);
	(xrf1) =	vsort.ascd.msk.f32 $0xffff, v59, v26;
	_ =	sdelay $0x1  }
0x2db: {  	v32, v43, _ =	vpop (xrf1)  }
0x2dc: {  	v44, v45, _ =	vpop (xrf1)  }
0x2dd: {  	v46, v47, _ =	vpop (xrf1)  }
0x2de: {  	v53, v54, _ =	vpop (xrf1)  }
0x2df: {  	vm4 =	vge.f32 v61, v53;
	v56, v55, _ =	vpop (xrf1)  }
0x2e0: {  	v36 =	vsel vm4, v61, v53;
	vm6 =	vge.f32 v63, v56  }
0x2e1: {  	v37 =	vsel vm4, v60, v54;
	vm5 =	vge.f32 v34, v36;
	v59 =	vsel vm6, v63, v56  }
0x2e2: {  	v62 =	vsel vm6, v62, v55;
	v57 =	vsel vm5, v34, v36;
	v58 =	vsel vm5, v35, v37  }
0x2e3: {  	v34 =	vsel vm5, v36, v34;
	v35 =	vsel vm5, v37, v35;
	vm7 =	vge.f32 v33, v59  }
0x2e4: {  	(xrf1) =	vsort.dscd.msk.f32 $0xffff, v57, v58;
	v63 =	vsel vm7, v33, v59;
	v40 =	vsel vm7, v38, v62;
	v61, v60, _ =	vpop (xrf1)  }
0x2e5: {  	v33 =	vsel vm7, v59, v33;
	(xrf1) =	vsort.dscd.msk.f32 $0xffff, v34, v35;
	vm8 =	vge.f32 v32, v61  }
0x2e6: {  	v34 =	vsel vm7, v62, v38;
	(xrf1) =	vsort.dscd.msk.f32 $0xffff, v63, v40;
	v32 =	vsel vm8, v32, v61  }
0x2e7: {  	(xrf1) =	vsort.dscd.msk.f32 $0xffff, v33, v34;
	v50 =	vsel vm8, v43, v60;
	v49, v48, _ =	vpop (xrf1);
	vm9 =	vge.f32 v41, v32  }
0x2e8: {  	s28 =	sor.u32 $0xC30, s18;
	v51 =	vsel vm9, v41, v32;
	v52 =	vsel vm9, v42, v50;
	vm10 =	vge.f32 v46, v49  }
0x2e9: {  	s29 =	sor.u32 $0xC30, s19;
	v53 =	vld [tilespmem:s28+$0x0];
	v32 =	vsel vm9, v32, v41;
	v35 =	vsel vm10, v46, v49;
	(xrf1) =	vsort.dscd.msk.f32 $0xffff, v51, v52  }
0x2ea: {  	v57 =	vld [tilespmem:s29+$0x0];
	v33 =	vsel vm9, v50, v42;
	v54 =	vsel vm10, v47, v48;
	vm11 =	vge.f32 v44, v35  }
0x2eb: {  	(xrf1) =	vsort.dscd.msk.f32 $0xffff, v32, v33;
	v55 =	vsel vm11, v44, v35;
	v56 =	vsel vm11, v45, v54  }
0x2ec: {  	v35 =	vsel vm11, v35, v44;
	v34 =	vsel vm11, v54, v45;
	(xrf1) =	vsort.dscd.msk.f32 $0xffff, v55, v56  }
0x2ed: {  	(xrf1) =	vsort.dscd.msk.f32 $0xffff, v35, v34  }
0x2ee: {  	s30 =	sor.u32 $0xC30, s20;
	(xrf1) =	vsort.ascd.msk.f32 $0xffff, v53, v27  }
0x2ef: {  	v58 =	vld [tilespmem:s30+$0x0];
	(xrf1) =	vsort.ascd.msk.f32 $0xffff, v57, v27;
	_ =	sdelay $0x1  }
0x2f0: {  	s31 =	sor.u32 $0xC30, s21  }
0x2f1: {  	v59 =	vld [tilespmem:s31+$0x0]  }
0x2f2: {  	v34, v35, _ =	vpop (xrf1)  }
0x2f3: {  	v61, v60, _ =	vpop (xrf1);
	(xrf1) =	vsort.ascd.msk.f32 $0xffff, v58, v27  }
0x2f4: {  	v33, v38, _ =	vpop (xrf1)  }
0x2f5: {  	v63, v62, _ =	vpop (xrf1)  }
0x2f6: {  	v41, v42, _ =	vpop (xrf1);
	(xrf1) =	vsort.ascd.msk.f32 $0xffff, v59, v27;
	_ =	sdelay $0x1  }
0x2f7: {  	v32, v43, _ =	vpop (xrf1)  }
0x2f8: {  	v44, v45, _ =	vpop (xrf1)  }
0x2f9: {  	v46, v47, _ =	vpop (xrf1)  }
0x2fa: {  	v53, v54, _ =	vpop (xrf1)  }
0x2fb: {  	vm12 =	vge.f32 v61, v53;
	v56, v55, _ =	vpop (xrf1)  }
0x2fc: {  	v36 =	vsel vm12, v61, v53;
	vm14 =	vge.f32 v63, v56  }
0x2fd: {  	v37 =	vsel vm12, v60, v54;
	vm13 =	vge.f32 v34, v36;
	v59 =	vsel vm14, v63, v56  }
0x2fe: {  	v62 =	vsel vm14, v62, v55;
	v57 =	vsel vm13, v34, v36;
	v58 =	vsel vm13, v35, v37  }
0x2ff: {  	v34 =	vsel vm13, v36, v34;
	v35 =	vsel vm13, v37, v35;
	vm15 =	vge.f32 v33, v59  }
0x300: {  	v61, v60, _ =	vpop (xrf1);
	(xrf1) =	vsort.dscd.msk.f32 $0xffff, v57, v58;
	v63 =	vsel vm15, v33, v59;
	v40 =	vsel vm15, v38, v62  }
0x301: {  	v33 =	vsel vm15, v59, v33;
	vm4 =	vge.f32 v32, v61;
	(xrf1) =	vsort.dscd.msk.f32 $0xffff, v34, v35  }
0x302: {  	v34 =	vsel vm15, v62, v38;
	v32 =	vsel vm4, v32, v61;
	(xrf1) =	vsort.dscd.msk.f32 $0xffff, v63, v40  }
0x303: {  	v50 =	vsel vm4, v43, v60;
	vm5 =	vge.f32 v41, v32;
	(xrf1) =	vsort.dscd.msk.f32 $0xffff, v33, v34;
	v49, v48, _ =	vpop (xrf1)  }
0x304: {  	s23 =	sor.u32 $0xC40, s18;
	v51 =	vsel vm5, v41, v32;
	v52 =	vsel vm5, v42, v50;
	vm6 =	vge.f32 v46, v49  }
0x305: {  	s24 =	sor.u32 $0xC40, s19;
	v53 =	vld [tilespmem:s23+$0x0];
	v32 =	vsel vm5, v32, v41;
	(xrf1) =	vsort.dscd.msk.f32 $0xffff, v51, v52;
	v35 =	vsel vm6, v46, v49  }
0x306: {  	v57 =	vld [tilespmem:s24+$0x0];
	v33 =	vsel vm5, v50, v42;
	v54 =	vsel vm6, v47, v48;
	vm7 =	vge.f32 v44, v35  }
0x307: {  	(xrf1) =	vsort.dscd.msk.f32 $0xffff, v32, v33;
	v55 =	vsel vm7, v44, v35;
	v56 =	vsel vm7, v45, v54  }
0x308: {  	v35 =	vsel vm7, v35, v44;
	v34 =	vsel vm7, v54, v45;
	(xrf1) =	vsort.dscd.msk.f32 $0xffff, v55, v56  }
0x309: {  	(xrf1) =	vsort.dscd.msk.f32 $0xffff, v35, v34  }
0x30a: {  	s25 =	sor.u32 $0xC40, s20;
	(xrf1) =	vsort.ascd.msk.f32 $0xffff, v53, v28  }
0x30b: {  	v58 =	vld [tilespmem:s25+$0x0];
	(xrf1) =	vsort.ascd.msk.f32 $0xffff, v57, v28;
	_ =	sdelay $0x1  }
0x30c: {  	s26 =	sor.u32 $0xC40, s21  }
0x30d: {  	v59 =	vld [tilespmem:s26+$0x0]  }
0x30e: {  	v34, v35, _ =	vpop (xrf1)  }
0x30f: {  	v61, v60, _ =	vpop (xrf1);
	(xrf1) =	vsort.ascd.msk.f32 $0xffff, v58, v28  }
0x310: {  	v33, v38, _ =	vpop (xrf1)  }
0x311: {  	v63, v62, _ =	vpop (xrf1)  }
0x312: {  	v41, v42, _ =	vpop (xrf1);
	(xrf1) =	vsort.ascd.msk.f32 $0xffff, v59, v28;
	_ =	sdelay $0x1  }
0x313: {  	v32, v43, _ =	vpop (xrf1)  }
0x314: {  	v44, v45, _ =	vpop (xrf1)  }
0x315: {  	v46, v47, _ =	vpop (xrf1)  }
0x316: {  	v53, v54, _ =	vpop (xrf1)  }
0x317: {  	vm8 =	vge.f32 v61, v53;
	v56, v55, _ =	vpop (xrf1)  }
0x318: {  	v36 =	vsel vm8, v61, v53;
	vm10 =	vge.f32 v63, v56  }
0x319: {  	v37 =	vsel vm8, v60, v54;
	vm9 =	vge.f32 v34, v36;
	v59 =	vsel vm10, v63, v56  }
0x31a: {  	v62 =	vsel vm10, v62, v55;
	v57 =	vsel vm9, v34, v36;
	v58 =	vsel vm9, v35, v37  }
0x31b: {  	v34 =	vsel vm9, v36, v34;
	v35 =	vsel vm9, v37, v35;
	vm11 =	vge.f32 v33, v59  }
0x31c: {  	v61, v60, _ =	vpop (xrf1);
	(xrf1) =	vsort.dscd.msk.f32 $0xffff, v57, v58;
	v63 =	vsel vm11, v33, v59;
	v40 =	vsel vm11, v38, v62  }
0x31d: {  	v33 =	vsel vm11, v59, v33;
	vm12 =	vge.f32 v32, v61;
	(xrf1) =	vsort.dscd.msk.f32 $0xffff, v34, v35  }
0x31e: {  	v34 =	vsel vm11, v62, v38;
	v32 =	vsel vm12, v32, v61;
	(xrf1) =	vsort.dscd.msk.f32 $0xffff, v63, v40  }
0x31f: {  	v50 =	vsel vm12, v43, v60;
	v49, v48, _ =	vpop (xrf1);
	vm13 =	vge.f32 v41, v32;
	(xrf1) =	vsort.dscd.msk.f32 $0xffff, v33, v34  }
0x320: {  	s28 =	sor.u32 $0xC50, s18;
	v51 =	vsel vm13, v41, v32;
	v52 =	vsel vm13, v42, v50;
	vm14 =	vge.f32 v46, v49  }
0x321: {  	s29 =	sor.u32 $0xC50, s19;
	v53 =	vld [tilespmem:s28+$0x0];
	v32 =	vsel vm13, v32, v41;
	v35 =	vsel vm14, v46, v49;
	(xrf1) =	vsort.dscd.msk.f32 $0xffff, v51, v52  }
0x322: {  	v57 =	vld [tilespmem:s29+$0x0];
	v33 =	vsel vm13, v50, v42;
	v54 =	vsel vm14, v47, v48;
	vm15 =	vge.f32 v44, v35  }
0x323: {  	(xrf1) =	vsort.dscd.msk.f32 $0xffff, v32, v33;
	v55 =	vsel vm15, v44, v35;
	v56 =	vsel vm15, v45, v54  }
0x324: {  	v35 =	vsel vm15, v35, v44;
	v34 =	vsel vm15, v54, v45;
	(xrf1) =	vsort.dscd.msk.f32 $0xffff, v55, v56  }
0x325: {  	(xrf1) =	vsort.dscd.msk.f32 $0xffff, v35, v34  }
0x326: {  	s30 =	sor.u32 $0xC50, s20;
	(xrf1) =	vsort.ascd.msk.f32 $0xffff, v53, v29  }
0x327: {  	v58 =	vld [tilespmem:s30+$0x0];
	(xrf1) =	vsort.ascd.msk.f32 $0xffff, v57, v29;
	_ =	sdelay $0x1  }
0x328: {  	s31 =	sor.u32 $0xC50, s21  }
0x329: {  	v59 =	vld [tilespmem:s31+$0x0]  }
0x32a: {  	v34, v35, _ =	vpop (xrf1)  }
0x32b: {  	v61, v60, _ =	vpop (xrf1);
	(xrf1) =	vsort.ascd.msk.f32 $0xffff, v58, v29  }
0x32c: {  	v33, v38, _ =	vpop (xrf1)  }
0x32d: {  	v63, v62, _ =	vpop (xrf1)  }
0x32e: {  	v41, v42, _ =	vpop (xrf1);
	(xrf1) =	vsort.ascd.msk.f32 $0xffff, v59, v29;
	_ =	sdelay $0x1  }
0x32f: {  	v32, v43, _ =	vpop (xrf1)  }
0x330: {  	v44, v45, _ =	vpop (xrf1)  }
0x331: {  	v46, v47, _ =	vpop (xrf1)  }
0x332: {  	v53, v54, _ =	vpop (xrf1)  }
0x333: {  	vm4 =	vge.f32 v61, v53;
	v56, v55, _ =	vpop (xrf1)  }
0x334: {  	v36 =	vsel vm4, v61, v53;
	vm6 =	vge.f32 v63, v56  }
0x335: {  	v37 =	vsel vm4, v60, v54;
	vm5 =	vge.f32 v34, v36;
	v59 =	vsel vm6, v63, v56  }
0x336: {  	v62 =	vsel vm6, v62, v55;
	v57 =	vsel vm5, v34, v36;
	v58 =	vsel vm5, v35, v37  }
0x337: {  	v34 =	vsel vm5, v36, v34;
	v35 =	vsel vm5, v37, v35;
	vm7 =	vge.f32 v33, v59  }
0x338: {  	(xrf1) =	vsort.dscd.msk.f32 $0xffff, v57, v58;
	v63 =	vsel vm7, v33, v59;
	v40 =	vsel vm7, v38, v62;
	v61, v60, _ =	vpop (xrf1)  }
0x339: {  	v33 =	vsel vm7, v59, v33;
	(xrf1) =	vsort.dscd.msk.f32 $0xffff, v34, v35;
	vm8 =	vge.f32 v32, v61  }
0x33a: {  	v34 =	vsel vm7, v62, v38;
	(xrf1) =	vsort.dscd.msk.f32 $0xffff, v63, v40;
	v32 =	vsel vm8, v32, v61  }
0x33b: {  	(xrf1) =	vsort.dscd.msk.f32 $0xffff, v33, v34;
	v50 =	vsel vm8, v43, v60;
	v49, v48, _ =	vpop (xrf1);
	vm9 =	vge.f32 v41, v32  }
0x33c: {  	s23 =	sor.u32 $0xC60, s18;
	v51 =	vsel vm9, v41, v32;
	v52 =	vsel vm9, v42, v50;
	vm10 =	vge.f32 v46, v49  }
0x33d: {  	s24 =	sor.u32 $0xC60, s19;
	v53 =	vld [tilespmem:s23+$0x0];
	v32 =	vsel vm9, v32, v41;
	v35 =	vsel vm10, v46, v49;
	(xrf1) =	vsort.dscd.msk.f32 $0xffff, v51, v52  }
0x33e: {  	v57 =	vld [tilespmem:s24+$0x0];
	v33 =	vsel vm9, v50, v42;
	v54 =	vsel vm10, v47, v48;
	vm11 =	vge.f32 v44, v35  }
0x33f: {  	(xrf1) =	vsort.dscd.msk.f32 $0xffff, v32, v33;
	v55 =	vsel vm11, v44, v35;
	v56 =	vsel vm11, v45, v54  }
0x340: {  	v35 =	vsel vm11, v35, v44;
	v34 =	vsel vm11, v54, v45;
	(xrf1) =	vsort.dscd.msk.f32 $0xffff, v55, v56  }
0x341: {  	(xrf1) =	vsort.dscd.msk.f32 $0xffff, v35, v34  }
0x342: {  	s25 =	sor.u32 $0xC60, s20;
	(xrf1) =	vsort.ascd.msk.f32 $0xffff, v53, v30  }
0x343: {  	v58 =	vld [tilespmem:s25+$0x0];
	(xrf1) =	vsort.ascd.msk.f32 $0xffff, v57, v30;
	_ =	sdelay $0x1  }
0x344: {  	s26 =	sor.u32 $0xC60, s21  }
0x345: {  	v59 =	vld [tilespmem:s26+$0x0]  }
0x346: {  	v34, v35, _ =	vpop (xrf1)  }
0x347: {  	(xrf1) =	vsort.ascd.msk.f32 $0xffff, v58, v30;
	v61, v60, _ =	vpop (xrf1)  }
0x348: {  	v37, v38, _ =	vpop (xrf1)  }
0x349: {  	v62, v40, _ =	vpop (xrf1)  }
0x34a: {  	v41, v42, _ =	vpop (xrf1);
	(xrf1) =	vsort.ascd.msk.f32 $0xffff, v59, v30;
	_ =	sdelay $0x1  }
0x34b: {  	v63, v43, _ =	vpop (xrf1)  }
0x34c: {  	v44, v45, _ =	vpop (xrf1)  }
0x34d: {  	v46, v47, _ =	vpop (xrf1)  }
0x34e: {  	v54, v55, _ =	vpop (xrf1)  }
0x34f: {  	vm12 =	vge.f32 v61, v54;
	v56, v57, _ =	vpop (xrf1)  }
0x350: {  	v33 =	vsel vm12, v61, v54;
	v36 =	vsel vm12, v60, v55;
	vm14 =	vge.f32 v62, v56  }
0x351: {  	vm13 =	vge.f32 v34, v33;
	v61 =	vsel vm14, v62, v56  }
0x352: {  	v62 =	vsel vm14, v40, v57;
	v58 =	vsel vm13, v34, v33;
	v59 =	vsel vm13, v35, v36  }
0x353: {  	v33 =	vsel vm13, v33, v34;
	v60 =	vsel vm13, v36, v35;
	vm15 =	vge.f32 v37, v61  }
0x354: {  	(xrf1) =	vsort.dscd.msk.f32 $0xffff, v58, v59;
	v39 =	vsel vm15, v37, v61;
	v40 =	vsel vm15, v38, v62;
	v35, v36, _ =	vpop (xrf1)  }
0x355: {  	v34 =	vsel vm15, v62, v38;
	(xrf1) =	vsort.dscd.msk.f32 $0xffff, v33, v60;
	vm4 =	vge.f32 v63, v35  }
0x356: {  	v33 =	vsel vm15, v61, v37;
	(xrf1) =	vsort.dscd.msk.f32 $0xffff, v39, v40;
	v32 =	vsel vm4, v63, v35  }
0x357: {  	v36 =	vsel vm4, v43, v36;
	(xrf1) =	vsort.dscd.msk.f32 $0xffff, v33, v34;
	vm5 =	vge.f32 v41, v32;
	v63, v48, _ =	vpop (xrf1)  }
0x358: {  	v49 =	vsel vm5, v41, v32;
	v50 =	vsel vm5, v42, v36;
	vm6 =	vge.f32 v46, v63  }
0x359: {  	s18 =	sor.u32 $0xC70, s18;
	v32 =	vsel vm5, v32, v41;
	v36 =	vsel vm5, v36, v42;
	v51 =	vsel vm6, v46, v63  }
0x35a: {  	v52 =	vld [tilespmem:s18+$0x0];
	(xrf1) =	vsort.dscd.msk.f32 $0xffff, v49, v50;
	v53 =	vsel vm6, v47, v48;
	vm7 =	vge.f32 v44, v51  }
0x35b: {  	(xrf1) =	vsort.dscd.msk.f32 $0xffff, v32, v36;
	v54 =	vsel vm7, v44, v51;
	v55 =	vsel vm7, v45, v53  }
0x35c: {  	(xrf1) =	vsort.dscd.msk.f32 $0xffff, v54, v55  }
0x35d: {  	s28 =	sor.u32 $0xC70, s19;
	v33 =	vsel vm7, v51, v44;
	v35 =	vsel vm7, v53, v45  }
0x35e: {  	v56 =	vld [tilespmem:s28+$0x0];
	(xrf1) =	vsort.dscd.msk.f32 $0xffff, v33, v35  }
0x35f: {  	(xrf1) =	vsort.ascd.msk.f32 $0xffff, v52, v31;
	_ =	sdelay $0x1  }
0x360: {  	s29 =	sor.u32 $0xC70, s20  }
0x361: {  	v57 =	vld [tilespmem:s29+$0x0]  }
0x362: {  	(xrf1) =	vsort.ascd.msk.f32 $0xffff, v56, v31  }
0x363: {  	s30 =	sor.u32 $0xC70, s21;
	v32, v34, _ =	vpop (xrf1)  }
0x364: {  	v60 =	vld [tilespmem:s30+$0x0];
	v59, v58, _ =	vpop (xrf1)  }
0x365: {  	v38, v39, _ =	vpop (xrf1)  }
0x366: {  	(xrf1) =	vsort.ascd.msk.f32 $0xffff, v57, v31;
	v62, v61, _ =	vpop (xrf1)  }
0x367: {  	v41, v42, _ =	vpop (xrf1)  }
0x368: {  	v63, v44, _ =	vpop (xrf1)  }
0x369: {  	v45, v46, _ =	vpop (xrf1);
	(xrf1) =	vsort.ascd.msk.f32 $0xffff, v60, v31;
	_ =	sdelay $0x1  }
0x36a: {  	v37, v47, _ =	vpop (xrf1)  }
0x36b: {  	v52, v53, _ =	vpop (xrf1)  }
0x36c: {  	vm8 =	vge.f32 v59, v52  }
0x36d: {  	v35 =	vsel vm8, v59, v52  }
0x36e: {  	v36 =	vsel vm8, v58, v53;
	vm9 =	vge.f32 v32, v35  }
0x36f: {  	v54, v55, _ =	vpop (xrf1);
	v56 =	vsel vm9, v32, v35;
	v57 =	vsel vm9, v34, v36  }
0x370: {  	vm10 =	vge.f32 v62, v54;
	(xrf1) =	vsort.dscd.msk.f32 $0xffff, v56, v57  }
0x371: {  	v58 =	vsel vm10, v62, v54;
	v32 =	vsel vm9, v35, v32;
	v34 =	vsel vm9, v36, v34  }
0x372: {  	v59 =	vsel vm10, v61, v55;
	vm11 =	vge.f32 v38, v58;
	(xrf1) =	vsort.dscd.msk.f32 $0xffff, v32, v34  }
0x373: {  	v61, v60, _ =	vpop (xrf1);
	v62 =	vsel vm11, v38, v58;
	v40 =	vsel vm11, v39, v59  }
0x374: {  	vm12 =	vge.f32 v63, v61;
	(xrf1) =	vsort.dscd.msk.f32 $0xffff, v62, v40  }
0x375: {  	v33 =	vsel vm11, v59, v39;
	v63 =	vsel vm12, v63, v61;
	v32 =	vsel vm11, v58, v38  }
0x376: {  	vm13 =	vge.f32 v41, v63;
	v40 =	vsel vm12, v44, v60;
	(xrf1) =	vsort.dscd.msk.f32 $0xffff, v32, v33;
	v43, v44, _ =	vpop (xrf1)  }
0x377: {  	v48 =	vsel vm13, v41, v63;
	v49 =	vsel vm13, v42, v40;
	vm14 =	vge.f32 v37, v43  }
0x378: {  	v32 =	vsel vm13, v63, v41;
	(xrf1) =	vsort.dscd.msk.f32 $0xffff, v48, v49;
	v50 =	vsel vm14, v37, v43  }
0x379: {  	v33 =	vsel vm13, v40, v42;
	v51 =	vsel vm14, v47, v44;
	vm15 =	vge.f32 v45, v50  }
0x37a: {  	(xrf1) =	vsort.dscd.msk.f32 $0xffff, v32, v33;
	v33 =	vsel vm15, v51, v46  }
0x37b: {  	v34 =	vsel vm15, v45, v50;
	v35 =	vsel vm15, v46, v51;
	v32 =	vsel vm15, v50, v45  }
0x37c: {  	(xrf1) =	vsort.dscd.msk.f32 $0xffff, v34, v35;
	_ =	sdelay $0x1  }
0x37d: {  	s31 =	sshra.s32 s17, $0x2;
	(xrf1) =	vsort.dscd.msk.f32 $0xffff, v32, v33;
	v32, v33, _ =	vpop (xrf1)  }
0x37e: {  	[tilespmem:s31+$0x8000] =	vst v32  }
0x37f: {  	v34, v35, _ =	vpop (xrf1);
	[tilespmem:s31+$0xA000] =	vst v33  }
0x380: {  	[tilespmem:s31+$0x8010] =	vst v34  }
0x381: {  	v52, v53, _ =	vpop (xrf1);
	[tilespmem:s31+$0xA010] =	vst v35  }
0x382: {  	[tilespmem:s31+$0x8080] =	vst v52  }
0x383: {  	v54, v55, _ =	vpop (xrf1);
	[tilespmem:s31+$0xA080] =	vst v53  }
0x384: {  	[tilespmem:s31+$0x8090] =	vst v54  }
0x385: {  	v56, v57, _ =	vpop (xrf1);
	[tilespmem:s31+$0xA090] =	vst v55  }
0x386: {  	[tilespmem:s31+$0x8100] =	vst v56  }
0x387: {  	v58, v59, _ =	vpop (xrf1);
	[tilespmem:s31+$0xA100] =	vst v57  }
0x388: {  	p1 =	sne.s32 s17, $0x7800;
	[tilespmem:s31+$0x8110] =	vst v58  }
.Ltmp0:
0x389: {  	[tilespmem:s31+$0xA110] =	vst v59;
	v60, v61, _ =	vpop (xrf1);
	(pc) =	sbr.rel @p1 .LBB2_3-.Ltmp0, $4  }
0x38a: {  	[tilespmem:s31+$0x8180] =	vst v60  }
0x38b: {  	v62, v63, _ =	vpop (xrf1);
	[tilespmem:s31+$0xA180] =	vst v61  }
0x38c: {  	s16 =	sadd.s32 $0x4, s16;
	s15 =	sadd.s32 $0x2, s15;
	[tilespmem:s31+$0x8190] =	vst v62  }
0x38d: {  	s14 =	sadd.s32 $0x200, s14;
	p0 =	por !p0, !p0;
	s17 =	sadd.s32 $0x800, s17;
	[tilespmem:s31+$0xA190] =	vst v63  }
0x38e: {  	s13 =	sshll.u32 s13, $0x4  }
0x38f: {  	s14 =	sadd.s32 s4, s13  }
0x390: {  	[hbm4b:s14+s1] =	stream.linear.scatter [tilespmem:s9], [sflag:$0x1], $0x2000, $0x38;
	[tilespmem:$0xC000] =	vst v63  }
0x391: {  	s12 =	sadd.s32 $0x1, s12;
	_ =	swait.ge [sflag:s8], $0x2000  }
0x392: {  	p0 =	sne.s32 s12, $0x6;
	[sflag:s8] =	ssyncset.done $0x0  }
.Ltmp1:
0x393: {  	s13 =	sadd.s32 s3, s13;
	[sflag:s8] =	ssyncadd.s32 $0xFFFFE000;
	(pc) =	sbr.rel @p0 .LBB2_2-.Ltmp1, $4  }
0x394: {  	[hbm4b:s13+s1] =	stream.linear.scatter [tilespmem:s10], [sflag:$0x1], $0x2000, $0x38;
	[tilespmem:$0xC000] =	vst v63  }
0x395: {  	_ =	swait.ge [sflag:s8], $0x2000  }
0x396: {  	[sflag:s8] =	ssyncset.done $0x0  }
0x397: {  	[sflag:s8] =	ssyncadd.s32 $0xFFFFE000  }
0x398: {  	s11 =	sadd.s32 $0x1, s11  }
0x399: {  	p0 =	sne.s32 s11, s7  }
.Ltmp2:
0x39a: {  	_ = 	snop;
	(pc) =	sbr.rel @p0 .LBB2_1-.Ltmp2, $1  }
0x39b: {  	_ =	sdelay $0x3  }
0x39c: {  	_ =	sfence.sel $0x180000  }
0x39d: {  	[bflag:$0x0] =	sbarrier.arrive $0xFFFF  }
0x39e: {  	p0 =	sne.s32 s2, $0x0;
	_ =	strace $0x90000047  }
0x39f: {  	s0 =	sadd.s32 @!p0 $0x100000, s0;
	[bflag:$0x2] =	sbarrier.arrive $0xFFFF  }
0x3a0: {  	[sflag:s0] =	ssyncadd.tile.s32 @!p0 $0x1;
	_ =	shalt  }
.Lfunc_end2:
_tile_overlayer_lowered:
.L_overlay_start_2:
0x3a1: {  	(tag) =	ssettag $0x2  }
0x3a2: {  	s0 =	rddreg [dreg:$0x0];
	s2 =	stileid.u32  }
0x3a3: {  	s1 =	rddreg [dreg:$0x1];
	p0 =	sne.s32 s2, $0x0  }
0x3a4: {  	s3 =	rddreg [dreg:$0x2];
	[bflag:$0x3] =	sbarrier.arrive $0xFFFF;
	s2 =	simm.s32 @!p0 $0x1C01  }
0x3a5: {  	[timem:s3], [sflag:s2] =	dma.local @!p0 [hbm:s0], s1  }
0x3a6: {  	s0 =	simm.s32 @!p0 $0x1  }
0x3a7: {  	_ =	swait.ge @!p0 [sflag:s0], s1  }
0x3a8: {  	s1 =	ssub.s32 @!p0 $0x0, s1;
	[sflag:s0] =	ssyncset.done @!p0 $0x0  }
0x3a9: {  	[sflag:s0] =	ssyncadd.s32 @!p0 s1  }
0x3aa: {  	[bflag:$0x3] =	sbarrier.arrive $0xFFFF  }
0x3ab: {  	_ =	shalt  }

</sc_bundles>
